<compile_context>
chip_gen: v7x
topology: tpu7x:2x2x1
jax: 0.10.2.dev20260603
libtpu: 0.0.44.dev20260713+nightly
codegen_flags: <defaults>
</compile_context>

<pallas_src>
import jax
import jax.numpy as jnp
from jax import lax
from jax.experimental import pallas as pl
from jax.experimental.pallas import tpu as pltpu
from jax.experimental.pallas import tpu_sc as plsc

_NUM_EMBEDDINGS = 1000
_SCALE = float(_NUM_EMBEDDINGS - 1)
_MAGIC = 1.5 * 2.0**23
_BIASED_MAX = _MAGIC + _SCALE

_NC = 2
_NS = 16
_NW = _NC * _NS
_L = 16

_B = 16384
_T = 200
_TI = 8
_BH = 8
_SLAB = _TI * _BH * 128
_NBUF = 3


def _quantize_body(x_hbm, out_hbm, in_bufs, out_bufs, in_sems, out_sems):
    nbh = _B // 128
    n_units = (_T // _TI) * (nbh // _BH)
    per_w = n_units // _NW
    ring_units = per_w * _NW
    n_tail = n_units - ring_units
    wid = lax.axis_index("c") * _NS + lax.axis_index("s")

    def unit_addr(u):
        tb = u // (nbh // _BH)
        bh0 = (u - tb * (nbh // _BH)) * _BH
        return tb, bh0

    def start_load(u, b):
        tb, bh0 = unit_addr(u)
        for ti in range(_TI):
            src = x_hbm.at[pl.ds((tb * _TI + ti) * _B + bh0 * 128, _BH * 128)]
            pltpu.async_copy(src, in_bufs[b].at[pl.ds(ti * _BH * 128, _BH * 128)],
                             in_sems[b])

    def wait_load(b):
        pltpu.make_async_copy(x_hbm.at[pl.ds(0, _SLAB)], in_bufs[b],
                              in_sems[b]).wait()

    def out_span(u):
        tb, bh0 = unit_addr(u)
        return out_hbm.at[pl.ds(tb * (nbh * _TI * 128) + bh0 * _TI * 128, _SLAB)]

    def compute(b):
        in_b, out_b = in_bufs[b], out_bufs[b]

        @plsc.parallel_loop(0, _TI * _BH, unroll=4)
        def _(p):
            ti = p // _BH
            bh = p - ti * _BH
            q = bh * _TI + ti
            for k in range(128 // _L):
                v = in_b[pl.ds(p * 128 + k * _L, _L)]
                y = v * _SCALE + _MAGIC
                out_b[pl.ds(q * 128 + k * _L, _L)] = (y - _MAGIC).astype(
                    jnp.int32
                )

    for b in range(_NBUF):
        start_load(wid + _NW * b, b)

    @pl.loop(0, per_w, step=_NBUF)
    def _(m):
        for b in range(_NBUF):
            j = m + b
            u = wid + _NW * j
            wait_load(b)

            @pl.when(j >= _NBUF)
            def _():
                pltpu.make_async_copy(
                    out_bufs[b], out_span(u - _NW * _NBUF), out_sems[b]
                ).wait()

            compute(b)
            pltpu.async_copy(out_bufs[b], out_span(u), out_sems[b])

            @pl.when(j + _NBUF < per_w)
            def _():
                start_load(u + _NW * _NBUF, b)

    for b in range(_NBUF):
        pltpu.make_async_copy(
            out_bufs[b], out_span(wid + _NW * (per_w - _NBUF + b)), out_sems[b]
        ).wait()

    sid = wid - (wid // _NS) * _NS
    tail_idx = (wid // _NS) * (n_tail // _NC) + sid

    @pl.when(sid < n_tail // _NC)
    def _():
        u = ring_units + tail_idx
        start_load(u, 0)
        wait_load(0)
        compute(0)
        pltpu.async_copy(out_bufs[0], out_span(u), out_sems[0]).wait()


def kernel(x):
    b, t, _ = x.shape
    assert (b, t) == (_B, _T)
    xf = lax.reshape(x, (t * b,), dimensions=(1, 2, 0))
    f = pl.kernel(
        _quantize_body,
        out_type=jax.ShapeDtypeStruct((t * b,), jnp.int32),
        mesh=plsc.VectorSubcoreMesh(core_axis_name="c", subcore_axis_name="s"),
        scratch_types=[
            [pltpu.VMEM((_SLAB,), jnp.float32) for _ in range(_NBUF)],
            [pltpu.VMEM((_SLAB,), jnp.int32) for _ in range(_NBUF)],
            [pltpu.SemaphoreType.DMA for _ in range(_NBUF)],
            [pltpu.SemaphoreType.DMA for _ in range(_NBUF)],
        ],
    )
    of = f(xf)
    out = of.reshape(t // _TI, b // 128, _TI, 128).transpose(1, 3, 0, 2)
    return out.reshape(b, t).astype(jnp.int64)

# --- scband reference (transcript-rebuilt; emitter-appended) ---
"""Pipeline reference for scband-discrete-embedding-index-9990093931118 (READ-ONLY COPY).

The authoritative reference and input builder live on the scoring server;
editing this copy changes nothing except your own understanding.
"""

import jax, jax.numpy as jnp
import numpy as np

NUM_EMBEDDINGS = 1000


def setup_inputs(seed: int = 0) -> dict:
    key = jax.random.key(seed)
    x = jax.random.uniform(key, (16384, 200, 1), dtype=jnp.float32)
    return {"x": x}


def reference(x):
    # x = x * (num_embeddings - 1)
    y = x * (NUM_EMBEDDINGS - 1)
    # torch.round -> round half to even matches jnp.round
    y = jnp.round(y)
    y = jnp.clip(y, 0, NUM_EMBEDDINGS - 1)
    return y.astype(jnp.int64).squeeze(-1)

if __name__ == "__main__":
    import jax
    _d = setup_inputs()
    print(jax.jit(kernel)(*tuple(_d.values())))

</pallas_src>

<mosaic_0001>
#map = affine_map<(d0, d1) -> (0)>
module attributes {stable_mosaic.version = 14 : i64} {
  func.func @_quantize_body(%arg0: i32, %arg1: i32, %arg2: memref<3276800xf32, #tpu.memory_space<hbm>>, %arg3: memref<3276800xi32, #tpu.memory_space<hbm>>, %arg4: memref<8192xf32, #tpu.memory_space<vmem>>, %arg5: memref<8192xf32, #tpu.memory_space<vmem>>, %arg6: memref<8192xf32, #tpu.memory_space<vmem>>, %arg7: memref<8192xi32, #tpu.memory_space<vmem>>, %arg8: memref<8192xi32, #tpu.memory_space<vmem>>, %arg9: memref<8192xi32, #tpu.memory_space<vmem>>, %arg10: memref<!tpu.dma_semaphore, #tpu.memory_space<semaphore_mem>>, %arg11: memref<!tpu.dma_semaphore, #tpu.memory_space<semaphore_mem>>, %arg12: memref<!tpu.dma_semaphore, #tpu.memory_space<semaphore_mem>>, %arg13: memref<!tpu.dma_semaphore, #tpu.memory_space<semaphore_mem>>, %arg14: memref<!tpu.dma_semaphore, #tpu.memory_space<semaphore_mem>>, %arg15: memref<!tpu.dma_semaphore, #tpu.memory_space<semaphore_mem>>) attributes {dimension_semantics = [#tpu.dimension_semantics<core_parallel>, #tpu.dimension_semantics<subcore_parallel>], iteration_bounds = array<i64: 2, 16>, scalar_prefetch = 0 : i64, scratch_operands = 12 : i64, tpu.core_type = #tpu.core_type<sc_vector_subcore>, window_params = [{transform_indices = #map}, {transform_indices = #map}]} {
    %mul3A = arith.constant 16 : i32
    %mul3A_0 = arith.muli %arg0, %mul3A : i32
    %add3A = arith.addi %mul3A_0, %arg1 : i32
    %add3A_1 = arith.constant 0 : i32
    %add3A_2 = arith.addi %add3A, %add3A_1 : i32
    %jit3A = arith.constant 16 : i32
    %div3A = arith.divsi %add3A_2, %jit3A : i32
    %sign3A = arith.constant 0 : i32
    %sign3A_3 = arith.cmpi sgt, %add3A_2, %sign3A : i32
    %sign3A_4 = arith.extui %sign3A_3 : i1 to i32
    %sign3A_5 = arith.constant 0 : i32
    %sign3A_6 = arith.cmpi slt, %add3A_2, %sign3A_5 : i32
    %sign3A_7 = arith.extui %sign3A_6 : i1 to i32
    %sign3A_8 = arith.subi %sign3A_4, %sign3A_7 : i32
    %sign3A_9 = arith.constant 0 : i32
    %sign3A_10 = arith.cmpi sgt, %jit3A, %sign3A_9 : i32
    %sign3A_11 = arith.extui %sign3A_10 : i1 to i32
    %sign3A_12 = arith.constant 0 : i32
    %sign3A_13 = arith.cmpi slt, %jit3A, %sign3A_12 : i32
    %sign3A_14 = arith.extui %sign3A_13 : i1 to i32
    %sign3A_15 = arith.subi %sign3A_11, %sign3A_14 : i32
    %ne3A = arith.cmpi ne, %sign3A_8, %sign3A_15 : i32
    %rem3A = arith.remsi %add3A_2, %jit3A : i32
    %ne3A_16 = arith.constant 0 : i32
    %ne3A_17 = arith.cmpi ne, %rem3A, %ne3A_16 : i32
    %and3A = arith.andi %ne3A, %ne3A_17 : i1
    %sub3A = arith.constant 1 : i32
    %sub3A_18 = arith.subi %div3A, %sub3A : i32
    %select_n3A = arith.select %and3A, %sub3A_18, %div3A : i32
    %mul3A_19 = arith.constant 16 : i32
    %mul3A_20 = arith.muli %select_n3A, %mul3A_19 : i32
    %sub3A_21 = arith.subi %add3A_2, %mul3A_20 : i32
    %mul3A_22 = arith.constant 8 : i32
    %mul3A_23 = arith.muli %sub3A_21, %mul3A_22 : i32
    %mul3A_24 = arith.constant 8 : i32
    %mul3A_25 = arith.muli %select_n3A, %mul3A_24 : i32
    %add3A_26 = arith.constant 0 : i32
    %add3A_27 = arith.addi %mul3A_25, %add3A_26 : i32
    %mul3A_28 = arith.constant 16384 : i32
    %mul3A_29 = arith.muli %add3A_27, %mul3A_28 : i32
    %mul3A_30 = arith.constant 128 : i32
    %mul3A_31 = arith.muli %mul3A_23, %mul3A_30 : i32
    %add3A_32 = arith.addi %mul3A_29, %mul3A_31 : i32
    %dma_start3A = arith.constant 0 : i32
    %dma_start3A_33 = tpu.memref_slice %arg4[%dma_start3A] : memref<8192xf32, #tpu.memory_space<vmem>> -> memref<1024xf32, #tpu.memory_space<vmem>>
    %dma_start3A_34 = tpu.memref_slice %arg2[%add3A_32] : memref<3276800xf32, #tpu.memory_space<hbm>> -> memref<1024xf32, #tpu.memory_space<hbm>>
    %dma_start3A_35 = arith.constant 0 : i32
    %dma_start3A_36 = tpu.memref_slice %arg4[%dma_start3A_35] : memref<8192xf32, #tpu.memory_space<vmem>> -> memref<1024xf32, #tpu.memory_space<vmem>>
    %dma_start3A_37 = tpu.memref_slice %arg2[%add3A_32] : memref<3276800xf32, #tpu.memory_space<hbm>> -> memref<1024xf32, #tpu.memory_space<hbm>>
    tpu.enqueue_dma source(%dma_start3A_37 : memref<1024xf32, #tpu.memory_space<hbm>>) target(%dma_start3A_36 : memref<1024xf32, #tpu.memory_space<vmem>>) target_semaphore(%arg10 : memref<!tpu.dma_semaphore, #tpu.memory_space<semaphore_mem>>)
    %mul3A_38 = arith.constant 8 : i32
    %mul3A_39 = arith.muli %select_n3A, %mul3A_38 : i32
    %add3A_40 = arith.constant 1 : i32
    %add3A_41 = arith.addi %mul3A_39, %add3A_40 : i32
    %mul3A_42 = arith.constant 16384 : i32
    %mul3A_43 = arith.muli %add3A_41, %mul3A_42 : i32
    %mul3A_44 = arith.constant 128 : i32
    %mul3A_45 = arith.muli %mul3A_23, %mul3A_44 : i32
    %add3A_46 = arith.addi %mul3A_43, %mul3A_45 : i32
    %dma_start3A_47 = arith.constant 1024 : i32
    %dma_start3A_48 = tpu.memref_slice %arg4[%dma_start3A_47] : memref<8192xf32, #tpu.memory_space<vmem>> -> memref<1024xf32, #tpu.memory_space<vmem>>
    %dma_start3A_49 = tpu.memref_slice %arg2[%add3A_46] : memref<3276800xf32, #tpu.memory_space<hbm>> -> memref<1024xf32, #tpu.memory_space<hbm>>
    %dma_start3A_50 = arith.constant 1024 : i32
    %dma_start3A_51 = tpu.memref_slice %arg4[%dma_start3A_50] : memref<8192xf32, #tpu.memory_space<vmem>> -> memref<1024xf32, #tpu.memory_space<vmem>>
    %dma_start3A_52 = tpu.memref_slice %arg2[%add3A_46] : memref<3276800xf32, #tpu.memory_space<hbm>> -> memref<1024xf32, #tpu.memory_space<hbm>>
    tpu.enqueue_dma source(%dma_start3A_52 : memref<1024xf32, #tpu.memory_space<hbm>>) target(%dma_start3A_51 : memref<1024xf32, #tpu.memory_space<vmem>>) target_semaphore(%arg10 : memref<!tpu.dma_semaphore, #tpu.memory_space<semaphore_mem>>)
    %mul3A_53 = arith.constant 8 : i32
    %mul3A_54 = arith.muli %select_n3A, %mul3A_53 : i32
    %add3A_55 = arith.constant 2 : i32
    %add3A_56 = arith.addi %mul3A_54, %add3A_55 : i32
    %mul3A_57 = arith.constant 16384 : i32
    %mul3A_58 = arith.muli %add3A_56, %mul3A_57 : i32
    %mul3A_59 = arith.constant 128 : i32
    %mul3A_60 = arith.muli %mul3A_23, %mul3A_59 : i32
    %add3A_61 = arith.addi %mul3A_58, %mul3A_60 : i32
    %dma_start3A_62 = arith.constant 2048 : i32
    %dma_start3A_63 = tpu.memref_slice %arg4[%dma_start3A_62] : memref<8192xf32, #tpu.memory_space<vmem>> -> memref<1024xf32, #tpu.memory_space<vmem>>
    %dma_start3A_64 = tpu.memref_slice %arg2[%add3A_61] : memref<3276800xf32, #tpu.memory_space<hbm>> -> memref<1024xf32, #tpu.memory_space<hbm>>
    %dma_start3A_65 = arith.constant 2048 : i32
    %dma_start3A_66 = tpu.memref_slice %arg4[%dma_start3A_65] : memref<8192xf32, #tpu.memory_space<vmem>> -> memref<1024xf32, #tpu.memory_space<vmem>>
    %dma_start3A_67 = tpu.memref_slice %arg2[%add3A_61] : memref<3276800xf32, #tpu.memory_space<hbm>> -> memref<1024xf32, #tpu.memory_space<hbm>>
    tpu.enqueue_dma source(%dma_start3A_67 : memref<1024xf32, #tpu.memory_space<hbm>>) target(%dma_start3A_66 : memref<1024xf32, #tpu.memory_space<vmem>>) target_semaphore(%arg10 : memref<!tpu.dma_semaphore, #tpu.memory_space<semaphore_mem>>)
    %mul3A_68 = arith.constant 8 : i32
    %mul3A_69 = arith.muli %select_n3A, %mul3A_68 : i32
    %add3A_70 = arith.constant 3 : i32
    %add3A_71 = arith.addi %mul3A_69, %add3A_70 : i32
    %mul3A_72 = arith.constant 16384 : i32
    %mul3A_73 = arith.muli %add3A_71, %mul3A_72 : i32
    %mul3A_74 = arith.constant 128 : i32
    %mul3A_75 = arith.muli %mul3A_23, %mul3A_74 : i32
    %add3A_76 = arith.addi %mul3A_73, %mul3A_75 : i32
    %dma_start3A_77 = arith.constant 3072 : i32
    %dma_start3A_78 = tpu.memref_slice %arg4[%dma_start3A_77] : memref<8192xf32, #tpu.memory_space<vmem>> -> memref<1024xf32, #tpu.memory_space<vmem>>
    %dma_start3A_79 = tpu.memref_slice %arg2[%add3A_76] : memref<3276800xf32, #tpu.memory_space<hbm>> -> memref<1024xf32, #tpu.memory_space<hbm>>
    %dma_start3A_80 = arith.constant 3072 : i32
    %dma_start3A_81 = tpu.memref_slice %arg4[%dma_start3A_80] : memref<8192xf32, #tpu.memory_space<vmem>> -> memref<1024xf32, #tpu.memory_space<vmem>>
    %dma_start3A_82 = tpu.memref_slice %arg2[%add3A_76] : memref<3276800xf32, #tpu.memory_space<hbm>> -> memref<1024xf32, #tpu.memory_space<hbm>>
    tpu.enqueue_dma source(%dma_start3A_82 : memref<1024xf32, #tpu.memory_space<hbm>>) target(%dma_start3A_81 : memref<1024xf32, #tpu.memory_space<vmem>>) target_semaphore(%arg10 : memref<!tpu.dma_semaphore, #tpu.memory_space<semaphore_mem>>)
    %mul3A_83 = arith.constant 8 : i32
    %mul3A_84 = arith.muli %select_n3A, %mul3A_83 : i32
    %add3A_85 = arith.constant 4 : i32
    %add3A_86 = arith.addi %mul3A_84, %add3A_85 : i32
    %mul3A_87 = arith.constant 16384 : i32
    %mul3A_88 = arith.muli %add3A_86, %mul3A_87 : i32
    %mul3A_89 = arith.constant 128 : i32
    %mul3A_90 = arith.muli %mul3A_23, %mul3A_89 : i32
    %add3A_91 = arith.addi %mul3A_88, %mul3A_90 : i32
    %dma_start3A_92 = arith.constant 4096 : i32
    %dma_start3A_93 = tpu.memref_slice %arg4[%dma_start3A_92] : memref<8192xf32, #tpu.memory_space<vmem>> -> memref<1024xf32, #tpu.memory_space<vmem>>
    %dma_start3A_94 = tpu.memref_slice %arg2[%add3A_91] : memref<3276800xf32, #tpu.memory_space<hbm>> -> memref<1024xf32, #tpu.memory_space<hbm>>
    %dma_start3A_95 = arith.constant 4096 : i32
    %dma_start3A_96 = tpu.memref_slice %arg4[%dma_start3A_95] : memref<8192xf32, #tpu.memory_space<vmem>> -> memref<1024xf32, #tpu.memory_space<vmem>>
    %dma_start3A_97 = tpu.memref_slice %arg2[%add3A_91] : memref<3276800xf32, #tpu.memory_space<hbm>> -> memref<1024xf32, #tpu.memory_space<hbm>>
    tpu.enqueue_dma source(%dma_start3A_97 : memref<1024xf32, #tpu.memory_space<hbm>>) target(%dma_start3A_96 : memref<1024xf32, #tpu.memory_space<vmem>>) target_semaphore(%arg10 : memref<!tpu.dma_semaphore, #tpu.memory_space<semaphore_mem>>)
    %mul3A_98 = arith.constant 8 : i32
    %mul3A_99 = arith.muli %select_n3A, %mul3A_98 : i32
    %add3A_100 = arith.constant 5 : i32
    %add3A_101 = arith.addi %mul3A_99, %add3A_100 : i32
    %mul3A_102 = arith.constant 16384 : i32
    %mul3A_103 = arith.muli %add3A_101, %mul3A_102 : i32
    %mul3A_104 = arith.constant 128 : i32
    %mul3A_105 = arith.muli %mul3A_23, %mul3A_104 : i32
    %add3A_106 = arith.addi %mul3A_103, %mul3A_105 : i32
    %dma_start3A_107 = arith.constant 5120 : i32
    %dma_start3A_108 = tpu.memref_slice %arg4[%dma_start3A_107] : memref<8192xf32, #tpu.memory_space<vmem>> -> memref<1024xf32, #tpu.memory_space<vmem>>
    %dma_start3A_109 = tpu.memref_slice %arg2[%add3A_106] : memref<3276800xf32, #tpu.memory_space<hbm>> -> memref<1024xf32, #tpu.memory_space<hbm>>
    %dma_start3A_110 = arith.constant 5120 : i32
    %dma_start3A_111 = tpu.memref_slice %arg4[%dma_start3A_110] : memref<8192xf32, #tpu.memory_space<vmem>> -> memref<1024xf32, #tpu.memory_space<vmem>>
    %dma_start3A_112 = tpu.memref_slice %arg2[%add3A_106] : memref<3276800xf32, #tpu.memory_space<hbm>> -> memref<1024xf32, #tpu.memory_space<hbm>>
    tpu.enqueue_dma source(%dma_start3A_112 : memref<1024xf32, #tpu.memory_space<hbm>>) target(%dma_start3A_111 : memref<1024xf32, #tpu.memory_space<vmem>>) target_semaphore(%arg10 : memref<!tpu.dma_semaphore, #tpu.memory_space<semaphore_mem>>)
    %mul3A_113 = arith.constant 8 : i32
    %mul3A_114 = arith.muli %select_n3A, %mul3A_113 : i32
    %add3A_115 = arith.constant 6 : i32
    %add3A_116 = arith.addi %mul3A_114, %add3A_115 : i32
    %mul3A_117 = arith.constant 16384 : i32
    %mul3A_118 = arith.muli %add3A_116, %mul3A_117 : i32
    %mul3A_119 = arith.constant 128 : i32
    %mul3A_120 = arith.muli %mul3A_23, %mul3A_119 : i32
    %add3A_121 = arith.addi %mul3A_118, %mul3A_120 : i32
    %dma_start3A_122 = arith.constant 6144 : i32
    %dma_start3A_123 = tpu.memref_slice %arg4[%dma_start3A_122] : memref<8192xf32, #tpu.memory_space<vmem>> -> memref<1024xf32, #tpu.memory_space<vmem>>
    %dma_start3A_124 = tpu.memref_slice %arg2[%add3A_121] : memref<3276800xf32, #tpu.memory_space<hbm>> -> memref<1024xf32, #tpu.memory_space<hbm>>
    %dma_start3A_125 = arith.constant 6144 : i32
    %dma_start3A_126 = tpu.memref_slice %arg4[%dma_start3A_125] : memref<8192xf32, #tpu.memory_space<vmem>> -> memref<1024xf32, #tpu.memory_space<vmem>>
    %dma_start3A_127 = tpu.memref_slice %arg2[%add3A_121] : memref<3276800xf32, #tpu.memory_space<hbm>> -> memref<1024xf32, #tpu.memory_space<hbm>>
    tpu.enqueue_dma source(%dma_start3A_127 : memref<1024xf32, #tpu.memory_space<hbm>>) target(%dma_start3A_126 : memref<1024xf32, #tpu.memory_space<vmem>>) target_semaphore(%arg10 : memref<!tpu.dma_semaphore, #tpu.memory_space<semaphore_mem>>)
    %mul3A_128 = arith.constant 8 : i32
    %mul3A_129 = arith.muli %select_n3A, %mul3A_128 : i32
    %add3A_130 = arith.constant 7 : i32
    %add3A_131 = arith.addi %mul3A_129, %add3A_130 : i32
    %mul3A_132 = arith.constant 16384 : i32
    %mul3A_133 = arith.muli %add3A_131, %mul3A_132 : i32
    %mul3A_134 = arith.constant 128 : i32
    %mul3A_135 = arith.muli %mul3A_23, %mul3A_134 : i32
    %add3A_136 = arith.addi %mul3A_133, %mul3A_135 : i32
    %dma_start3A_137 = arith.constant 7168 : i32
    %dma_start3A_138 = tpu.memref_slice %arg4[%dma_start3A_137] : memref<8192xf32, #tpu.memory_space<vmem>> -> memref<1024xf32, #tpu.memory_space<vmem>>
    %dma_start3A_139 = tpu.memref_slice %arg2[%add3A_136] : memref<3276800xf32, #tpu.memory_space<hbm>> -> memref<1024xf32, #tpu.memory_space<hbm>>
    %dma_start3A_140 = arith.constant 7168 : i32
    %dma_start3A_141 = tpu.memref_slice %arg4[%dma_start3A_140] : memref<8192xf32, #tpu.memory_space<vmem>> -> memref<1024xf32, #tpu.memory_space<vmem>>
    %dma_start3A_142 = tpu.memref_slice %arg2[%add3A_136] : memref<3276800xf32, #tpu.memory_space<hbm>> -> memref<1024xf32, #tpu.memory_space<hbm>>
    tpu.enqueue_dma source(%dma_start3A_142 : memref<1024xf32, #tpu.memory_space<hbm>>) target(%dma_start3A_141 : memref<1024xf32, #tpu.memory_space<vmem>>) target_semaphore(%arg10 : memref<!tpu.dma_semaphore, #tpu.memory_space<semaphore_mem>>)
    %add3A_143 = arith.constant 32 : i32
    %add3A_144 = arith.addi %add3A, %add3A_143 : i32
    %jit3A_145 = arith.constant 16 : i32
    %div3A_146 = arith.divsi %add3A_144, %jit3A_145 : i32
    %sign3A_147 = arith.constant 0 : i32
    %sign3A_148 = arith.cmpi sgt, %add3A_144, %sign3A_147 : i32
    %sign3A_149 = arith.extui %sign3A_148 : i1 to i32
    %sign3A_150 = arith.constant 0 : i32
    %sign3A_151 = arith.cmpi slt, %add3A_144, %sign3A_150 : i32
    %sign3A_152 = arith.extui %sign3A_151 : i1 to i32
    %sign3A_153 = arith.subi %sign3A_149, %sign3A_152 : i32
    %sign3A_154 = arith.constant 0 : i32
    %sign3A_155 = arith.cmpi sgt, %jit3A_145, %sign3A_154 : i32
    %sign3A_156 = arith.extui %sign3A_155 : i1 to i32
    %sign3A_157 = arith.constant 0 : i32
    %sign3A_158 = arith.cmpi slt, %jit3A_145, %sign3A_157 : i32
    %sign3A_159 = arith.extui %sign3A_158 : i1 to i32
    %sign3A_160 = arith.subi %sign3A_156, %sign3A_159 : i32
    %ne3A_161 = arith.cmpi ne, %sign3A_153, %sign3A_160 : i32
    %rem3A_162 = arith.remsi %add3A_144, %jit3A_145 : i32
    %ne3A_163 = arith.constant 0 : i32
    %ne3A_164 = arith.cmpi ne, %rem3A_162, %ne3A_163 : i32
    %and3A_165 = arith.andi %ne3A_161, %ne3A_164 : i1
    %sub3A_166 = arith.constant 1 : i32
    %sub3A_167 = arith.subi %div3A_146, %sub3A_166 : i32
    %select_n3A_168 = arith.select %and3A_165, %sub3A_167, %div3A_146 : i32
    %mul3A_169 = arith.constant 16 : i32
    %mul3A_170 = arith.muli %select_n3A_168, %mul3A_169 : i32
    %sub3A_171 = arith.subi %add3A_144, %mul3A_170 : i32
    %mul3A_172 = arith.constant 8 : i32
    %mul3A_173 = arith.muli %sub3A_171, %mul3A_172 : i32
    %mul3A_174 = arith.constant 8 : i32
    %mul3A_175 = arith.muli %select_n3A_168, %mul3A_174 : i32
    %add3A_176 = arith.constant 0 : i32
    %add3A_177 = arith.addi %mul3A_175, %add3A_176 : i32
    %mul3A_178 = arith.constant 16384 : i32
    %mul3A_179 = arith.muli %add3A_177, %mul3A_178 : i32
    %mul3A_180 = arith.constant 128 : i32
    %mul3A_181 = arith.muli %mul3A_173, %mul3A_180 : i32
    %add3A_182 = arith.addi %mul3A_179, %mul3A_181 : i32
    %dma_start3A_183 = arith.constant 0 : i32
    %dma_start3A_184 = tpu.memref_slice %arg5[%dma_start3A_183] : memref<8192xf32, #tpu.memory_space<vmem>> -> memref<1024xf32, #tpu.memory_space<vmem>>
    %dma_start3A_185 = tpu.memref_slice %arg2[%add3A_182] : memref<3276800xf32, #tpu.memory_space<hbm>> -> memref<1024xf32, #tpu.memory_space<hbm>>
    %dma_start3A_186 = arith.constant 0 : i32
    %dma_start3A_187 = tpu.memref_slice %arg5[%dma_start3A_186] : memref<8192xf32, #tpu.memory_space<vmem>> -> memref<1024xf32, #tpu.memory_space<vmem>>
    %dma_start3A_188 = tpu.memref_slice %arg2[%add3A_182] : memref<3276800xf32, #tpu.memory_space<hbm>> -> memref<1024xf32, #tpu.memory_space<hbm>>
    tpu.enqueue_dma source(%dma_start3A_188 : memref<1024xf32, #tpu.memory_space<hbm>>) target(%dma_start3A_187 : memref<1024xf32, #tpu.memory_space<vmem>>) target_semaphore(%arg11 : memref<!tpu.dma_semaphore, #tpu.memory_space<semaphore_mem>>)
    %mul3A_189 = arith.constant 8 : i32
    %mul3A_190 = arith.muli %select_n3A_168, %mul3A_189 : i32
    %add3A_191 = arith.constant 1 : i32
    %add3A_192 = arith.addi %mul3A_190, %add3A_191 : i32
    %mul3A_193 = arith.constant 16384 : i32
    %mul3A_194 = arith.muli %add3A_192, %mul3A_193 : i32
    %mul3A_195 = arith.constant 128 : i32
    %mul3A_196 = arith.muli %mul3A_173, %mul3A_195 : i32
    %add3A_197 = arith.addi %mul3A_194, %mul3A_196 : i32
    %dma_start3A_198 = arith.constant 1024 : i32
    %dma_start3A_199 = tpu.memref_slice %arg5[%dma_start3A_198] : memref<8192xf32, #tpu.memory_space<vmem>> -> memref<1024xf32, #tpu.memory_space<vmem>>
    %dma_start3A_200 = tpu.memref_slice %arg2[%add3A_197] : memref<3276800xf32, #tpu.memory_space<hbm>> -> memref<1024xf32, #tpu.memory_space<hbm>>
    %dma_start3A_201 = arith.constant 1024 : i32
    %dma_start3A_202 = tpu.memref_slice %arg5[%dma_start3A_201] : memref<8192xf32, #tpu.memory_space<vmem>> -> memref<1024xf32, #tpu.memory_space<vmem>>
    %dma_start3A_203 = tpu.memref_slice %arg2[%add3A_197] : memref<3276800xf32, #tpu.memory_space<hbm>> -> memref<1024xf32, #tpu.memory_space<hbm>>
    tpu.enqueue_dma source(%dma_start3A_203 : memref<1024xf32, #tpu.memory_space<hbm>>) target(%dma_start3A_202 : memref<1024xf32, #tpu.memory_space<vmem>>) target_semaphore(%arg11 : memref<!tpu.dma_semaphore, #tpu.memory_space<semaphore_mem>>)
    %mul3A_204 = arith.constant 8 : i32
    %mul3A_205 = arith.muli %select_n3A_168, %mul3A_204 : i32
    %add3A_206 = arith.constant 2 : i32
    %add3A_207 = arith.addi %mul3A_205, %add3A_206 : i32
    %mul3A_208 = arith.constant 16384 : i32
    %mul3A_209 = arith.muli %add3A_207, %mul3A_208 : i32
    %mul3A_210 = arith.constant 128 : i32
    %mul3A_211 = arith.muli %mul3A_173, %mul3A_210 : i32
    %add3A_212 = arith.addi %mul3A_209, %mul3A_211 : i32
    %dma_start3A_213 = arith.constant 2048 : i32
    %dma_start3A_214 = tpu.memref_slice %arg5[%dma_start3A_213] : memref<8192xf32, #tpu.memory_space<vmem>> -> memref<1024xf32, #tpu.memory_space<vmem>>
    %dma_start3A_215 = tpu.memref_slice %arg2[%add3A_212] : memref<3276800xf32, #tpu.memory_space<hbm>> -> memref<1024xf32, #tpu.memory_space<hbm>>
    %dma_start3A_216 = arith.constant 2048 : i32
    %dma_start3A_217 = tpu.memref_slice %arg5[%dma_start3A_216] : memref<8192xf32, #tpu.memory_space<vmem>> -> memref<1024xf32, #tpu.memory_space<vmem>>
    %dma_start3A_218 = tpu.memref_slice %arg2[%add3A_212] : memref<3276800xf32, #tpu.memory_space<hbm>> -> memref<1024xf32, #tpu.memory_space<hbm>>
    tpu.enqueue_dma source(%dma_start3A_218 : memref<1024xf32, #tpu.memory_space<hbm>>) target(%dma_start3A_217 : memref<1024xf32, #tpu.memory_space<vmem>>) target_semaphore(%arg11 : memref<!tpu.dma_semaphore, #tpu.memory_space<semaphore_mem>>)
    %mul3A_219 = arith.constant 8 : i32
    %mul3A_220 = arith.muli %select_n3A_168, %mul3A_219 : i32
    %add3A_221 = arith.constant 3 : i32
    %add3A_222 = arith.addi %mul3A_220, %add3A_221 : i32
    %mul3A_223 = arith.constant 16384 : i32
    %mul3A_224 = arith.muli %add3A_222, %mul3A_223 : i32
    %mul3A_225 = arith.constant 128 : i32
    %mul3A_226 = arith.muli %mul3A_173, %mul3A_225 : i32
    %add3A_227 = arith.addi %mul3A_224, %mul3A_226 : i32
    %dma_start3A_228 = arith.constant 3072 : i32
    %dma_start3A_229 = tpu.memref_slice %arg5[%dma_start3A_228] : memref<8192xf32, #tpu.memory_space<vmem>> -> memref<1024xf32, #tpu.memory_space<vmem>>
    %dma_start3A_230 = tpu.memref_slice %arg2[%add3A_227] : memref<3276800xf32, #tpu.memory_space<hbm>> -> memref<1024xf32, #tpu.memory_space<hbm>>
    %dma_start3A_231 = arith.constant 3072 : i32
    %dma_start3A_232 = tpu.memref_slice %arg5[%dma_start3A_231] : memref<8192xf32, #tpu.memory_space<vmem>> -> memref<1024xf32, #tpu.memory_space<vmem>>
    %dma_start3A_233 = tpu.memref_slice %arg2[%add3A_227] : memref<3276800xf32, #tpu.memory_space<hbm>> -> memref<1024xf32, #tpu.memory_space<hbm>>
    tpu.enqueue_dma source(%dma_start3A_233 : memref<1024xf32, #tpu.memory_space<hbm>>) target(%dma_start3A_232 : memref<1024xf32, #tpu.memory_space<vmem>>) target_semaphore(%arg11 : memref<!tpu.dma_semaphore, #tpu.memory_space<semaphore_mem>>)
    %mul3A_234 = arith.constant 8 : i32
    %mul3A_235 = arith.muli %select_n3A_168, %mul3A_234 : i32
    %add3A_236 = arith.constant 4 : i32
    %add3A_237 = arith.addi %mul3A_235, %add3A_236 : i32
    %mul3A_238 = arith.constant 16384 : i32
    %mul3A_239 = arith.muli %add3A_237, %mul3A_238 : i32
    %mul3A_240 = arith.constant 128 : i32
    %mul3A_241 = arith.muli %mul3A_173, %mul3A_240 : i32
    %add3A_242 = arith.addi %mul3A_239, %mul3A_241 : i32
    %dma_start3A_243 = arith.constant 4096 : i32
    %dma_start3A_244 = tpu.memref_slice %arg5[%dma_start3A_243] : memref<8192xf32, #tpu.memory_space<vmem>> -> memref<1024xf32, #tpu.memory_space<vmem>>
    %dma_start3A_245 = tpu.memref_slice %arg2[%add3A_242] : memref<3276800xf32, #tpu.memory_space<hbm>> -> memref<1024xf32, #tpu.memory_space<hbm>>
    %dma_start3A_246 = arith.constant 4096 : i32
    %dma_start3A_247 = tpu.memref_slice %arg5[%dma_start3A_246] : memref<8192xf32, #tpu.memory_space<vmem>> -> memref<1024xf32, #tpu.memory_space<vmem>>
    %dma_start3A_248 = tpu.memref_slice %arg2[%add3A_242] : memref<3276800xf32, #tpu.memory_space<hbm>> -> memref<1024xf32, #tpu.memory_space<hbm>>
    tpu.enqueue_dma source(%dma_start3A_248 : memref<1024xf32, #tpu.memory_space<hbm>>) target(%dma_start3A_247 : memref<1024xf32, #tpu.memory_space<vmem>>) target_semaphore(%arg11 : memref<!tpu.dma_semaphore, #tpu.memory_space<semaphore_mem>>)
    %mul3A_249 = arith.constant 8 : i32
    %mul3A_250 = arith.muli %select_n3A_168, %mul3A_249 : i32
    %add3A_251 = arith.constant 5 : i32
    %add3A_252 = arith.addi %mul3A_250, %add3A_251 : i32
    %mul3A_253 = arith.constant 16384 : i32
    %mul3A_254 = arith.muli %add3A_252, %mul3A_253 : i32
    %mul3A_255 = arith.constant 128 : i32
    %mul3A_256 = arith.muli %mul3A_173, %mul3A_255 : i32
    %add3A_257 = arith.addi %mul3A_254, %mul3A_256 : i32
    %dma_start3A_258 = arith.constant 5120 : i32
    %dma_start3A_259 = tpu.memref_slice %arg5[%dma_start3A_258] : memref<8192xf32, #tpu.memory_space<vmem>> -> memref<1024xf32, #tpu.memory_space<vmem>>
    %dma_start3A_260 = tpu.memref_slice %arg2[%add3A_257] : memref<3276800xf32, #tpu.memory_space<hbm>> -> memref<1024xf32, #tpu.memory_space<hbm>>
    %dma_start3A_261 = arith.constant 5120 : i32
    %dma_start3A_262 = tpu.memref_slice %arg5[%dma_start3A_261] : memref<8192xf32, #tpu.memory_space<vmem>> -> memref<1024xf32, #tpu.memory_space<vmem>>
    %dma_start3A_263 = tpu.memref_slice %arg2[%add3A_257] : memref<3276800xf32, #tpu.memory_space<hbm>> -> memref<1024xf32, #tpu.memory_space<hbm>>
    tpu.enqueue_dma source(%dma_start3A_263 : memref<1024xf32, #tpu.memory_space<hbm>>) target(%dma_start3A_262 : memref<1024xf32, #tpu.memory_space<vmem>>) target_semaphore(%arg11 : memref<!tpu.dma_semaphore, #tpu.memory_space<semaphore_mem>>)
    %mul3A_264 = arith.constant 8 : i32
    %mul3A_265 = arith.muli %select_n3A_168, %mul3A_264 : i32
    %add3A_266 = arith.constant 6 : i32
    %add3A_267 = arith.addi %mul3A_265, %add3A_266 : i32
    %mul3A_268 = arith.constant 16384 : i32
    %mul3A_269 = arith.muli %add3A_267, %mul3A_268 : i32
    %mul3A_270 = arith.constant 128 : i32
    %mul3A_271 = arith.muli %mul3A_173, %mul3A_270 : i32
    %add3A_272 = arith.addi %mul3A_269, %mul3A_271 : i32
    %dma_start3A_273 = arith.constant 6144 : i32
    %dma_start3A_274 = tpu.memref_slice %arg5[%dma_start3A_273] : memref<8192xf32, #tpu.memory_space<vmem>> -> memref<1024xf32, #tpu.memory_space<vmem>>
    %dma_start3A_275 = tpu.memref_slice %arg2[%add3A_272] : memref<3276800xf32, #tpu.memory_space<hbm>> -> memref<1024xf32, #tpu.memory_space<hbm>>
    %dma_start3A_276 = arith.constant 6144 : i32
    %dma_start3A_277 = tpu.memref_slice %arg5[%dma_start3A_276] : memref<8192xf32, #tpu.memory_space<vmem>> -> memref<1024xf32, #tpu.memory_space<vmem>>
    %dma_start3A_278 = tpu.memref_slice %arg2[%add3A_272] : memref<3276800xf32, #tpu.memory_space<hbm>> -> memref<1024xf32, #tpu.memory_space<hbm>>
    tpu.enqueue_dma source(%dma_start3A_278 : memref<1024xf32, #tpu.memory_space<hbm>>) target(%dma_start3A_277 : memref<1024xf32, #tpu.memory_space<vmem>>) target_semaphore(%arg11 : memref<!tpu.dma_semaphore, #tpu.memory_space<semaphore_mem>>)
    %mul3A_279 = arith.constant 8 : i32
    %mul3A_280 = arith.muli %select_n3A_168, %mul3A_279 : i32
    %add3A_281 = arith.constant 7 : i32
    %add3A_282 = arith.addi %mul3A_280, %add3A_281 : i32
    %mul3A_283 = arith.constant 16384 : i32
    %mul3A_284 = arith.muli %add3A_282, %mul3A_283 : i32
    %mul3A_285 = arith.constant 128 : i32
    %mul3A_286 = arith.muli %mul3A_173, %mul3A_285 : i32
    %add3A_287 = arith.addi %mul3A_284, %mul3A_286 : i32
    %dma_start3A_288 = arith.constant 7168 : i32
    %dma_start3A_289 = tpu.memref_slice %arg5[%dma_start3A_288] : memref<8192xf32, #tpu.memory_space<vmem>> -> memref<1024xf32, #tpu.memory_space<vmem>>
    %dma_start3A_290 = tpu.memref_slice %arg2[%add3A_287] : memref<3276800xf32, #tpu.memory_space<hbm>> -> memref<1024xf32, #tpu.memory_space<hbm>>
    %dma_start3A_291 = arith.constant 7168 : i32
    %dma_start3A_292 = tpu.memref_slice %arg5[%dma_start3A_291] : memref<8192xf32, #tpu.memory_space<vmem>> -> memref<1024xf32, #tpu.memory_space<vmem>>
    %dma_start3A_293 = tpu.memref_slice %arg2[%add3A_287] : memref<3276800xf32, #tpu.memory_space<hbm>> -> memref<1024xf32, #tpu.memory_space<hbm>>
    tpu.enqueue_dma source(%dma_start3A_293 : memref<1024xf32, #tpu.memory_space<hbm>>) target(%dma_start3A_292 : memref<1024xf32, #tpu.memory_space<vmem>>) target_semaphore(%arg11 : memref<!tpu.dma_semaphore, #tpu.memory_space<semaphore_mem>>)
    %add3A_294 = arith.constant 64 : i32
    %add3A_295 = arith.addi %add3A, %add3A_294 : i32
    %jit3A_296 = arith.constant 16 : i32
    %div3A_297 = arith.divsi %add3A_295, %jit3A_296 : i32
    %sign3A_298 = arith.constant 0 : i32
    %sign3A_299 = arith.cmpi sgt, %add3A_295, %sign3A_298 : i32
    %sign3A_300 = arith.extui %sign3A_299 : i1 to i32
    %sign3A_301 = arith.constant 0 : i32
    %sign3A_302 = arith.cmpi slt, %add3A_295, %sign3A_301 : i32
    %sign3A_303 = arith.extui %sign3A_302 : i1 to i32
    %sign3A_304 = arith.subi %sign3A_300, %sign3A_303 : i32
    %sign3A_305 = arith.constant 0 : i32
    %sign3A_306 = arith.cmpi sgt, %jit3A_296, %sign3A_305 : i32
    %sign3A_307 = arith.extui %sign3A_306 : i1 to i32
    %sign3A_308 = arith.constant 0 : i32
    %sign3A_309 = arith.cmpi slt, %jit3A_296, %sign3A_308 : i32
    %sign3A_310 = arith.extui %sign3A_309 : i1 to i32
    %sign3A_311 = arith.subi %sign3A_307, %sign3A_310 : i32
    %ne3A_312 = arith.cmpi ne, %sign3A_304, %sign3A_311 : i32
    %rem3A_313 = arith.remsi %add3A_295, %jit3A_296 : i32
    %ne3A_314 = arith.constant 0 : i32
    %ne3A_315 = arith.cmpi ne, %rem3A_313, %ne3A_314 : i32
    %and3A_316 = arith.andi %ne3A_312, %ne3A_315 : i1
    %sub3A_317 = arith.constant 1 : i32
    %sub3A_318 = arith.subi %div3A_297, %sub3A_317 : i32
    %select_n3A_319 = arith.select %and3A_316, %sub3A_318, %div3A_297 : i32
    %mul3A_320 = arith.constant 16 : i32
    %mul3A_321 = arith.muli %select_n3A_319, %mul3A_320 : i32
    %sub3A_322 = arith.subi %add3A_295, %mul3A_321 : i32
    %mul3A_323 = arith.constant 8 : i32
    %mul3A_324 = arith.muli %sub3A_322, %mul3A_323 : i32
    %mul3A_325 = arith.constant 8 : i32
    %mul3A_326 = arith.muli %select_n3A_319, %mul3A_325 : i32
    %add3A_327 = arith.constant 0 : i32
    %add3A_328 = arith.addi %mul3A_326, %add3A_327 : i32
    %mul3A_329 = arith.constant 16384 : i32
    %mul3A_330 = arith.muli %add3A_328, %mul3A_329 : i32
    %mul3A_331 = arith.constant 128 : i32
    %mul3A_332 = arith.muli %mul3A_324, %mul3A_331 : i32
    %add3A_333 = arith.addi %mul3A_330, %mul3A_332 : i32
    %dma_start3A_334 = arith.constant 0 : i32
    %dma_start3A_335 = tpu.memref_slice %arg6[%dma_start3A_334] : memref<8192xf32, #tpu.memory_space<vmem>> -> memref<1024xf32, #tpu.memory_space<vmem>>
    %dma_start3A_336 = tpu.memref_slice %arg2[%add3A_333] : memref<3276800xf32, #tpu.memory_space<hbm>> -> memref<1024xf32, #tpu.memory_space<hbm>>
    %dma_start3A_337 = arith.constant 0 : i32
    %dma_start3A_338 = tpu.memref_slice %arg6[%dma_start3A_337] : memref<8192xf32, #tpu.memory_space<vmem>> -> memref<1024xf32, #tpu.memory_space<vmem>>
    %dma_start3A_339 = tpu.memref_slice %arg2[%add3A_333] : memref<3276800xf32, #tpu.memory_space<hbm>> -> memref<1024xf32, #tpu.memory_space<hbm>>
    tpu.enqueue_dma source(%dma_start3A_339 : memref<1024xf32, #tpu.memory_space<hbm>>) target(%dma_start3A_338 : memref<1024xf32, #tpu.memory_space<vmem>>) target_semaphore(%arg12 : memref<!tpu.dma_semaphore, #tpu.memory_space<semaphore_mem>>)
    %mul3A_340 = arith.constant 8 : i32
    %mul3A_341 = arith.muli %select_n3A_319, %mul3A_340 : i32
    %add3A_342 = arith.constant 1 : i32
    %add3A_343 = arith.addi %mul3A_341, %add3A_342 : i32
    %mul3A_344 = arith.constant 16384 : i32
    %mul3A_345 = arith.muli %add3A_343, %mul3A_344 : i32
    %mul3A_346 = arith.constant 128 : i32
    %mul3A_347 = arith.muli %mul3A_324, %mul3A_346 : i32
    %add3A_348 = arith.addi %mul3A_345, %mul3A_347 : i32
    %dma_start3A_349 = arith.constant 1024 : i32
    %dma_start3A_350 = tpu.memref_slice %arg6[%dma_start3A_349] : memref<8192xf32, #tpu.memory_space<vmem>> -> memref<1024xf32, #tpu.memory_space<vmem>>
    %dma_start3A_351 = tpu.memref_slice %arg2[%add3A_348] : memref<3276800xf32, #tpu.memory_space<hbm>> -> memref<1024xf32, #tpu.memory_space<hbm>>
    %dma_start3A_352 = arith.constant 1024 : i32
    %dma_start3A_353 = tpu.memref_slice %arg6[%dma_start3A_352] : memref<8192xf32, #tpu.memory_space<vmem>> -> memref<1024xf32, #tpu.memory_space<vmem>>
    %dma_start3A_354 = tpu.memref_slice %arg2[%add3A_348] : memref<3276800xf32, #tpu.memory_space<hbm>> -> memref<1024xf32, #tpu.memory_space<hbm>>
    tpu.enqueue_dma source(%dma_start3A_354 : memref<1024xf32, #tpu.memory_space<hbm>>) target(%dma_start3A_353 : memref<1024xf32, #tpu.memory_space<vmem>>) target_semaphore(%arg12 : memref<!tpu.dma_semaphore, #tpu.memory_space<semaphore_mem>>)
    %mul3A_355 = arith.constant 8 : i32
    %mul3A_356 = arith.muli %select_n3A_319, %mul3A_355 : i32
    %add3A_357 = arith.constant 2 : i32
    %add3A_358 = arith.addi %mul3A_356, %add3A_357 : i32
    %mul3A_359 = arith.constant 16384 : i32
    %mul3A_360 = arith.muli %add3A_358, %mul3A_359 : i32
    %mul3A_361 = arith.constant 128 : i32
    %mul3A_362 = arith.muli %mul3A_324, %mul3A_361 : i32
    %add3A_363 = arith.addi %mul3A_360, %mul3A_362 : i32
    %dma_start3A_364 = arith.constant 2048 : i32
    %dma_start3A_365 = tpu.memref_slice %arg6[%dma_start3A_364] : memref<8192xf32, #tpu.memory_space<vmem>> -> memref<1024xf32, #tpu.memory_space<vmem>>
    %dma_start3A_366 = tpu.memref_slice %arg2[%add3A_363] : memref<3276800xf32, #tpu.memory_space<hbm>> -> memref<1024xf32, #tpu.memory_space<hbm>>
    %dma_start3A_367 = arith.constant 2048 : i32
    %dma_start3A_368 = tpu.memref_slice %arg6[%dma_start3A_367] : memref<8192xf32, #tpu.memory_space<vmem>> -> memref<1024xf32, #tpu.memory_space<vmem>>
    %dma_start3A_369 = tpu.memref_slice %arg2[%add3A_363] : memref<3276800xf32, #tpu.memory_space<hbm>> -> memref<1024xf32, #tpu.memory_space<hbm>>
    tpu.enqueue_dma source(%dma_start3A_369 : memref<1024xf32, #tpu.memory_space<hbm>>) target(%dma_start3A_368 : memref<1024xf32, #tpu.memory_space<vmem>>) target_semaphore(%arg12 : memref<!tpu.dma_semaphore, #tpu.memory_space<semaphore_mem>>)
    %mul3A_370 = arith.constant 8 : i32
    %mul3A_371 = arith.muli %select_n3A_319, %mul3A_370 : i32
    %add3A_372 = arith.constant 3 : i32
    %add3A_373 = arith.addi %mul3A_371, %add3A_372 : i32
    %mul3A_374 = arith.constant 16384 : i32
    %mul3A_375 = arith.muli %add3A_373, %mul3A_374 : i32
    %mul3A_376 = arith.constant 128 : i32
    %mul3A_377 = arith.muli %mul3A_324, %mul3A_376 : i32
    %add3A_378 = arith.addi %mul3A_375, %mul3A_377 : i32
    %dma_start3A_379 = arith.constant 3072 : i32
    %dma_start3A_380 = tpu.memref_slice %arg6[%dma_start3A_379] : memref<8192xf32, #tpu.memory_space<vmem>> -> memref<1024xf32, #tpu.memory_space<vmem>>
    %dma_start3A_381 = tpu.memref_slice %arg2[%add3A_378] : memref<3276800xf32, #tpu.memory_space<hbm>> -> memref<1024xf32, #tpu.memory_space<hbm>>
    %dma_start3A_382 = arith.constant 3072 : i32
    %dma_start3A_383 = tpu.memref_slice %arg6[%dma_start3A_382] : memref<8192xf32, #tpu.memory_space<vmem>> -> memref<1024xf32, #tpu.memory_space<vmem>>
    %dma_start3A_384 = tpu.memref_slice %arg2[%add3A_378] : memref<3276800xf32, #tpu.memory_space<hbm>> -> memref<1024xf32, #tpu.memory_space<hbm>>
    tpu.enqueue_dma source(%dma_start3A_384 : memref<1024xf32, #tpu.memory_space<hbm>>) target(%dma_start3A_383 : memref<1024xf32, #tpu.memory_space<vmem>>) target_semaphore(%arg12 : memref<!tpu.dma_semaphore, #tpu.memory_space<semaphore_mem>>)
    %mul3A_385 = arith.constant 8 : i32
    %mul3A_386 = arith.muli %select_n3A_319, %mul3A_385 : i32
    %add3A_387 = arith.constant 4 : i32
    %add3A_388 = arith.addi %mul3A_386, %add3A_387 : i32
    %mul3A_389 = arith.constant 16384 : i32
    %mul3A_390 = arith.muli %add3A_388, %mul3A_389 : i32
    %mul3A_391 = arith.constant 128 : i32
    %mul3A_392 = arith.muli %mul3A_324, %mul3A_391 : i32
    %add3A_393 = arith.addi %mul3A_390, %mul3A_392 : i32
    %dma_start3A_394 = arith.constant 4096 : i32
    %dma_start3A_395 = tpu.memref_slice %arg6[%dma_start3A_394] : memref<8192xf32, #tpu.memory_space<vmem>> -> memref<1024xf32, #tpu.memory_space<vmem>>
    %dma_start3A_396 = tpu.memref_slice %arg2[%add3A_393] : memref<3276800xf32, #tpu.memory_space<hbm>> -> memref<1024xf32, #tpu.memory_space<hbm>>
    %dma_start3A_397 = arith.constant 4096 : i32
    %dma_start3A_398 = tpu.memref_slice %arg6[%dma_start3A_397] : memref<8192xf32, #tpu.memory_space<vmem>> -> memref<1024xf32, #tpu.memory_space<vmem>>
    %dma_start3A_399 = tpu.memref_slice %arg2[%add3A_393] : memref<3276800xf32, #tpu.memory_space<hbm>> -> memref<1024xf32, #tpu.memory_space<hbm>>
    tpu.enqueue_dma source(%dma_start3A_399 : memref<1024xf32, #tpu.memory_space<hbm>>) target(%dma_start3A_398 : memref<1024xf32, #tpu.memory_space<vmem>>) target_semaphore(%arg12 : memref<!tpu.dma_semaphore, #tpu.memory_space<semaphore_mem>>)
    %mul3A_400 = arith.constant 8 : i32
    %mul3A_401 = arith.muli %select_n3A_319, %mul3A_400 : i32
    %add3A_402 = arith.constant 5 : i32
    %add3A_403 = arith.addi %mul3A_401, %add3A_402 : i32
    %mul3A_404 = arith.constant 16384 : i32
    %mul3A_405 = arith.muli %add3A_403, %mul3A_404 : i32
    %mul3A_406 = arith.constant 128 : i32
    %mul3A_407 = arith.muli %mul3A_324, %mul3A_406 : i32
    %add3A_408 = arith.addi %mul3A_405, %mul3A_407 : i32
    %dma_start3A_409 = arith.constant 5120 : i32
    %dma_start3A_410 = tpu.memref_slice %arg6[%dma_start3A_409] : memref<8192xf32, #tpu.memory_space<vmem>> -> memref<1024xf32, #tpu.memory_space<vmem>>
    %dma_start3A_411 = tpu.memref_slice %arg2[%add3A_408] : memref<3276800xf32, #tpu.memory_space<hbm>> -> memref<1024xf32, #tpu.memory_space<hbm>>
    %dma_start3A_412 = arith.constant 5120 : i32
    %dma_start3A_413 = tpu.memref_slice %arg6[%dma_start3A_412] : memref<8192xf32, #tpu.memory_space<vmem>> -> memref<1024xf32, #tpu.memory_space<vmem>>
    %dma_start3A_414 = tpu.memref_slice %arg2[%add3A_408] : memref<3276800xf32, #tpu.memory_space<hbm>> -> memref<1024xf32, #tpu.memory_space<hbm>>
    tpu.enqueue_dma source(%dma_start3A_414 : memref<1024xf32, #tpu.memory_space<hbm>>) target(%dma_start3A_413 : memref<1024xf32, #tpu.memory_space<vmem>>) target_semaphore(%arg12 : memref<!tpu.dma_semaphore, #tpu.memory_space<semaphore_mem>>)
    %mul3A_415 = arith.constant 8 : i32
    %mul3A_416 = arith.muli %select_n3A_319, %mul3A_415 : i32
    %add3A_417 = arith.constant 6 : i32
    %add3A_418 = arith.addi %mul3A_416, %add3A_417 : i32
    %mul3A_419 = arith.constant 16384 : i32
    %mul3A_420 = arith.muli %add3A_418, %mul3A_419 : i32
    %mul3A_421 = arith.constant 128 : i32
    %mul3A_422 = arith.muli %mul3A_324, %mul3A_421 : i32
    %add3A_423 = arith.addi %mul3A_420, %mul3A_422 : i32
    %dma_start3A_424 = arith.constant 6144 : i32
    %dma_start3A_425 = tpu.memref_slice %arg6[%dma_start3A_424] : memref<8192xf32, #tpu.memory_space<vmem>> -> memref<1024xf32, #tpu.memory_space<vmem>>
    %dma_start3A_426 = tpu.memref_slice %arg2[%add3A_423] : memref<3276800xf32, #tpu.memory_space<hbm>> -> memref<1024xf32, #tpu.memory_space<hbm>>
    %dma_start3A_427 = arith.constant 6144 : i32
    %dma_start3A_428 = tpu.memref_slice %arg6[%dma_start3A_427] : memref<8192xf32, #tpu.memory_space<vmem>> -> memref<1024xf32, #tpu.memory_space<vmem>>
    %dma_start3A_429 = tpu.memref_slice %arg2[%add3A_423] : memref<3276800xf32, #tpu.memory_space<hbm>> -> memref<1024xf32, #tpu.memory_space<hbm>>
    tpu.enqueue_dma source(%dma_start3A_429 : memref<1024xf32, #tpu.memory_space<hbm>>) target(%dma_start3A_428 : memref<1024xf32, #tpu.memory_space<vmem>>) target_semaphore(%arg12 : memref<!tpu.dma_semaphore, #tpu.memory_space<semaphore_mem>>)
    %mul3A_430 = arith.constant 8 : i32
    %mul3A_431 = arith.muli %select_n3A_319, %mul3A_430 : i32
    %add3A_432 = arith.constant 7 : i32
    %add3A_433 = arith.addi %mul3A_431, %add3A_432 : i32
    %mul3A_434 = arith.constant 16384 : i32
    %mul3A_435 = arith.muli %add3A_433, %mul3A_434 : i32
    %mul3A_436 = arith.constant 128 : i32
    %mul3A_437 = arith.muli %mul3A_324, %mul3A_436 : i32
    %add3A_438 = arith.addi %mul3A_435, %mul3A_437 : i32
    %dma_start3A_439 = arith.constant 7168 : i32
    %dma_start3A_440 = tpu.memref_slice %arg6[%dma_start3A_439] : memref<8192xf32, #tpu.memory_space<vmem>> -> memref<1024xf32, #tpu.memory_space<vmem>>
    %dma_start3A_441 = tpu.memref_slice %arg2[%add3A_438] : memref<3276800xf32, #tpu.memory_space<hbm>> -> memref<1024xf32, #tpu.memory_space<hbm>>
    %dma_start3A_442 = arith.constant 7168 : i32
    %dma_start3A_443 = tpu.memref_slice %arg6[%dma_start3A_442] : memref<8192xf32, #tpu.memory_space<vmem>> -> memref<1024xf32, #tpu.memory_space<vmem>>
    %dma_start3A_444 = tpu.memref_slice %arg2[%add3A_438] : memref<3276800xf32, #tpu.memory_space<hbm>> -> memref<1024xf32, #tpu.memory_space<hbm>>
    tpu.enqueue_dma source(%dma_start3A_444 : memref<1024xf32, #tpu.memory_space<hbm>>) target(%dma_start3A_443 : memref<1024xf32, #tpu.memory_space<vmem>>) target_semaphore(%arg12 : memref<!tpu.dma_semaphore, #tpu.memory_space<semaphore_mem>>)
    %scan3A = arith.constant 0 : i32
    %scan3A_445 = arith.constant 4 : i32
    %scan3A_446 = arith.addi %scan3A, %scan3A_445 : i32
    %scan3A_447 = arith.constant 1 : i32
    scf.for %scan3A_624 = %scan3A to %scan3A_446 step %scan3A_447  : i32 {
      %mul3A_625 = arith.constant 3 : i32
      %mul3A_626 = arith.muli %scan3A_624, %mul3A_625 : i32
      %add3A_627 = arith.constant 0 : i32
      %add3A_628 = arith.addi %add3A_627, %mul3A_626 : i32
      %add3A_629 = arith.constant 0 : i32
      %add3A_630 = arith.addi %add3A_628, %add3A_629 : i32
      %mul3A_631 = arith.constant 32 : i32
      %mul3A_632 = arith.muli %mul3A_631, %add3A_630 : i32
      %add3A_633 = arith.addi %add3A, %mul3A_632 : i32
      %dma_wait3A_634 = arith.constant 0 : i32
      %dma_wait3A_635 = tpu.memref_slice %arg2[%dma_wait3A_634] : memref<3276800xf32, #tpu.memory_space<hbm>> -> memref<8192xf32, #tpu.memory_space<hbm>>
      %dma_wait3A_636 = arith.constant 0 : i32
      %dma_wait3A_637 = tpu.memref_slice %arg2[%dma_wait3A_636] : memref<3276800xf32, #tpu.memory_space<hbm>> -> memref<8192xf32, #tpu.memory_space<hbm>>
      tpu.wait_dma2 semaphore(%arg10 : memref<!tpu.dma_semaphore, #tpu.memory_space<semaphore_mem>>) src(%dma_wait3A_637 : memref<8192xf32, #tpu.memory_space<hbm>>) dst(%arg4 : memref<8192xf32, #tpu.memory_space<vmem>>)
      %ge3A = arith.constant 3 : i32
      %ge3A_638 = arith.cmpi sge, %add3A_630, %ge3A : i32
      %convert_element_type3A_639 = arith.extui %ge3A_638 : i1 to i32
      %cond3A_640 = arith.constant 0 : i32
      %cond3A_641 = arith.cmpi ne, %convert_element_type3A_639, %cond3A_640 : i32
      scf.if %cond3A_641 {
        %sub3A_813 = arith.constant 96 : i32
        %sub3A_814 = arith.subi %add3A_633, %sub3A_813 : i32
        %jit3A_815 = arith.constant 16 : i32
        %div3A_816 = arith.divsi %sub3A_814, %jit3A_815 : i32
        %sign3A_817 = arith.constant 0 : i32
        %sign3A_818 = arith.cmpi sgt, %sub3A_814, %sign3A_817 : i32
        %sign3A_819 = arith.extui %sign3A_818 : i1 to i32
        %sign3A_820 = arith.constant 0 : i32
        %sign3A_821 = arith.cmpi slt, %sub3A_814, %sign3A_820 : i32
        %sign3A_822 = arith.extui %sign3A_821 : i1 to i32
        %sign3A_823 = arith.subi %sign3A_819, %sign3A_822 : i32
        %sign3A_824 = arith.constant 0 : i32
        %sign3A_825 = arith.cmpi sgt, %jit3A_815, %sign3A_824 : i32
        %sign3A_826 = arith.extui %sign3A_825 : i1 to i32
        %sign3A_827 = arith.constant 0 : i32
        %sign3A_828 = arith.cmpi slt, %jit3A_815, %sign3A_827 : i32
        %sign3A_829 = arith.extui %sign3A_828 : i1 to i32
        %sign3A_830 = arith.subi %sign3A_826, %sign3A_829 : i32
        %ne3A_831 = arith.cmpi ne, %sign3A_823, %sign3A_830 : i32
        %rem3A_832 = arith.remsi %sub3A_814, %jit3A_815 : i32
        %ne3A_833 = arith.constant 0 : i32
        %ne3A_834 = arith.cmpi ne, %rem3A_832, %ne3A_833 : i32
        %and3A_835 = arith.andi %ne3A_831, %ne3A_834 : i1
        %sub3A_836 = arith.constant 1 : i32
        %sub3A_837 = arith.subi %div3A_816, %sub3A_836 : i32
        %select_n3A_838 = arith.select %and3A_835, %sub3A_837, %div3A_816 : i32
        %mul3A_839 = arith.constant 16 : i32
        %mul3A_840 = arith.muli %select_n3A_838, %mul3A_839 : i32
        %sub3A_841 = arith.subi %sub3A_814, %mul3A_840 : i32
        %mul3A_842 = arith.constant 8 : i32
        %mul3A_843 = arith.muli %sub3A_841, %mul3A_842 : i32
        %mul3A_844 = arith.constant 131072 : i32
        %mul3A_845 = arith.muli %select_n3A_838, %mul3A_844 : i32
        %mul3A_846 = arith.constant 8 : i32
        %mul3A_847 = arith.muli %mul3A_843, %mul3A_846 : i32
        %mul3A_848 = arith.constant 128 : i32
        %mul3A_849 = arith.muli %mul3A_847, %mul3A_848 : i32
        %add3A_850 = arith.addi %mul3A_845, %mul3A_849 : i32
        %dma_wait3A_851 = tpu.memref_slice %arg3[%add3A_850] : memref<3276800xi32, #tpu.memory_space<hbm>> -> memref<8192xi32, #tpu.memory_space<hbm>>
        %dma_wait3A_852 = tpu.memref_slice %arg3[%add3A_850] : memref<3276800xi32, #tpu.memory_space<hbm>> -> memref<8192xi32, #tpu.memory_space<hbm>>
        tpu.wait_dma2 semaphore(%arg13 : memref<!tpu.dma_semaphore, #tpu.memory_space<semaphore_mem>>) src(%arg7 : memref<8192xi32, #tpu.memory_space<vmem>>) dst(%dma_wait3A_852 : memref<8192xi32, #tpu.memory_space<hbm>>)
      } else {
      }
      %parallel_loop3A = arith.constant 0 : i32
      %parallel_loop3A_642 = arith.constant 64 : i32
      %parallel_loop3A_643 = arith.constant 1 : i32
      scf.for %parallel_loop3A_813 = %parallel_loop3A to %parallel_loop3A_642 step %parallel_loop3A_643  : i32 {
        %parallel_loop3A_814 = arith.constant 8 : i32
        %parallel_loop3A_815 = arith.divsi %parallel_loop3A_813, %parallel_loop3A_814 : i32
        %parallel_loop3A_816 = arith.constant 0 : i32
        %parallel_loop3A_817 = arith.cmpi sgt, %parallel_loop3A_813, %parallel_loop3A_816 : i32
        %parallel_loop3A_818 = arith.extui %parallel_loop3A_817 : i1 to i32
        %parallel_loop3A_819 = arith.constant 0 : i32
        %parallel_loop3A_820 = arith.cmpi slt, %parallel_loop3A_813, %parallel_loop3A_819 : i32
        %parallel_loop3A_821 = arith.extui %parallel_loop3A_820 : i1 to i32
        %parallel_loop3A_822 = arith.subi %parallel_loop3A_818, %parallel_loop3A_821 : i32
        %parallel_loop3A_823 = arith.constant 0 : i32
        %parallel_loop3A_824 = arith.cmpi sgt, %parallel_loop3A_814, %parallel_loop3A_823 : i32
        %parallel_loop3A_825 = arith.extui %parallel_loop3A_824 : i1 to i32
        %parallel_loop3A_826 = arith.constant 0 : i32
        %parallel_loop3A_827 = arith.cmpi slt, %parallel_loop3A_814, %parallel_loop3A_826 : i32
        %parallel_loop3A_828 = arith.extui %parallel_loop3A_827 : i1 to i32
        %parallel_loop3A_829 = arith.subi %parallel_loop3A_825, %parallel_loop3A_828 : i32
        %parallel_loop3A_830 = arith.cmpi ne, %parallel_loop3A_822, %parallel_loop3A_829 : i32
        %parallel_loop3A_831 = arith.remsi %parallel_loop3A_813, %parallel_loop3A_814 : i32
        %parallel_loop3A_832 = arith.constant 0 : i32
        %parallel_loop3A_833 = arith.cmpi ne, %parallel_loop3A_831, %parallel_loop3A_832 : i32
        %parallel_loop3A_834 = arith.andi %parallel_loop3A_830, %parallel_loop3A_833 : i1
        %parallel_loop3A_835 = arith.constant 1 : i32
        %parallel_loop3A_836 = arith.subi %parallel_loop3A_815, %parallel_loop3A_835 : i32
        %parallel_loop3A_837 = arith.select %parallel_loop3A_834, %parallel_loop3A_836, %parallel_loop3A_815 : i32
        %parallel_loop3A_838 = arith.constant 8 : i32
        %parallel_loop3A_839 = arith.muli %parallel_loop3A_837, %parallel_loop3A_838 : i32
        %parallel_loop3A_840 = arith.subi %parallel_loop3A_813, %parallel_loop3A_839 : i32
        %parallel_loop3A_841 = arith.constant 8 : i32
        %parallel_loop3A_842 = arith.muli %parallel_loop3A_840, %parallel_loop3A_841 : i32
        %parallel_loop3A_843 = arith.addi %parallel_loop3A_842, %parallel_loop3A_837 : i32
        %parallel_loop3A_844 = arith.constant 128 : i32
        %parallel_loop3A_845 = arith.muli %parallel_loop3A_813, %parallel_loop3A_844 : i32
        %parallel_loop3A_846 = arith.constant 0 : i32
        %parallel_loop3A_847 = arith.addi %parallel_loop3A_845, %parallel_loop3A_846 : i32
        %parallel_loop3A_848 = arith.index_cast %parallel_loop3A_847 : i32 to index
        %parallel_loop3A_849 = tpu.vector_load %arg4[%parallel_loop3A_848] {strides = array<i32>} : memref<8192xf32, #tpu.memory_space<vmem>>, vector<16xf32>,
        %parallel_loop3A_850 = vector.shape_cast %parallel_loop3A_849 : vector<16xf32> to vector<16xf32>
        %parallel_loop3A_851 = arith.constant 9.990000e+02 : f32
        %parallel_loop3A_852 = vector.broadcast %parallel_loop3A_851 : f32 to vector<16xf32>
        %parallel_loop3A_853 = arith.mulf %parallel_loop3A_850, %parallel_loop3A_852 : vector<16xf32>
        %parallel_loop3A_854 = arith.constant 0x4B400000 : f32
        %parallel_loop3A_855 = vector.broadcast %parallel_loop3A_854 : f32 to vector<16xf32>
        %parallel_loop3A_856 = arith.addf %parallel_loop3A_853, %parallel_loop3A_855 : vector<16xf32>
        %parallel_loop3A_857 = arith.constant 0x4B400000 : f32
        %parallel_loop3A_858 = vector.broadcast %parallel_loop3A_857 : f32 to vector<16xf32>
        %parallel_loop3A_859 = arith.subf %parallel_loop3A_856, %parallel_loop3A_858 : vector<16xf32>
        %parallel_loop3A_860 = arith.fptosi %parallel_loop3A_859 : vector<16xf32> to vector<16xi32>
        %parallel_loop3A_861 = arith.constant 128 : i32
        %parallel_loop3A_862 = arith.muli %parallel_loop3A_843, %parallel_loop3A_861 : i32
        %parallel_loop3A_863 = arith.constant 0 : i32
        %parallel_loop3A_864 = arith.addi %parallel_loop3A_862, %parallel_loop3A_863 : i32
        %parallel_loop3A_865 = arith.index_cast %parallel_loop3A_864 : i32 to index
        %parallel_loop3A_866 = tpu.vector_load %arg7[%parallel_loop3A_865] {strides = array<i32>} : memref<8192xi32, #tpu.memory_space<vmem>>, vector<16xi32>,
        %parallel_loop3A_867 = vector.shape_cast %parallel_loop3A_866 : vector<16xi32> to vector<16xi32>
        %parallel_loop3A_868 = vector.shape_cast %parallel_loop3A_860 : vector<16xi32> to vector<16xi32>
        tpu.vector_store %arg7[%parallel_loop3A_865], %parallel_loop3A_868 {strides = array<i32>} : memref<8192xi32, #tpu.memory_space<vmem>>, vector<16xi32>,
        %parallel_loop3A_869 = arith.constant 128 : i32
        %parallel_loop3A_870 = arith.muli %parallel_loop3A_813, %parallel_loop3A_869 : i32
        %parallel_loop3A_871 = arith.constant 16 : i32
        %parallel_loop3A_872 = arith.addi %parallel_loop3A_870, %parallel_loop3A_871 : i32
        %parallel_loop3A_873 = arith.index_cast %parallel_loop3A_872 : i32 to index
        %parallel_loop3A_874 = tpu.vector_load %arg4[%parallel_loop3A_873] {strides = array<i32>} : memref<8192xf32, #tpu.memory_space<vmem>>, vector<16xf32>,
        %parallel_loop3A_875 = vector.shape_cast %parallel_loop3A_874 : vector<16xf32> to vector<16xf32>
        %parallel_loop3A_876 = arith.constant 9.990000e+02 : f32
        %parallel_loop3A_877 = vector.broadcast %parallel_loop3A_876 : f32 to vector<16xf32>
        %parallel_loop3A_878 = arith.mulf %parallel_loop3A_875, %parallel_loop3A_877 : vector<16xf32>
        %parallel_loop3A_879 = arith.constant 0x4B400000 : f32
        %parallel_loop3A_880 = vector.broadcast %parallel_loop3A_879 : f32 to vector<16xf32>
        %parallel_loop3A_881 = arith.addf %parallel_loop3A_878, %parallel_loop3A_880 : vector<16xf32>
        %parallel_loop3A_882 = arith.constant 0x4B400000 : f32
        %parallel_loop3A_883 = vector.broadcast %parallel_loop3A_882 : f32 to vector<16xf32>
        %parallel_loop3A_884 = arith.subf %parallel_loop3A_881, %parallel_loop3A_883 : vector<16xf32>
        %parallel_loop3A_885 = arith.fptosi %parallel_loop3A_884 : vector<16xf32> to vector<16xi32>
        %parallel_loop3A_886 = arith.constant 128 : i32
        %parallel_loop3A_887 = arith.muli %parallel_loop3A_843, %parallel_loop3A_886 : i32
        %parallel_loop3A_888 = arith.constant 16 : i32
        %parallel_loop3A_889 = arith.addi %parallel_loop3A_887, %parallel_loop3A_888 : i32
        %parallel_loop3A_890 = arith.index_cast %parallel_loop3A_889 : i32 to index
        %parallel_loop3A_891 = tpu.vector_load %arg7[%parallel_loop3A_890] {strides = array<i32>} : memref<8192xi32, #tpu.memory_space<vmem>>, vector<16xi32>,
        %parallel_loop3A_892 = vector.shape_cast %parallel_loop3A_891 : vector<16xi32> to vector<16xi32>
        %parallel_loop3A_893 = vector.shape_cast %parallel_loop3A_885 : vector<16xi32> to vector<16xi32>
        tpu.vector_store %arg7[%parallel_loop3A_890], %parallel_loop3A_893 {strides = array<i32>} : memref<8192xi32, #tpu.memory_space<vmem>>, vector<16xi32>,
        %parallel_loop3A_894 = arith.constant 128 : i32
        %parallel_loop3A_895 = arith.muli %parallel_loop3A_813, %parallel_loop3A_894 : i32
        %parallel_loop3A_896 = arith.constant 32 : i32
        %parallel_loop3A_897 = arith.addi %parallel_loop3A_895, %parallel_loop3A_896 : i32
        %parallel_loop3A_898 = arith.index_cast %parallel_loop3A_897 : i32 to index
        %parallel_loop3A_899 = tpu.vector_load %arg4[%parallel_loop3A_898] {strides = array<i32>} : memref<8192xf32, #tpu.memory_space<vmem>>, vector<16xf32>,
        %parallel_loop3A_900 = vector.shape_cast %parallel_loop3A_899 : vector<16xf32> to vector<16xf32>
        %parallel_loop3A_901 = arith.constant 9.990000e+02 : f32
        %parallel_loop3A_902 = vector.broadcast %parallel_loop3A_901 : f32 to vector<16xf32>
        %parallel_loop3A_903 = arith.mulf %parallel_loop3A_900, %parallel_loop3A_902 : vector<16xf32>
        %parallel_loop3A_904 = arith.constant 0x4B400000 : f32
        %parallel_loop3A_905 = vector.broadcast %parallel_loop3A_904 : f32 to vector<16xf32>
        %parallel_loop3A_906 = arith.addf %parallel_loop3A_903, %parallel_loop3A_905 : vector<16xf32>
        %parallel_loop3A_907 = arith.constant 0x4B400000 : f32
        %parallel_loop3A_908 = vector.broadcast %parallel_loop3A_907 : f32 to vector<16xf32>
        %parallel_loop3A_909 = arith.subf %parallel_loop3A_906, %parallel_loop3A_908 : vector<16xf32>
        %parallel_loop3A_910 = arith.fptosi %parallel_loop3A_909 : vector<16xf32> to vector<16xi32>
        %parallel_loop3A_911 = arith.constant 128 : i32
        %parallel_loop3A_912 = arith.muli %parallel_loop3A_843, %parallel_loop3A_911 : i32
        %parallel_loop3A_913 = arith.constant 32 : i32
        %parallel_loop3A_914 = arith.addi %parallel_loop3A_912, %parallel_loop3A_913 : i32
        %parallel_loop3A_915 = arith.index_cast %parallel_loop3A_914 : i32 to index
        %parallel_loop3A_916 = tpu.vector_load %arg7[%parallel_loop3A_915] {strides = array<i32>} : memref<8192xi32, #tpu.memory_space<vmem>>, vector<16xi32>,
        %parallel_loop3A_917 = vector.shape_cast %parallel_loop3A_916 : vector<16xi32> to vector<16xi32>
        %parallel_loop3A_918 = vector.shape_cast %parallel_loop3A_910 : vector<16xi32> to vector<16xi32>
        tpu.vector_store %arg7[%parallel_loop3A_915], %parallel_loop3A_918 {strides = array<i32>} : memref<8192xi32, #tpu.memory_space<vmem>>, vector<16xi32>,
        %parallel_loop3A_919 = arith.constant 128 : i32
        %parallel_loop3A_920 = arith.muli %parallel_loop3A_813, %parallel_loop3A_919 : i32
        %parallel_loop3A_921 = arith.constant 48 : i32
        %parallel_loop3A_922 = arith.addi %parallel_loop3A_920, %parallel_loop3A_921 : i32
        %parallel_loop3A_923 = arith.index_cast %parallel_loop3A_922 : i32 to index
        %parallel_loop3A_924 = tpu.vector_load %arg4[%parallel_loop3A_923] {strides = array<i32>} : memref<8192xf32, #tpu.memory_space<vmem>>, vector<16xf32>,
        %parallel_loop3A_925 = vector.shape_cast %parallel_loop3A_924 : vector<16xf32> to vector<16xf32>
        %parallel_loop3A_926 = arith.constant 9.990000e+02 : f32
        %parallel_loop3A_927 = vector.broadcast %parallel_loop3A_926 : f32 to vector<16xf32>
        %parallel_loop3A_928 = arith.mulf %parallel_loop3A_925, %parallel_loop3A_927 : vector<16xf32>
        %parallel_loop3A_929 = arith.constant 0x4B400000 : f32
        %parallel_loop3A_930 = vector.broadcast %parallel_loop3A_929 : f32 to vector<16xf32>
        %parallel_loop3A_931 = arith.addf %parallel_loop3A_928, %parallel_loop3A_930 : vector<16xf32>
        %parallel_loop3A_932 = arith.constant 0x4B400000 : f32
        %parallel_loop3A_933 = vector.broadcast %parallel_loop3A_932 : f32 to vector<16xf32>
        %parallel_loop3A_934 = arith.subf %parallel_loop3A_931, %parallel_loop3A_933 : vector<16xf32>
        %parallel_loop3A_935 = arith.fptosi %parallel_loop3A_934 : vector<16xf32> to vector<16xi32>
        %parallel_loop3A_936 = arith.constant 128 : i32
        %parallel_loop3A_937 = arith.muli %parallel_loop3A_843, %parallel_loop3A_936 : i32
        %parallel_loop3A_938 = arith.constant 48 : i32
        %parallel_loop3A_939 = arith.addi %parallel_loop3A_937, %parallel_loop3A_938 : i32
        %parallel_loop3A_940 = arith.index_cast %parallel_loop3A_939 : i32 to index
        %parallel_loop3A_941 = tpu.vector_load %arg7[%parallel_loop3A_940] {strides = array<i32>} : memref<8192xi32, #tpu.memory_space<vmem>>, vector<16xi32>,
        %parallel_loop3A_942 = vector.shape_cast %parallel_loop3A_941 : vector<16xi32> to vector<16xi32>
        %parallel_loop3A_943 = vector.shape_cast %parallel_loop3A_935 : vector<16xi32> to vector<16xi32>
        tpu.vector_store %arg7[%parallel_loop3A_940], %parallel_loop3A_943 {strides = array<i32>} : memref<8192xi32, #tpu.memory_space<vmem>>, vector<16xi32>,
        %parallel_loop3A_944 = arith.constant 128 : i32
        %parallel_loop3A_945 = arith.muli %parallel_loop3A_813, %parallel_loop3A_944 : i32
        %parallel_loop3A_946 = arith.constant 64 : i32
        %parallel_loop3A_947 = arith.addi %parallel_loop3A_945, %parallel_loop3A_946 : i32
        %parallel_loop3A_948 = arith.index_cast %parallel_loop3A_947 : i32 to index
        %parallel_loop3A_949 = tpu.vector_load %arg4[%parallel_loop3A_948] {strides = array<i32>} : memref<8192xf32, #tpu.memory_space<vmem>>, vector<16xf32>,
        %parallel_loop3A_950 = vector.shape_cast %parallel_loop3A_949 : vector<16xf32> to vector<16xf32>
        %parallel_loop3A_951 = arith.constant 9.990000e+02 : f32
        %parallel_loop3A_952 = vector.broadcast %parallel_loop3A_951 : f32 to vector<16xf32>
        %parallel_loop3A_953 = arith.mulf %parallel_loop3A_950, %parallel_loop3A_952 : vector<16xf32>
        %parallel_loop3A_954 = arith.constant 0x4B400000 : f32
        %parallel_loop3A_955 = vector.broadcast %parallel_loop3A_954 : f32 to vector<16xf32>
        %parallel_loop3A_956 = arith.addf %parallel_loop3A_953, %parallel_loop3A_955 : vector<16xf32>
        %parallel_loop3A_957 = arith.constant 0x4B400000 : f32
        %parallel_loop3A_958 = vector.broadcast %parallel_loop3A_957 : f32 to vector<16xf32>
        %parallel_loop3A_959 = arith.subf %parallel_loop3A_956, %parallel_loop3A_958 : vector<16xf32>
        %parallel_loop3A_960 = arith.fptosi %parallel_loop3A_959 : vector<16xf32> to vector<16xi32>
        %parallel_loop3A_961 = arith.constant 128 : i32
        %parallel_loop3A_962 = arith.muli %parallel_loop3A_843, %parallel_loop3A_961 : i32
        %parallel_loop3A_963 = arith.constant 64 : i32
        %parallel_loop3A_964 = arith.addi %parallel_loop3A_962, %parallel_loop3A_963 : i32
        %parallel_loop3A_965 = arith.index_cast %parallel_loop3A_964 : i32 to index
        %parallel_loop3A_966 = tpu.vector_load %arg7[%parallel_loop3A_965] {strides = array<i32>} : memref<8192xi32, #tpu.memory_space<vmem>>, vector<16xi32>,
        %parallel_loop3A_967 = vector.shape_cast %parallel_loop3A_966 : vector<16xi32> to vector<16xi32>
        %parallel_loop3A_968 = vector.shape_cast %parallel_loop3A_960 : vector<16xi32> to vector<16xi32>
        tpu.vector_store %arg7[%parallel_loop3A_965], %parallel_loop3A_968 {strides = array<i32>} : memref<8192xi32, #tpu.memory_space<vmem>>, vector<16xi32>,
        %parallel_loop3A_969 = arith.constant 128 : i32
        %parallel_loop3A_970 = arith.muli %parallel_loop3A_813, %parallel_loop3A_969 : i32
        %parallel_loop3A_971 = arith.constant 80 : i32
        %parallel_loop3A_972 = arith.addi %parallel_loop3A_970, %parallel_loop3A_971 : i32
        %parallel_loop3A_973 = arith.index_cast %parallel_loop3A_972 : i32 to index
        %parallel_loop3A_974 = tpu.vector_load %arg4[%parallel_loop3A_973] {strides = array<i32>} : memref<8192xf32, #tpu.memory_space<vmem>>, vector<16xf32>,
        %parallel_loop3A_975 = vector.shape_cast %parallel_loop3A_974 : vector<16xf32> to vector<16xf32>
        %parallel_loop3A_976 = arith.constant 9.990000e+02 : f32
        %parallel_loop3A_977 = vector.broadcast %parallel_loop3A_976 : f32 to vector<16xf32>
        %parallel_loop3A_978 = arith.mulf %parallel_loop3A_975, %parallel_loop3A_977 : vector<16xf32>
        %parallel_loop3A_979 = arith.constant 0x4B400000 : f32
        %parallel_loop3A_980 = vector.broadcast %parallel_loop3A_979 : f32 to vector<16xf32>
        %parallel_loop3A_981 = arith.addf %parallel_loop3A_978, %parallel_loop3A_980 : vector<16xf32>
        %parallel_loop3A_982 = arith.constant 0x4B400000 : f32
        %parallel_loop3A_983 = vector.broadcast %parallel_loop3A_982 : f32 to vector<16xf32>
        %parallel_loop3A_984 = arith.subf %parallel_loop3A_981, %parallel_loop3A_983 : vector<16xf32>
        %parallel_loop3A_985 = arith.fptosi %parallel_loop3A_984 : vector<16xf32> to vector<16xi32>
        %parallel_loop3A_986 = arith.constant 128 : i32
        %parallel_loop3A_987 = arith.muli %parallel_loop3A_843, %parallel_loop3A_986 : i32
        %parallel_loop3A_988 = arith.constant 80 : i32
        %parallel_loop3A_989 = arith.addi %parallel_loop3A_987, %parallel_loop3A_988 : i32
        %parallel_loop3A_990 = arith.index_cast %parallel_loop3A_989 : i32 to index
        %parallel_loop3A_991 = tpu.vector_load %arg7[%parallel_loop3A_990] {strides = array<i32>} : memref<8192xi32, #tpu.memory_space<vmem>>, vector<16xi32>,
        %parallel_loop3A_992 = vector.shape_cast %parallel_loop3A_991 : vector<16xi32> to vector<16xi32>
        %parallel_loop3A_993 = vector.shape_cast %parallel_loop3A_985 : vector<16xi32> to vector<16xi32>
        tpu.vector_store %arg7[%parallel_loop3A_990], %parallel_loop3A_993 {strides = array<i32>} : memref<8192xi32, #tpu.memory_space<vmem>>, vector<16xi32>,
        %parallel_loop3A_994 = arith.constant 128 : i32
        %parallel_loop3A_995 = arith.muli %parallel_loop3A_813, %parallel_loop3A_994 : i32
        %parallel_loop3A_996 = arith.constant 96 : i32
        %parallel_loop3A_997 = arith.addi %parallel_loop3A_995, %parallel_loop3A_996 : i32
        %parallel_loop3A_998 = arith.index_cast %parallel_loop3A_997 : i32 to index
        %parallel_loop3A_999 = tpu.vector_load %arg4[%parallel_loop3A_998] {strides = array<i32>} : memref<8192xf32, #tpu.memory_space<vmem>>, vector<16xf32>,
        %parallel_loop3A_1000 = vector.shape_cast %parallel_loop3A_999 : vector<16xf32> to vector<16xf32>
        %parallel_loop3A_1001 = arith.constant 9.990000e+02 : f32
        %parallel_loop3A_1002 = vector.broadcast %parallel_loop3A_1001 : f32 to vector<16xf32>
        %parallel_loop3A_1003 = arith.mulf %parallel_loop3A_1000, %parallel_loop3A_1002 : vector<16xf32>
        %parallel_loop3A_1004 = arith.constant 0x4B400000 : f32
        %parallel_loop3A_1005 = vector.broadcast %parallel_loop3A_1004 : f32 to vector<16xf32>
        %parallel_loop3A_1006 = arith.addf %parallel_loop3A_1003, %parallel_loop3A_1005 : vector<16xf32>
        %parallel_loop3A_1007 = arith.constant 0x4B400000 : f32
        %parallel_loop3A_1008 = vector.broadcast %parallel_loop3A_1007 : f32 to vector<16xf32>
        %parallel_loop3A_1009 = arith.subf %parallel_loop3A_1006, %parallel_loop3A_1008 : vector<16xf32>
        %parallel_loop3A_1010 = arith.fptosi %parallel_loop3A_1009 : vector<16xf32> to vector<16xi32>
        %parallel_loop3A_1011 = arith.constant 128 : i32
        %parallel_loop3A_1012 = arith.muli %parallel_loop3A_843, %parallel_loop3A_1011 : i32
        %parallel_loop3A_1013 = arith.constant 96 : i32
        %parallel_loop3A_1014 = arith.addi %parallel_loop3A_1012, %parallel_loop3A_1013 : i32
        %parallel_loop3A_1015 = arith.index_cast %parallel_loop3A_1014 : i32 to index
        %parallel_loop3A_1016 = tpu.vector_load %arg7[%parallel_loop3A_1015] {strides = array<i32>} : memref<8192xi32, #tpu.memory_space<vmem>>, vector<16xi32>,
        %parallel_loop3A_1017 = vector.shape_cast %parallel_loop3A_1016 : vector<16xi32> to vector<16xi32>
        %parallel_loop3A_1018 = vector.shape_cast %parallel_loop3A_1010 : vector<16xi32> to vector<16xi32>
        tpu.vector_store %arg7[%parallel_loop3A_1015], %parallel_loop3A_1018 {strides = array<i32>} : memref<8192xi32, #tpu.memory_space<vmem>>, vector<16xi32>,
        %parallel_loop3A_1019 = arith.constant 128 : i32
        %parallel_loop3A_1020 = arith.muli %parallel_loop3A_813, %parallel_loop3A_1019 : i32
        %parallel_loop3A_1021 = arith.constant 112 : i32
        %parallel_loop3A_1022 = arith.addi %parallel_loop3A_1020, %parallel_loop3A_1021 : i32
        %parallel_loop3A_1023 = arith.index_cast %parallel_loop3A_1022 : i32 to index
        %parallel_loop3A_1024 = tpu.vector_load %arg4[%parallel_loop3A_1023] {strides = array<i32>} : memref<8192xf32, #tpu.memory_space<vmem>>, vector<16xf32>,
        %parallel_loop3A_1025 = vector.shape_cast %parallel_loop3A_1024 : vector<16xf32> to vector<16xf32>
        %parallel_loop3A_1026 = arith.constant 9.990000e+02 : f32
        %parallel_loop3A_1027 = vector.broadcast %parallel_loop3A_1026 : f32 to vector<16xf32>
        %parallel_loop3A_1028 = arith.mulf %parallel_loop3A_1025, %parallel_loop3A_1027 : vector<16xf32>
        %parallel_loop3A_1029 = arith.constant 0x4B400000 : f32
        %parallel_loop3A_1030 = vector.broadcast %parallel_loop3A_1029 : f32 to vector<16xf32>
        %parallel_loop3A_1031 = arith.addf %parallel_loop3A_1028, %parallel_loop3A_1030 : vector<16xf32>
        %parallel_loop3A_1032 = arith.constant 0x4B400000 : f32
        %parallel_loop3A_1033 = vector.broadcast %parallel_loop3A_1032 : f32 to vector<16xf32>
        %parallel_loop3A_1034 = arith.subf %parallel_loop3A_1031, %parallel_loop3A_1033 : vector<16xf32>
        %parallel_loop3A_1035 = arith.fptosi %parallel_loop3A_1034 : vector<16xf32> to vector<16xi32>
        %parallel_loop3A_1036 = arith.constant 128 : i32
        %parallel_loop3A_1037 = arith.muli %parallel_loop3A_843, %parallel_loop3A_1036 : i32
        %parallel_loop3A_1038 = arith.constant 112 : i32
        %parallel_loop3A_1039 = arith.addi %parallel_loop3A_1037, %parallel_loop3A_1038 : i32
        %parallel_loop3A_1040 = arith.index_cast %parallel_loop3A_1039 : i32 to index
        %parallel_loop3A_1041 = tpu.vector_load %arg7[%parallel_loop3A_1040] {strides = array<i32>} : memref<8192xi32, #tpu.memory_space<vmem>>, vector<16xi32>,
        %parallel_loop3A_1042 = vector.shape_cast %parallel_loop3A_1041 : vector<16xi32> to vector<16xi32>
        %parallel_loop3A_1043 = vector.shape_cast %parallel_loop3A_1035 : vector<16xi32> to vector<16xi32>
        tpu.vector_store %arg7[%parallel_loop3A_1040], %parallel_loop3A_1043 {strides = array<i32>} : memref<8192xi32, #tpu.memory_space<vmem>>, vector<16xi32>,
      } {sc.loop_unroll_factor = 4 : i64, sc.parallel_access}
      %jit3A_644 = arith.constant 16 : i32
      %div3A_645 = arith.divsi %add3A_633, %jit3A_644 : i32
      %sign3A_646 = arith.constant 0 : i32
      %sign3A_647 = arith.cmpi sgt, %add3A_633, %sign3A_646 : i32
      %sign3A_648 = arith.extui %sign3A_647 : i1 to i32
      %sign3A_649 = arith.constant 0 : i32
      %sign3A_650 = arith.cmpi slt, %add3A_633, %sign3A_649 : i32
      %sign3A_651 = arith.extui %sign3A_650 : i1 to i32
      %sign3A_652 = arith.subi %sign3A_648, %sign3A_651 : i32
      %sign3A_653 = arith.constant 0 : i32
      %sign3A_654 = arith.cmpi sgt, %jit3A_644, %sign3A_653 : i32
      %sign3A_655 = arith.extui %sign3A_654 : i1 to i32
      %sign3A_656 = arith.constant 0 : i32
      %sign3A_657 = arith.cmpi slt, %jit3A_644, %sign3A_656 : i32
      %sign3A_658 = arith.extui %sign3A_657 : i1 to i32
      %sign3A_659 = arith.subi %sign3A_655, %sign3A_658 : i32
      %ne3A_660 = arith.cmpi ne, %sign3A_652, %sign3A_659 : i32
      %rem3A_661 = arith.remsi %add3A_633, %jit3A_644 : i32
      %ne3A_662 = arith.constant 0 : i32
      %ne3A_663 = arith.cmpi ne, %rem3A_661, %ne3A_662 : i32
      %and3A_664 = arith.andi %ne3A_660, %ne3A_663 : i1
      %sub3A_665 = arith.constant 1 : i32
      %sub3A_666 = arith.subi %div3A_645, %sub3A_665 : i32
      %select_n3A_667 = arith.select %and3A_664, %sub3A_666, %div3A_645 : i32
      %mul3A_668 = arith.constant 16 : i32
      %mul3A_669 = arith.muli %select_n3A_667, %mul3A_668 : i32
      %sub3A_670 = arith.subi %add3A_633, %mul3A_669 : i32
      %mul3A_671 = arith.constant 8 : i32
      %mul3A_672 = arith.muli %sub3A_670, %mul3A_671 : i32
      %mul3A_673 = arith.constant 131072 : i32
      %mul3A_674 = arith.muli %select_n3A_667, %mul3A_673 : i32
      %mul3A_675 = arith.constant 8 : i32
      %mul3A_676 = arith.muli %mul3A_672, %mul3A_675 : i32
      %mul3A_677 = arith.constant 128 : i32
      %mul3A_678 = arith.muli %mul3A_676, %mul3A_677 : i32
      %add3A_679 = arith.addi %mul3A_674, %mul3A_678 : i32
      %dma_start3A_680 = tpu.memref_slice %arg3[%add3A_679] : memref<3276800xi32, #tpu.memory_space<hbm>> -> memref<8192xi32, #tpu.memory_space<hbm>>
      %dma_start3A_681 = tpu.memref_slice %arg3[%add3A_679] : memref<3276800xi32, #tpu.memory_space<hbm>> -> memref<8192xi32, #tpu.memory_space<hbm>>
      tpu.enqueue_dma source(%arg7 : memref<8192xi32, #tpu.memory_space<vmem>>) target(%dma_start3A_681 : memref<8192xi32, #tpu.memory_space<hbm>>) target_semaphore(%arg13 : memref<!tpu.dma_semaphore, #tpu.memory_space<semaphore_mem>>)
      %add3A_682 = arith.constant 3 : i32
      %add3A_683 = arith.addi %add3A_630, %add3A_682 : i32
      %lt3A_684 = arith.constant 12 : i32
      %lt3A_685 = arith.cmpi slt, %add3A_683, %lt3A_684 : i32
      %convert_element_type3A_686 = arith.extui %lt3A_685 : i1 to i32
      %cond3A_687 = arith.constant 0 : i32
      %cond3A_688 = arith.cmpi ne, %convert_element_type3A_686, %cond3A_687 : i32
      scf.if %cond3A_688 {
        %add3A_813 = arith.constant 96 : i32
        %add3A_814 = arith.addi %add3A_633, %add3A_813 : i32
        %jit3A_815 = arith.constant 16 : i32
        %div3A_816 = arith.divsi %add3A_814, %jit3A_815 : i32
        %sign3A_817 = arith.constant 0 : i32
        %sign3A_818 = arith.cmpi sgt, %add3A_814, %sign3A_817 : i32
        %sign3A_819 = arith.extui %sign3A_818 : i1 to i32
        %sign3A_820 = arith.constant 0 : i32
        %sign3A_821 = arith.cmpi slt, %add3A_814, %sign3A_820 : i32
        %sign3A_822 = arith.extui %sign3A_821 : i1 to i32
        %sign3A_823 = arith.subi %sign3A_819, %sign3A_822 : i32
        %sign3A_824 = arith.constant 0 : i32
        %sign3A_825 = arith.cmpi sgt, %jit3A_815, %sign3A_824 : i32
        %sign3A_826 = arith.extui %sign3A_825 : i1 to i32
        %sign3A_827 = arith.constant 0 : i32
        %sign3A_828 = arith.cmpi slt, %jit3A_815, %sign3A_827 : i32
        %sign3A_829 = arith.extui %sign3A_828 : i1 to i32
        %sign3A_830 = arith.subi %sign3A_826, %sign3A_829 : i32
        %ne3A_831 = arith.cmpi ne, %sign3A_823, %sign3A_830 : i32
        %rem3A_832 = arith.remsi %add3A_814, %jit3A_815 : i32
        %ne3A_833 = arith.constant 0 : i32
        %ne3A_834 = arith.cmpi ne, %rem3A_832, %ne3A_833 : i32
        %and3A_835 = arith.andi %ne3A_831, %ne3A_834 : i1
        %sub3A_836 = arith.constant 1 : i32
        %sub3A_837 = arith.subi %div3A_816, %sub3A_836 : i32
        %select_n3A_838 = arith.select %and3A_835, %sub3A_837, %div3A_816 : i32
        %mul3A_839 = arith.constant 16 : i32
        %mul3A_840 = arith.muli %select_n3A_838, %mul3A_839 : i32
        %sub3A_841 = arith.subi %add3A_814, %mul3A_840 : i32
        %mul3A_842 = arith.constant 8 : i32
        %mul3A_843 = arith.muli %sub3A_841, %mul3A_842 : i32
        %mul3A_844 = arith.constant 8 : i32
        %mul3A_845 = arith.muli %select_n3A_838, %mul3A_844 : i32
        %add3A_846 = arith.constant 0 : i32
        %add3A_847 = arith.addi %mul3A_845, %add3A_846 : i32
        %mul3A_848 = arith.constant 16384 : i32
        %mul3A_849 = arith.muli %add3A_847, %mul3A_848 : i32
        %mul3A_850 = arith.constant 128 : i32
        %mul3A_851 = arith.muli %mul3A_843, %mul3A_850 : i32
        %add3A_852 = arith.addi %mul3A_849, %mul3A_851 : i32
        %dma_start3A_853 = arith.constant 0 : i32
        %dma_start3A_854 = tpu.memref_slice %arg4[%dma_start3A_853] : memref<8192xf32, #tpu.memory_space<vmem>> -> memref<1024xf32, #tpu.memory_space<vmem>>
        %dma_start3A_855 = tpu.memref_slice %arg2[%add3A_852] : memref<3276800xf32, #tpu.memory_space<hbm>> -> memref<1024xf32, #tpu.memory_space<hbm>>
        %dma_start3A_856 = arith.constant 0 : i32
        %dma_start3A_857 = tpu.memref_slice %arg4[%dma_start3A_856] : memref<8192xf32, #tpu.memory_space<vmem>> -> memref<1024xf32, #tpu.memory_space<vmem>>
        %dma_start3A_858 = tpu.memref_slice %arg2[%add3A_852] : memref<3276800xf32, #tpu.memory_space<hbm>> -> memref<1024xf32, #tpu.memory_space<hbm>>
        tpu.enqueue_dma source(%dma_start3A_858 : memref<1024xf32, #tpu.memory_space<hbm>>) target(%dma_start3A_857 : memref<1024xf32, #tpu.memory_space<vmem>>) target_semaphore(%arg10 : memref<!tpu.dma_semaphore, #tpu.memory_space<semaphore_mem>>)
        %mul3A_859 = arith.constant 8 : i32
        %mul3A_860 = arith.muli %select_n3A_838, %mul3A_859 : i32
        %add3A_861 = arith.constant 1 : i32
        %add3A_862 = arith.addi %mul3A_860, %add3A_861 : i32
        %mul3A_863 = arith.constant 16384 : i32
        %mul3A_864 = arith.muli %add3A_862, %mul3A_863 : i32
        %mul3A_865 = arith.constant 128 : i32
        %mul3A_866 = arith.muli %mul3A_843, %mul3A_865 : i32
        %add3A_867 = arith.addi %mul3A_864, %mul3A_866 : i32
        %dma_start3A_868 = arith.constant 1024 : i32
        %dma_start3A_869 = tpu.memref_slice %arg4[%dma_start3A_868] : memref<8192xf32, #tpu.memory_space<vmem>> -> memref<1024xf32, #tpu.memory_space<vmem>>
        %dma_start3A_870 = tpu.memref_slice %arg2[%add3A_867] : memref<3276800xf32, #tpu.memory_space<hbm>> -> memref<1024xf32, #tpu.memory_space<hbm>>
        %dma_start3A_871 = arith.constant 1024 : i32
        %dma_start3A_872 = tpu.memref_slice %arg4[%dma_start3A_871] : memref<8192xf32, #tpu.memory_space<vmem>> -> memref<1024xf32, #tpu.memory_space<vmem>>
        %dma_start3A_873 = tpu.memref_slice %arg2[%add3A_867] : memref<3276800xf32, #tpu.memory_space<hbm>> -> memref<1024xf32, #tpu.memory_space<hbm>>
        tpu.enqueue_dma source(%dma_start3A_873 : memref<1024xf32, #tpu.memory_space<hbm>>) target(%dma_start3A_872 : memref<1024xf32, #tpu.memory_space<vmem>>) target_semaphore(%arg10 : memref<!tpu.dma_semaphore, #tpu.memory_space<semaphore_mem>>)
        %mul3A_874 = arith.constant 8 : i32
        %mul3A_875 = arith.muli %select_n3A_838, %mul3A_874 : i32
        %add3A_876 = arith.constant 2 : i32
        %add3A_877 = arith.addi %mul3A_875, %add3A_876 : i32
        %mul3A_878 = arith.constant 16384 : i32
        %mul3A_879 = arith.muli %add3A_877, %mul3A_878 : i32
        %mul3A_880 = arith.constant 128 : i32
        %mul3A_881 = arith.muli %mul3A_843, %mul3A_880 : i32
        %add3A_882 = arith.addi %mul3A_879, %mul3A_881 : i32
        %dma_start3A_883 = arith.constant 2048 : i32
        %dma_start3A_884 = tpu.memref_slice %arg4[%dma_start3A_883] : memref<8192xf32, #tpu.memory_space<vmem>> -> memref<1024xf32, #tpu.memory_space<vmem>>
        %dma_start3A_885 = tpu.memref_slice %arg2[%add3A_882] : memref<3276800xf32, #tpu.memory_space<hbm>> -> memref<1024xf32, #tpu.memory_space<hbm>>
        %dma_start3A_886 = arith.constant 2048 : i32
        %dma_start3A_887 = tpu.memref_slice %arg4[%dma_start3A_886] : memref<8192xf32, #tpu.memory_space<vmem>> -> memref<1024xf32, #tpu.memory_space<vmem>>
        %dma_start3A_888 = tpu.memref_slice %arg2[%add3A_882] : memref<3276800xf32, #tpu.memory_space<hbm>> -> memref<1024xf32, #tpu.memory_space<hbm>>
        tpu.enqueue_dma source(%dma_start3A_888 : memref<1024xf32, #tpu.memory_space<hbm>>) target(%dma_start3A_887 : memref<1024xf32, #tpu.memory_space<vmem>>) target_semaphore(%arg10 : memref<!tpu.dma_semaphore, #tpu.memory_space<semaphore_mem>>)
        %mul3A_889 = arith.constant 8 : i32
        %mul3A_890 = arith.muli %select_n3A_838, %mul3A_889 : i32
        %add3A_891 = arith.constant 3 : i32
        %add3A_892 = arith.addi %mul3A_890, %add3A_891 : i32
        %mul3A_893 = arith.constant 16384 : i32
        %mul3A_894 = arith.muli %add3A_892, %mul3A_893 : i32
        %mul3A_895 = arith.constant 128 : i32
        %mul3A_896 = arith.muli %mul3A_843, %mul3A_895 : i32
        %add3A_897 = arith.addi %mul3A_894, %mul3A_896 : i32
        %dma_start3A_898 = arith.constant 3072 : i32
        %dma_start3A_899 = tpu.memref_slice %arg4[%dma_start3A_898] : memref<8192xf32, #tpu.memory_space<vmem>> -> memref<1024xf32, #tpu.memory_space<vmem>>
        %dma_start3A_900 = tpu.memref_slice %arg2[%add3A_897] : memref<3276800xf32, #tpu.memory_space<hbm>> -> memref<1024xf32, #tpu.memory_space<hbm>>
        %dma_start3A_901 = arith.constant 3072 : i32
        %dma_start3A_902 = tpu.memref_slice %arg4[%dma_start3A_901] : memref<8192xf32, #tpu.memory_space<vmem>> -> memref<1024xf32, #tpu.memory_space<vmem>>
        %dma_start3A_903 = tpu.memref_slice %arg2[%add3A_897] : memref<3276800xf32, #tpu.memory_space<hbm>> -> memref<1024xf32, #tpu.memory_space<hbm>>
        tpu.enqueue_dma source(%dma_start3A_903 : memref<1024xf32, #tpu.memory_space<hbm>>) target(%dma_start3A_902 : memref<1024xf32, #tpu.memory_space<vmem>>) target_semaphore(%arg10 : memref<!tpu.dma_semaphore, #tpu.memory_space<semaphore_mem>>)
        %mul3A_904 = arith.constant 8 : i32
        %mul3A_905 = arith.muli %select_n3A_838, %mul3A_904 : i32
        %add3A_906 = arith.constant 4 : i32
        %add3A_907 = arith.addi %mul3A_905, %add3A_906 : i32
        %mul3A_908 = arith.constant 16384 : i32
        %mul3A_909 = arith.muli %add3A_907, %mul3A_908 : i32
        %mul3A_910 = arith.constant 128 : i32
        %mul3A_911 = arith.muli %mul3A_843, %mul3A_910 : i32
        %add3A_912 = arith.addi %mul3A_909, %mul3A_911 : i32
        %dma_start3A_913 = arith.constant 4096 : i32
        %dma_start3A_914 = tpu.memref_slice %arg4[%dma_start3A_913] : memref<8192xf32, #tpu.memory_space<vmem>> -> memref<1024xf32, #tpu.memory_space<vmem>>
        %dma_start3A_915 = tpu.memref_slice %arg2[%add3A_912] : memref<3276800xf32, #tpu.memory_space<hbm>> -> memref<1024xf32, #tpu.memory_space<hbm>>
        %dma_start3A_916 = arith.constant 4096 : i32
        %dma_start3A_917 = tpu.memref_slice %arg4[%dma_start3A_916] : memref<8192xf32, #tpu.memory_space<vmem>> -> memref<1024xf32, #tpu.memory_space<vmem>>
        %dma_start3A_918 = tpu.memref_slice %arg2[%add3A_912] : memref<3276800xf32, #tpu.memory_space<hbm>> -> memref<1024xf32, #tpu.memory_space<hbm>>
        tpu.enqueue_dma source(%dma_start3A_918 : memref<1024xf32, #tpu.memory_space<hbm>>) target(%dma_start3A_917 : memref<1024xf32, #tpu.memory_space<vmem>>) target_semaphore(%arg10 : memref<!tpu.dma_semaphore, #tpu.memory_space<semaphore_mem>>)
        %mul3A_919 = arith.constant 8 : i32
        %mul3A_920 = arith.muli %select_n3A_838, %mul3A_919 : i32
        %add3A_921 = arith.constant 5 : i32
        %add3A_922 = arith.addi %mul3A_920, %add3A_921 : i32
        %mul3A_923 = arith.constant 16384 : i32
        %mul3A_924 = arith.muli %add3A_922, %mul3A_923 : i32
        %mul3A_925 = arith.constant 128 : i32
        %mul3A_926 = arith.muli %mul3A_843, %mul3A_925 : i32
        %add3A_927 = arith.addi %mul3A_924, %mul3A_926 : i32
        %dma_start3A_928 = arith.constant 5120 : i32
        %dma_start3A_929 = tpu.memref_slice %arg4[%dma_start3A_928] : memref<8192xf32, #tpu.memory_space<vmem>> -> memref<1024xf32, #tpu.memory_space<vmem>>
        %dma_start3A_930 = tpu.memref_slice %arg2[%add3A_927] : memref<3276800xf32, #tpu.memory_space<hbm>> -> memref<1024xf32, #tpu.memory_space<hbm>>
        %dma_start3A_931 = arith.constant 5120 : i32
        %dma_start3A_932 = tpu.memref_slice %arg4[%dma_start3A_931] : memref<8192xf32, #tpu.memory_space<vmem>> -> memref<1024xf32, #tpu.memory_space<vmem>>
        %dma_start3A_933 = tpu.memref_slice %arg2[%add3A_927] : memref<3276800xf32, #tpu.memory_space<hbm>> -> memref<1024xf32, #tpu.memory_space<hbm>>
        tpu.enqueue_dma source(%dma_start3A_933 : memref<1024xf32, #tpu.memory_space<hbm>>) target(%dma_start3A_932 : memref<1024xf32, #tpu.memory_space<vmem>>) target_semaphore(%arg10 : memref<!tpu.dma_semaphore, #tpu.memory_space<semaphore_mem>>)
        %mul3A_934 = arith.constant 8 : i32
        %mul3A_935 = arith.muli %select_n3A_838, %mul3A_934 : i32
        %add3A_936 = arith.constant 6 : i32
        %add3A_937 = arith.addi %mul3A_935, %add3A_936 : i32
        %mul3A_938 = arith.constant 16384 : i32
        %mul3A_939 = arith.muli %add3A_937, %mul3A_938 : i32
        %mul3A_940 = arith.constant 128 : i32
        %mul3A_941 = arith.muli %mul3A_843, %mul3A_940 : i32
        %add3A_942 = arith.addi %mul3A_939, %mul3A_941 : i32
        %dma_start3A_943 = arith.constant 6144 : i32
        %dma_start3A_944 = tpu.memref_slice %arg4[%dma_start3A_943] : memref<8192xf32, #tpu.memory_space<vmem>> -> memref<1024xf32, #tpu.memory_space<vmem>>
        %dma_start3A_945 = tpu.memref_slice %arg2[%add3A_942] : memref<3276800xf32, #tpu.memory_space<hbm>> -> memref<1024xf32, #tpu.memory_space<hbm>>
        %dma_start3A_946 = arith.constant 6144 : i32
        %dma_start3A_947 = tpu.memref_slice %arg4[%dma_start3A_946] : memref<8192xf32, #tpu.memory_space<vmem>> -> memref<1024xf32, #tpu.memory_space<vmem>>
        %dma_start3A_948 = tpu.memref_slice %arg2[%add3A_942] : memref<3276800xf32, #tpu.memory_space<hbm>> -> memref<1024xf32, #tpu.memory_space<hbm>>
        tpu.enqueue_dma source(%dma_start3A_948 : memref<1024xf32, #tpu.memory_space<hbm>>) target(%dma_start3A_947 : memref<1024xf32, #tpu.memory_space<vmem>>) target_semaphore(%arg10 : memref<!tpu.dma_semaphore, #tpu.memory_space<semaphore_mem>>)
        %mul3A_949 = arith.constant 8 : i32
        %mul3A_950 = arith.muli %select_n3A_838, %mul3A_949 : i32
        %add3A_951 = arith.constant 7 : i32
        %add3A_952 = arith.addi %mul3A_950, %add3A_951 : i32
        %mul3A_953 = arith.constant 16384 : i32
        %mul3A_954 = arith.muli %add3A_952, %mul3A_953 : i32
        %mul3A_955 = arith.constant 128 : i32
        %mul3A_956 = arith.muli %mul3A_843, %mul3A_955 : i32
        %add3A_957 = arith.addi %mul3A_954, %mul3A_956 : i32
        %dma_start3A_958 = arith.constant 7168 : i32
        %dma_start3A_959 = tpu.memref_slice %arg4[%dma_start3A_958] : memref<8192xf32, #tpu.memory_space<vmem>> -> memref<1024xf32, #tpu.memory_space<vmem>>
        %dma_start3A_960 = tpu.memref_slice %arg2[%add3A_957] : memref<3276800xf32, #tpu.memory_space<hbm>> -> memref<1024xf32, #tpu.memory_space<hbm>>
        %dma_start3A_961 = arith.constant 7168 : i32
        %dma_start3A_962 = tpu.memref_slice %arg4[%dma_start3A_961] : memref<8192xf32, #tpu.memory_space<vmem>> -> memref<1024xf32, #tpu.memory_space<vmem>>
        %dma_start3A_963 = tpu.memref_slice %arg2[%add3A_957] : memref<3276800xf32, #tpu.memory_space<hbm>> -> memref<1024xf32, #tpu.memory_space<hbm>>
        tpu.enqueue_dma source(%dma_start3A_963 : memref<1024xf32, #tpu.memory_space<hbm>>) target(%dma_start3A_962 : memref<1024xf32, #tpu.memory_space<vmem>>) target_semaphore(%arg10 : memref<!tpu.dma_semaphore, #tpu.memory_space<semaphore_mem>>)
      } else {
      }
      %add3A_689 = arith.constant 1 : i32
      %add3A_690 = arith.addi %add3A_628, %add3A_689 : i32
      %mul3A_691 = arith.constant 32 : i32
      %mul3A_692 = arith.muli %mul3A_691, %add3A_690 : i32
      %add3A_693 = arith.addi %add3A, %mul3A_692 : i32
      %dma_wait3A_694 = arith.constant 0 : i32
      %dma_wait3A_695 = tpu.memref_slice %arg2[%dma_wait3A_694] : memref<3276800xf32, #tpu.memory_space<hbm>> -> memref<8192xf32, #tpu.memory_space<hbm>>
      %dma_wait3A_696 = arith.constant 0 : i32
      %dma_wait3A_697 = tpu.memref_slice %arg2[%dma_wait3A_696] : memref<3276800xf32, #tpu.memory_space<hbm>> -> memref<8192xf32, #tpu.memory_space<hbm>>
      tpu.wait_dma2 semaphore(%arg11 : memref<!tpu.dma_semaphore, #tpu.memory_space<semaphore_mem>>) src(%dma_wait3A_697 : memref<8192xf32, #tpu.memory_space<hbm>>) dst(%arg5 : memref<8192xf32, #tpu.memory_space<vmem>>)
      %ge3A_698 = arith.constant 3 : i32
      %ge3A_699 = arith.cmpi sge, %add3A_690, %ge3A_698 : i32
      %convert_element_type3A_700 = arith.extui %ge3A_699 : i1 to i32
      %cond3A_701 = arith.constant 0 : i32
      %cond3A_702 = arith.cmpi ne, %convert_element_type3A_700, %cond3A_701 : i32
      scf.if %cond3A_702 {
        %sub3A_813 = arith.constant 96 : i32
        %sub3A_814 = arith.subi %add3A_693, %sub3A_813 : i32
        %jit3A_815 = arith.constant 16 : i32
        %div3A_816 = arith.divsi %sub3A_814, %jit3A_815 : i32
        %sign3A_817 = arith.constant 0 : i32
        %sign3A_818 = arith.cmpi sgt, %sub3A_814, %sign3A_817 : i32
        %sign3A_819 = arith.extui %sign3A_818 : i1 to i32
        %sign3A_820 = arith.constant 0 : i32
        %sign3A_821 = arith.cmpi slt, %sub3A_814, %sign3A_820 : i32
        %sign3A_822 = arith.extui %sign3A_821 : i1 to i32
        %sign3A_823 = arith.subi %sign3A_819, %sign3A_822 : i32
        %sign3A_824 = arith.constant 0 : i32
        %sign3A_825 = arith.cmpi sgt, %jit3A_815, %sign3A_824 : i32
        %sign3A_826 = arith.extui %sign3A_825 : i1 to i32
        %sign3A_827 = arith.constant 0 : i32
        %sign3A_828 = arith.cmpi slt, %jit3A_815, %sign3A_827 : i32
        %sign3A_829 = arith.extui %sign3A_828 : i1 to i32
        %sign3A_830 = arith.subi %sign3A_826, %sign3A_829 : i32
        %ne3A_831 = arith.cmpi ne, %sign3A_823, %sign3A_830 : i32
        %rem3A_832 = arith.remsi %sub3A_814, %jit3A_815 : i32
        %ne3A_833 = arith.constant 0 : i32
        %ne3A_834 = arith.cmpi ne, %rem3A_832, %ne3A_833 : i32
        %and3A_835 = arith.andi %ne3A_831, %ne3A_834 : i1
        %sub3A_836 = arith.constant 1 : i32
        %sub3A_837 = arith.subi %div3A_816, %sub3A_836 : i32
        %select_n3A_838 = arith.select %and3A_835, %sub3A_837, %div3A_816 : i32
        %mul3A_839 = arith.constant 16 : i32
        %mul3A_840 = arith.muli %select_n3A_838, %mul3A_839 : i32
        %sub3A_841 = arith.subi %sub3A_814, %mul3A_840 : i32
        %mul3A_842 = arith.constant 8 : i32
        %mul3A_843 = arith.muli %sub3A_841, %mul3A_842 : i32
        %mul3A_844 = arith.constant 131072 : i32
        %mul3A_845 = arith.muli %select_n3A_838, %mul3A_844 : i32
        %mul3A_846 = arith.constant 8 : i32
        %mul3A_847 = arith.muli %mul3A_843, %mul3A_846 : i32
        %mul3A_848 = arith.constant 128 : i32
        %mul3A_849 = arith.muli %mul3A_847, %mul3A_848 : i32
        %add3A_850 = arith.addi %mul3A_845, %mul3A_849 : i32
        %dma_wait3A_851 = tpu.memref_slice %arg3[%add3A_850] : memref<3276800xi32, #tpu.memory_space<hbm>> -> memref<8192xi32, #tpu.memory_space<hbm>>
        %dma_wait3A_852 = tpu.memref_slice %arg3[%add3A_850] : memref<3276800xi32, #tpu.memory_space<hbm>> -> memref<8192xi32, #tpu.memory_space<hbm>>
        tpu.wait_dma2 semaphore(%arg14 : memref<!tpu.dma_semaphore, #tpu.memory_space<semaphore_mem>>) src(%arg8 : memref<8192xi32, #tpu.memory_space<vmem>>) dst(%dma_wait3A_852 : memref<8192xi32, #tpu.memory_space<hbm>>)
      } else {
      }
      %parallel_loop3A_703 = arith.constant 0 : i32
      %parallel_loop3A_704 = arith.constant 64 : i32
      %parallel_loop3A_705 = arith.constant 1 : i32
      scf.for %parallel_loop3A_813 = %parallel_loop3A_703 to %parallel_loop3A_704 step %parallel_loop3A_705  : i32 {
        %parallel_loop3A_814 = arith.constant 8 : i32
        %parallel_loop3A_815 = arith.divsi %parallel_loop3A_813, %parallel_loop3A_814 : i32
        %parallel_loop3A_816 = arith.constant 0 : i32
        %parallel_loop3A_817 = arith.cmpi sgt, %parallel_loop3A_813, %parallel_loop3A_816 : i32
        %parallel_loop3A_818 = arith.extui %parallel_loop3A_817 : i1 to i32
        %parallel_loop3A_819 = arith.constant 0 : i32
        %parallel_loop3A_820 = arith.cmpi slt, %parallel_loop3A_813, %parallel_loop3A_819 : i32
        %parallel_loop3A_821 = arith.extui %parallel_loop3A_820 : i1 to i32
        %parallel_loop3A_822 = arith.subi %parallel_loop3A_818, %parallel_loop3A_821 : i32
        %parallel_loop3A_823 = arith.constant 0 : i32
        %parallel_loop3A_824 = arith.cmpi sgt, %parallel_loop3A_814, %parallel_loop3A_823 : i32
        %parallel_loop3A_825 = arith.extui %parallel_loop3A_824 : i1 to i32
        %parallel_loop3A_826 = arith.constant 0 : i32
        %parallel_loop3A_827 = arith.cmpi slt, %parallel_loop3A_814, %parallel_loop3A_826 : i32
        %parallel_loop3A_828 = arith.extui %parallel_loop3A_827 : i1 to i32
        %parallel_loop3A_829 = arith.subi %parallel_loop3A_825, %parallel_loop3A_828 : i32
        %parallel_loop3A_830 = arith.cmpi ne, %parallel_loop3A_822, %parallel_loop3A_829 : i32
        %parallel_loop3A_831 = arith.remsi %parallel_loop3A_813, %parallel_loop3A_814 : i32
        %parallel_loop3A_832 = arith.constant 0 : i32
        %parallel_loop3A_833 = arith.cmpi ne, %parallel_loop3A_831, %parallel_loop3A_832 : i32
        %parallel_loop3A_834 = arith.andi %parallel_loop3A_830, %parallel_loop3A_833 : i1
        %parallel_loop3A_835 = arith.constant 1 : i32
        %parallel_loop3A_836 = arith.subi %parallel_loop3A_815, %parallel_loop3A_835 : i32
        %parallel_loop3A_837 = arith.select %parallel_loop3A_834, %parallel_loop3A_836, %parallel_loop3A_815 : i32
        %parallel_loop3A_838 = arith.constant 8 : i32
        %parallel_loop3A_839 = arith.muli %parallel_loop3A_837, %parallel_loop3A_838 : i32
        %parallel_loop3A_840 = arith.subi %parallel_loop3A_813, %parallel_loop3A_839 : i32
        %parallel_loop3A_841 = arith.constant 8 : i32
        %parallel_loop3A_842 = arith.muli %parallel_loop3A_840, %parallel_loop3A_841 : i32
        %parallel_loop3A_843 = arith.addi %parallel_loop3A_842, %parallel_loop3A_837 : i32
        %parallel_loop3A_844 = arith.constant 128 : i32
        %parallel_loop3A_845 = arith.muli %parallel_loop3A_813, %parallel_loop3A_844 : i32
        %parallel_loop3A_846 = arith.constant 0 : i32
        %parallel_loop3A_847 = arith.addi %parallel_loop3A_845, %parallel_loop3A_846 : i32
        %parallel_loop3A_848 = arith.index_cast %parallel_loop3A_847 : i32 to index
        %parallel_loop3A_849 = tpu.vector_load %arg5[%parallel_loop3A_848] {strides = array<i32>} : memref<8192xf32, #tpu.memory_space<vmem>>, vector<16xf32>,
        %parallel_loop3A_850 = vector.shape_cast %parallel_loop3A_849 : vector<16xf32> to vector<16xf32>
        %parallel_loop3A_851 = arith.constant 9.990000e+02 : f32
        %parallel_loop3A_852 = vector.broadcast %parallel_loop3A_851 : f32 to vector<16xf32>
        %parallel_loop3A_853 = arith.mulf %parallel_loop3A_850, %parallel_loop3A_852 : vector<16xf32>
        %parallel_loop3A_854 = arith.constant 0x4B400000 : f32
        %parallel_loop3A_855 = vector.broadcast %parallel_loop3A_854 : f32 to vector<16xf32>
        %parallel_loop3A_856 = arith.addf %parallel_loop3A_853, %parallel_loop3A_855 : vector<16xf32>
        %parallel_loop3A_857 = arith.constant 0x4B400000 : f32
        %parallel_loop3A_858 = vector.broadcast %parallel_loop3A_857 : f32 to vector<16xf32>
        %parallel_loop3A_859 = arith.subf %parallel_loop3A_856, %parallel_loop3A_858 : vector<16xf32>
        %parallel_loop3A_860 = arith.fptosi %parallel_loop3A_859 : vector<16xf32> to vector<16xi32>
        %parallel_loop3A_861 = arith.constant 128 : i32
        %parallel_loop3A_862 = arith.muli %parallel_loop3A_843, %parallel_loop3A_861 : i32
        %parallel_loop3A_863 = arith.constant 0 : i32
        %parallel_loop3A_864 = arith.addi %parallel_loop3A_862, %parallel_loop3A_863 : i32
        %parallel_loop3A_865 = arith.index_cast %parallel_loop3A_864 : i32 to index
        %parallel_loop3A_866 = tpu.vector_load %arg8[%parallel_loop3A_865] {strides = array<i32>} : memref<8192xi32, #tpu.memory_space<vmem>>, vector<16xi32>,
        %parallel_loop3A_867 = vector.shape_cast %parallel_loop3A_866 : vector<16xi32> to vector<16xi32>
        %parallel_loop3A_868 = vector.shape_cast %parallel_loop3A_860 : vector<16xi32> to vector<16xi32>
        tpu.vector_store %arg8[%parallel_loop3A_865], %parallel_loop3A_868 {strides = array<i32>} : memref<8192xi32, #tpu.memory_space<vmem>>, vector<16xi32>,
        %parallel_loop3A_869 = arith.constant 128 : i32
        %parallel_loop3A_870 = arith.muli %parallel_loop3A_813, %parallel_loop3A_869 : i32
        %parallel_loop3A_871 = arith.constant 16 : i32
        %parallel_loop3A_872 = arith.addi %parallel_loop3A_870, %parallel_loop3A_871 : i32
        %parallel_loop3A_873 = arith.index_cast %parallel_loop3A_872 : i32 to index
        %parallel_loop3A_874 = tpu.vector_load %arg5[%parallel_loop3A_873] {strides = array<i32>} : memref<8192xf32, #tpu.memory_space<vmem>>, vector<16xf32>,
        %parallel_loop3A_875 = vector.shape_cast %parallel_loop3A_874 : vector<16xf32> to vector<16xf32>
        %parallel_loop3A_876 = arith.constant 9.990000e+02 : f32
        %parallel_loop3A_877 = vector.broadcast %parallel_loop3A_876 : f32 to vector<16xf32>
        %parallel_loop3A_878 = arith.mulf %parallel_loop3A_875, %parallel_loop3A_877 : vector<16xf32>
        %parallel_loop3A_879 = arith.constant 0x4B400000 : f32
        %parallel_loop3A_880 = vector.broadcast %parallel_loop3A_879 : f32 to vector<16xf32>
        %parallel_loop3A_881 = arith.addf %parallel_loop3A_878, %parallel_loop3A_880 : vector<16xf32>
        %parallel_loop3A_882 = arith.constant 0x4B400000 : f32
        %parallel_loop3A_883 = vector.broadcast %parallel_loop3A_882 : f32 to vector<16xf32>
        %parallel_loop3A_884 = arith.subf %parallel_loop3A_881, %parallel_loop3A_883 : vector<16xf32>
        %parallel_loop3A_885 = arith.fptosi %parallel_loop3A_884 : vector<16xf32> to vector<16xi32>
        %parallel_loop3A_886 = arith.constant 128 : i32
        %parallel_loop3A_887 = arith.muli %parallel_loop3A_843, %parallel_loop3A_886 : i32
        %parallel_loop3A_888 = arith.constant 16 : i32
        %parallel_loop3A_889 = arith.addi %parallel_loop3A_887, %parallel_loop3A_888 : i32
        %parallel_loop3A_890 = arith.index_cast %parallel_loop3A_889 : i32 to index
        %parallel_loop3A_891 = tpu.vector_load %arg8[%parallel_loop3A_890] {strides = array<i32>} : memref<8192xi32, #tpu.memory_space<vmem>>, vector<16xi32>,
        %parallel_loop3A_892 = vector.shape_cast %parallel_loop3A_891 : vector<16xi32> to vector<16xi32>
        %parallel_loop3A_893 = vector.shape_cast %parallel_loop3A_885 : vector<16xi32> to vector<16xi32>
        tpu.vector_store %arg8[%parallel_loop3A_890], %parallel_loop3A_893 {strides = array<i32>} : memref<8192xi32, #tpu.memory_space<vmem>>, vector<16xi32>,
        %parallel_loop3A_894 = arith.constant 128 : i32
        %parallel_loop3A_895 = arith.muli %parallel_loop3A_813, %parallel_loop3A_894 : i32
        %parallel_loop3A_896 = arith.constant 32 : i32
        %parallel_loop3A_897 = arith.addi %parallel_loop3A_895, %parallel_loop3A_896 : i32
        %parallel_loop3A_898 = arith.index_cast %parallel_loop3A_897 : i32 to index
        %parallel_loop3A_899 = tpu.vector_load %arg5[%parallel_loop3A_898] {strides = array<i32>} : memref<8192xf32, #tpu.memory_space<vmem>>, vector<16xf32>,
        %parallel_loop3A_900 = vector.shape_cast %parallel_loop3A_899 : vector<16xf32> to vector<16xf32>
        %parallel_loop3A_901 = arith.constant 9.990000e+02 : f32
        %parallel_loop3A_902 = vector.broadcast %parallel_loop3A_901 : f32 to vector<16xf32>
        %parallel_loop3A_903 = arith.mulf %parallel_loop3A_900, %parallel_loop3A_902 : vector<16xf32>
        %parallel_loop3A_904 = arith.constant 0x4B400000 : f32
        %parallel_loop3A_905 = vector.broadcast %parallel_loop3A_904 : f32 to vector<16xf32>
        %parallel_loop3A_906 = arith.addf %parallel_loop3A_903, %parallel_loop3A_905 : vector<16xf32>
        %parallel_loop3A_907 = arith.constant 0x4B400000 : f32
        %parallel_loop3A_908 = vector.broadcast %parallel_loop3A_907 : f32 to vector<16xf32>
        %parallel_loop3A_909 = arith.subf %parallel_loop3A_906, %parallel_loop3A_908 : vector<16xf32>
        %parallel_loop3A_910 = arith.fptosi %parallel_loop3A_909 : vector<16xf32> to vector<16xi32>
        %parallel_loop3A_911 = arith.constant 128 : i32
        %parallel_loop3A_912 = arith.muli %parallel_loop3A_843, %parallel_loop3A_911 : i32
        %parallel_loop3A_913 = arith.constant 32 : i32
        %parallel_loop3A_914 = arith.addi %parallel_loop3A_912, %parallel_loop3A_913 : i32
        %parallel_loop3A_915 = arith.index_cast %parallel_loop3A_914 : i32 to index
        %parallel_loop3A_916 = tpu.vector_load %arg8[%parallel_loop3A_915] {strides = array<i32>} : memref<8192xi32, #tpu.memory_space<vmem>>, vector<16xi32>,
        %parallel_loop3A_917 = vector.shape_cast %parallel_loop3A_916 : vector<16xi32> to vector<16xi32>
        %parallel_loop3A_918 = vector.shape_cast %parallel_loop3A_910 : vector<16xi32> to vector<16xi32>
        tpu.vector_store %arg8[%parallel_loop3A_915], %parallel_loop3A_918 {strides = array<i32>} : memref<8192xi32, #tpu.memory_space<vmem>>, vector<16xi32>,
        %parallel_loop3A_919 = arith.constant 128 : i32
        %parallel_loop3A_920 = arith.muli %parallel_loop3A_813, %parallel_loop3A_919 : i32
        %parallel_loop3A_921 = arith.constant 48 : i32
        %parallel_loop3A_922 = arith.addi %parallel_loop3A_920, %parallel_loop3A_921 : i32
        %parallel_loop3A_923 = arith.index_cast %parallel_loop3A_922 : i32 to index
        %parallel_loop3A_924 = tpu.vector_load %arg5[%parallel_loop3A_923] {strides = array<i32>} : memref<8192xf32, #tpu.memory_space<vmem>>, vector<16xf32>,
        %parallel_loop3A_925 = vector.shape_cast %parallel_loop3A_924 : vector<16xf32> to vector<16xf32>
        %parallel_loop3A_926 = arith.constant 9.990000e+02 : f32
        %parallel_loop3A_927 = vector.broadcast %parallel_loop3A_926 : f32 to vector<16xf32>
        %parallel_loop3A_928 = arith.mulf %parallel_loop3A_925, %parallel_loop3A_927 : vector<16xf32>
        %parallel_loop3A_929 = arith.constant 0x4B400000 : f32
        %parallel_loop3A_930 = vector.broadcast %parallel_loop3A_929 : f32 to vector<16xf32>
        %parallel_loop3A_931 = arith.addf %parallel_loop3A_928, %parallel_loop3A_930 : vector<16xf32>
        %parallel_loop3A_932 = arith.constant 0x4B400000 : f32
        %parallel_loop3A_933 = vector.broadcast %parallel_loop3A_932 : f32 to vector<16xf32>
        %parallel_loop3A_934 = arith.subf %parallel_loop3A_931, %parallel_loop3A_933 : vector<16xf32>
        %parallel_loop3A_935 = arith.fptosi %parallel_loop3A_934 : vector<16xf32> to vector<16xi32>
        %parallel_loop3A_936 = arith.constant 128 : i32
        %parallel_loop3A_937 = arith.muli %parallel_loop3A_843, %parallel_loop3A_936 : i32
        %parallel_loop3A_938 = arith.constant 48 : i32
        %parallel_loop3A_939 = arith.addi %parallel_loop3A_937, %parallel_loop3A_938 : i32
        %parallel_loop3A_940 = arith.index_cast %parallel_loop3A_939 : i32 to index
        %parallel_loop3A_941 = tpu.vector_load %arg8[%parallel_loop3A_940] {strides = array<i32>} : memref<8192xi32, #tpu.memory_space<vmem>>, vector<16xi32>,
        %parallel_loop3A_942 = vector.shape_cast %parallel_loop3A_941 : vector<16xi32> to vector<16xi32>
        %parallel_loop3A_943 = vector.shape_cast %parallel_loop3A_935 : vector<16xi32> to vector<16xi32>
        tpu.vector_store %arg8[%parallel_loop3A_940], %parallel_loop3A_943 {strides = array<i32>} : memref<8192xi32, #tpu.memory_space<vmem>>, vector<16xi32>,
        %parallel_loop3A_944 = arith.constant 128 : i32
        %parallel_loop3A_945 = arith.muli %parallel_loop3A_813, %parallel_loop3A_944 : i32
        %parallel_loop3A_946 = arith.constant 64 : i32
        %parallel_loop3A_947 = arith.addi %parallel_loop3A_945, %parallel_loop3A_946 : i32
        %parallel_loop3A_948 = arith.index_cast %parallel_loop3A_947 : i32 to index
        %parallel_loop3A_949 = tpu.vector_load %arg5[%parallel_loop3A_948] {strides = array<i32>} : memref<8192xf32, #tpu.memory_space<vmem>>, vector<16xf32>,
        %parallel_loop3A_950 = vector.shape_cast %parallel_loop3A_949 : vector<16xf32> to vector<16xf32>
        %parallel_loop3A_951 = arith.constant 9.990000e+02 : f32
        %parallel_loop3A_952 = vector.broadcast %parallel_loop3A_951 : f32 to vector<16xf32>
        %parallel_loop3A_953 = arith.mulf %parallel_loop3A_950, %parallel_loop3A_952 : vector<16xf32>
        %parallel_loop3A_954 = arith.constant 0x4B400000 : f32
        %parallel_loop3A_955 = vector.broadcast %parallel_loop3A_954 : f32 to vector<16xf32>
        %parallel_loop3A_956 = arith.addf %parallel_loop3A_953, %parallel_loop3A_955 : vector<16xf32>
        %parallel_loop3A_957 = arith.constant 0x4B400000 : f32
        %parallel_loop3A_958 = vector.broadcast %parallel_loop3A_957 : f32 to vector<16xf32>
        %parallel_loop3A_959 = arith.subf %parallel_loop3A_956, %parallel_loop3A_958 : vector<16xf32>
        %parallel_loop3A_960 = arith.fptosi %parallel_loop3A_959 : vector<16xf32> to vector<16xi32>
        %parallel_loop3A_961 = arith.constant 128 : i32
        %parallel_loop3A_962 = arith.muli %parallel_loop3A_843, %parallel_loop3A_961 : i32
        %parallel_loop3A_963 = arith.constant 64 : i32
        %parallel_loop3A_964 = arith.addi %parallel_loop3A_962, %parallel_loop3A_963 : i32
        %parallel_loop3A_965 = arith.index_cast %parallel_loop3A_964 : i32 to index
        %parallel_loop3A_966 = tpu.vector_load %arg8[%parallel_loop3A_965] {strides = array<i32>} : memref<8192xi32, #tpu.memory_space<vmem>>, vector<16xi32>,
        %parallel_loop3A_967 = vector.shape_cast %parallel_loop3A_966 : vector<16xi32> to vector<16xi32>
        %parallel_loop3A_968 = vector.shape_cast %parallel_loop3A_960 : vector<16xi32> to vector<16xi32>
        tpu.vector_store %arg8[%parallel_loop3A_965], %parallel_loop3A_968 {strides = array<i32>} : memref<8192xi32, #tpu.memory_space<vmem>>, vector<16xi32>,
        %parallel_loop3A_969 = arith.constant 128 : i32
        %parallel_loop3A_970 = arith.muli %parallel_loop3A_813, %parallel_loop3A_969 : i32
        %parallel_loop3A_971 = arith.constant 80 : i32
        %parallel_loop3A_972 = arith.addi %parallel_loop3A_970, %parallel_loop3A_971 : i32
        %parallel_loop3A_973 = arith.index_cast %parallel_loop3A_972 : i32 to index
        %parallel_loop3A_974 = tpu.vector_load %arg5[%parallel_loop3A_973] {strides = array<i32>} : memref<8192xf32, #tpu.memory_space<vmem>>, vector<16xf32>,
        %parallel_loop3A_975 = vector.shape_cast %parallel_loop3A_974 : vector<16xf32> to vector<16xf32>
        %parallel_loop3A_976 = arith.constant 9.990000e+02 : f32
        %parallel_loop3A_977 = vector.broadcast %parallel_loop3A_976 : f32 to vector<16xf32>
        %parallel_loop3A_978 = arith.mulf %parallel_loop3A_975, %parallel_loop3A_977 : vector<16xf32>
        %parallel_loop3A_979 = arith.constant 0x4B400000 : f32
        %parallel_loop3A_980 = vector.broadcast %parallel_loop3A_979 : f32 to vector<16xf32>
        %parallel_loop3A_981 = arith.addf %parallel_loop3A_978, %parallel_loop3A_980 : vector<16xf32>
        %parallel_loop3A_982 = arith.constant 0x4B400000 : f32
        %parallel_loop3A_983 = vector.broadcast %parallel_loop3A_982 : f32 to vector<16xf32>
        %parallel_loop3A_984 = arith.subf %parallel_loop3A_981, %parallel_loop3A_983 : vector<16xf32>
        %parallel_loop3A_985 = arith.fptosi %parallel_loop3A_984 : vector<16xf32> to vector<16xi32>
        %parallel_loop3A_986 = arith.constant 128 : i32
        %parallel_loop3A_987 = arith.muli %parallel_loop3A_843, %parallel_loop3A_986 : i32
        %parallel_loop3A_988 = arith.constant 80 : i32
        %parallel_loop3A_989 = arith.addi %parallel_loop3A_987, %parallel_loop3A_988 : i32
        %parallel_loop3A_990 = arith.index_cast %parallel_loop3A_989 : i32 to index
        %parallel_loop3A_991 = tpu.vector_load %arg8[%parallel_loop3A_990] {strides = array<i32>} : memref<8192xi32, #tpu.memory_space<vmem>>, vector<16xi32>,
        %parallel_loop3A_992 = vector.shape_cast %parallel_loop3A_991 : vector<16xi32> to vector<16xi32>
        %parallel_loop3A_993 = vector.shape_cast %parallel_loop3A_985 : vector<16xi32> to vector<16xi32>
        tpu.vector_store %arg8[%parallel_loop3A_990], %parallel_loop3A_993 {strides = array<i32>} : memref<8192xi32, #tpu.memory_space<vmem>>, vector<16xi32>,
        %parallel_loop3A_994 = arith.constant 128 : i32
        %parallel_loop3A_995 = arith.muli %parallel_loop3A_813, %parallel_loop3A_994 : i32
        %parallel_loop3A_996 = arith.constant 96 : i32
        %parallel_loop3A_997 = arith.addi %parallel_loop3A_995, %parallel_loop3A_996 : i32
        %parallel_loop3A_998 = arith.index_cast %parallel_loop3A_997 : i32 to index
        %parallel_loop3A_999 = tpu.vector_load %arg5[%parallel_loop3A_998] {strides = array<i32>} : memref<8192xf32, #tpu.memory_space<vmem>>, vector<16xf32>,
        %parallel_loop3A_1000 = vector.shape_cast %parallel_loop3A_999 : vector<16xf32> to vector<16xf32>
        %parallel_loop3A_1001 = arith.constant 9.990000e+02 : f32
        %parallel_loop3A_1002 = vector.broadcast %parallel_loop3A_1001 : f32 to vector<16xf32>
        %parallel_loop3A_1003 = arith.mulf %parallel_loop3A_1000, %parallel_loop3A_1002 : vector<16xf32>
        %parallel_loop3A_1004 = arith.constant 0x4B400000 : f32
        %parallel_loop3A_1005 = vector.broadcast %parallel_loop3A_1004 : f32 to vector<16xf32>
        %parallel_loop3A_1006 = arith.addf %parallel_loop3A_1003, %parallel_loop3A_1005 : vector<16xf32>
        %parallel_loop3A_1007 = arith.constant 0x4B400000 : f32
        %parallel_loop3A_1008 = vector.broadcast %parallel_loop3A_1007 : f32 to vector<16xf32>
        %parallel_loop3A_1009 = arith.subf %parallel_loop3A_1006, %parallel_loop3A_1008 : vector<16xf32>
        %parallel_loop3A_1010 = arith.fptosi %parallel_loop3A_1009 : vector<16xf32> to vector<16xi32>
        %parallel_loop3A_1011 = arith.constant 128 : i32
        %parallel_loop3A_1012 = arith.muli %parallel_loop3A_843, %parallel_loop3A_1011 : i32
        %parallel_loop3A_1013 = arith.constant 96 : i32
        %parallel_loop3A_1014 = arith.addi %parallel_loop3A_1012, %parallel_loop3A_1013 : i32
        %parallel_loop3A_1015 = arith.index_cast %parallel_loop3A_1014 : i32 to index
        %parallel_loop3A_1016 = tpu.vector_load %arg8[%parallel_loop3A_1015] {strides = array<i32>} : memref<8192xi32, #tpu.memory_space<vmem>>, vector<16xi32>,
        %parallel_loop3A_1017 = vector.shape_cast %parallel_loop3A_1016 : vector<16xi32> to vector<16xi32>
        %parallel_loop3A_1018 = vector.shape_cast %parallel_loop3A_1010 : vector<16xi32> to vector<16xi32>
        tpu.vector_store %arg8[%parallel_loop3A_1015], %parallel_loop3A_1018 {strides = array<i32>} : memref<8192xi32, #tpu.memory_space<vmem>>, vector<16xi32>,
        %parallel_loop3A_1019 = arith.constant 128 : i32
        %parallel_loop3A_1020 = arith.muli %parallel_loop3A_813, %parallel_loop3A_1019 : i32
        %parallel_loop3A_1021 = arith.constant 112 : i32
        %parallel_loop3A_1022 = arith.addi %parallel_loop3A_1020, %parallel_loop3A_1021 : i32
        %parallel_loop3A_1023 = arith.index_cast %parallel_loop3A_1022 : i32 to index
        %parallel_loop3A_1024 = tpu.vector_load %arg5[%parallel_loop3A_1023] {strides = array<i32>} : memref<8192xf32, #tpu.memory_space<vmem>>, vector<16xf32>,
        %parallel_loop3A_1025 = vector.shape_cast %parallel_loop3A_1024 : vector<16xf32> to vector<16xf32>
        %parallel_loop3A_1026 = arith.constant 9.990000e+02 : f32
        %parallel_loop3A_1027 = vector.broadcast %parallel_loop3A_1026 : f32 to vector<16xf32>
        %parallel_loop3A_1028 = arith.mulf %parallel_loop3A_1025, %parallel_loop3A_1027 : vector<16xf32>
        %parallel_loop3A_1029 = arith.constant 0x4B400000 : f32
        %parallel_loop3A_1030 = vector.broadcast %parallel_loop3A_1029 : f32 to vector<16xf32>
        %parallel_loop3A_1031 = arith.addf %parallel_loop3A_1028, %parallel_loop3A_1030 : vector<16xf32>
        %parallel_loop3A_1032 = arith.constant 0x4B400000 : f32
        %parallel_loop3A_1033 = vector.broadcast %parallel_loop3A_1032 : f32 to vector<16xf32>
        %parallel_loop3A_1034 = arith.subf %parallel_loop3A_1031, %parallel_loop3A_1033 : vector<16xf32>
        %parallel_loop3A_1035 = arith.fptosi %parallel_loop3A_1034 : vector<16xf32> to vector<16xi32>
        %parallel_loop3A_1036 = arith.constant 128 : i32
        %parallel_loop3A_1037 = arith.muli %parallel_loop3A_843, %parallel_loop3A_1036 : i32
        %parallel_loop3A_1038 = arith.constant 112 : i32
        %parallel_loop3A_1039 = arith.addi %parallel_loop3A_1037, %parallel_loop3A_1038 : i32
        %parallel_loop3A_1040 = arith.index_cast %parallel_loop3A_1039 : i32 to index
        %parallel_loop3A_1041 = tpu.vector_load %arg8[%parallel_loop3A_1040] {strides = array<i32>} : memref<8192xi32, #tpu.memory_space<vmem>>, vector<16xi32>,
        %parallel_loop3A_1042 = vector.shape_cast %parallel_loop3A_1041 : vector<16xi32> to vector<16xi32>
        %parallel_loop3A_1043 = vector.shape_cast %parallel_loop3A_1035 : vector<16xi32> to vector<16xi32>
        tpu.vector_store %arg8[%parallel_loop3A_1040], %parallel_loop3A_1043 {strides = array<i32>} : memref<8192xi32, #tpu.memory_space<vmem>>, vector<16xi32>,
      } {sc.loop_unroll_factor = 4 : i64, sc.parallel_access}
      %jit3A_706 = arith.constant 16 : i32
      %div3A_707 = arith.divsi %add3A_693, %jit3A_706 : i32
      %sign3A_708 = arith.constant 0 : i32
      %sign3A_709 = arith.cmpi sgt, %add3A_693, %sign3A_708 : i32
      %sign3A_710 = arith.extui %sign3A_709 : i1 to i32
      %sign3A_711 = arith.constant 0 : i32
      %sign3A_712 = arith.cmpi slt, %add3A_693, %sign3A_711 : i32
      %sign3A_713 = arith.extui %sign3A_712 : i1 to i32
      %sign3A_714 = arith.subi %sign3A_710, %sign3A_713 : i32
      %sign3A_715 = arith.constant 0 : i32
      %sign3A_716 = arith.cmpi sgt, %jit3A_706, %sign3A_715 : i32
      %sign3A_717 = arith.extui %sign3A_716 : i1 to i32
      %sign3A_718 = arith.constant 0 : i32
      %sign3A_719 = arith.cmpi slt, %jit3A_706, %sign3A_718 : i32
      %sign3A_720 = arith.extui %sign3A_719 : i1 to i32
      %sign3A_721 = arith.subi %sign3A_717, %sign3A_720 : i32
      %ne3A_722 = arith.cmpi ne, %sign3A_714, %sign3A_721 : i32
      %rem3A_723 = arith.remsi %add3A_693, %jit3A_706 : i32
      %ne3A_724 = arith.constant 0 : i32
      %ne3A_725 = arith.cmpi ne, %rem3A_723, %ne3A_724 : i32
      %and3A_726 = arith.andi %ne3A_722, %ne3A_725 : i1
      %sub3A_727 = arith.constant 1 : i32
      %sub3A_728 = arith.subi %div3A_707, %sub3A_727 : i32
      %select_n3A_729 = arith.select %and3A_726, %sub3A_728, %div3A_707 : i32
      %mul3A_730 = arith.constant 16 : i32
      %mul3A_731 = arith.muli %select_n3A_729, %mul3A_730 : i32
      %sub3A_732 = arith.subi %add3A_693, %mul3A_731 : i32
      %mul3A_733 = arith.constant 8 : i32
      %mul3A_734 = arith.muli %sub3A_732, %mul3A_733 : i32
      %mul3A_735 = arith.constant 131072 : i32
      %mul3A_736 = arith.muli %select_n3A_729, %mul3A_735 : i32
      %mul3A_737 = arith.constant 8 : i32
      %mul3A_738 = arith.muli %mul3A_734, %mul3A_737 : i32
      %mul3A_739 = arith.constant 128 : i32
      %mul3A_740 = arith.muli %mul3A_738, %mul3A_739 : i32
      %add3A_741 = arith.addi %mul3A_736, %mul3A_740 : i32
      %dma_start3A_742 = tpu.memref_slice %arg3[%add3A_741] : memref<3276800xi32, #tpu.memory_space<hbm>> -> memref<8192xi32, #tpu.memory_space<hbm>>
      %dma_start3A_743 = tpu.memref_slice %arg3[%add3A_741] : memref<3276800xi32, #tpu.memory_space<hbm>> -> memref<8192xi32, #tpu.memory_space<hbm>>
      tpu.enqueue_dma source(%arg8 : memref<8192xi32, #tpu.memory_space<vmem>>) target(%dma_start3A_743 : memref<8192xi32, #tpu.memory_space<hbm>>) target_semaphore(%arg14 : memref<!tpu.dma_semaphore, #tpu.memory_space<semaphore_mem>>)
      %add3A_744 = arith.constant 3 : i32
      %add3A_745 = arith.addi %add3A_690, %add3A_744 : i32
      %lt3A_746 = arith.constant 12 : i32
      %lt3A_747 = arith.cmpi slt, %add3A_745, %lt3A_746 : i32
      %convert_element_type3A_748 = arith.extui %lt3A_747 : i1 to i32
      %cond3A_749 = arith.constant 0 : i32
      %cond3A_750 = arith.cmpi ne, %convert_element_type3A_748, %cond3A_749 : i32
      scf.if %cond3A_750 {
        %add3A_813 = arith.constant 96 : i32
        %add3A_814 = arith.addi %add3A_693, %add3A_813 : i32
        %jit3A_815 = arith.constant 16 : i32
        %div3A_816 = arith.divsi %add3A_814, %jit3A_815 : i32
        %sign3A_817 = arith.constant 0 : i32
        %sign3A_818 = arith.cmpi sgt, %add3A_814, %sign3A_817 : i32
        %sign3A_819 = arith.extui %sign3A_818 : i1 to i32
        %sign3A_820 = arith.constant 0 : i32
        %sign3A_821 = arith.cmpi slt, %add3A_814, %sign3A_820 : i32
        %sign3A_822 = arith.extui %sign3A_821 : i1 to i32
        %sign3A_823 = arith.subi %sign3A_819, %sign3A_822 : i32
        %sign3A_824 = arith.constant 0 : i32
        %sign3A_825 = arith.cmpi sgt, %jit3A_815, %sign3A_824 : i32
        %sign3A_826 = arith.extui %sign3A_825 : i1 to i32
        %sign3A_827 = arith.constant 0 : i32
        %sign3A_828 = arith.cmpi slt, %jit3A_815, %sign3A_827 : i32
        %sign3A_829 = arith.extui %sign3A_828 : i1 to i32
        %sign3A_830 = arith.subi %sign3A_826, %sign3A_829 : i32
        %ne3A_831 = arith.cmpi ne, %sign3A_823, %sign3A_830 : i32
        %rem3A_832 = arith.remsi %add3A_814, %jit3A_815 : i32
        %ne3A_833 = arith.constant 0 : i32
        %ne3A_834 = arith.cmpi ne, %rem3A_832, %ne3A_833 : i32
        %and3A_835 = arith.andi %ne3A_831, %ne3A_834 : i1
        %sub3A_836 = arith.constant 1 : i32
        %sub3A_837 = arith.subi %div3A_816, %sub3A_836 : i32
        %select_n3A_838 = arith.select %and3A_835, %sub3A_837, %div3A_816 : i32
        %mul3A_839 = arith.constant 16 : i32
        %mul3A_840 = arith.muli %select_n3A_838, %mul3A_839 : i32
        %sub3A_841 = arith.subi %add3A_814, %mul3A_840 : i32
        %mul3A_842 = arith.constant 8 : i32
        %mul3A_843 = arith.muli %sub3A_841, %mul3A_842 : i32
        %mul3A_844 = arith.constant 8 : i32
        %mul3A_845 = arith.muli %select_n3A_838, %mul3A_844 : i32
        %add3A_846 = arith.constant 0 : i32
        %add3A_847 = arith.addi %mul3A_845, %add3A_846 : i32
        %mul3A_848 = arith.constant 16384 : i32
        %mul3A_849 = arith.muli %add3A_847, %mul3A_848 : i32
        %mul3A_850 = arith.constant 128 : i32
        %mul3A_851 = arith.muli %mul3A_843, %mul3A_850 : i32
        %add3A_852 = arith.addi %mul3A_849, %mul3A_851 : i32
        %dma_start3A_853 = arith.constant 0 : i32
        %dma_start3A_854 = tpu.memref_slice %arg5[%dma_start3A_853] : memref<8192xf32, #tpu.memory_space<vmem>> -> memref<1024xf32, #tpu.memory_space<vmem>>
        %dma_start3A_855 = tpu.memref_slice %arg2[%add3A_852] : memref<3276800xf32, #tpu.memory_space<hbm>> -> memref<1024xf32, #tpu.memory_space<hbm>>
        %dma_start3A_856 = arith.constant 0 : i32
        %dma_start3A_857 = tpu.memref_slice %arg5[%dma_start3A_856] : memref<8192xf32, #tpu.memory_space<vmem>> -> memref<1024xf32, #tpu.memory_space<vmem>>
        %dma_start3A_858 = tpu.memref_slice %arg2[%add3A_852] : memref<3276800xf32, #tpu.memory_space<hbm>> -> memref<1024xf32, #tpu.memory_space<hbm>>
        tpu.enqueue_dma source(%dma_start3A_858 : memref<1024xf32, #tpu.memory_space<hbm>>) target(%dma_start3A_857 : memref<1024xf32, #tpu.memory_space<vmem>>) target_semaphore(%arg11 : memref<!tpu.dma_semaphore, #tpu.memory_space<semaphore_mem>>)
        %mul3A_859 = arith.constant 8 : i32
        %mul3A_860 = arith.muli %select_n3A_838, %mul3A_859 : i32
        %add3A_861 = arith.constant 1 : i32
        %add3A_862 = arith.addi %mul3A_860, %add3A_861 : i32
        %mul3A_863 = arith.constant 16384 : i32
        %mul3A_864 = arith.muli %add3A_862, %mul3A_863 : i32
        %mul3A_865 = arith.constant 128 : i32
        %mul3A_866 = arith.muli %mul3A_843, %mul3A_865 : i32
        %add3A_867 = arith.addi %mul3A_864, %mul3A_866 : i32
        %dma_start3A_868 = arith.constant 1024 : i32
        %dma_start3A_869 = tpu.memref_slice %arg5[%dma_start3A_868] : memref<8192xf32, #tpu.memory_space<vmem>> -> memref<1024xf32, #tpu.memory_space<vmem>>
        %dma_start3A_870 = tpu.memref_slice %arg2[%add3A_867] : memref<3276800xf32, #tpu.memory_space<hbm>> -> memref<1024xf32, #tpu.memory_space<hbm>>
        %dma_start3A_871 = arith.constant 1024 : i32
        %dma_start3A_872 = tpu.memref_slice %arg5[%dma_start3A_871] : memref<8192xf32, #tpu.memory_space<vmem>> -> memref<1024xf32, #tpu.memory_space<vmem>>
        %dma_start3A_873 = tpu.memref_slice %arg2[%add3A_867] : memref<3276800xf32, #tpu.memory_space<hbm>> -> memref<1024xf32, #tpu.memory_space<hbm>>
        tpu.enqueue_dma source(%dma_start3A_873 : memref<1024xf32, #tpu.memory_space<hbm>>) target(%dma_start3A_872 : memref<1024xf32, #tpu.memory_space<vmem>>) target_semaphore(%arg11 : memref<!tpu.dma_semaphore, #tpu.memory_space<semaphore_mem>>)
        %mul3A_874 = arith.constant 8 : i32
        %mul3A_875 = arith.muli %select_n3A_838, %mul3A_874 : i32
        %add3A_876 = arith.constant 2 : i32
        %add3A_877 = arith.addi %mul3A_875, %add3A_876 : i32
        %mul3A_878 = arith.constant 16384 : i32
        %mul3A_879 = arith.muli %add3A_877, %mul3A_878 : i32
        %mul3A_880 = arith.constant 128 : i32
        %mul3A_881 = arith.muli %mul3A_843, %mul3A_880 : i32
        %add3A_882 = arith.addi %mul3A_879, %mul3A_881 : i32
        %dma_start3A_883 = arith.constant 2048 : i32
        %dma_start3A_884 = tpu.memref_slice %arg5[%dma_start3A_883] : memref<8192xf32, #tpu.memory_space<vmem>> -> memref<1024xf32, #tpu.memory_space<vmem>>
        %dma_start3A_885 = tpu.memref_slice %arg2[%add3A_882] : memref<3276800xf32, #tpu.memory_space<hbm>> -> memref<1024xf32, #tpu.memory_space<hbm>>
        %dma_start3A_886 = arith.constant 2048 : i32
        %dma_start3A_887 = tpu.memref_slice %arg5[%dma_start3A_886] : memref<8192xf32, #tpu.memory_space<vmem>> -> memref<1024xf32, #tpu.memory_space<vmem>>
        %dma_start3A_888 = tpu.memref_slice %arg2[%add3A_882] : memref<3276800xf32, #tpu.memory_space<hbm>> -> memref<1024xf32, #tpu.memory_space<hbm>>
        tpu.enqueue_dma source(%dma_start3A_888 : memref<1024xf32, #tpu.memory_space<hbm>>) target(%dma_start3A_887 : memref<1024xf32, #tpu.memory_space<vmem>>) target_semaphore(%arg11 : memref<!tpu.dma_semaphore, #tpu.memory_space<semaphore_mem>>)
        %mul3A_889 = arith.constant 8 : i32
        %mul3A_890 = arith.muli %select_n3A_838, %mul3A_889 : i32
        %add3A_891 = arith.constant 3 : i32
        %add3A_892 = arith.addi %mul3A_890, %add3A_891 : i32
        %mul3A_893 = arith.constant 16384 : i32
        %mul3A_894 = arith.muli %add3A_892, %mul3A_893 : i32
        %mul3A_895 = arith.constant 128 : i32
        %mul3A_896 = arith.muli %mul3A_843, %mul3A_895 : i32
        %add3A_897 = arith.addi %mul3A_894, %mul3A_896 : i32
        %dma_start3A_898 = arith.constant 3072 : i32
        %dma_start3A_899 = tpu.memref_slice %arg5[%dma_start3A_898] : memref<8192xf32, #tpu.memory_space<vmem>> -> memref<1024xf32, #tpu.memory_space<vmem>>
        %dma_start3A_900 = tpu.memref_slice %arg2[%add3A_897] : memref<3276800xf32, #tpu.memory_space<hbm>> -> memref<1024xf32, #tpu.memory_space<hbm>>
        %dma_start3A_901 = arith.constant 3072 : i32
        %dma_start3A_902 = tpu.memref_slice %arg5[%dma_start3A_901] : memref<8192xf32, #tpu.memory_space<vmem>> -> memref<1024xf32, #tpu.memory_space<vmem>>
        %dma_start3A_903 = tpu.memref_slice %arg2[%add3A_897] : memref<3276800xf32, #tpu.memory_space<hbm>> -> memref<1024xf32, #tpu.memory_space<hbm>>
        tpu.enqueue_dma source(%dma_start3A_903 : memref<1024xf32, #tpu.memory_space<hbm>>) target(%dma_start3A_902 : memref<1024xf32, #tpu.memory_space<vmem>>) target_semaphore(%arg11 : memref<!tpu.dma_semaphore, #tpu.memory_space<semaphore_mem>>)
        %mul3A_904 = arith.constant 8 : i32
        %mul3A_905 = arith.muli %select_n3A_838, %mul3A_904 : i32
        %add3A_906 = arith.constant 4 : i32
        %add3A_907 = arith.addi %mul3A_905, %add3A_906 : i32
        %mul3A_908 = arith.constant 16384 : i32
        %mul3A_909 = arith.muli %add3A_907, %mul3A_908 : i32
        %mul3A_910 = arith.constant 128 : i32
        %mul3A_911 = arith.muli %mul3A_843, %mul3A_910 : i32
        %add3A_912 = arith.addi %mul3A_909, %mul3A_911 : i32
        %dma_start3A_913 = arith.constant 4096 : i32
        %dma_start3A_914 = tpu.memref_slice %arg5[%dma_start3A_913] : memref<8192xf32, #tpu.memory_space<vmem>> -> memref<1024xf32, #tpu.memory_space<vmem>>
        %dma_start3A_915 = tpu.memref_slice %arg2[%add3A_912] : memref<3276800xf32, #tpu.memory_space<hbm>> -> memref<1024xf32, #tpu.memory_space<hbm>>
        %dma_start3A_916 = arith.constant 4096 : i32
        %dma_start3A_917 = tpu.memref_slice %arg5[%dma_start3A_916] : memref<8192xf32, #tpu.memory_space<vmem>> -> memref<1024xf32, #tpu.memory_space<vmem>>
        %dma_start3A_918 = tpu.memref_slice %arg2[%add3A_912] : memref<3276800xf32, #tpu.memory_space<hbm>> -> memref<1024xf32, #tpu.memory_space<hbm>>
        tpu.enqueue_dma source(%dma_start3A_918 : memref<1024xf32, #tpu.memory_space<hbm>>) target(%dma_start3A_917 : memref<1024xf32, #tpu.memory_space<vmem>>) target_semaphore(%arg11 : memref<!tpu.dma_semaphore, #tpu.memory_space<semaphore_mem>>)
        %mul3A_919 = arith.constant 8 : i32
        %mul3A_920 = arith.muli %select_n3A_838, %mul3A_919 : i32
        %add3A_921 = arith.constant 5 : i32
        %add3A_922 = arith.addi %mul3A_920, %add3A_921 : i32
        %mul3A_923 = arith.constant 16384 : i32
        %mul3A_924 = arith.muli %add3A_922, %mul3A_923 : i32
        %mul3A_925 = arith.constant 128 : i32
        %mul3A_926 = arith.muli %mul3A_843, %mul3A_925 : i32
        %add3A_927 = arith.addi %mul3A_924, %mul3A_926 : i32
        %dma_start3A_928 = arith.constant 5120 : i32
        %dma_start3A_929 = tpu.memref_slice %arg5[%dma_start3A_928] : memref<8192xf32, #tpu.memory_space<vmem>> -> memref<1024xf32, #tpu.memory_space<vmem>>
        %dma_start3A_930 = tpu.memref_slice %arg2[%add3A_927] : memref<3276800xf32, #tpu.memory_space<hbm>> -> memref<1024xf32, #tpu.memory_space<hbm>>
        %dma_start3A_931 = arith.constant 5120 : i32
        %dma_start3A_932 = tpu.memref_slice %arg5[%dma_start3A_931] : memref<8192xf32, #tpu.memory_space<vmem>> -> memref<1024xf32, #tpu.memory_space<vmem>>
        %dma_start3A_933 = tpu.memref_slice %arg2[%add3A_927] : memref<3276800xf32, #tpu.memory_space<hbm>> -> memref<1024xf32, #tpu.memory_space<hbm>>
        tpu.enqueue_dma source(%dma_start3A_933 : memref<1024xf32, #tpu.memory_space<hbm>>) target(%dma_start3A_932 : memref<1024xf32, #tpu.memory_space<vmem>>) target_semaphore(%arg11 : memref<!tpu.dma_semaphore, #tpu.memory_space<semaphore_mem>>)
        %mul3A_934 = arith.constant 8 : i32
        %mul3A_935 = arith.muli %select_n3A_838, %mul3A_934 : i32
        %add3A_936 = arith.constant 6 : i32
        %add3A_937 = arith.addi %mul3A_935, %add3A_936 : i32
        %mul3A_938 = arith.constant 16384 : i32
        %mul3A_939 = arith.muli %add3A_937, %mul3A_938 : i32
        %mul3A_940 = arith.constant 128 : i32
        %mul3A_941 = arith.muli %mul3A_843, %mul3A_940 : i32
        %add3A_942 = arith.addi %mul3A_939, %mul3A_941 : i32
        %dma_start3A_943 = arith.constant 6144 : i32
        %dma_start3A_944 = tpu.memref_slice %arg5[%dma_start3A_943] : memref<8192xf32, #tpu.memory_space<vmem>> -> memref<1024xf32, #tpu.memory_space<vmem>>
        %dma_start3A_945 = tpu.memref_slice %arg2[%add3A_942] : memref<3276800xf32, #tpu.memory_space<hbm>> -> memref<1024xf32, #tpu.memory_space<hbm>>
        %dma_start3A_946 = arith.constant 6144 : i32
        %dma_start3A_947 = tpu.memref_slice %arg5[%dma_start3A_946] : memref<8192xf32, #tpu.memory_space<vmem>> -> memref<1024xf32, #tpu.memory_space<vmem>>
        %dma_start3A_948 = tpu.memref_slice %arg2[%add3A_942] : memref<3276800xf32, #tpu.memory_space<hbm>> -> memref<1024xf32, #tpu.memory_space<hbm>>
        tpu.enqueue_dma source(%dma_start3A_948 : memref<1024xf32, #tpu.memory_space<hbm>>) target(%dma_start3A_947 : memref<1024xf32, #tpu.memory_space<vmem>>) target_semaphore(%arg11 : memref<!tpu.dma_semaphore, #tpu.memory_space<semaphore_mem>>)
        %mul3A_949 = arith.constant 8 : i32
        %mul3A_950 = arith.muli %select_n3A_838, %mul3A_949 : i32
        %add3A_951 = arith.constant 7 : i32
        %add3A_952 = arith.addi %mul3A_950, %add3A_951 : i32
        %mul3A_953 = arith.constant 16384 : i32
        %mul3A_954 = arith.muli %add3A_952, %mul3A_953 : i32
        %mul3A_955 = arith.constant 128 : i32
        %mul3A_956 = arith.muli %mul3A_843, %mul3A_955 : i32
        %add3A_957 = arith.addi %mul3A_954, %mul3A_956 : i32
        %dma_start3A_958 = arith.constant 7168 : i32
        %dma_start3A_959 = tpu.memref_slice %arg5[%dma_start3A_958] : memref<8192xf32, #tpu.memory_space<vmem>> -> memref<1024xf32, #tpu.memory_space<vmem>>
        %dma_start3A_960 = tpu.memref_slice %arg2[%add3A_957] : memref<3276800xf32, #tpu.memory_space<hbm>> -> memref<1024xf32, #tpu.memory_space<hbm>>
        %dma_start3A_961 = arith.constant 7168 : i32
        %dma_start3A_962 = tpu.memref_slice %arg5[%dma_start3A_961] : memref<8192xf32, #tpu.memory_space<vmem>> -> memref<1024xf32, #tpu.memory_space<vmem>>
        %dma_start3A_963 = tpu.memref_slice %arg2[%add3A_957] : memref<3276800xf32, #tpu.memory_space<hbm>> -> memref<1024xf32, #tpu.memory_space<hbm>>
        tpu.enqueue_dma source(%dma_start3A_963 : memref<1024xf32, #tpu.memory_space<hbm>>) target(%dma_start3A_962 : memref<1024xf32, #tpu.memory_space<vmem>>) target_semaphore(%arg11 : memref<!tpu.dma_semaphore, #tpu.memory_space<semaphore_mem>>)
      } else {
      }
      %add3A_751 = arith.constant 2 : i32
      %add3A_752 = arith.addi %add3A_628, %add3A_751 : i32
      %mul3A_753 = arith.constant 32 : i32
      %mul3A_754 = arith.muli %mul3A_753, %add3A_752 : i32
      %add3A_755 = arith.addi %add3A, %mul3A_754 : i32
      %dma_wait3A_756 = arith.constant 0 : i32
      %dma_wait3A_757 = tpu.memref_slice %arg2[%dma_wait3A_756] : memref<3276800xf32, #tpu.memory_space<hbm>> -> memref<8192xf32, #tpu.memory_space<hbm>>
      %dma_wait3A_758 = arith.constant 0 : i32
      %dma_wait3A_759 = tpu.memref_slice %arg2[%dma_wait3A_758] : memref<3276800xf32, #tpu.memory_space<hbm>> -> memref<8192xf32, #tpu.memory_space<hbm>>
      tpu.wait_dma2 semaphore(%arg12 : memref<!tpu.dma_semaphore, #tpu.memory_space<semaphore_mem>>) src(%dma_wait3A_759 : memref<8192xf32, #tpu.memory_space<hbm>>) dst(%arg6 : memref<8192xf32, #tpu.memory_space<vmem>>)
      %ge3A_760 = arith.constant 3 : i32
      %ge3A_761 = arith.cmpi sge, %add3A_752, %ge3A_760 : i32
      %convert_element_type3A_762 = arith.extui %ge3A_761 : i1 to i32
      %cond3A_763 = arith.constant 0 : i32
      %cond3A_764 = arith.cmpi ne, %convert_element_type3A_762, %cond3A_763 : i32
      scf.if %cond3A_764 {
        %sub3A_813 = arith.constant 96 : i32
        %sub3A_814 = arith.subi %add3A_755, %sub3A_813 : i32
        %jit3A_815 = arith.constant 16 : i32
        %div3A_816 = arith.divsi %sub3A_814, %jit3A_815 : i32
        %sign3A_817 = arith.constant 0 : i32
        %sign3A_818 = arith.cmpi sgt, %sub3A_814, %sign3A_817 : i32
        %sign3A_819 = arith.extui %sign3A_818 : i1 to i32
        %sign3A_820 = arith.constant 0 : i32
        %sign3A_821 = arith.cmpi slt, %sub3A_814, %sign3A_820 : i32
        %sign3A_822 = arith.extui %sign3A_821 : i1 to i32
        %sign3A_823 = arith.subi %sign3A_819, %sign3A_822 : i32
        %sign3A_824 = arith.constant 0 : i32
        %sign3A_825 = arith.cmpi sgt, %jit3A_815, %sign3A_824 : i32
        %sign3A_826 = arith.extui %sign3A_825 : i1 to i32
        %sign3A_827 = arith.constant 0 : i32
        %sign3A_828 = arith.cmpi slt, %jit3A_815, %sign3A_827 : i32
        %sign3A_829 = arith.extui %sign3A_828 : i1 to i32
        %sign3A_830 = arith.subi %sign3A_826, %sign3A_829 : i32
        %ne3A_831 = arith.cmpi ne, %sign3A_823, %sign3A_830 : i32
        %rem3A_832 = arith.remsi %sub3A_814, %jit3A_815 : i32
        %ne3A_833 = arith.constant 0 : i32
        %ne3A_834 = arith.cmpi ne, %rem3A_832, %ne3A_833 : i32
        %and3A_835 = arith.andi %ne3A_831, %ne3A_834 : i1
        %sub3A_836 = arith.constant 1 : i32
        %sub3A_837 = arith.subi %div3A_816, %sub3A_836 : i32
        %select_n3A_838 = arith.select %and3A_835, %sub3A_837, %div3A_816 : i32
        %mul3A_839 = arith.constant 16 : i32
        %mul3A_840 = arith.muli %select_n3A_838, %mul3A_839 : i32
        %sub3A_841 = arith.subi %sub3A_814, %mul3A_840 : i32
        %mul3A_842 = arith.constant 8 : i32
        %mul3A_843 = arith.muli %sub3A_841, %mul3A_842 : i32
        %mul3A_844 = arith.constant 131072 : i32
        %mul3A_845 = arith.muli %select_n3A_838, %mul3A_844 : i32
        %mul3A_846 = arith.constant 8 : i32
        %mul3A_847 = arith.muli %mul3A_843, %mul3A_846 : i32
        %mul3A_848 = arith.constant 128 : i32
        %mul3A_849 = arith.muli %mul3A_847, %mul3A_848 : i32
        %add3A_850 = arith.addi %mul3A_845, %mul3A_849 : i32
        %dma_wait3A_851 = tpu.memref_slice %arg3[%add3A_850] : memref<3276800xi32, #tpu.memory_space<hbm>> -> memref<8192xi32, #tpu.memory_space<hbm>>
        %dma_wait3A_852 = tpu.memref_slice %arg3[%add3A_850] : memref<3276800xi32, #tpu.memory_space<hbm>> -> memref<8192xi32, #tpu.memory_space<hbm>>
        tpu.wait_dma2 semaphore(%arg15 : memref<!tpu.dma_semaphore, #tpu.memory_space<semaphore_mem>>) src(%arg9 : memref<8192xi32, #tpu.memory_space<vmem>>) dst(%dma_wait3A_852 : memref<8192xi32, #tpu.memory_space<hbm>>)
      } else {
      }
      %parallel_loop3A_765 = arith.constant 0 : i32
      %parallel_loop3A_766 = arith.constant 64 : i32
      %parallel_loop3A_767 = arith.constant 1 : i32
      scf.for %parallel_loop3A_813 = %parallel_loop3A_765 to %parallel_loop3A_766 step %parallel_loop3A_767  : i32 {
        %parallel_loop3A_814 = arith.constant 8 : i32
        %parallel_loop3A_815 = arith.divsi %parallel_loop3A_813, %parallel_loop3A_814 : i32
        %parallel_loop3A_816 = arith.constant 0 : i32
        %parallel_loop3A_817 = arith.cmpi sgt, %parallel_loop3A_813, %parallel_loop3A_816 : i32
        %parallel_loop3A_818 = arith.extui %parallel_loop3A_817 : i1 to i32
        %parallel_loop3A_819 = arith.constant 0 : i32
        %parallel_loop3A_820 = arith.cmpi slt, %parallel_loop3A_813, %parallel_loop3A_819 : i32
        %parallel_loop3A_821 = arith.extui %parallel_loop3A_820 : i1 to i32
        %parallel_loop3A_822 = arith.subi %parallel_loop3A_818, %parallel_loop3A_821 : i32
        %parallel_loop3A_823 = arith.constant 0 : i32
        %parallel_loop3A_824 = arith.cmpi sgt, %parallel_loop3A_814, %parallel_loop3A_823 : i32
        %parallel_loop3A_825 = arith.extui %parallel_loop3A_824 : i1 to i32
        %parallel_loop3A_826 = arith.constant 0 : i32
        %parallel_loop3A_827 = arith.cmpi slt, %parallel_loop3A_814, %parallel_loop3A_826 : i32
        %parallel_loop3A_828 = arith.extui %parallel_loop3A_827 : i1 to i32
        %parallel_loop3A_829 = arith.subi %parallel_loop3A_825, %parallel_loop3A_828 : i32
        %parallel_loop3A_830 = arith.cmpi ne, %parallel_loop3A_822, %parallel_loop3A_829 : i32
        %parallel_loop3A_831 = arith.remsi %parallel_loop3A_813, %parallel_loop3A_814 : i32
        %parallel_loop3A_832 = arith.constant 0 : i32
        %parallel_loop3A_833 = arith.cmpi ne, %parallel_loop3A_831, %parallel_loop3A_832 : i32
        %parallel_loop3A_834 = arith.andi %parallel_loop3A_830, %parallel_loop3A_833 : i1
        %parallel_loop3A_835 = arith.constant 1 : i32
        %parallel_loop3A_836 = arith.subi %parallel_loop3A_815, %parallel_loop3A_835 : i32
        %parallel_loop3A_837 = arith.select %parallel_loop3A_834, %parallel_loop3A_836, %parallel_loop3A_815 : i32
        %parallel_loop3A_838 = arith.constant 8 : i32
        %parallel_loop3A_839 = arith.muli %parallel_loop3A_837, %parallel_loop3A_838 : i32
        %parallel_loop3A_840 = arith.subi %parallel_loop3A_813, %parallel_loop3A_839 : i32
        %parallel_loop3A_841 = arith.constant 8 : i32
        %parallel_loop3A_842 = arith.muli %parallel_loop3A_840, %parallel_loop3A_841 : i32
        %parallel_loop3A_843 = arith.addi %parallel_loop3A_842, %parallel_loop3A_837 : i32
        %parallel_loop3A_844 = arith.constant 128 : i32
        %parallel_loop3A_845 = arith.muli %parallel_loop3A_813, %parallel_loop3A_844 : i32
        %parallel_loop3A_846 = arith.constant 0 : i32
        %parallel_loop3A_847 = arith.addi %parallel_loop3A_845, %parallel_loop3A_846 : i32
        %parallel_loop3A_848 = arith.index_cast %parallel_loop3A_847 : i32 to index
        %parallel_loop3A_849 = tpu.vector_load %arg6[%parallel_loop3A_848] {strides = array<i32>} : memref<8192xf32, #tpu.memory_space<vmem>>, vector<16xf32>,
        %parallel_loop3A_850 = vector.shape_cast %parallel_loop3A_849 : vector<16xf32> to vector<16xf32>
        %parallel_loop3A_851 = arith.constant 9.990000e+02 : f32
        %parallel_loop3A_852 = vector.broadcast %parallel_loop3A_851 : f32 to vector<16xf32>
        %parallel_loop3A_853 = arith.mulf %parallel_loop3A_850, %parallel_loop3A_852 : vector<16xf32>
        %parallel_loop3A_854 = arith.constant 0x4B400000 : f32
        %parallel_loop3A_855 = vector.broadcast %parallel_loop3A_854 : f32 to vector<16xf32>
        %parallel_loop3A_856 = arith.addf %parallel_loop3A_853, %parallel_loop3A_855 : vector<16xf32>
        %parallel_loop3A_857 = arith.constant 0x4B400000 : f32
        %parallel_loop3A_858 = vector.broadcast %parallel_loop3A_857 : f32 to vector<16xf32>
        %parallel_loop3A_859 = arith.subf %parallel_loop3A_856, %parallel_loop3A_858 : vector<16xf32>
        %parallel_loop3A_860 = arith.fptosi %parallel_loop3A_859 : vector<16xf32> to vector<16xi32>
        %parallel_loop3A_861 = arith.constant 128 : i32
        %parallel_loop3A_862 = arith.muli %parallel_loop3A_843, %parallel_loop3A_861 : i32
        %parallel_loop3A_863 = arith.constant 0 : i32
        %parallel_loop3A_864 = arith.addi %parallel_loop3A_862, %parallel_loop3A_863 : i32
        %parallel_loop3A_865 = arith.index_cast %parallel_loop3A_864 : i32 to index
        %parallel_loop3A_866 = tpu.vector_load %arg9[%parallel_loop3A_865] {strides = array<i32>} : memref<8192xi32, #tpu.memory_space<vmem>>, vector<16xi32>,
        %parallel_loop3A_867 = vector.shape_cast %parallel_loop3A_866 : vector<16xi32> to vector<16xi32>
        %parallel_loop3A_868 = vector.shape_cast %parallel_loop3A_860 : vector<16xi32> to vector<16xi32>
        tpu.vector_store %arg9[%parallel_loop3A_865], %parallel_loop3A_868 {strides = array<i32>} : memref<8192xi32, #tpu.memory_space<vmem>>, vector<16xi32>,
        %parallel_loop3A_869 = arith.constant 128 : i32
        %parallel_loop3A_870 = arith.muli %parallel_loop3A_813, %parallel_loop3A_869 : i32
        %parallel_loop3A_871 = arith.constant 16 : i32
        %parallel_loop3A_872 = arith.addi %parallel_loop3A_870, %parallel_loop3A_871 : i32
        %parallel_loop3A_873 = arith.index_cast %parallel_loop3A_872 : i32 to index
        %parallel_loop3A_874 = tpu.vector_load %arg6[%parallel_loop3A_873] {strides = array<i32>} : memref<8192xf32, #tpu.memory_space<vmem>>, vector<16xf32>,
        %parallel_loop3A_875 = vector.shape_cast %parallel_loop3A_874 : vector<16xf32> to vector<16xf32>
        %parallel_loop3A_876 = arith.constant 9.990000e+02 : f32
        %parallel_loop3A_877 = vector.broadcast %parallel_loop3A_876 : f32 to vector<16xf32>
        %parallel_loop3A_878 = arith.mulf %parallel_loop3A_875, %parallel_loop3A_877 : vector<16xf32>
        %parallel_loop3A_879 = arith.constant 0x4B400000 : f32
        %parallel_loop3A_880 = vector.broadcast %parallel_loop3A_879 : f32 to vector<16xf32>
        %parallel_loop3A_881 = arith.addf %parallel_loop3A_878, %parallel_loop3A_880 : vector<16xf32>
        %parallel_loop3A_882 = arith.constant 0x4B400000 : f32
        %parallel_loop3A_883 = vector.broadcast %parallel_loop3A_882 : f32 to vector<16xf32>
        %parallel_loop3A_884 = arith.subf %parallel_loop3A_881, %parallel_loop3A_883 : vector<16xf32>
        %parallel_loop3A_885 = arith.fptosi %parallel_loop3A_884 : vector<16xf32> to vector<16xi32>
        %parallel_loop3A_886 = arith.constant 128 : i32
        %parallel_loop3A_887 = arith.muli %parallel_loop3A_843, %parallel_loop3A_886 : i32
        %parallel_loop3A_888 = arith.constant 16 : i32
        %parallel_loop3A_889 = arith.addi %parallel_loop3A_887, %parallel_loop3A_888 : i32
        %parallel_loop3A_890 = arith.index_cast %parallel_loop3A_889 : i32 to index
        %parallel_loop3A_891 = tpu.vector_load %arg9[%parallel_loop3A_890] {strides = array<i32>} : memref<8192xi32, #tpu.memory_space<vmem>>, vector<16xi32>,
        %parallel_loop3A_892 = vector.shape_cast %parallel_loop3A_891 : vector<16xi32> to vector<16xi32>
        %parallel_loop3A_893 = vector.shape_cast %parallel_loop3A_885 : vector<16xi32> to vector<16xi32>
        tpu.vector_store %arg9[%parallel_loop3A_890], %parallel_loop3A_893 {strides = array<i32>} : memref<8192xi32, #tpu.memory_space<vmem>>, vector<16xi32>,
        %parallel_loop3A_894 = arith.constant 128 : i32
        %parallel_loop3A_895 = arith.muli %parallel_loop3A_813, %parallel_loop3A_894 : i32
        %parallel_loop3A_896 = arith.constant 32 : i32
        %parallel_loop3A_897 = arith.addi %parallel_loop3A_895, %parallel_loop3A_896 : i32
        %parallel_loop3A_898 = arith.index_cast %parallel_loop3A_897 : i32 to index
        %parallel_loop3A_899 = tpu.vector_load %arg6[%parallel_loop3A_898] {strides = array<i32>} : memref<8192xf32, #tpu.memory_space<vmem>>, vector<16xf32>,
        %parallel_loop3A_900 = vector.shape_cast %parallel_loop3A_899 : vector<16xf32> to vector<16xf32>
        %parallel_loop3A_901 = arith.constant 9.990000e+02 : f32
        %parallel_loop3A_902 = vector.broadcast %parallel_loop3A_901 : f32 to vector<16xf32>
        %parallel_loop3A_903 = arith.mulf %parallel_loop3A_900, %parallel_loop3A_902 : vector<16xf32>
        %parallel_loop3A_904 = arith.constant 0x4B400000 : f32
        %parallel_loop3A_905 = vector.broadcast %parallel_loop3A_904 : f32 to vector<16xf32>
        %parallel_loop3A_906 = arith.addf %parallel_loop3A_903, %parallel_loop3A_905 : vector<16xf32>
        %parallel_loop3A_907 = arith.constant 0x4B400000 : f32
        %parallel_loop3A_908 = vector.broadcast %parallel_loop3A_907 : f32 to vector<16xf32>
        %parallel_loop3A_909 = arith.subf %parallel_loop3A_906, %parallel_loop3A_908 : vector<16xf32>
        %parallel_loop3A_910 = arith.fptosi %parallel_loop3A_909 : vector<16xf32> to vector<16xi32>
        %parallel_loop3A_911 = arith.constant 128 : i32
        %parallel_loop3A_912 = arith.muli %parallel_loop3A_843, %parallel_loop3A_911 : i32
        %parallel_loop3A_913 = arith.constant 32 : i32
        %parallel_loop3A_914 = arith.addi %parallel_loop3A_912, %parallel_loop3A_913 : i32
        %parallel_loop3A_915 = arith.index_cast %parallel_loop3A_914 : i32 to index
        %parallel_loop3A_916 = tpu.vector_load %arg9[%parallel_loop3A_915] {strides = array<i32>} : memref<8192xi32, #tpu.memory_space<vmem>>, vector<16xi32>,
        %parallel_loop3A_917 = vector.shape_cast %parallel_loop3A_916 : vector<16xi32> to vector<16xi32>
        %parallel_loop3A_918 = vector.shape_cast %parallel_loop3A_910 : vector<16xi32> to vector<16xi32>
        tpu.vector_store %arg9[%parallel_loop3A_915], %parallel_loop3A_918 {strides = array<i32>} : memref<8192xi32, #tpu.memory_space<vmem>>, vector<16xi32>,
        %parallel_loop3A_919 = arith.constant 128 : i32
        %parallel_loop3A_920 = arith.muli %parallel_loop3A_813, %parallel_loop3A_919 : i32
        %parallel_loop3A_921 = arith.constant 48 : i32
        %parallel_loop3A_922 = arith.addi %parallel_loop3A_920, %parallel_loop3A_921 : i32
        %parallel_loop3A_923 = arith.index_cast %parallel_loop3A_922 : i32 to index
        %parallel_loop3A_924 = tpu.vector_load %arg6[%parallel_loop3A_923] {strides = array<i32>} : memref<8192xf32, #tpu.memory_space<vmem>>, vector<16xf32>,
        %parallel_loop3A_925 = vector.shape_cast %parallel_loop3A_924 : vector<16xf32> to vector<16xf32>
        %parallel_loop3A_926 = arith.constant 9.990000e+02 : f32
        %parallel_loop3A_927 = vector.broadcast %parallel_loop3A_926 : f32 to vector<16xf32>
        %parallel_loop3A_928 = arith.mulf %parallel_loop3A_925, %parallel_loop3A_927 : vector<16xf32>
        %parallel_loop3A_929 = arith.constant 0x4B400000 : f32
        %parallel_loop3A_930 = vector.broadcast %parallel_loop3A_929 : f32 to vector<16xf32>
        %parallel_loop3A_931 = arith.addf %parallel_loop3A_928, %parallel_loop3A_930 : vector<16xf32>
        %parallel_loop3A_932 = arith.constant 0x4B400000 : f32
        %parallel_loop3A_933 = vector.broadcast %parallel_loop3A_932 : f32 to vector<16xf32>
        %parallel_loop3A_934 = arith.subf %parallel_loop3A_931, %parallel_loop3A_933 : vector<16xf32>
        %parallel_loop3A_935 = arith.fptosi %parallel_loop3A_934 : vector<16xf32> to vector<16xi32>
        %parallel_loop3A_936 = arith.constant 128 : i32
        %parallel_loop3A_937 = arith.muli %parallel_loop3A_843, %parallel_loop3A_936 : i32
        %parallel_loop3A_938 = arith.constant 48 : i32
        %parallel_loop3A_939 = arith.addi %parallel_loop3A_937, %parallel_loop3A_938 : i32
        %parallel_loop3A_940 = arith.index_cast %parallel_loop3A_939 : i32 to index
        %parallel_loop3A_941 = tpu.vector_load %arg9[%parallel_loop3A_940] {strides = array<i32>} : memref<8192xi32, #tpu.memory_space<vmem>>, vector<16xi32>,
        %parallel_loop3A_942 = vector.shape_cast %parallel_loop3A_941 : vector<16xi32> to vector<16xi32>
        %parallel_loop3A_943 = vector.shape_cast %parallel_loop3A_935 : vector<16xi32> to vector<16xi32>
        tpu.vector_store %arg9[%parallel_loop3A_940], %parallel_loop3A_943 {strides = array<i32>} : memref<8192xi32, #tpu.memory_space<vmem>>, vector<16xi32>,
        %parallel_loop3A_944 = arith.constant 128 : i32
        %parallel_loop3A_945 = arith.muli %parallel_loop3A_813, %parallel_loop3A_944 : i32
        %parallel_loop3A_946 = arith.constant 64 : i32
        %parallel_loop3A_947 = arith.addi %parallel_loop3A_945, %parallel_loop3A_946 : i32
        %parallel_loop3A_948 = arith.index_cast %parallel_loop3A_947 : i32 to index
        %parallel_loop3A_949 = tpu.vector_load %arg6[%parallel_loop3A_948] {strides = array<i32>} : memref<8192xf32, #tpu.memory_space<vmem>>, vector<16xf32>,
        %parallel_loop3A_950 = vector.shape_cast %parallel_loop3A_949 : vector<16xf32> to vector<16xf32>
        %parallel_loop3A_951 = arith.constant 9.990000e+02 : f32
        %parallel_loop3A_952 = vector.broadcast %parallel_loop3A_951 : f32 to vector<16xf32>
        %parallel_loop3A_953 = arith.mulf %parallel_loop3A_950, %parallel_loop3A_952 : vector<16xf32>
        %parallel_loop3A_954 = arith.constant 0x4B400000 : f32
        %parallel_loop3A_955 = vector.broadcast %parallel_loop3A_954 : f32 to vector<16xf32>
        %parallel_loop3A_956 = arith.addf %parallel_loop3A_953, %parallel_loop3A_955 : vector<16xf32>
        %parallel_loop3A_957 = arith.constant 0x4B400000 : f32
        %parallel_loop3A_958 = vector.broadcast %parallel_loop3A_957 : f32 to vector<16xf32>
        %parallel_loop3A_959 = arith.subf %parallel_loop3A_956, %parallel_loop3A_958 : vector<16xf32>
        %parallel_loop3A_960 = arith.fptosi %parallel_loop3A_959 : vector<16xf32> to vector<16xi32>
        %parallel_loop3A_961 = arith.constant 128 : i32
        %parallel_loop3A_962 = arith.muli %parallel_loop3A_843, %parallel_loop3A_961 : i32
        %parallel_loop3A_963 = arith.constant 64 : i32
        %parallel_loop3A_964 = arith.addi %parallel_loop3A_962, %parallel_loop3A_963 : i32
        %parallel_loop3A_965 = arith.index_cast %parallel_loop3A_964 : i32 to index
        %parallel_loop3A_966 = tpu.vector_load %arg9[%parallel_loop3A_965] {strides = array<i32>} : memref<8192xi32, #tpu.memory_space<vmem>>, vector<16xi32>,
        %parallel_loop3A_967 = vector.shape_cast %parallel_loop3A_966 : vector<16xi32> to vector<16xi32>
        %parallel_loop3A_968 = vector.shape_cast %parallel_loop3A_960 : vector<16xi32> to vector<16xi32>
        tpu.vector_store %arg9[%parallel_loop3A_965], %parallel_loop3A_968 {strides = array<i32>} : memref<8192xi32, #tpu.memory_space<vmem>>, vector<16xi32>,
        %parallel_loop3A_969 = arith.constant 128 : i32
        %parallel_loop3A_970 = arith.muli %parallel_loop3A_813, %parallel_loop3A_969 : i32
        %parallel_loop3A_971 = arith.constant 80 : i32
        %parallel_loop3A_972 = arith.addi %parallel_loop3A_970, %parallel_loop3A_971 : i32
        %parallel_loop3A_973 = arith.index_cast %parallel_loop3A_972 : i32 to index
        %parallel_loop3A_974 = tpu.vector_load %arg6[%parallel_loop3A_973] {strides = array<i32>} : memref<8192xf32, #tpu.memory_space<vmem>>, vector<16xf32>,
        %parallel_loop3A_975 = vector.shape_cast %parallel_loop3A_974 : vector<16xf32> to vector<16xf32>
        %parallel_loop3A_976 = arith.constant 9.990000e+02 : f32
        %parallel_loop3A_977 = vector.broadcast %parallel_loop3A_976 : f32 to vector<16xf32>
        %parallel_loop3A_978 = arith.mulf %parallel_loop3A_975, %parallel_loop3A_977 : vector<16xf32>
        %parallel_loop3A_979 = arith.constant 0x4B400000 : f32
        %parallel_loop3A_980 = vector.broadcast %parallel_loop3A_979 : f32 to vector<16xf32>
        %parallel_loop3A_981 = arith.addf %parallel_loop3A_978, %parallel_loop3A_980 : vector<16xf32>
        %parallel_loop3A_982 = arith.constant 0x4B400000 : f32
        %parallel_loop3A_983 = vector.broadcast %parallel_loop3A_982 : f32 to vector<16xf32>
        %parallel_loop3A_984 = arith.subf %parallel_loop3A_981, %parallel_loop3A_983 : vector<16xf32>
        %parallel_loop3A_985 = arith.fptosi %parallel_loop3A_984 : vector<16xf32> to vector<16xi32>
        %parallel_loop3A_986 = arith.constant 128 : i32
        %parallel_loop3A_987 = arith.muli %parallel_loop3A_843, %parallel_loop3A_986 : i32
        %parallel_loop3A_988 = arith.constant 80 : i32
        %parallel_loop3A_989 = arith.addi %parallel_loop3A_987, %parallel_loop3A_988 : i32
        %parallel_loop3A_990 = arith.index_cast %parallel_loop3A_989 : i32 to index
        %parallel_loop3A_991 = tpu.vector_load %arg9[%parallel_loop3A_990] {strides = array<i32>} : memref<8192xi32, #tpu.memory_space<vmem>>, vector<16xi32>,
        %parallel_loop3A_992 = vector.shape_cast %parallel_loop3A_991 : vector<16xi32> to vector<16xi32>
        %parallel_loop3A_993 = vector.shape_cast %parallel_loop3A_985 : vector<16xi32> to vector<16xi32>
        tpu.vector_store %arg9[%parallel_loop3A_990], %parallel_loop3A_993 {strides = array<i32>} : memref<8192xi32, #tpu.memory_space<vmem>>, vector<16xi32>,
        %parallel_loop3A_994 = arith.constant 128 : i32
        %parallel_loop3A_995 = arith.muli %parallel_loop3A_813, %parallel_loop3A_994 : i32
        %parallel_loop3A_996 = arith.constant 96 : i32
        %parallel_loop3A_997 = arith.addi %parallel_loop3A_995, %parallel_loop3A_996 : i32
        %parallel_loop3A_998 = arith.index_cast %parallel_loop3A_997 : i32 to index
        %parallel_loop3A_999 = tpu.vector_load %arg6[%parallel_loop3A_998] {strides = array<i32>} : memref<8192xf32, #tpu.memory_space<vmem>>, vector<16xf32>,
        %parallel_loop3A_1000 = vector.shape_cast %parallel_loop3A_999 : vector<16xf32> to vector<16xf32>
        %parallel_loop3A_1001 = arith.constant 9.990000e+02 : f32
        %parallel_loop3A_1002 = vector.broadcast %parallel_loop3A_1001 : f32 to vector<16xf32>
        %parallel_loop3A_1003 = arith.mulf %parallel_loop3A_1000, %parallel_loop3A_1002 : vector<16xf32>
        %parallel_loop3A_1004 = arith.constant 0x4B400000 : f32
        %parallel_loop3A_1005 = vector.broadcast %parallel_loop3A_1004 : f32 to vector<16xf32>
        %parallel_loop3A_1006 = arith.addf %parallel_loop3A_1003, %parallel_loop3A_1005 : vector<16xf32>
        %parallel_loop3A_1007 = arith.constant 0x4B400000 : f32
        %parallel_loop3A_1008 = vector.broadcast %parallel_loop3A_1007 : f32 to vector<16xf32>
        %parallel_loop3A_1009 = arith.subf %parallel_loop3A_1006, %parallel_loop3A_1008 : vector<16xf32>
        %parallel_loop3A_1010 = arith.fptosi %parallel_loop3A_1009 : vector<16xf32> to vector<16xi32>
        %parallel_loop3A_1011 = arith.constant 128 : i32
        %parallel_loop3A_1012 = arith.muli %parallel_loop3A_843, %parallel_loop3A_1011 : i32
        %parallel_loop3A_1013 = arith.constant 96 : i32
        %parallel_loop3A_1014 = arith.addi %parallel_loop3A_1012, %parallel_loop3A_1013 : i32
        %parallel_loop3A_1015 = arith.index_cast %parallel_loop3A_1014 : i32 to index
        %parallel_loop3A_1016 = tpu.vector_load %arg9[%parallel_loop3A_1015] {strides = array<i32>} : memref<8192xi32, #tpu.memory_space<vmem>>, vector<16xi32>,
        %parallel_loop3A_1017 = vector.shape_cast %parallel_loop3A_1016 : vector<16xi32> to vector<16xi32>
        %parallel_loop3A_1018 = vector.shape_cast %parallel_loop3A_1010 : vector<16xi32> to vector<16xi32>
        tpu.vector_store %arg9[%parallel_loop3A_1015], %parallel_loop3A_1018 {strides = array<i32>} : memref<8192xi32, #tpu.memory_space<vmem>>, vector<16xi32>,
        %parallel_loop3A_1019 = arith.constant 128 : i32
        %parallel_loop3A_1020 = arith.muli %parallel_loop3A_813, %parallel_loop3A_1019 : i32
        %parallel_loop3A_1021 = arith.constant 112 : i32
        %parallel_loop3A_1022 = arith.addi %parallel_loop3A_1020, %parallel_loop3A_1021 : i32
        %parallel_loop3A_1023 = arith.index_cast %parallel_loop3A_1022 : i32 to index
        %parallel_loop3A_1024 = tpu.vector_load %arg6[%parallel_loop3A_1023] {strides = array<i32>} : memref<8192xf32, #tpu.memory_space<vmem>>, vector<16xf32>,
        %parallel_loop3A_1025 = vector.shape_cast %parallel_loop3A_1024 : vector<16xf32> to vector<16xf32>
        %parallel_loop3A_1026 = arith.constant 9.990000e+02 : f32
        %parallel_loop3A_1027 = vector.broadcast %parallel_loop3A_1026 : f32 to vector<16xf32>
        %parallel_loop3A_1028 = arith.mulf %parallel_loop3A_1025, %parallel_loop3A_1027 : vector<16xf32>
        %parallel_loop3A_1029 = arith.constant 0x4B400000 : f32
        %parallel_loop3A_1030 = vector.broadcast %parallel_loop3A_1029 : f32 to vector<16xf32>
        %parallel_loop3A_1031 = arith.addf %parallel_loop3A_1028, %parallel_loop3A_1030 : vector<16xf32>
        %parallel_loop3A_1032 = arith.constant 0x4B400000 : f32
        %parallel_loop3A_1033 = vector.broadcast %parallel_loop3A_1032 : f32 to vector<16xf32>
        %parallel_loop3A_1034 = arith.subf %parallel_loop3A_1031, %parallel_loop3A_1033 : vector<16xf32>
        %parallel_loop3A_1035 = arith.fptosi %parallel_loop3A_1034 : vector<16xf32> to vector<16xi32>
        %parallel_loop3A_1036 = arith.constant 128 : i32
        %parallel_loop3A_1037 = arith.muli %parallel_loop3A_843, %parallel_loop3A_1036 : i32
        %parallel_loop3A_1038 = arith.constant 112 : i32
        %parallel_loop3A_1039 = arith.addi %parallel_loop3A_1037, %parallel_loop3A_1038 : i32
        %parallel_loop3A_1040 = arith.index_cast %parallel_loop3A_1039 : i32 to index
        %parallel_loop3A_1041 = tpu.vector_load %arg9[%parallel_loop3A_1040] {strides = array<i32>} : memref<8192xi32, #tpu.memory_space<vmem>>, vector<16xi32>,
        %parallel_loop3A_1042 = vector.shape_cast %parallel_loop3A_1041 : vector<16xi32> to vector<16xi32>
        %parallel_loop3A_1043 = vector.shape_cast %parallel_loop3A_1035 : vector<16xi32> to vector<16xi32>
        tpu.vector_store %arg9[%parallel_loop3A_1040], %parallel_loop3A_1043 {strides = array<i32>} : memref<8192xi32, #tpu.memory_space<vmem>>, vector<16xi32>,
      } {sc.loop_unroll_factor = 4 : i64, sc.parallel_access}
      %jit3A_768 = arith.constant 16 : i32
      %div3A_769 = arith.divsi %add3A_755, %jit3A_768 : i32
      %sign3A_770 = arith.constant 0 : i32
      %sign3A_771 = arith.cmpi sgt, %add3A_755, %sign3A_770 : i32
      %sign3A_772 = arith.extui %sign3A_771 : i1 to i32
      %sign3A_773 = arith.constant 0 : i32
      %sign3A_774 = arith.cmpi slt, %add3A_755, %sign3A_773 : i32
      %sign3A_775 = arith.extui %sign3A_774 : i1 to i32
      %sign3A_776 = arith.subi %sign3A_772, %sign3A_775 : i32
      %sign3A_777 = arith.constant 0 : i32
      %sign3A_778 = arith.cmpi sgt, %jit3A_768, %sign3A_777 : i32
      %sign3A_779 = arith.extui %sign3A_778 : i1 to i32
      %sign3A_780 = arith.constant 0 : i32
      %sign3A_781 = arith.cmpi slt, %jit3A_768, %sign3A_780 : i32
      %sign3A_782 = arith.extui %sign3A_781 : i1 to i32
      %sign3A_783 = arith.subi %sign3A_779, %sign3A_782 : i32
      %ne3A_784 = arith.cmpi ne, %sign3A_776, %sign3A_783 : i32
      %rem3A_785 = arith.remsi %add3A_755, %jit3A_768 : i32
      %ne3A_786 = arith.constant 0 : i32
      %ne3A_787 = arith.cmpi ne, %rem3A_785, %ne3A_786 : i32
      %and3A_788 = arith.andi %ne3A_784, %ne3A_787 : i1
      %sub3A_789 = arith.constant 1 : i32
      %sub3A_790 = arith.subi %div3A_769, %sub3A_789 : i32
      %select_n3A_791 = arith.select %and3A_788, %sub3A_790, %div3A_769 : i32
      %mul3A_792 = arith.constant 16 : i32
      %mul3A_793 = arith.muli %select_n3A_791, %mul3A_792 : i32
      %sub3A_794 = arith.subi %add3A_755, %mul3A_793 : i32
      %mul3A_795 = arith.constant 8 : i32
      %mul3A_796 = arith.muli %sub3A_794, %mul3A_795 : i32
      %mul3A_797 = arith.constant 131072 : i32
      %mul3A_798 = arith.muli %select_n3A_791, %mul3A_797 : i32
      %mul3A_799 = arith.constant 8 : i32
      %mul3A_800 = arith.muli %mul3A_796, %mul3A_799 : i32
      %mul3A_801 = arith.constant 128 : i32
      %mul3A_802 = arith.muli %mul3A_800, %mul3A_801 : i32
      %add3A_803 = arith.addi %mul3A_798, %mul3A_802 : i32
      %dma_start3A_804 = tpu.memref_slice %arg3[%add3A_803] : memref<3276800xi32, #tpu.memory_space<hbm>> -> memref<8192xi32, #tpu.memory_space<hbm>>
      %dma_start3A_805 = tpu.memref_slice %arg3[%add3A_803] : memref<3276800xi32, #tpu.memory_space<hbm>> -> memref<8192xi32, #tpu.memory_space<hbm>>
      tpu.enqueue_dma source(%arg9 : memref<8192xi32, #tpu.memory_space<vmem>>) target(%dma_start3A_805 : memref<8192xi32, #tpu.memory_space<hbm>>) target_semaphore(%arg15 : memref<!tpu.dma_semaphore, #tpu.memory_space<semaphore_mem>>)
      %add3A_806 = arith.constant 3 : i32
      %add3A_807 = arith.addi %add3A_752, %add3A_806 : i32
      %lt3A_808 = arith.constant 12 : i32
      %lt3A_809 = arith.cmpi slt, %add3A_807, %lt3A_808 : i32
      %convert_element_type3A_810 = arith.extui %lt3A_809 : i1 to i32
      %cond3A_811 = arith.constant 0 : i32
      %cond3A_812 = arith.cmpi ne, %convert_element_type3A_810, %cond3A_811 : i32
      scf.if %cond3A_812 {
        %add3A_813 = arith.constant 96 : i32
        %add3A_814 = arith.addi %add3A_755, %add3A_813 : i32
        %jit3A_815 = arith.constant 16 : i32
        %div3A_816 = arith.divsi %add3A_814, %jit3A_815 : i32
        %sign3A_817 = arith.constant 0 : i32
        %sign3A_818 = arith.cmpi sgt, %add3A_814, %sign3A_817 : i32
        %sign3A_819 = arith.extui %sign3A_818 : i1 to i32
        %sign3A_820 = arith.constant 0 : i32
        %sign3A_821 = arith.cmpi slt, %add3A_814, %sign3A_820 : i32
        %sign3A_822 = arith.extui %sign3A_821 : i1 to i32
        %sign3A_823 = arith.subi %sign3A_819, %sign3A_822 : i32
        %sign3A_824 = arith.constant 0 : i32
        %sign3A_825 = arith.cmpi sgt, %jit3A_815, %sign3A_824 : i32
        %sign3A_826 = arith.extui %sign3A_825 : i1 to i32
        %sign3A_827 = arith.constant 0 : i32
        %sign3A_828 = arith.cmpi slt, %jit3A_815, %sign3A_827 : i32
        %sign3A_829 = arith.extui %sign3A_828 : i1 to i32
        %sign3A_830 = arith.subi %sign3A_826, %sign3A_829 : i32
        %ne3A_831 = arith.cmpi ne, %sign3A_823, %sign3A_830 : i32
        %rem3A_832 = arith.remsi %add3A_814, %jit3A_815 : i32
        %ne3A_833 = arith.constant 0 : i32
        %ne3A_834 = arith.cmpi ne, %rem3A_832, %ne3A_833 : i32
        %and3A_835 = arith.andi %ne3A_831, %ne3A_834 : i1
        %sub3A_836 = arith.constant 1 : i32
        %sub3A_837 = arith.subi %div3A_816, %sub3A_836 : i32
        %select_n3A_838 = arith.select %and3A_835, %sub3A_837, %div3A_816 : i32
        %mul3A_839 = arith.constant 16 : i32
        %mul3A_840 = arith.muli %select_n3A_838, %mul3A_839 : i32
        %sub3A_841 = arith.subi %add3A_814, %mul3A_840 : i32
        %mul3A_842 = arith.constant 8 : i32
        %mul3A_843 = arith.muli %sub3A_841, %mul3A_842 : i32
        %mul3A_844 = arith.constant 8 : i32
        %mul3A_845 = arith.muli %select_n3A_838, %mul3A_844 : i32
        %add3A_846 = arith.constant 0 : i32
        %add3A_847 = arith.addi %mul3A_845, %add3A_846 : i32
        %mul3A_848 = arith.constant 16384 : i32
        %mul3A_849 = arith.muli %add3A_847, %mul3A_848 : i32
        %mul3A_850 = arith.constant 128 : i32
        %mul3A_851 = arith.muli %mul3A_843, %mul3A_850 : i32
        %add3A_852 = arith.addi %mul3A_849, %mul3A_851 : i32
        %dma_start3A_853 = arith.constant 0 : i32
        %dma_start3A_854 = tpu.memref_slice %arg6[%dma_start3A_853] : memref<8192xf32, #tpu.memory_space<vmem>> -> memref<1024xf32, #tpu.memory_space<vmem>>
        %dma_start3A_855 = tpu.memref_slice %arg2[%add3A_852] : memref<3276800xf32, #tpu.memory_space<hbm>> -> memref<1024xf32, #tpu.memory_space<hbm>>
        %dma_start3A_856 = arith.constant 0 : i32
        %dma_start3A_857 = tpu.memref_slice %arg6[%dma_start3A_856] : memref<8192xf32, #tpu.memory_space<vmem>> -> memref<1024xf32, #tpu.memory_space<vmem>>
        %dma_start3A_858 = tpu.memref_slice %arg2[%add3A_852] : memref<3276800xf32, #tpu.memory_space<hbm>> -> memref<1024xf32, #tpu.memory_space<hbm>>
        tpu.enqueue_dma source(%dma_start3A_858 : memref<1024xf32, #tpu.memory_space<hbm>>) target(%dma_start3A_857 : memref<1024xf32, #tpu.memory_space<vmem>>) target_semaphore(%arg12 : memref<!tpu.dma_semaphore, #tpu.memory_space<semaphore_mem>>)
        %mul3A_859 = arith.constant 8 : i32
        %mul3A_860 = arith.muli %select_n3A_838, %mul3A_859 : i32
        %add3A_861 = arith.constant 1 : i32
        %add3A_862 = arith.addi %mul3A_860, %add3A_861 : i32
        %mul3A_863 = arith.constant 16384 : i32
        %mul3A_864 = arith.muli %add3A_862, %mul3A_863 : i32
        %mul3A_865 = arith.constant 128 : i32
        %mul3A_866 = arith.muli %mul3A_843, %mul3A_865 : i32
        %add3A_867 = arith.addi %mul3A_864, %mul3A_866 : i32
        %dma_start3A_868 = arith.constant 1024 : i32
        %dma_start3A_869 = tpu.memref_slice %arg6[%dma_start3A_868] : memref<8192xf32, #tpu.memory_space<vmem>> -> memref<1024xf32, #tpu.memory_space<vmem>>
        %dma_start3A_870 = tpu.memref_slice %arg2[%add3A_867] : memref<3276800xf32, #tpu.memory_space<hbm>> -> memref<1024xf32, #tpu.memory_space<hbm>>
        %dma_start3A_871 = arith.constant 1024 : i32
        %dma_start3A_872 = tpu.memref_slice %arg6[%dma_start3A_871] : memref<8192xf32, #tpu.memory_space<vmem>> -> memref<1024xf32, #tpu.memory_space<vmem>>
        %dma_start3A_873 = tpu.memref_slice %arg2[%add3A_867] : memref<3276800xf32, #tpu.memory_space<hbm>> -> memref<1024xf32, #tpu.memory_space<hbm>>
        tpu.enqueue_dma source(%dma_start3A_873 : memref<1024xf32, #tpu.memory_space<hbm>>) target(%dma_start3A_872 : memref<1024xf32, #tpu.memory_space<vmem>>) target_semaphore(%arg12 : memref<!tpu.dma_semaphore, #tpu.memory_space<semaphore_mem>>)
        %mul3A_874 = arith.constant 8 : i32
        %mul3A_875 = arith.muli %select_n3A_838, %mul3A_874 : i32
        %add3A_876 = arith.constant 2 : i32
        %add3A_877 = arith.addi %mul3A_875, %add3A_876 : i32
        %mul3A_878 = arith.constant 16384 : i32
        %mul3A_879 = arith.muli %add3A_877, %mul3A_878 : i32
        %mul3A_880 = arith.constant 128 : i32
        %mul3A_881 = arith.muli %mul3A_843, %mul3A_880 : i32
        %add3A_882 = arith.addi %mul3A_879, %mul3A_881 : i32
        %dma_start3A_883 = arith.constant 2048 : i32
        %dma_start3A_884 = tpu.memref_slice %arg6[%dma_start3A_883] : memref<8192xf32, #tpu.memory_space<vmem>> -> memref<1024xf32, #tpu.memory_space<vmem>>
        %dma_start3A_885 = tpu.memref_slice %arg2[%add3A_882] : memref<3276800xf32, #tpu.memory_space<hbm>> -> memref<1024xf32, #tpu.memory_space<hbm>>
        %dma_start3A_886 = arith.constant 2048 : i32
        %dma_start3A_887 = tpu.memref_slice %arg6[%dma_start3A_886] : memref<8192xf32, #tpu.memory_space<vmem>> -> memref<1024xf32, #tpu.memory_space<vmem>>
        %dma_start3A_888 = tpu.memref_slice %arg2[%add3A_882] : memref<3276800xf32, #tpu.memory_space<hbm>> -> memref<1024xf32, #tpu.memory_space<hbm>>
        tpu.enqueue_dma source(%dma_start3A_888 : memref<1024xf32, #tpu.memory_space<hbm>>) target(%dma_start3A_887 : memref<1024xf32, #tpu.memory_space<vmem>>) target_semaphore(%arg12 : memref<!tpu.dma_semaphore, #tpu.memory_space<semaphore_mem>>)
        %mul3A_889 = arith.constant 8 : i32
        %mul3A_890 = arith.muli %select_n3A_838, %mul3A_889 : i32
        %add3A_891 = arith.constant 3 : i32
        %add3A_892 = arith.addi %mul3A_890, %add3A_891 : i32
        %mul3A_893 = arith.constant 16384 : i32
        %mul3A_894 = arith.muli %add3A_892, %mul3A_893 : i32
        %mul3A_895 = arith.constant 128 : i32
        %mul3A_896 = arith.muli %mul3A_843, %mul3A_895 : i32
        %add3A_897 = arith.addi %mul3A_894, %mul3A_896 : i32
        %dma_start3A_898 = arith.constant 3072 : i32
        %dma_start3A_899 = tpu.memref_slice %arg6[%dma_start3A_898] : memref<8192xf32, #tpu.memory_space<vmem>> -> memref<1024xf32, #tpu.memory_space<vmem>>
        %dma_start3A_900 = tpu.memref_slice %arg2[%add3A_897] : memref<3276800xf32, #tpu.memory_space<hbm>> -> memref<1024xf32, #tpu.memory_space<hbm>>
        %dma_start3A_901 = arith.constant 3072 : i32
        %dma_start3A_902 = tpu.memref_slice %arg6[%dma_start3A_901] : memref<8192xf32, #tpu.memory_space<vmem>> -> memref<1024xf32, #tpu.memory_space<vmem>>
        %dma_start3A_903 = tpu.memref_slice %arg2[%add3A_897] : memref<3276800xf32, #tpu.memory_space<hbm>> -> memref<1024xf32, #tpu.memory_space<hbm>>
        tpu.enqueue_dma source(%dma_start3A_903 : memref<1024xf32, #tpu.memory_space<hbm>>) target(%dma_start3A_902 : memref<1024xf32, #tpu.memory_space<vmem>>) target_semaphore(%arg12 : memref<!tpu.dma_semaphore, #tpu.memory_space<semaphore_mem>>)
        %mul3A_904 = arith.constant 8 : i32
        %mul3A_905 = arith.muli %select_n3A_838, %mul3A_904 : i32
        %add3A_906 = arith.constant 4 : i32
        %add3A_907 = arith.addi %mul3A_905, %add3A_906 : i32
        %mul3A_908 = arith.constant 16384 : i32
        %mul3A_909 = arith.muli %add3A_907, %mul3A_908 : i32
        %mul3A_910 = arith.constant 128 : i32
        %mul3A_911 = arith.muli %mul3A_843, %mul3A_910 : i32
        %add3A_912 = arith.addi %mul3A_909, %mul3A_911 : i32
        %dma_start3A_913 = arith.constant 4096 : i32
        %dma_start3A_914 = tpu.memref_slice %arg6[%dma_start3A_913] : memref<8192xf32, #tpu.memory_space<vmem>> -> memref<1024xf32, #tpu.memory_space<vmem>>
        %dma_start3A_915 = tpu.memref_slice %arg2[%add3A_912] : memref<3276800xf32, #tpu.memory_space<hbm>> -> memref<1024xf32, #tpu.memory_space<hbm>>
        %dma_start3A_916 = arith.constant 4096 : i32
        %dma_start3A_917 = tpu.memref_slice %arg6[%dma_start3A_916] : memref<8192xf32, #tpu.memory_space<vmem>> -> memref<1024xf32, #tpu.memory_space<vmem>>
        %dma_start3A_918 = tpu.memref_slice %arg2[%add3A_912] : memref<3276800xf32, #tpu.memory_space<hbm>> -> memref<1024xf32, #tpu.memory_space<hbm>>
        tpu.enqueue_dma source(%dma_start3A_918 : memref<1024xf32, #tpu.memory_space<hbm>>) target(%dma_start3A_917 : memref<1024xf32, #tpu.memory_space<vmem>>) target_semaphore(%arg12 : memref<!tpu.dma_semaphore, #tpu.memory_space<semaphore_mem>>)
        %mul3A_919 = arith.constant 8 : i32
        %mul3A_920 = arith.muli %select_n3A_838, %mul3A_919 : i32
        %add3A_921 = arith.constant 5 : i32
        %add3A_922 = arith.addi %mul3A_920, %add3A_921 : i32
        %mul3A_923 = arith.constant 16384 : i32
        %mul3A_924 = arith.muli %add3A_922, %mul3A_923 : i32
        %mul3A_925 = arith.constant 128 : i32
        %mul3A_926 = arith.muli %mul3A_843, %mul3A_925 : i32
        %add3A_927 = arith.addi %mul3A_924, %mul3A_926 : i32
        %dma_start3A_928 = arith.constant 5120 : i32
        %dma_start3A_929 = tpu.memref_slice %arg6[%dma_start3A_928] : memref<8192xf32, #tpu.memory_space<vmem>> -> memref<1024xf32, #tpu.memory_space<vmem>>
        %dma_start3A_930 = tpu.memref_slice %arg2[%add3A_927] : memref<3276800xf32, #tpu.memory_space<hbm>> -> memref<1024xf32, #tpu.memory_space<hbm>>
        %dma_start3A_931 = arith.constant 5120 : i32
        %dma_start3A_932 = tpu.memref_slice %arg6[%dma_start3A_931] : memref<8192xf32, #tpu.memory_space<vmem>> -> memref<1024xf32, #tpu.memory_space<vmem>>
        %dma_start3A_933 = tpu.memref_slice %arg2[%add3A_927] : memref<3276800xf32, #tpu.memory_space<hbm>> -> memref<1024xf32, #tpu.memory_space<hbm>>
        tpu.enqueue_dma source(%dma_start3A_933 : memref<1024xf32, #tpu.memory_space<hbm>>) target(%dma_start3A_932 : memref<1024xf32, #tpu.memory_space<vmem>>) target_semaphore(%arg12 : memref<!tpu.dma_semaphore, #tpu.memory_space<semaphore_mem>>)
        %mul3A_934 = arith.constant 8 : i32
        %mul3A_935 = arith.muli %select_n3A_838, %mul3A_934 : i32
        %add3A_936 = arith.constant 6 : i32
        %add3A_937 = arith.addi %mul3A_935, %add3A_936 : i32
        %mul3A_938 = arith.constant 16384 : i32
        %mul3A_939 = arith.muli %add3A_937, %mul3A_938 : i32
        %mul3A_940 = arith.constant 128 : i32
        %mul3A_941 = arith.muli %mul3A_843, %mul3A_940 : i32
        %add3A_942 = arith.addi %mul3A_939, %mul3A_941 : i32
        %dma_start3A_943 = arith.constant 6144 : i32
        %dma_start3A_944 = tpu.memref_slice %arg6[%dma_start3A_943] : memref<8192xf32, #tpu.memory_space<vmem>> -> memref<1024xf32, #tpu.memory_space<vmem>>
        %dma_start3A_945 = tpu.memref_slice %arg2[%add3A_942] : memref<3276800xf32, #tpu.memory_space<hbm>> -> memref<1024xf32, #tpu.memory_space<hbm>>
        %dma_start3A_946 = arith.constant 6144 : i32
        %dma_start3A_947 = tpu.memref_slice %arg6[%dma_start3A_946] : memref<8192xf32, #tpu.memory_space<vmem>> -> memref<1024xf32, #tpu.memory_space<vmem>>
        %dma_start3A_948 = tpu.memref_slice %arg2[%add3A_942] : memref<3276800xf32, #tpu.memory_space<hbm>> -> memref<1024xf32, #tpu.memory_space<hbm>>
        tpu.enqueue_dma source(%dma_start3A_948 : memref<1024xf32, #tpu.memory_space<hbm>>) target(%dma_start3A_947 : memref<1024xf32, #tpu.memory_space<vmem>>) target_semaphore(%arg12 : memref<!tpu.dma_semaphore, #tpu.memory_space<semaphore_mem>>)
        %mul3A_949 = arith.constant 8 : i32
        %mul3A_950 = arith.muli %select_n3A_838, %mul3A_949 : i32
        %add3A_951 = arith.constant 7 : i32
        %add3A_952 = arith.addi %mul3A_950, %add3A_951 : i32
        %mul3A_953 = arith.constant 16384 : i32
        %mul3A_954 = arith.muli %add3A_952, %mul3A_953 : i32
        %mul3A_955 = arith.constant 128 : i32
        %mul3A_956 = arith.muli %mul3A_843, %mul3A_955 : i32
        %add3A_957 = arith.addi %mul3A_954, %mul3A_956 : i32
        %dma_start3A_958 = arith.constant 7168 : i32
        %dma_start3A_959 = tpu.memref_slice %arg6[%dma_start3A_958] : memref<8192xf32, #tpu.memory_space<vmem>> -> memref<1024xf32, #tpu.memory_space<vmem>>
        %dma_start3A_960 = tpu.memref_slice %arg2[%add3A_957] : memref<3276800xf32, #tpu.memory_space<hbm>> -> memref<1024xf32, #tpu.memory_space<hbm>>
        %dma_start3A_961 = arith.constant 7168 : i32
        %dma_start3A_962 = tpu.memref_slice %arg6[%dma_start3A_961] : memref<8192xf32, #tpu.memory_space<vmem>> -> memref<1024xf32, #tpu.memory_space<vmem>>
        %dma_start3A_963 = tpu.memref_slice %arg2[%add3A_957] : memref<3276800xf32, #tpu.memory_space<hbm>> -> memref<1024xf32, #tpu.memory_space<hbm>>
        tpu.enqueue_dma source(%dma_start3A_963 : memref<1024xf32, #tpu.memory_space<hbm>>) target(%dma_start3A_962 : memref<1024xf32, #tpu.memory_space<vmem>>) target_semaphore(%arg12 : memref<!tpu.dma_semaphore, #tpu.memory_space<semaphore_mem>>)
      } else {
      }
    }
    %scan3A_448 = arith.constant 4 : i32
    %add3A_449 = arith.constant 288 : i32
    %add3A_450 = arith.addi %add3A, %add3A_449 : i32
    %jit3A_451 = arith.constant 16 : i32
    %div3A_452 = arith.divsi %add3A_450, %jit3A_451 : i32
    %sign3A_453 = arith.constant 0 : i32
    %sign3A_454 = arith.cmpi sgt, %add3A_450, %sign3A_453 : i32
    %sign3A_455 = arith.extui %sign3A_454 : i1 to i32
    %sign3A_456 = arith.constant 0 : i32
    %sign3A_457 = arith.cmpi slt, %add3A_450, %sign3A_456 : i32
    %sign3A_458 = arith.extui %sign3A_457 : i1 to i32
    %sign3A_459 = arith.subi %sign3A_455, %sign3A_458 : i32
    %sign3A_460 = arith.constant 0 : i32
    %sign3A_461 = arith.cmpi sgt, %jit3A_451, %sign3A_460 : i32
    %sign3A_462 = arith.extui %sign3A_461 : i1 to i32
    %sign3A_463 = arith.constant 0 : i32
    %sign3A_464 = arith.cmpi slt, %jit3A_451, %sign3A_463 : i32
    %sign3A_465 = arith.extui %sign3A_464 : i1 to i32
    %sign3A_466 = arith.subi %sign3A_462, %sign3A_465 : i32
    %ne3A_467 = arith.cmpi ne, %sign3A_459, %sign3A_466 : i32
    %rem3A_468 = arith.remsi %add3A_450, %jit3A_451 : i32
    %ne3A_469 = arith.constant 0 : i32
    %ne3A_470 = arith.cmpi ne, %rem3A_468, %ne3A_469 : i32
    %and3A_471 = arith.andi %ne3A_467, %ne3A_470 : i1
    %sub3A_472 = arith.constant 1 : i32
    %sub3A_473 = arith.subi %div3A_452, %sub3A_472 : i32
    %select_n3A_474 = arith.select %and3A_471, %sub3A_473, %div3A_452 : i32
    %mul3A_475 = arith.constant 16 : i32
    %mul3A_476 = arith.muli %select_n3A_474, %mul3A_475 : i32
    %sub3A_477 = arith.subi %add3A_450, %mul3A_476 : i32
    %mul3A_478 = arith.constant 8 : i32
    %mul3A_479 = arith.muli %sub3A_477, %mul3A_478 : i32
    %mul3A_480 = arith.constant 131072 : i32
    %mul3A_481 = arith.muli %select_n3A_474, %mul3A_480 : i32
    %mul3A_482 = arith.constant 8 : i32
    %mul3A_483 = arith.muli %mul3A_479, %mul3A_482 : i32
    %mul3A_484 = arith.constant 128 : i32
    %mul3A_485 = arith.muli %mul3A_483, %mul3A_484 : i32
    %add3A_486 = arith.addi %mul3A_481, %mul3A_485 : i32
    %dma_wait3A = tpu.memref_slice %arg3[%add3A_486] : memref<3276800xi32, #tpu.memory_space<hbm>> -> memref<8192xi32, #tpu.memory_space<hbm>>
    %dma_wait3A_487 = tpu.memref_slice %arg3[%add3A_486] : memref<3276800xi32, #tpu.memory_space<hbm>> -> memref<8192xi32, #tpu.memory_space<hbm>>
    tpu.wait_dma2 semaphore(%arg13 : memref<!tpu.dma_semaphore, #tpu.memory_space<semaphore_mem>>) src(%arg7 : memref<8192xi32, #tpu.memory_space<vmem>>) dst(%dma_wait3A_487 : memref<8192xi32, #tpu.memory_space<hbm>>)
    %add3A_488 = arith.constant 320 : i32
    %add3A_489 = arith.addi %add3A, %add3A_488 : i32
    %jit3A_490 = arith.constant 16 : i32
    %div3A_491 = arith.divsi %add3A_489, %jit3A_490 : i32
    %sign3A_492 = arith.constant 0 : i32
    %sign3A_493 = arith.cmpi sgt, %add3A_489, %sign3A_492 : i32
    %sign3A_494 = arith.extui %sign3A_493 : i1 to i32
    %sign3A_495 = arith.constant 0 : i32
    %sign3A_496 = arith.cmpi slt, %add3A_489, %sign3A_495 : i32
    %sign3A_497 = arith.extui %sign3A_496 : i1 to i32
    %sign3A_498 = arith.subi %sign3A_494, %sign3A_497 : i32
    %sign3A_499 = arith.constant 0 : i32
    %sign3A_500 = arith.cmpi sgt, %jit3A_490, %sign3A_499 : i32
    %sign3A_501 = arith.extui %sign3A_500 : i1 to i32
    %sign3A_502 = arith.constant 0 : i32
    %sign3A_503 = arith.cmpi slt, %jit3A_490, %sign3A_502 : i32
    %sign3A_504 = arith.extui %sign3A_503 : i1 to i32
    %sign3A_505 = arith.subi %sign3A_501, %sign3A_504 : i32
    %ne3A_506 = arith.cmpi ne, %sign3A_498, %sign3A_505 : i32
    %rem3A_507 = arith.remsi %add3A_489, %jit3A_490 : i32
    %ne3A_508 = arith.constant 0 : i32
    %ne3A_509 = arith.cmpi ne, %rem3A_507, %ne3A_508 : i32
    %and3A_510 = arith.andi %ne3A_506, %ne3A_509 : i1
    %sub3A_511 = arith.constant 1 : i32
    %sub3A_512 = arith.subi %div3A_491, %sub3A_511 : i32
    %select_n3A_513 = arith.select %and3A_510, %sub3A_512, %div3A_491 : i32
    %mul3A_514 = arith.constant 16 : i32
    %mul3A_515 = arith.muli %select_n3A_513, %mul3A_514 : i32
    %sub3A_516 = arith.subi %add3A_489, %mul3A_515 : i32
    %mul3A_517 = arith.constant 8 : i32
    %mul3A_518 = arith.muli %sub3A_516, %mul3A_517 : i32
    %mul3A_519 = arith.constant 131072 : i32
    %mul3A_520 = arith.muli %select_n3A_513, %mul3A_519 : i32
    %mul3A_521 = arith.constant 8 : i32
    %mul3A_522 = arith.muli %mul3A_518, %mul3A_521 : i32
    %mul3A_523 = arith.constant 128 : i32
    %mul3A_524 = arith.muli %mul3A_522, %mul3A_523 : i32
    %add3A_525 = arith.addi %mul3A_520, %mul3A_524 : i32
    %dma_wait3A_526 = tpu.memref_slice %arg3[%add3A_525] : memref<3276800xi32, #tpu.memory_space<hbm>> -> memref<8192xi32, #tpu.memory_space<hbm>>
    %dma_wait3A_527 = tpu.memref_slice %arg3[%add3A_525] : memref<3276800xi32, #tpu.memory_space<hbm>> -> memref<8192xi32, #tpu.memory_space<hbm>>
    tpu.wait_dma2 semaphore(%arg14 : memref<!tpu.dma_semaphore, #tpu.memory_space<semaphore_mem>>) src(%arg8 : memref<8192xi32, #tpu.memory_space<vmem>>) dst(%dma_wait3A_527 : memref<8192xi32, #tpu.memory_space<hbm>>)
    %add3A_528 = arith.constant 352 : i32
    %add3A_529 = arith.addi %add3A, %add3A_528 : i32
    %jit3A_530 = arith.constant 16 : i32
    %div3A_531 = arith.divsi %add3A_529, %jit3A_530 : i32
    %sign3A_532 = arith.constant 0 : i32
    %sign3A_533 = arith.cmpi sgt, %add3A_529, %sign3A_532 : i32
    %sign3A_534 = arith.extui %sign3A_533 : i1 to i32
    %sign3A_535 = arith.constant 0 : i32
    %sign3A_536 = arith.cmpi slt, %add3A_529, %sign3A_535 : i32
    %sign3A_537 = arith.extui %sign3A_536 : i1 to i32
    %sign3A_538 = arith.subi %sign3A_534, %sign3A_537 : i32
    %sign3A_539 = arith.constant 0 : i32
    %sign3A_540 = arith.cmpi sgt, %jit3A_530, %sign3A_539 : i32
    %sign3A_541 = arith.extui %sign3A_540 : i1 to i32
    %sign3A_542 = arith.constant 0 : i32
    %sign3A_543 = arith.cmpi slt, %jit3A_530, %sign3A_542 : i32
    %sign3A_544 = arith.extui %sign3A_543 : i1 to i32
    %sign3A_545 = arith.subi %sign3A_541, %sign3A_544 : i32
    %ne3A_546 = arith.cmpi ne, %sign3A_538, %sign3A_545 : i32
    %rem3A_547 = arith.remsi %add3A_529, %jit3A_530 : i32
    %ne3A_548 = arith.constant 0 : i32
    %ne3A_549 = arith.cmpi ne, %rem3A_547, %ne3A_548 : i32
    %and3A_550 = arith.andi %ne3A_546, %ne3A_549 : i1
    %sub3A_551 = arith.constant 1 : i32
    %sub3A_552 = arith.subi %div3A_531, %sub3A_551 : i32
    %select_n3A_553 = arith.select %and3A_550, %sub3A_552, %div3A_531 : i32
    %mul3A_554 = arith.constant 16 : i32
    %mul3A_555 = arith.muli %select_n3A_553, %mul3A_554 : i32
    %sub3A_556 = arith.subi %add3A_529, %mul3A_555 : i32
    %mul3A_557 = arith.constant 8 : i32
    %mul3A_558 = arith.muli %sub3A_556, %mul3A_557 : i32
    %mul3A_559 = arith.constant 131072 : i32
    %mul3A_560 = arith.muli %select_n3A_553, %mul3A_559 : i32
    %mul3A_561 = arith.constant 8 : i32
    %mul3A_562 = arith.muli %mul3A_558, %mul3A_561 : i32
    %mul3A_563 = arith.constant 128 : i32
    %mul3A_564 = arith.muli %mul3A_562, %mul3A_563 : i32
    %add3A_565 = arith.addi %mul3A_560, %mul3A_564 : i32
    %dma_wait3A_566 = tpu.memref_slice %arg3[%add3A_565] : memref<3276800xi32, #tpu.memory_space<hbm>> -> memref<8192xi32, #tpu.memory_space<hbm>>
    %dma_wait3A_567 = tpu.memref_slice %arg3[%add3A_565] : memref<3276800xi32, #tpu.memory_space<hbm>> -> memref<8192xi32, #tpu.memory_space<hbm>>
    tpu.wait_dma2 semaphore(%arg15 : memref<!tpu.dma_semaphore, #tpu.memory_space<semaphore_mem>>) src(%arg9 : memref<8192xi32, #tpu.memory_space<vmem>>) dst(%dma_wait3A_567 : memref<8192xi32, #tpu.memory_space<hbm>>)
    %jit3A_568 = arith.constant 16 : i32
    %div3A_569 = arith.divsi %add3A, %jit3A_568 : i32
    %sign3A_570 = arith.constant 0 : i32
    %sign3A_571 = arith.cmpi sgt, %add3A, %sign3A_570 : i32
    %sign3A_572 = arith.extui %sign3A_571 : i1 to i32
    %sign3A_573 = arith.constant 0 : i32
    %sign3A_574 = arith.cmpi slt, %add3A, %sign3A_573 : i32
    %sign3A_575 = arith.extui %sign3A_574 : i1 to i32
    %sign3A_576 = arith.subi %sign3A_572, %sign3A_575 : i32
    %sign3A_577 = arith.constant 0 : i32
    %sign3A_578 = arith.cmpi sgt, %jit3A_568, %sign3A_577 : i32
    %sign3A_579 = arith.extui %sign3A_578 : i1 to i32
    %sign3A_580 = arith.constant 0 : i32
    %sign3A_581 = arith.cmpi slt, %jit3A_568, %sign3A_580 : i32
    %sign3A_582 = arith.extui %sign3A_581 : i1 to i32
    %sign3A_583 = arith.subi %sign3A_579, %sign3A_582 : i32
    %ne3A_584 = arith.cmpi ne, %sign3A_576, %sign3A_583 : i32
    %rem3A_585 = arith.remsi %add3A, %jit3A_568 : i32
    %ne3A_586 = arith.constant 0 : i32
    %ne3A_587 = arith.cmpi ne, %rem3A_585, %ne3A_586 : i32
    %and3A_588 = arith.andi %ne3A_584, %ne3A_587 : i1
    %sub3A_589 = arith.constant 1 : i32
    %sub3A_590 = arith.subi %div3A_569, %sub3A_589 : i32
    %select_n3A_591 = arith.select %and3A_588, %sub3A_590, %div3A_569 : i32
    %mul3A_592 = arith.constant 16 : i32
    %mul3A_593 = arith.muli %select_n3A_591, %mul3A_592 : i32
    %sub3A_594 = arith.subi %add3A, %mul3A_593 : i32
    %jit3A_595 = arith.constant 16 : i32
    %div3A_596 = arith.divsi %add3A, %jit3A_595 : i32
    %sign3A_597 = arith.constant 0 : i32
    %sign3A_598 = arith.cmpi sgt, %add3A, %sign3A_597 : i32
    %sign3A_599 = arith.extui %sign3A_598 : i1 to i32
    %sign3A_600 = arith.constant 0 : i32
    %sign3A_601 = arith.cmpi slt, %add3A, %sign3A_600 : i32
    %sign3A_602 = arith.extui %sign3A_601 : i1 to i32
    %sign3A_603 = arith.subi %sign3A_599, %sign3A_602 : i32
    %sign3A_604 = arith.constant 0 : i32
    %sign3A_605 = arith.cmpi sgt, %jit3A_595, %sign3A_604 : i32
    %sign3A_606 = arith.extui %sign3A_605 : i1 to i32
    %sign3A_607 = arith.constant 0 : i32
    %sign3A_608 = arith.cmpi slt, %jit3A_595, %sign3A_607 : i32
    %sign3A_609 = arith.extui %sign3A_608 : i1 to i32
    %sign3A_610 = arith.subi %sign3A_606, %sign3A_609 : i32
    %ne3A_611 = arith.cmpi ne, %sign3A_603, %sign3A_610 : i32
    %rem3A_612 = arith.remsi %add3A, %jit3A_595 : i32
    %ne3A_613 = arith.constant 0 : i32
    %ne3A_614 = arith.cmpi ne, %rem3A_612, %ne3A_613 : i32
    %and3A_615 = arith.andi %ne3A_611, %ne3A_614 : i1
    %sub3A_616 = arith.constant 1 : i32
    %sub3A_617 = arith.subi %div3A_596, %sub3A_616 : i32
    %select_n3A_618 = arith.select %and3A_615, %sub3A_617, %div3A_596 : i32
    %mul3A_619 = arith.constant 8 : i32
    %mul3A_620 = arith.muli %select_n3A_618, %mul3A_619 : i32
    %add3A_621 = arith.addi %mul3A_620, %sub3A_594 : i32
    %lt3A = arith.constant 8 : i32
    %lt3A_622 = arith.cmpi slt, %sub3A_594, %lt3A : i32
    %convert_element_type3A = arith.extui %lt3A_622 : i1 to i32
    %cond3A = arith.constant 0 : i32
    %cond3A_623 = arith.cmpi ne, %convert_element_type3A, %cond3A : i32
    scf.if %cond3A_623 {
      %add3A_624 = arith.constant 384 : i32
      %add3A_625 = arith.addi %add3A_624, %add3A_621 : i32
      %jit3A_626 = arith.constant 16 : i32
      %div3A_627 = arith.divsi %add3A_625, %jit3A_626 : i32
      %sign3A_628 = arith.constant 0 : i32
      %sign3A_629 = arith.cmpi sgt, %add3A_625, %sign3A_628 : i32
      %sign3A_630 = arith.extui %sign3A_629 : i1 to i32
      %sign3A_631 = arith.constant 0 : i32
      %sign3A_632 = arith.cmpi slt, %add3A_625, %sign3A_631 : i32
      %sign3A_633 = arith.extui %sign3A_632 : i1 to i32
      %sign3A_634 = arith.subi %sign3A_630, %sign3A_633 : i32
      %sign3A_635 = arith.constant 0 : i32
      %sign3A_636 = arith.cmpi sgt, %jit3A_626, %sign3A_635 : i32
      %sign3A_637 = arith.extui %sign3A_636 : i1 to i32
      %sign3A_638 = arith.constant 0 : i32
      %sign3A_639 = arith.cmpi slt, %jit3A_626, %sign3A_638 : i32
      %sign3A_640 = arith.extui %sign3A_639 : i1 to i32
      %sign3A_641 = arith.subi %sign3A_637, %sign3A_640 : i32
      %ne3A_642 = arith.cmpi ne, %sign3A_634, %sign3A_641 : i32
      %rem3A_643 = arith.remsi %add3A_625, %jit3A_626 : i32
      %ne3A_644 = arith.constant 0 : i32
      %ne3A_645 = arith.cmpi ne, %rem3A_643, %ne3A_644 : i32
      %and3A_646 = arith.andi %ne3A_642, %ne3A_645 : i1
      %sub3A_647 = arith.constant 1 : i32
      %sub3A_648 = arith.subi %div3A_627, %sub3A_647 : i32
      %select_n3A_649 = arith.select %and3A_646, %sub3A_648, %div3A_627 : i32
      %mul3A_650 = arith.constant 16 : i32
      %mul3A_651 = arith.muli %select_n3A_649, %mul3A_650 : i32
      %sub3A_652 = arith.subi %add3A_625, %mul3A_651 : i32
      %mul3A_653 = arith.constant 8 : i32
      %mul3A_654 = arith.muli %sub3A_652, %mul3A_653 : i32
      %mul3A_655 = arith.constant 8 : i32
      %mul3A_656 = arith.muli %select_n3A_649, %mul3A_655 : i32
      %add3A_657 = arith.constant 0 : i32
      %add3A_658 = arith.addi %mul3A_656, %add3A_657 : i32
      %mul3A_659 = arith.constant 16384 : i32
      %mul3A_660 = arith.muli %add3A_658, %mul3A_659 : i32
      %mul3A_661 = arith.constant 128 : i32
      %mul3A_662 = arith.muli %mul3A_654, %mul3A_661 : i32
      %add3A_663 = arith.addi %mul3A_660, %mul3A_662 : i32
      %dma_start3A_664 = arith.constant 0 : i32
      %dma_start3A_665 = tpu.memref_slice %arg4[%dma_start3A_664] : memref<8192xf32, #tpu.memory_space<vmem>> -> memref<1024xf32, #tpu.memory_space<vmem>>
      %dma_start3A_666 = tpu.memref_slice %arg2[%add3A_663] : memref<3276800xf32, #tpu.memory_space<hbm>> -> memref<1024xf32, #tpu.memory_space<hbm>>
      %dma_start3A_667 = arith.constant 0 : i32
      %dma_start3A_668 = tpu.memref_slice %arg4[%dma_start3A_667] : memref<8192xf32, #tpu.memory_space<vmem>> -> memref<1024xf32, #tpu.memory_space<vmem>>
      %dma_start3A_669 = tpu.memref_slice %arg2[%add3A_663] : memref<3276800xf32, #tpu.memory_space<hbm>> -> memref<1024xf32, #tpu.memory_space<hbm>>
      tpu.enqueue_dma source(%dma_start3A_669 : memref<1024xf32, #tpu.memory_space<hbm>>) target(%dma_start3A_668 : memref<1024xf32, #tpu.memory_space<vmem>>) target_semaphore(%arg10 : memref<!tpu.dma_semaphore, #tpu.memory_space<semaphore_mem>>)
      %mul3A_670 = arith.constant 8 : i32
      %mul3A_671 = arith.muli %select_n3A_649, %mul3A_670 : i32
      %add3A_672 = arith.constant 1 : i32
      %add3A_673 = arith.addi %mul3A_671, %add3A_672 : i32
      %mul3A_674 = arith.constant 16384 : i32
      %mul3A_675 = arith.muli %add3A_673, %mul3A_674 : i32
      %mul3A_676 = arith.constant 128 : i32
      %mul3A_677 = arith.muli %mul3A_654, %mul3A_676 : i32
      %add3A_678 = arith.addi %mul3A_675, %mul3A_677 : i32
      %dma_start3A_679 = arith.constant 1024 : i32
      %dma_start3A_680 = tpu.memref_slice %arg4[%dma_start3A_679] : memref<8192xf32, #tpu.memory_space<vmem>> -> memref<1024xf32, #tpu.memory_space<vmem>>
      %dma_start3A_681 = tpu.memref_slice %arg2[%add3A_678] : memref<3276800xf32, #tpu.memory_space<hbm>> -> memref<1024xf32, #tpu.memory_space<hbm>>
      %dma_start3A_682 = arith.constant 1024 : i32
      %dma_start3A_683 = tpu.memref_slice %arg4[%dma_start3A_682] : memref<8192xf32, #tpu.memory_space<vmem>> -> memref<1024xf32, #tpu.memory_space<vmem>>
      %dma_start3A_684 = tpu.memref_slice %arg2[%add3A_678] : memref<3276800xf32, #tpu.memory_space<hbm>> -> memref<1024xf32, #tpu.memory_space<hbm>>
      tpu.enqueue_dma source(%dma_start3A_684 : memref<1024xf32, #tpu.memory_space<hbm>>) target(%dma_start3A_683 : memref<1024xf32, #tpu.memory_space<vmem>>) target_semaphore(%arg10 : memref<!tpu.dma_semaphore, #tpu.memory_space<semaphore_mem>>)
      %mul3A_685 = arith.constant 8 : i32
      %mul3A_686 = arith.muli %select_n3A_649, %mul3A_685 : i32
      %add3A_687 = arith.constant 2 : i32
      %add3A_688 = arith.addi %mul3A_686, %add3A_687 : i32
      %mul3A_689 = arith.constant 16384 : i32
      %mul3A_690 = arith.muli %add3A_688, %mul3A_689 : i32
      %mul3A_691 = arith.constant 128 : i32
      %mul3A_692 = arith.muli %mul3A_654, %mul3A_691 : i32
      %add3A_693 = arith.addi %mul3A_690, %mul3A_692 : i32
      %dma_start3A_694 = arith.constant 2048 : i32
      %dma_start3A_695 = tpu.memref_slice %arg4[%dma_start3A_694] : memref<8192xf32, #tpu.memory_space<vmem>> -> memref<1024xf32, #tpu.memory_space<vmem>>
      %dma_start3A_696 = tpu.memref_slice %arg2[%add3A_693] : memref<3276800xf32, #tpu.memory_space<hbm>> -> memref<1024xf32, #tpu.memory_space<hbm>>
      %dma_start3A_697 = arith.constant 2048 : i32
      %dma_start3A_698 = tpu.memref_slice %arg4[%dma_start3A_697] : memref<8192xf32, #tpu.memory_space<vmem>> -> memref<1024xf32, #tpu.memory_space<vmem>>
      %dma_start3A_699 = tpu.memref_slice %arg2[%add3A_693] : memref<3276800xf32, #tpu.memory_space<hbm>> -> memref<1024xf32, #tpu.memory_space<hbm>>
      tpu.enqueue_dma source(%dma_start3A_699 : memref<1024xf32, #tpu.memory_space<hbm>>) target(%dma_start3A_698 : memref<1024xf32, #tpu.memory_space<vmem>>) target_semaphore(%arg10 : memref<!tpu.dma_semaphore, #tpu.memory_space<semaphore_mem>>)
      %mul3A_700 = arith.constant 8 : i32
      %mul3A_701 = arith.muli %select_n3A_649, %mul3A_700 : i32
      %add3A_702 = arith.constant 3 : i32
      %add3A_703 = arith.addi %mul3A_701, %add3A_702 : i32
      %mul3A_704 = arith.constant 16384 : i32
      %mul3A_705 = arith.muli %add3A_703, %mul3A_704 : i32
      %mul3A_706 = arith.constant 128 : i32
      %mul3A_707 = arith.muli %mul3A_654, %mul3A_706 : i32
      %add3A_708 = arith.addi %mul3A_705, %mul3A_707 : i32
      %dma_start3A_709 = arith.constant 3072 : i32
      %dma_start3A_710 = tpu.memref_slice %arg4[%dma_start3A_709] : memref<8192xf32, #tpu.memory_space<vmem>> -> memref<1024xf32, #tpu.memory_space<vmem>>
      %dma_start3A_711 = tpu.memref_slice %arg2[%add3A_708] : memref<3276800xf32, #tpu.memory_space<hbm>> -> memref<1024xf32, #tpu.memory_space<hbm>>
      %dma_start3A_712 = arith.constant 3072 : i32
      %dma_start3A_713 = tpu.memref_slice %arg4[%dma_start3A_712] : memref<8192xf32, #tpu.memory_space<vmem>> -> memref<1024xf32, #tpu.memory_space<vmem>>
      %dma_start3A_714 = tpu.memref_slice %arg2[%add3A_708] : memref<3276800xf32, #tpu.memory_space<hbm>> -> memref<1024xf32, #tpu.memory_space<hbm>>
      tpu.enqueue_dma source(%dma_start3A_714 : memref<1024xf32, #tpu.memory_space<hbm>>) target(%dma_start3A_713 : memref<1024xf32, #tpu.memory_space<vmem>>) target_semaphore(%arg10 : memref<!tpu.dma_semaphore, #tpu.memory_space<semaphore_mem>>)
      %mul3A_715 = arith.constant 8 : i32
      %mul3A_716 = arith.muli %select_n3A_649, %mul3A_715 : i32
      %add3A_717 = arith.constant 4 : i32
      %add3A_718 = arith.addi %mul3A_716, %add3A_717 : i32
      %mul3A_719 = arith.constant 16384 : i32
      %mul3A_720 = arith.muli %add3A_718, %mul3A_719 : i32
      %mul3A_721 = arith.constant 128 : i32
      %mul3A_722 = arith.muli %mul3A_654, %mul3A_721 : i32
      %add3A_723 = arith.addi %mul3A_720, %mul3A_722 : i32
      %dma_start3A_724 = arith.constant 4096 : i32
      %dma_start3A_725 = tpu.memref_slice %arg4[%dma_start3A_724] : memref<8192xf32, #tpu.memory_space<vmem>> -> memref<1024xf32, #tpu.memory_space<vmem>>
      %dma_start3A_726 = tpu.memref_slice %arg2[%add3A_723] : memref<3276800xf32, #tpu.memory_space<hbm>> -> memref<1024xf32, #tpu.memory_space<hbm>>
      %dma_start3A_727 = arith.constant 4096 : i32
      %dma_start3A_728 = tpu.memref_slice %arg4[%dma_start3A_727] : memref<8192xf32, #tpu.memory_space<vmem>> -> memref<1024xf32, #tpu.memory_space<vmem>>
      %dma_start3A_729 = tpu.memref_slice %arg2[%add3A_723] : memref<3276800xf32, #tpu.memory_space<hbm>> -> memref<1024xf32, #tpu.memory_space<hbm>>
      tpu.enqueue_dma source(%dma_start3A_729 : memref<1024xf32, #tpu.memory_space<hbm>>) target(%dma_start3A_728 : memref<1024xf32, #tpu.memory_space<vmem>>) target_semaphore(%arg10 : memref<!tpu.dma_semaphore, #tpu.memory_space<semaphore_mem>>)
      %mul3A_730 = arith.constant 8 : i32
      %mul3A_731 = arith.muli %select_n3A_649, %mul3A_730 : i32
      %add3A_732 = arith.constant 5 : i32
      %add3A_733 = arith.addi %mul3A_731, %add3A_732 : i32
      %mul3A_734 = arith.constant 16384 : i32
      %mul3A_735 = arith.muli %add3A_733, %mul3A_734 : i32
      %mul3A_736 = arith.constant 128 : i32
      %mul3A_737 = arith.muli %mul3A_654, %mul3A_736 : i32
      %add3A_738 = arith.addi %mul3A_735, %mul3A_737 : i32
      %dma_start3A_739 = arith.constant 5120 : i32
      %dma_start3A_740 = tpu.memref_slice %arg4[%dma_start3A_739] : memref<8192xf32, #tpu.memory_space<vmem>> -> memref<1024xf32, #tpu.memory_space<vmem>>
      %dma_start3A_741 = tpu.memref_slice %arg2[%add3A_738] : memref<3276800xf32, #tpu.memory_space<hbm>> -> memref<1024xf32, #tpu.memory_space<hbm>>
      %dma_start3A_742 = arith.constant 5120 : i32
      %dma_start3A_743 = tpu.memref_slice %arg4[%dma_start3A_742] : memref<8192xf32, #tpu.memory_space<vmem>> -> memref<1024xf32, #tpu.memory_space<vmem>>
      %dma_start3A_744 = tpu.memref_slice %arg2[%add3A_738] : memref<3276800xf32, #tpu.memory_space<hbm>> -> memref<1024xf32, #tpu.memory_space<hbm>>
      tpu.enqueue_dma source(%dma_start3A_744 : memref<1024xf32, #tpu.memory_space<hbm>>) target(%dma_start3A_743 : memref<1024xf32, #tpu.memory_space<vmem>>) target_semaphore(%arg10 : memref<!tpu.dma_semaphore, #tpu.memory_space<semaphore_mem>>)
      %mul3A_745 = arith.constant 8 : i32
      %mul3A_746 = arith.muli %select_n3A_649, %mul3A_745 : i32
      %add3A_747 = arith.constant 6 : i32
      %add3A_748 = arith.addi %mul3A_746, %add3A_747 : i32
      %mul3A_749 = arith.constant 16384 : i32
      %mul3A_750 = arith.muli %add3A_748, %mul3A_749 : i32
      %mul3A_751 = arith.constant 128 : i32
      %mul3A_752 = arith.muli %mul3A_654, %mul3A_751 : i32
      %add3A_753 = arith.addi %mul3A_750, %mul3A_752 : i32
      %dma_start3A_754 = arith.constant 6144 : i32
      %dma_start3A_755 = tpu.memref_slice %arg4[%dma_start3A_754] : memref<8192xf32, #tpu.memory_space<vmem>> -> memref<1024xf32, #tpu.memory_space<vmem>>
      %dma_start3A_756 = tpu.memref_slice %arg2[%add3A_753] : memref<3276800xf32, #tpu.memory_space<hbm>> -> memref<1024xf32, #tpu.memory_space<hbm>>
      %dma_start3A_757 = arith.constant 6144 : i32
      %dma_start3A_758 = tpu.memref_slice %arg4[%dma_start3A_757] : memref<8192xf32, #tpu.memory_space<vmem>> -> memref<1024xf32, #tpu.memory_space<vmem>>
      %dma_start3A_759 = tpu.memref_slice %arg2[%add3A_753] : memref<3276800xf32, #tpu.memory_space<hbm>> -> memref<1024xf32, #tpu.memory_space<hbm>>
      tpu.enqueue_dma source(%dma_start3A_759 : memref<1024xf32, #tpu.memory_space<hbm>>) target(%dma_start3A_758 : memref<1024xf32, #tpu.memory_space<vmem>>) target_semaphore(%arg10 : memref<!tpu.dma_semaphore, #tpu.memory_space<semaphore_mem>>)
      %mul3A_760 = arith.constant 8 : i32
      %mul3A_761 = arith.muli %select_n3A_649, %mul3A_760 : i32
      %add3A_762 = arith.constant 7 : i32
      %add3A_763 = arith.addi %mul3A_761, %add3A_762 : i32
      %mul3A_764 = arith.constant 16384 : i32
      %mul3A_765 = arith.muli %add3A_763, %mul3A_764 : i32
      %mul3A_766 = arith.constant 128 : i32
      %mul3A_767 = arith.muli %mul3A_654, %mul3A_766 : i32
      %add3A_768 = arith.addi %mul3A_765, %mul3A_767 : i32
      %dma_start3A_769 = arith.constant 7168 : i32
      %dma_start3A_770 = tpu.memref_slice %arg4[%dma_start3A_769] : memref<8192xf32, #tpu.memory_space<vmem>> -> memref<1024xf32, #tpu.memory_space<vmem>>
      %dma_start3A_771 = tpu.memref_slice %arg2[%add3A_768] : memref<3276800xf32, #tpu.memory_space<hbm>> -> memref<1024xf32, #tpu.memory_space<hbm>>
      %dma_start3A_772 = arith.constant 7168 : i32
      %dma_start3A_773 = tpu.memref_slice %arg4[%dma_start3A_772] : memref<8192xf32, #tpu.memory_space<vmem>> -> memref<1024xf32, #tpu.memory_space<vmem>>
      %dma_start3A_774 = tpu.memref_slice %arg2[%add3A_768] : memref<3276800xf32, #tpu.memory_space<hbm>> -> memref<1024xf32, #tpu.memory_space<hbm>>
      tpu.enqueue_dma source(%dma_start3A_774 : memref<1024xf32, #tpu.memory_space<hbm>>) target(%dma_start3A_773 : memref<1024xf32, #tpu.memory_space<vmem>>) target_semaphore(%arg10 : memref<!tpu.dma_semaphore, #tpu.memory_space<semaphore_mem>>)
      %dma_wait3A_775 = arith.constant 0 : i32
      %dma_wait3A_776 = tpu.memref_slice %arg2[%dma_wait3A_775] : memref<3276800xf32, #tpu.memory_space<hbm>> -> memref<8192xf32, #tpu.memory_space<hbm>>
      %dma_wait3A_777 = arith.constant 0 : i32
      %dma_wait3A_778 = tpu.memref_slice %arg2[%dma_wait3A_777] : memref<3276800xf32, #tpu.memory_space<hbm>> -> memref<8192xf32, #tpu.memory_space<hbm>>
      tpu.wait_dma2 semaphore(%arg10 : memref<!tpu.dma_semaphore, #tpu.memory_space<semaphore_mem>>) src(%dma_wait3A_778 : memref<8192xf32, #tpu.memory_space<hbm>>) dst(%arg4 : memref<8192xf32, #tpu.memory_space<vmem>>)
      %parallel_loop3A = arith.constant 0 : i32
      %parallel_loop3A_779 = arith.constant 64 : i32
      %parallel_loop3A_780 = arith.constant 1 : i32
      scf.for %parallel_loop3A_821 = %parallel_loop3A to %parallel_loop3A_779 step %parallel_loop3A_780  : i32 {
        %parallel_loop3A_822 = arith.constant 8 : i32
        %parallel_loop3A_823 = arith.divsi %parallel_loop3A_821, %parallel_loop3A_822 : i32
        %parallel_loop3A_824 = arith.constant 0 : i32
        %parallel_loop3A_825 = arith.cmpi sgt, %parallel_loop3A_821, %parallel_loop3A_824 : i32
        %parallel_loop3A_826 = arith.extui %parallel_loop3A_825 : i1 to i32
        %parallel_loop3A_827 = arith.constant 0 : i32
        %parallel_loop3A_828 = arith.cmpi slt, %parallel_loop3A_821, %parallel_loop3A_827 : i32
        %parallel_loop3A_829 = arith.extui %parallel_loop3A_828 : i1 to i32
        %parallel_loop3A_830 = arith.subi %parallel_loop3A_826, %parallel_loop3A_829 : i32
        %parallel_loop3A_831 = arith.constant 0 : i32
        %parallel_loop3A_832 = arith.cmpi sgt, %parallel_loop3A_822, %parallel_loop3A_831 : i32
        %parallel_loop3A_833 = arith.extui %parallel_loop3A_832 : i1 to i32
        %parallel_loop3A_834 = arith.constant 0 : i32
        %parallel_loop3A_835 = arith.cmpi slt, %parallel_loop3A_822, %parallel_loop3A_834 : i32
        %parallel_loop3A_836 = arith.extui %parallel_loop3A_835 : i1 to i32
        %parallel_loop3A_837 = arith.subi %parallel_loop3A_833, %parallel_loop3A_836 : i32
        %parallel_loop3A_838 = arith.cmpi ne, %parallel_loop3A_830, %parallel_loop3A_837 : i32
        %parallel_loop3A_839 = arith.remsi %parallel_loop3A_821, %parallel_loop3A_822 : i32
        %parallel_loop3A_840 = arith.constant 0 : i32
        %parallel_loop3A_841 = arith.cmpi ne, %parallel_loop3A_839, %parallel_loop3A_840 : i32
        %parallel_loop3A_842 = arith.andi %parallel_loop3A_838, %parallel_loop3A_841 : i1
        %parallel_loop3A_843 = arith.constant 1 : i32
        %parallel_loop3A_844 = arith.subi %parallel_loop3A_823, %parallel_loop3A_843 : i32
        %parallel_loop3A_845 = arith.select %parallel_loop3A_842, %parallel_loop3A_844, %parallel_loop3A_823 : i32
        %parallel_loop3A_846 = arith.constant 8 : i32
        %parallel_loop3A_847 = arith.muli %parallel_loop3A_845, %parallel_loop3A_846 : i32
        %parallel_loop3A_848 = arith.subi %parallel_loop3A_821, %parallel_loop3A_847 : i32
        %parallel_loop3A_849 = arith.constant 8 : i32
        %parallel_loop3A_850 = arith.muli %parallel_loop3A_848, %parallel_loop3A_849 : i32
        %parallel_loop3A_851 = arith.addi %parallel_loop3A_850, %parallel_loop3A_845 : i32
        %parallel_loop3A_852 = arith.constant 128 : i32
        %parallel_loop3A_853 = arith.muli %parallel_loop3A_821, %parallel_loop3A_852 : i32
        %parallel_loop3A_854 = arith.constant 0 : i32
        %parallel_loop3A_855 = arith.addi %parallel_loop3A_853, %parallel_loop3A_854 : i32
        %parallel_loop3A_856 = arith.index_cast %parallel_loop3A_855 : i32 to index
        %parallel_loop3A_857 = tpu.vector_load %arg4[%parallel_loop3A_856] {strides = array<i32>} : memref<8192xf32, #tpu.memory_space<vmem>>, vector<16xf32>,
        %parallel_loop3A_858 = vector.shape_cast %parallel_loop3A_857 : vector<16xf32> to vector<16xf32>
        %parallel_loop3A_859 = arith.constant 9.990000e+02 : f32
        %parallel_loop3A_860 = vector.broadcast %parallel_loop3A_859 : f32 to vector<16xf32>
        %parallel_loop3A_861 = arith.mulf %parallel_loop3A_858, %parallel_loop3A_860 : vector<16xf32>
        %parallel_loop3A_862 = arith.constant 0x4B400000 : f32
        %parallel_loop3A_863 = vector.broadcast %parallel_loop3A_862 : f32 to vector<16xf32>
        %parallel_loop3A_864 = arith.addf %parallel_loop3A_861, %parallel_loop3A_863 : vector<16xf32>
        %parallel_loop3A_865 = arith.constant 0x4B400000 : f32
        %parallel_loop3A_866 = vector.broadcast %parallel_loop3A_865 : f32 to vector<16xf32>
        %parallel_loop3A_867 = arith.subf %parallel_loop3A_864, %parallel_loop3A_866 : vector<16xf32>
        %parallel_loop3A_868 = arith.fptosi %parallel_loop3A_867 : vector<16xf32> to vector<16xi32>
        %parallel_loop3A_869 = arith.constant 128 : i32
        %parallel_loop3A_870 = arith.muli %parallel_loop3A_851, %parallel_loop3A_869 : i32
        %parallel_loop3A_871 = arith.constant 0 : i32
        %parallel_loop3A_872 = arith.addi %parallel_loop3A_870, %parallel_loop3A_871 : i32
        %parallel_loop3A_873 = arith.index_cast %parallel_loop3A_872 : i32 to index
        %parallel_loop3A_874 = tpu.vector_load %arg7[%parallel_loop3A_873] {strides = array<i32>} : memref<8192xi32, #tpu.memory_space<vmem>>, vector<16xi32>,
        %parallel_loop3A_875 = vector.shape_cast %parallel_loop3A_874 : vector<16xi32> to vector<16xi32>
        %parallel_loop3A_876 = vector.shape_cast %parallel_loop3A_868 : vector<16xi32> to vector<16xi32>
        tpu.vector_store %arg7[%parallel_loop3A_873], %parallel_loop3A_876 {strides = array<i32>} : memref<8192xi32, #tpu.memory_space<vmem>>, vector<16xi32>,
        %parallel_loop3A_877 = arith.constant 128 : i32
        %parallel_loop3A_878 = arith.muli %parallel_loop3A_821, %parallel_loop3A_877 : i32
        %parallel_loop3A_879 = arith.constant 16 : i32
        %parallel_loop3A_880 = arith.addi %parallel_loop3A_878, %parallel_loop3A_879 : i32
        %parallel_loop3A_881 = arith.index_cast %parallel_loop3A_880 : i32 to index
        %parallel_loop3A_882 = tpu.vector_load %arg4[%parallel_loop3A_881] {strides = array<i32>} : memref<8192xf32, #tpu.memory_space<vmem>>, vector<16xf32>,
        %parallel_loop3A_883 = vector.shape_cast %parallel_loop3A_882 : vector<16xf32> to vector<16xf32>
        %parallel_loop3A_884 = arith.constant 9.990000e+02 : f32
        %parallel_loop3A_885 = vector.broadcast %parallel_loop3A_884 : f32 to vector<16xf32>
        %parallel_loop3A_886 = arith.mulf %parallel_loop3A_883, %parallel_loop3A_885 : vector<16xf32>
        %parallel_loop3A_887 = arith.constant 0x4B400000 : f32
        %parallel_loop3A_888 = vector.broadcast %parallel_loop3A_887 : f32 to vector<16xf32>
        %parallel_loop3A_889 = arith.addf %parallel_loop3A_886, %parallel_loop3A_888 : vector<16xf32>
        %parallel_loop3A_890 = arith.constant 0x4B400000 : f32
        %parallel_loop3A_891 = vector.broadcast %parallel_loop3A_890 : f32 to vector<16xf32>
        %parallel_loop3A_892 = arith.subf %parallel_loop3A_889, %parallel_loop3A_891 : vector<16xf32>
        %parallel_loop3A_893 = arith.fptosi %parallel_loop3A_892 : vector<16xf32> to vector<16xi32>
        %parallel_loop3A_894 = arith.constant 128 : i32
        %parallel_loop3A_895 = arith.muli %parallel_loop3A_851, %parallel_loop3A_894 : i32
        %parallel_loop3A_896 = arith.constant 16 : i32
        %parallel_loop3A_897 = arith.addi %parallel_loop3A_895, %parallel_loop3A_896 : i32
        %parallel_loop3A_898 = arith.index_cast %parallel_loop3A_897 : i32 to index
        %parallel_loop3A_899 = tpu.vector_load %arg7[%parallel_loop3A_898] {strides = array<i32>} : memref<8192xi32, #tpu.memory_space<vmem>>, vector<16xi32>,
        %parallel_loop3A_900 = vector.shape_cast %parallel_loop3A_899 : vector<16xi32> to vector<16xi32>
        %parallel_loop3A_901 = vector.shape_cast %parallel_loop3A_893 : vector<16xi32> to vector<16xi32>
        tpu.vector_store %arg7[%parallel_loop3A_898], %parallel_loop3A_901 {strides = array<i32>} : memref<8192xi32, #tpu.memory_space<vmem>>, vector<16xi32>,
        %parallel_loop3A_902 = arith.constant 128 : i32
        %parallel_loop3A_903 = arith.muli %parallel_loop3A_821, %parallel_loop3A_902 : i32
        %parallel_loop3A_904 = arith.constant 32 : i32
        %parallel_loop3A_905 = arith.addi %parallel_loop3A_903, %parallel_loop3A_904 : i32
        %parallel_loop3A_906 = arith.index_cast %parallel_loop3A_905 : i32 to index
        %parallel_loop3A_907 = tpu.vector_load %arg4[%parallel_loop3A_906] {strides = array<i32>} : memref<8192xf32, #tpu.memory_space<vmem>>, vector<16xf32>,
        %parallel_loop3A_908 = vector.shape_cast %parallel_loop3A_907 : vector<16xf32> to vector<16xf32>
        %parallel_loop3A_909 = arith.constant 9.990000e+02 : f32
        %parallel_loop3A_910 = vector.broadcast %parallel_loop3A_909 : f32 to vector<16xf32>
        %parallel_loop3A_911 = arith.mulf %parallel_loop3A_908, %parallel_loop3A_910 : vector<16xf32>
        %parallel_loop3A_912 = arith.constant 0x4B400000 : f32
        %parallel_loop3A_913 = vector.broadcast %parallel_loop3A_912 : f32 to vector<16xf32>
        %parallel_loop3A_914 = arith.addf %parallel_loop3A_911, %parallel_loop3A_913 : vector<16xf32>
        %parallel_loop3A_915 = arith.constant 0x4B400000 : f32
        %parallel_loop3A_916 = vector.broadcast %parallel_loop3A_915 : f32 to vector<16xf32>
        %parallel_loop3A_917 = arith.subf %parallel_loop3A_914, %parallel_loop3A_916 : vector<16xf32>
        %parallel_loop3A_918 = arith.fptosi %parallel_loop3A_917 : vector<16xf32> to vector<16xi32>
        %parallel_loop3A_919 = arith.constant 128 : i32
        %parallel_loop3A_920 = arith.muli %parallel_loop3A_851, %parallel_loop3A_919 : i32
        %parallel_loop3A_921 = arith.constant 32 : i32
        %parallel_loop3A_922 = arith.addi %parallel_loop3A_920, %parallel_loop3A_921 : i32
        %parallel_loop3A_923 = arith.index_cast %parallel_loop3A_922 : i32 to index
        %parallel_loop3A_924 = tpu.vector_load %arg7[%parallel_loop3A_923] {strides = array<i32>} : memref<8192xi32, #tpu.memory_space<vmem>>, vector<16xi32>,
        %parallel_loop3A_925 = vector.shape_cast %parallel_loop3A_924 : vector<16xi32> to vector<16xi32>
        %parallel_loop3A_926 = vector.shape_cast %parallel_loop3A_918 : vector<16xi32> to vector<16xi32>
        tpu.vector_store %arg7[%parallel_loop3A_923], %parallel_loop3A_926 {strides = array<i32>} : memref<8192xi32, #tpu.memory_space<vmem>>, vector<16xi32>,
        %parallel_loop3A_927 = arith.constant 128 : i32
        %parallel_loop3A_928 = arith.muli %parallel_loop3A_821, %parallel_loop3A_927 : i32
        %parallel_loop3A_929 = arith.constant 48 : i32
        %parallel_loop3A_930 = arith.addi %parallel_loop3A_928, %parallel_loop3A_929 : i32
        %parallel_loop3A_931 = arith.index_cast %parallel_loop3A_930 : i32 to index
        %parallel_loop3A_932 = tpu.vector_load %arg4[%parallel_loop3A_931] {strides = array<i32>} : memref<8192xf32, #tpu.memory_space<vmem>>, vector<16xf32>,
        %parallel_loop3A_933 = vector.shape_cast %parallel_loop3A_932 : vector<16xf32> to vector<16xf32>
        %parallel_loop3A_934 = arith.constant 9.990000e+02 : f32
        %parallel_loop3A_935 = vector.broadcast %parallel_loop3A_934 : f32 to vector<16xf32>
        %parallel_loop3A_936 = arith.mulf %parallel_loop3A_933, %parallel_loop3A_935 : vector<16xf32>
        %parallel_loop3A_937 = arith.constant 0x4B400000 : f32
        %parallel_loop3A_938 = vector.broadcast %parallel_loop3A_937 : f32 to vector<16xf32>
        %parallel_loop3A_939 = arith.addf %parallel_loop3A_936, %parallel_loop3A_938 : vector<16xf32>
        %parallel_loop3A_940 = arith.constant 0x4B400000 : f32
        %parallel_loop3A_941 = vector.broadcast %parallel_loop3A_940 : f32 to vector<16xf32>
        %parallel_loop3A_942 = arith.subf %parallel_loop3A_939, %parallel_loop3A_941 : vector<16xf32>
        %parallel_loop3A_943 = arith.fptosi %parallel_loop3A_942 : vector<16xf32> to vector<16xi32>
        %parallel_loop3A_944 = arith.constant 128 : i32
        %parallel_loop3A_945 = arith.muli %parallel_loop3A_851, %parallel_loop3A_944 : i32
        %parallel_loop3A_946 = arith.constant 48 : i32
        %parallel_loop3A_947 = arith.addi %parallel_loop3A_945, %parallel_loop3A_946 : i32
        %parallel_loop3A_948 = arith.index_cast %parallel_loop3A_947 : i32 to index
        %parallel_loop3A_949 = tpu.vector_load %arg7[%parallel_loop3A_948] {strides = array<i32>} : memref<8192xi32, #tpu.memory_space<vmem>>, vector<16xi32>,
        %parallel_loop3A_950 = vector.shape_cast %parallel_loop3A_949 : vector<16xi32> to vector<16xi32>
        %parallel_loop3A_951 = vector.shape_cast %parallel_loop3A_943 : vector<16xi32> to vector<16xi32>
        tpu.vector_store %arg7[%parallel_loop3A_948], %parallel_loop3A_951 {strides = array<i32>} : memref<8192xi32, #tpu.memory_space<vmem>>, vector<16xi32>,
        %parallel_loop3A_952 = arith.constant 128 : i32
        %parallel_loop3A_953 = arith.muli %parallel_loop3A_821, %parallel_loop3A_952 : i32
        %parallel_loop3A_954 = arith.constant 64 : i32
        %parallel_loop3A_955 = arith.addi %parallel_loop3A_953, %parallel_loop3A_954 : i32
        %parallel_loop3A_956 = arith.index_cast %parallel_loop3A_955 : i32 to index
        %parallel_loop3A_957 = tpu.vector_load %arg4[%parallel_loop3A_956] {strides = array<i32>} : memref<8192xf32, #tpu.memory_space<vmem>>, vector<16xf32>,
        %parallel_loop3A_958 = vector.shape_cast %parallel_loop3A_957 : vector<16xf32> to vector<16xf32>
        %parallel_loop3A_959 = arith.constant 9.990000e+02 : f32
        %parallel_loop3A_960 = vector.broadcast %parallel_loop3A_959 : f32 to vector<16xf32>
        %parallel_loop3A_961 = arith.mulf %parallel_loop3A_958, %parallel_loop3A_960 : vector<16xf32>
        %parallel_loop3A_962 = arith.constant 0x4B400000 : f32
        %parallel_loop3A_963 = vector.broadcast %parallel_loop3A_962 : f32 to vector<16xf32>
        %parallel_loop3A_964 = arith.addf %parallel_loop3A_961, %parallel_loop3A_963 : vector<16xf32>
        %parallel_loop3A_965 = arith.constant 0x4B400000 : f32
        %parallel_loop3A_966 = vector.broadcast %parallel_loop3A_965 : f32 to vector<16xf32>
        %parallel_loop3A_967 = arith.subf %parallel_loop3A_964, %parallel_loop3A_966 : vector<16xf32>
        %parallel_loop3A_968 = arith.fptosi %parallel_loop3A_967 : vector<16xf32> to vector<16xi32>
        %parallel_loop3A_969 = arith.constant 128 : i32
        %parallel_loop3A_970 = arith.muli %parallel_loop3A_851, %parallel_loop3A_969 : i32
        %parallel_loop3A_971 = arith.constant 64 : i32
        %parallel_loop3A_972 = arith.addi %parallel_loop3A_970, %parallel_loop3A_971 : i32
        %parallel_loop3A_973 = arith.index_cast %parallel_loop3A_972 : i32 to index
        %parallel_loop3A_974 = tpu.vector_load %arg7[%parallel_loop3A_973] {strides = array<i32>} : memref<8192xi32, #tpu.memory_space<vmem>>, vector<16xi32>,
        %parallel_loop3A_975 = vector.shape_cast %parallel_loop3A_974 : vector<16xi32> to vector<16xi32>
        %parallel_loop3A_976 = vector.shape_cast %parallel_loop3A_968 : vector<16xi32> to vector<16xi32>
        tpu.vector_store %arg7[%parallel_loop3A_973], %parallel_loop3A_976 {strides = array<i32>} : memref<8192xi32, #tpu.memory_space<vmem>>, vector<16xi32>,
        %parallel_loop3A_977 = arith.constant 128 : i32
        %parallel_loop3A_978 = arith.muli %parallel_loop3A_821, %parallel_loop3A_977 : i32
        %parallel_loop3A_979 = arith.constant 80 : i32
        %parallel_loop3A_980 = arith.addi %parallel_loop3A_978, %parallel_loop3A_979 : i32
        %parallel_loop3A_981 = arith.index_cast %parallel_loop3A_980 : i32 to index
        %parallel_loop3A_982 = tpu.vector_load %arg4[%parallel_loop3A_981] {strides = array<i32>} : memref<8192xf32, #tpu.memory_space<vmem>>, vector<16xf32>,
        %parallel_loop3A_983 = vector.shape_cast %parallel_loop3A_982 : vector<16xf32> to vector<16xf32>
        %parallel_loop3A_984 = arith.constant 9.990000e+02 : f32
        %parallel_loop3A_985 = vector.broadcast %parallel_loop3A_984 : f32 to vector<16xf32>
        %parallel_loop3A_986 = arith.mulf %parallel_loop3A_983, %parallel_loop3A_985 : vector<16xf32>
        %parallel_loop3A_987 = arith.constant 0x4B400000 : f32
        %parallel_loop3A_988 = vector.broadcast %parallel_loop3A_987 : f32 to vector<16xf32>
        %parallel_loop3A_989 = arith.addf %parallel_loop3A_986, %parallel_loop3A_988 : vector<16xf32>
        %parallel_loop3A_990 = arith.constant 0x4B400000 : f32
        %parallel_loop3A_991 = vector.broadcast %parallel_loop3A_990 : f32 to vector<16xf32>
        %parallel_loop3A_992 = arith.subf %parallel_loop3A_989, %parallel_loop3A_991 : vector<16xf32>
        %parallel_loop3A_993 = arith.fptosi %parallel_loop3A_992 : vector<16xf32> to vector<16xi32>
        %parallel_loop3A_994 = arith.constant 128 : i32
        %parallel_loop3A_995 = arith.muli %parallel_loop3A_851, %parallel_loop3A_994 : i32
        %parallel_loop3A_996 = arith.constant 80 : i32
        %parallel_loop3A_997 = arith.addi %parallel_loop3A_995, %parallel_loop3A_996 : i32
        %parallel_loop3A_998 = arith.index_cast %parallel_loop3A_997 : i32 to index
        %parallel_loop3A_999 = tpu.vector_load %arg7[%parallel_loop3A_998] {strides = array<i32>} : memref<8192xi32, #tpu.memory_space<vmem>>, vector<16xi32>,
        %parallel_loop3A_1000 = vector.shape_cast %parallel_loop3A_999 : vector<16xi32> to vector<16xi32>
        %parallel_loop3A_1001 = vector.shape_cast %parallel_loop3A_993 : vector<16xi32> to vector<16xi32>
        tpu.vector_store %arg7[%parallel_loop3A_998], %parallel_loop3A_1001 {strides = array<i32>} : memref<8192xi32, #tpu.memory_space<vmem>>, vector<16xi32>,
        %parallel_loop3A_1002 = arith.constant 128 : i32
        %parallel_loop3A_1003 = arith.muli %parallel_loop3A_821, %parallel_loop3A_1002 : i32
        %parallel_loop3A_1004 = arith.constant 96 : i32
        %parallel_loop3A_1005 = arith.addi %parallel_loop3A_1003, %parallel_loop3A_1004 : i32
        %parallel_loop3A_1006 = arith.index_cast %parallel_loop3A_1005 : i32 to index
        %parallel_loop3A_1007 = tpu.vector_load %arg4[%parallel_loop3A_1006] {strides = array<i32>} : memref<8192xf32, #tpu.memory_space<vmem>>, vector<16xf32>,
        %parallel_loop3A_1008 = vector.shape_cast %parallel_loop3A_1007 : vector<16xf32> to vector<16xf32>
        %parallel_loop3A_1009 = arith.constant 9.990000e+02 : f32
        %parallel_loop3A_1010 = vector.broadcast %parallel_loop3A_1009 : f32 to vector<16xf32>
        %parallel_loop3A_1011 = arith.mulf %parallel_loop3A_1008, %parallel_loop3A_1010 : vector<16xf32>
        %parallel_loop3A_1012 = arith.constant 0x4B400000 : f32
        %parallel_loop3A_1013 = vector.broadcast %parallel_loop3A_1012 : f32 to vector<16xf32>
        %parallel_loop3A_1014 = arith.addf %parallel_loop3A_1011, %parallel_loop3A_1013 : vector<16xf32>
        %parallel_loop3A_1015 = arith.constant 0x4B400000 : f32
        %parallel_loop3A_1016 = vector.broadcast %parallel_loop3A_1015 : f32 to vector<16xf32>
        %parallel_loop3A_1017 = arith.subf %parallel_loop3A_1014, %parallel_loop3A_1016 : vector<16xf32>
        %parallel_loop3A_1018 = arith.fptosi %parallel_loop3A_1017 : vector<16xf32> to vector<16xi32>
        %parallel_loop3A_1019 = arith.constant 128 : i32
        %parallel_loop3A_1020 = arith.muli %parallel_loop3A_851, %parallel_loop3A_1019 : i32
        %parallel_loop3A_1021 = arith.constant 96 : i32
        %parallel_loop3A_1022 = arith.addi %parallel_loop3A_1020, %parallel_loop3A_1021 : i32
        %parallel_loop3A_1023 = arith.index_cast %parallel_loop3A_1022 : i32 to index
        %parallel_loop3A_1024 = tpu.vector_load %arg7[%parallel_loop3A_1023] {strides = array<i32>} : memref<8192xi32, #tpu.memory_space<vmem>>, vector<16xi32>,
        %parallel_loop3A_1025 = vector.shape_cast %parallel_loop3A_1024 : vector<16xi32> to vector<16xi32>
        %parallel_loop3A_1026 = vector.shape_cast %parallel_loop3A_1018 : vector<16xi32> to vector<16xi32>
        tpu.vector_store %arg7[%parallel_loop3A_1023], %parallel_loop3A_1026 {strides = array<i32>} : memref<8192xi32, #tpu.memory_space<vmem>>, vector<16xi32>,
        %parallel_loop3A_1027 = arith.constant 128 : i32
        %parallel_loop3A_1028 = arith.muli %parallel_loop3A_821, %parallel_loop3A_1027 : i32
        %parallel_loop3A_1029 = arith.constant 112 : i32
        %parallel_loop3A_1030 = arith.addi %parallel_loop3A_1028, %parallel_loop3A_1029 : i32
        %parallel_loop3A_1031 = arith.index_cast %parallel_loop3A_1030 : i32 to index
        %parallel_loop3A_1032 = tpu.vector_load %arg4[%parallel_loop3A_1031] {strides = array<i32>} : memref<8192xf32, #tpu.memory_space<vmem>>, vector<16xf32>,
        %parallel_loop3A_1033 = vector.shape_cast %parallel_loop3A_1032 : vector<16xf32> to vector<16xf32>
        %parallel_loop3A_1034 = arith.constant 9.990000e+02 : f32
        %parallel_loop3A_1035 = vector.broadcast %parallel_loop3A_1034 : f32 to vector<16xf32>
        %parallel_loop3A_1036 = arith.mulf %parallel_loop3A_1033, %parallel_loop3A_1035 : vector<16xf32>
        %parallel_loop3A_1037 = arith.constant 0x4B400000 : f32
        %parallel_loop3A_1038 = vector.broadcast %parallel_loop3A_1037 : f32 to vector<16xf32>
        %parallel_loop3A_1039 = arith.addf %parallel_loop3A_1036, %parallel_loop3A_1038 : vector<16xf32>
        %parallel_loop3A_1040 = arith.constant 0x4B400000 : f32
        %parallel_loop3A_1041 = vector.broadcast %parallel_loop3A_1040 : f32 to vector<16xf32>
        %parallel_loop3A_1042 = arith.subf %parallel_loop3A_1039, %parallel_loop3A_1041 : vector<16xf32>
        %parallel_loop3A_1043 = arith.fptosi %parallel_loop3A_1042 : vector<16xf32> to vector<16xi32>
        %parallel_loop3A_1044 = arith.constant 128 : i32
        %parallel_loop3A_1045 = arith.muli %parallel_loop3A_851, %parallel_loop3A_1044 : i32
        %parallel_loop3A_1046 = arith.constant 112 : i32
        %parallel_loop3A_1047 = arith.addi %parallel_loop3A_1045, %parallel_loop3A_1046 : i32
        %parallel_loop3A_1048 = arith.index_cast %parallel_loop3A_1047 : i32 to index
        %parallel_loop3A_1049 = tpu.vector_load %arg7[%parallel_loop3A_1048] {strides = array<i32>} : memref<8192xi32, #tpu.memory_space<vmem>>, vector<16xi32>,
        %parallel_loop3A_1050 = vector.shape_cast %parallel_loop3A_1049 : vector<16xi32> to vector<16xi32>
        %parallel_loop3A_1051 = vector.shape_cast %parallel_loop3A_1043 : vector<16xi32> to vector<16xi32>
        tpu.vector_store %arg7[%parallel_loop3A_1048], %parallel_loop3A_1051 {strides = array<i32>} : memref<8192xi32, #tpu.memory_space<vmem>>, vector<16xi32>,
      } {sc.loop_unroll_factor = 4 : i64, sc.parallel_access}
      %jit3A_781 = arith.constant 16 : i32
      %div3A_782 = arith.divsi %add3A_625, %jit3A_781 : i32
      %sign3A_783 = arith.constant 0 : i32
      %sign3A_784 = arith.cmpi sgt, %add3A_625, %sign3A_783 : i32
      %sign3A_785 = arith.extui %sign3A_784 : i1 to i32
      %sign3A_786 = arith.constant 0 : i32
      %sign3A_787 = arith.cmpi slt, %add3A_625, %sign3A_786 : i32
      %sign3A_788 = arith.extui %sign3A_787 : i1 to i32
      %sign3A_789 = arith.subi %sign3A_785, %sign3A_788 : i32
      %sign3A_790 = arith.constant 0 : i32
      %sign3A_791 = arith.cmpi sgt, %jit3A_781, %sign3A_790 : i32
      %sign3A_792 = arith.extui %sign3A_791 : i1 to i32
      %sign3A_793 = arith.constant 0 : i32
      %sign3A_794 = arith.cmpi slt, %jit3A_781, %sign3A_793 : i32
      %sign3A_795 = arith.extui %sign3A_794 : i1 to i32
      %sign3A_796 = arith.subi %sign3A_792, %sign3A_795 : i32
      %ne3A_797 = arith.cmpi ne, %sign3A_789, %sign3A_796 : i32
      %rem3A_798 = arith.remsi %add3A_625, %jit3A_781 : i32
      %ne3A_799 = arith.constant 0 : i32
      %ne3A_800 = arith.cmpi ne, %rem3A_798, %ne3A_799 : i32
      %and3A_801 = arith.andi %ne3A_797, %ne3A_800 : i1
      %sub3A_802 = arith.constant 1 : i32
      %sub3A_803 = arith.subi %div3A_782, %sub3A_802 : i32
      %select_n3A_804 = arith.select %and3A_801, %sub3A_803, %div3A_782 : i32
      %mul3A_805 = arith.constant 16 : i32
      %mul3A_806 = arith.muli %select_n3A_804, %mul3A_805 : i32
      %sub3A_807 = arith.subi %add3A_625, %mul3A_806 : i32
      %mul3A_808 = arith.constant 8 : i32
      %mul3A_809 = arith.muli %sub3A_807, %mul3A_808 : i32
      %mul3A_810 = arith.constant 131072 : i32
      %mul3A_811 = arith.muli %select_n3A_804, %mul3A_810 : i32
      %mul3A_812 = arith.constant 8 : i32
      %mul3A_813 = arith.muli %mul3A_809, %mul3A_812 : i32
      %mul3A_814 = arith.constant 128 : i32
      %mul3A_815 = arith.muli %mul3A_813, %mul3A_814 : i32
      %add3A_816 = arith.addi %mul3A_811, %mul3A_815 : i32
      %dma_start3A_817 = tpu.memref_slice %arg3[%add3A_816] : memref<3276800xi32, #tpu.memory_space<hbm>> -> memref<8192xi32, #tpu.memory_space<hbm>>
      %dma_start3A_818 = tpu.memref_slice %arg3[%add3A_816] : memref<3276800xi32, #tpu.memory_space<hbm>> -> memref<8192xi32, #tpu.memory_space<hbm>>
      tpu.enqueue_dma source(%arg7 : memref<8192xi32, #tpu.memory_space<vmem>>) target(%dma_start3A_818 : memref<8192xi32, #tpu.memory_space<hbm>>) target_semaphore(%arg13 : memref<!tpu.dma_semaphore, #tpu.memory_space<semaphore_mem>>)
      %dma_wait3A_819 = tpu.memref_slice %arg3[%add3A_816] : memref<3276800xi32, #tpu.memory_space<hbm>> -> memref<8192xi32, #tpu.memory_space<hbm>>
      %dma_wait3A_820 = tpu.memref_slice %arg3[%add3A_816] : memref<3276800xi32, #tpu.memory_space<hbm>> -> memref<8192xi32, #tpu.memory_space<hbm>>
      tpu.wait_dma2 semaphore(%arg13 : memref<!tpu.dma_semaphore, #tpu.memory_space<semaphore_mem>>) src(%arg7 : memref<8192xi32, #tpu.memory_space<vmem>>) dst(%dma_wait3A_820 : memref<8192xi32, #tpu.memory_space<hbm>>)
    } else {
    }
    return
  }
}

</mosaic_0001>

<sc_bundles>
// kernel: kernel.3.cloned.1.call-start
scs
__scs_entry_jumppad:
0x0: {  	(pc) =	sbr.rel $0x88, $3  }
0x1: {  	(tag) =	ssettag $0x0;
	lr =	simm.s32 $0x1  }
0x2: {  	[smem:$0x3FA0] =	sst lr;
	_ =	strace $0xD0000000  }
0x3: {  	_ = 	snop  }
0x4: {  	_ = 	snop  }
0x5: {  	_ = 	snop  }
0x6: {  	_ = 	snop  }
0x7: {  	_ = 	snop  }
__scs_overlays_trampoline_lowered:
0x8: {  	[smem:$0x3FAF] =	sst s0  }
0x9: {  	[smem:$0x3FB0] =	sst s1  }
0xa: {  	[smem:$0x3FB1] =	sst s2  }
0xb: {  	[smem:$0x3FB2] =	sst s3  }
0xc: {  	[smem:$0x3FB3] =	sst s4  }
0xd: {  	[smem:$0x3FB4] =	sst s5  }
0xe: {  	[smem:$0x3FB5] =	sst s6  }
0xf: {  	[smem:$0x3FB6] =	sst s7  }
0x10: {  	[smem:$0x3FB7] =	sst s8  }
0x11: {  	[smem:$0x3FB8] =	sst s9;
	s0 =	simm.s32 @!p0 $0x0  }
0x12: {  	s1 =	sld [smem:$0x3F9E];
	s0 =	simm.s32 @p0 $0x1  }
0x13: {  	[smem:$0x3FB9] =	sst s0;
	s0 =	simm.s32 @!p1 $0x0  }
0x14: {  	s2 =	sld [smem:$0x3F9D];
	s0 =	simm.s32 @p1 $0x1  }
0x15: {  	[smem:$0x3FBA] =	sst s0;
	s0 =	simm.s32 @!p2 $0x0  }
0x16: {  	s3 =	sld [smem:$0x3FDB];
	s0 =	simm.s32 @p2 $0x1  }
0x17: {  	s4 =	simm.s32 $0x1BF5;
	[smem:$0x3FBC] =	sst s0  }
0x18: {  	s0 =	sld [smem:$0x3F9F];
	_ =	swait.ge [sflag:s4], $0x0  }
0x19: {  	s7 =	sld [smem:$0x3FA0]  }
0x1a: {  	s8 =	sadd.s32 $0xFFFFE003, lr  }
0x1b: {  	s9 =	sadd.s32 $0xFFFFFEF7, lr;
	s5 =	simm.s32 $0xFFFFFFFF;
	p2 =	slt.u32 s8, $0xFFFFF086  }
0x1c: {  	p1 =	slt.u32 s9, $0xF7A;
	s5 =	simm.s32 @!p2 $0x0  }
0x1d: {  	s5 =	simm.s32 @p1 $0x1;
	p0 =	seq.s32 s7, s2  }
0x1e: {  	s7 =	smul.u32 @!p0 $0xF7A, s2;
	p2 =	seq.s32 @!p0 s5, $0x0  }
0x1f: {  	s9 =	smul.u32 $0xF7A, s1;
	s8 =	simm.s32 @!p0 $0x1BF5;
	p2 =	por !p2, p0  }
0x20: {  	[sflag:s8] =	ssyncset.s32 @!p0 $0xFFFFF086;
	s6 =	sadd.s32 @!p0 s3, s7;
	s7 =	simm.s32 @!p0 $0x108  }
0x21: {  	s3 =	sadd.s32 s3, s9;
	s6 =	sadd.s32 @!p0 $0x88, s6;
	s7 =	simm.s32 @p2 $0x1082  }
0x22: {  	[simem:s7], [sflag:s8] =	dma.local @!p0 [hbm:s6], $0xF7A  }
0x23: {  	s9 =	sor.u32 $0xD0000000, s2;
	s6 =	simm.s32 $0x108;
	_ =	swait.ge @!p0 [sflag:s8], $0x0  }
0x24: {  	s3 =	sadd.s32 $0x88, s3;
	s6 =	simm.s32 @!p1 $0x1082;
	[sflag:s4] =	ssyncset.s32 $0xFFFFF086  }
0x25: {  	[simem:s6], [sflag:s4] =	dma.local [hbm:s3], $0xF7A  }
0x26: {  	[smem:$0x3FA0] =	sst s1;
	(tag) =	ssettag s2;
	_ =	strace s9  }
0x27: {  	s1 =	sld [smem:$0x3FB0]  }
0x28: {  	s2 =	sld [smem:$0x3FB1]  }
0x29: {  	s4 =	sld [smem:$0x3FB3]  }
0x2a: {  	p0 =	seq.s32 s5, $0x0;
	s5 =	sld [smem:$0x3FB4]  }
0x2b: {  	s6 =	sld [smem:$0x3FB5]  }
0x2c: {  	s7 =	sld [smem:$0x3FB6]  }
0x2d: {  	s3 =	simm.s32 $0x108;
	s8 =	sld [smem:$0x3FB7]  }
0x2e: {  	s3 =	simm.s32 @!p0 $0x1082;
	s9 =	sld [smem:$0x3FB8]  }
0x2f: {  	lr =	sadd.s32 s0, s3;
	s0 =	sld [smem:$0x3FAF]  }
0x30: {  	s3 =	sld [smem:$0x3FB2]  }
0x31: {  	[smem:$0x3FBB] =	sst s10  }
0x32: {  	s10 =	sld [smem:$0x3FB9];
	_ =	sdelay $0x3  }
0x33: {  	p0 =	seq.s32 s10, $0x1;
	s10 =	sld [smem:$0x3FBB];
	_ =	sdelay $0x3  }
0x34: {  	[smem:$0x3FBB] =	sst s10  }
0x35: {  	s10 =	sld [smem:$0x3FBA];
	_ =	sdelay $0x3  }
0x36: {  	p1 =	seq.s32 s10, $0x1;
	s10 =	sld [smem:$0x3FBB];
	_ =	sdelay $0x3  }
0x37: {  	[smem:$0x3FBB] =	sst s10  }
0x38: {  	s10 =	sld [smem:$0x3FBC]  }
0x39: {  	_ = 	snop;
	(pc) =	sbr.ind lr, $3  }
0x3a: {  	_ = 	snop  }
0x3b: {  	_ = 	snop  }
0x3c: {  	p2 =	seq.s32 s10, $0x1;
	s10 =	sld [smem:$0x3FBB]  }
0x3d: {  	_ =	shalt  }
0x3e: {  	_ =	shalt  }
0x3f: {  	_ =	shalt  }
0x40: {  	_ =	shalt  }
0x41: {  	_ =	shalt  }
0x42: {  	_ =	shalt  }
0x43: {  	_ =	shalt  }
0x44: {  	_ =	shalt  }
0x45: {  	_ =	shalt  }
0x46: {  	_ =	shalt  }
0x47: {  	_ =	shalt  }
0x48: {  	_ =	shalt  }
0x49: {  	_ =	shalt  }
0x4a: {  	_ =	shalt  }
0x4b: {  	_ =	shalt  }
0x4c: {  	_ =	shalt  }
0x4d: {  	_ =	shalt  }
0x4e: {  	_ =	shalt  }
0x4f: {  	_ =	shalt  }
0x50: {  	_ =	shalt  }
0x51: {  	_ =	shalt  }
0x52: {  	_ =	shalt  }
0x53: {  	_ =	shalt  }
0x54: {  	_ =	shalt  }
0x55: {  	_ =	shalt  }
0x56: {  	_ =	shalt  }
0x57: {  	_ =	shalt  }
0x58: {  	_ =	shalt  }
0x59: {  	_ =	shalt  }
0x5a: {  	_ =	shalt  }
0x5b: {  	_ =	shalt  }
0x5c: {  	_ =	shalt  }
0x5d: {  	_ =	shalt  }
0x5e: {  	_ =	shalt  }
0x5f: {  	_ =	shalt  }
0x60: {  	_ =	shalt  }
0x61: {  	_ =	shalt  }
0x62: {  	_ =	shalt  }
0x63: {  	_ =	shalt  }
0x64: {  	_ =	shalt  }
0x65: {  	_ =	shalt  }
0x66: {  	_ =	shalt  }
0x67: {  	_ =	shalt  }
0x68: {  	_ =	shalt  }
0x69: {  	_ =	shalt  }
0x6a: {  	_ =	shalt  }
0x6b: {  	_ =	shalt  }
0x6c: {  	_ =	shalt  }
0x6d: {  	_ =	shalt  }
0x6e: {  	_ =	shalt  }
0x6f: {  	_ =	shalt  }
0x70: {  	_ =	shalt  }
0x71: {  	_ =	shalt  }
0x72: {  	_ =	shalt  }
0x73: {  	_ =	shalt  }
0x74: {  	_ =	shalt  }
0x75: {  	_ =	shalt  }
0x76: {  	_ =	shalt  }
0x77: {  	_ =	shalt  }
0x78: {  	_ =	shalt  }
0x79: {  	_ =	shalt  }
0x7a: {  	_ =	shalt  }
0x7b: {  	_ =	shalt  }
0x7c: {  	_ =	shalt  }
0x7d: {  	_ =	shalt  }
0x7e: {  	_ =	shalt  }
0x7f: {  	_ =	shalt  }
0x80: {  	_ =	shalt  }
0x81: {  	_ =	shalt  }
0x82: {  	_ =	shalt  }
0x83: {  	_ =	shalt  }
0x84: {  	_ =	shalt  }
0x85: {  	_ =	shalt  }
0x86: {  	_ =	shalt  }
0x87: {  	_ =	shalt  }
.Lfunc_end0:
.L_simem_size_0:
called_computation_lowered:
.L_overlay_start_0:
0x88: {  	s2 =	sld [smem:$0x3FD9]  }
0x89: {  	s3 =	sld [smem:$0x3FFE];
	_ =	sdelay $0x1  }
0x8a: {  	s1 =	srdreg.scid  }
0x8b: {  	s0 =	sand.u32 $0x1, s1  }
0x8c: {  	s18 =	sshll.u32 s0, $0xA;
	s2 =	sadd.s32 s3, s2  }
0x8d: {  	s2 =	sadd.s32 s2, s18  }
0x8e: {  	[smem:$0x3FC7] =	sst s2  }
0x8f: {  	_ = 	snop  }
0x90: {  	s2 =	sld [smem:$0x3FC9]  }
0x91: {  	s19 =	sld [smem:$0x3FD0];
	(tm) =	ssettm $0x1  }
0x92: {  	s4 =	sld [smem:$0x3FFB];
	_ =	sdelay $0x3  }
0x93: {  	_ =	strace s4  }
0x94: {  	s4 =	sld [smem:$0x3FFC];
	_ =	sdelay $0x3  }
0x95: {  	_ =	strace s4  }
0x96: {  	s4 =	sld [smem:$0x3FFD];
	_ =	sdelay $0x3  }
0x97: {  	_ =	strace s4  }
0x98: {  	_ =	strace $0x8FFFFFFF  }
0x99: {  	s20 =	sld [smem:$0x3FDB];
	_ =	sdelay $0x1  }
0x9a: {  	s5 =	simm.s32 $_scs_section_size  }
0x9b: {  	s6 =	simm.s32 $_size__tile_overlayer_lowered;
	s7 =	simm.s32 $_tile_overlayer_lowered  }
0x9c: {  	s23 =	simm.s32 $0x1BFF;
	s22 =	sshll.u32 s7, $0x1;
	s4 =	sadd.s32 s5, s20  }
0x9d: {  	s8 =	simm.s32 $0x0;
	s21 =	sshll.u32 s6, $0x1;
	s6 =	sadd.s32 s22, s4  }
0x9e: {  	[timem:s8], [sflag:s23] =	dma.local [hbm:s6], s21  }
0x9f: {  	_ =	swait.ge [sflag:s23], s21  }
0xa0: {  	s5 =	ssub.s32 $0x0, s21;
	[sflag:s23] =	ssyncset.done $0x0  }
0xa1: {  	[sflag:s23] =	ssyncadd.s32 s5;
	_ =	sdelay $0x1  }
0xa2: {  	s24 =	simm.s32 $0x1B8B  }
0xa3: {  	_ =	swait.ge [sflag:s24], $0x1  }
0xa4: {  	[sflag:s24] =	ssyncset.done $0x0  }
0xa5: {  	s25 =	simm.s32 $0x1B8E;
	[sflag:s24] =	ssyncadd.s32 $0xFFFFFFFF  }
0xa6: {  	s26 =	simm.s32 $execute0_lowered;
	[smem:$0x3FD2] =	sst s25  }
0xa7: {  	s5 =	sshll.u32 s26, $0x1;
	_ =	strace $0x80000046;
	[dreg:$0x1] =	wrdreg $0xFFFFFFFF  }
0xa8: {  	s28 =	simm.s32 $_size_execute0_lowered;
	s4 =	sadd.s32 s4, s5;
	[dreg:$0x0] =	wrdreg $0x0  }
0xa9: {  	s5 =	sshll.u32 s28, $0x1;
	[dreg:$0x2] =	wrdreg s4  }
0xaa: {  	[dreg:$0x3] =	wrdreg s5  }
0xab: {  	[dreg:$0x4] =	wrdreg $0xC0  }
0xac: {  	_ =	task [dreg:s8], $0x5FFFF  }
0xad: {  	[dreg:$0x1] =	wrdreg $0xFFFFFFFF  }
0xae: {  	[dreg:$0x0] =	wrdreg $0x60  }
0xaf: {  	[dreg:$0x2] =	wrdreg s2  }
0xb0: {  	[dreg:$0x3] =	wrdreg s19  }
0xb1: {  	[dreg:$0x4] =	wrdreg $0x9  }
0xb2: {  	_ =	task.clear_ibuf [dreg:s8], $0x5FFFF;
	_ =	strace $0x90000046  }
0xb3: {  	s29 =	simm.s32 $0x9;
	_ =	strace $0x80000048  }
0xb4: {  	_ =	swait.ge [sflag:s29], $0x1  }
0xb5: {  	[sflag:s29] =	ssyncadd.s32 $0xFFFFFFFF  }
0xb6: {  	_ =	strace $0x90000048  }
0xb7: {  	_ =	sfence  }
0xb8: {  	s30 =	sld [smem:$0x0];
	_ =	sdelay $0x2  }
0xb9: {  	s31 =	sshll.u32 s1, $0xD;
	s1 =	sshrl.u32 s1, $0x2  }
0xba: {  	s3 =	sand.u32 $0x4000, s31;
	s1 =	sadd.s32 s1, s30  }
0xbb: {  	s0 =	sor.u32 s3, s0;
	s1 =	sshll.u32 s1, $0x11  }
0xbc: {  	s0 =	sor.u32 s1, s0  }
0xbd: {  	s0 =	sadd.s32 $0x8F2B, s0  }
0xbe: {  	[sflag:s0] =	ssyncadd.remote.s32 $0x1  }
0xbf: {  	_ =	sfence.sel $0xFFFF  }
0xc0: {  	[dreg:$0x0] =	wrdreg $0xFFFFFFFF;
	(pc) =	sbr.abs _section_cstart, $3  }
0xc1: {  	[dreg:$0x1] =	wrdreg $0xFFFFFFFF  }
0xc2: {  	_ =	task.clear_ibuf [dreg:s8], $0x2FFFF;
	_ =	strace $0x9FFFFFFF  }
0xc3: {  	(tm) =	ssettm $0x7FFFFFFF  }
tec
execute0_lowered:
.L_overlay_start_1:
0x0: {  	(tag) =	ssettag $0x1  }
0x1: {  	s0 =	srdreg.scid  }
0x2: {  	s2 =	rddreg [dreg:$0x0];
	s1 =	stileid.u32  }
0x3: {  	s3 =	rddreg [dreg:$0x1];
	s5 =	simm.s32 $0x0;
	s6 =	sand.u32 $0x1, s0  }
0x4: {  	[smem:$0x7FF] =	sst s5;
	s0 =	sshll.u32 s6, $0x4;
	s13 =	ssub.s32 $0x2, s6  }
0x5: {  	s8 =	sshll.u32 s6, $0x11;
	_ =	strace $0x80000047;
	s4 =	sor.u32 s1, s0  }
0x6: {  	s6 =	sshll.u32 s6, $0x3;
	s9 =	sshrl.u32 s13, $0x1;
	s1 =	ssub.s32 s4, s0  }
0x7: {  	s0 =	ssub.s32 s13, s9;
	s7 =	sshll.u32 s1, $0xA;
	s6 =	sadd.s32 s6, s1  }
0x8: {  	p0 =	sgt.s32 s1, $0x7;
	s0 =	smax.u32 s0, $0x1;
	s7 =	sadd.s32 s8, s7  }
0x9: {  	[dreg:$0x1d] =	wrdreg s0;
	s8 =	sshrl.u32 s7, $0x3;
	s14 =	sadd.s32 $0x4000, s7  }
0xa: {  	s15 =	sadd.s32 $0x8000, s7;
	s10 =	sadd.s32 $0xC000, s7;
	s19 =	sadd.s32 $0x10000, s7  }
0xb: {  	s20 =	sadd.s32 $0x14000, s7;
	s12 =	sadd.s32 $0x18000, s7;
	s7 =	sadd.s32 $0x1C000, s7  }
0xc: {  	s8 =	sadd.s32 s2, s8;
	s16 =	sshrl.u32 s15, $0x3;
	s17 =	sshrl.u32 s10, $0x3  }
0xd: {  	s10 =	sor.u32 $0x20, s4;
	s21 =	sshrl.u32 s20, $0x3;
	s24 =	sshrl.u32 s12, $0x3  }
0xe: {  	s7 =	sshrl.u32 s7, $0x3;
	[dreg:$0x3] =	wrdreg s8;
	s8 =	sshrl.u32 s14, $0x3  }
0xf: {  	s18 =	sadd.s32 s2, s17;
	s22 =	sshrl.u32 s10, $0x4;
	s11 =	sshll.u32 s10, $0xA  }
0x10: {  	s25 =	sadd.s32 s2, s24;
	s7 =	sadd.s32 s2, s7;
	[dreg:$0x6] =	wrdreg s18  }
0x11: {  	s17 =	sshll.u32 s6, $0xD;
	s6 =	sand.u32 $0xF, s6;
	[dreg:$0x9] =	wrdreg s25  }
0x12: {  	s8 =	sadd.s32 s2, s8;
	s23 =	sshll.u32 s22, $0xE;
	[dreg:$0xa] =	wrdreg s7  }
0x13: {  	s9 =	sshll.u32 s22, $0x11;
	[dreg:$0x4] =	wrdreg s8;
	s8 =	sadd.s32 s2, s16  }
0x14: {  	s16 =	sor.u32 $0x40, s4;
	[dreg:$0x5] =	wrdreg s8;
	s8 =	sshrl.u32 s19, $0x3  }
0x15: {  	s18 =	sand.u32 $0xFFFE0000, s17;
	s13 =	sshrl.u32 s16, $0x4;
	s8 =	sadd.s32 s2, s8  }
0x16: {  	s15 =	sshll.u32 s16, $0xA;
	[dreg:$0x7] =	wrdreg s8;
	s8 =	sadd.s32 s2, s21  }
0x17: {  	s19 =	sshll.u32 s6, $0xA;
	[dreg:$0x8] =	wrdreg s8;
	s8 =	ssub.s32 s11, s23  }
0x18: {  	s6 =	sshll.u32 s6, $0xD;
	s14 =	sshll.u32 s13, $0xE;
	s8 =	sadd.s32 s9, s8  }
0x19: {  	s11 =	ssub.s32 s15, s14;
	s9 =	sshll.u32 s13, $0x11;
	s26 =	sshrl.u32 s8, $0x3  }
0x1a: {  	s29 =	sadd.s32 $0x4000, s8;
	s30 =	sadd.s32 $0x8000, s8;
	s9 =	sadd.s32 s9, s11  }
0x1b: {  	s11 =	sadd.s32 $0x300000, s18;
	s20 =	sadd.s32 $0xC000, s8;
	s21 =	sadd.s32 $0x10000, s8  }
0x1c: {  	s23 =	sadd.s32 $0x14000, s8;
	s24 =	sadd.s32 $0x18000, s8;
	s8 =	sadd.s32 $0x1C000, s8  }
0x1d: {  	s28 =	sadd.s32 s2, s26;
	s7 =	sshrl.u32 s29, $0x3;
	s31 =	sshrl.u32 s30, $0x3  }
0x1e: {  	s12 =	sor.u32 s11, s19;
	s6 =	sor.u32 s11, s6;
	s11 =	sshrl.u32 s20, $0x3  }
0x1f: {  	s1 =	sshrl.u32 s21, $0x3;
	s26 =	sshrl.u32 s8, $0x3;
	s29 =	sadd.s32 $0x4000, s9  }
0x20: {  	s8 =	sadd.s32 $0xC000, s9;
	s13 =	sadd.s32 $0x10000, s9;
	s15 =	sadd.s32 $0x14000, s9  }
0x21: {  	s18 =	sadd.s32 $0x18000, s9;
	s20 =	sadd.s32 $0x1C000, s9;
	[dreg:$0xb] =	wrdreg s28  }
0x22: {  	s7 =	sadd.s32 s2, s7;
	s22 =	sadd.s32 s2, s11;
	s1 =	sadd.s32 s2, s1  }
0x23: {  	s28 =	sshrl.u32 s9, $0x3;
	s30 =	sshrl.u32 s29, $0x3;
	[dreg:$0xc] =	wrdreg s7  }
0x24: {  	s11 =	sshrl.u32 s8, $0x3;
	s14 =	sshrl.u32 s13, $0x3;
	[dreg:$0xe] =	wrdreg s22  }
0x25: {  	s7 =	sadd.s32 s2, s31;
	[dreg:$0xf] =	wrdreg s1;
	s1 =	sshrl.u32 s23, $0x3  }
0x26: {  	[dreg:$0xd] =	wrdreg s7;
	s7 =	sshrl.u32 s24, $0x3;
	s1 =	sadd.s32 s2, s1  }
0x27: {  	s17 =	sshrl.u32 s15, $0x3;
	[dreg:$0x10] =	wrdreg s1;
	s25 =	sadd.s32 s2, s7  }
0x28: {  	s19 =	sshrl.u32 s18, $0x3;
	s1 =	sadd.s32 s2, s26;
	[dreg:$0x11] =	wrdreg s25  }
0x29: {  	s31 =	sadd.s32 $0x8000, s9;
	[dreg:$0x12] =	wrdreg s1;
	s1 =	sadd.s32 s2, s28  }
0x2a: {  	s7 =	sshrl.u32 s31, $0x3;
	[dreg:$0x13] =	wrdreg s1;
	s1 =	sadd.s32 s2, s30  }
0x2b: {  	s22 =	sshrl.u32 s12, $0x3;
	[dreg:$0x14] =	wrdreg s1;
	s1 =	sadd.s32 s2, s7  }
0x2c: {  	s21 =	sshrl.u32 s20, $0x3;
	s7 =	sadd.s32 s2, s22;
	[dreg:$0x15] =	wrdreg s1  }
0x2d: {  	s8 =	simm.s32 $0x4800;
	s1 =	sadd.s32 s2, s11;
	[dreg:$0x1b] =	wrdreg s7  }
0x2e: {  	s13 =	simm.s32 $0x5800;
	s24 =	sadd.s32 $0x800, s7;
	[dreg:$0x16] =	wrdreg s1  }
0x2f: {  	s15 =	simm.s32 $0x1;
	s25 =	sadd.s32 $0x1000, s7;
	[dreg:$0x1e] =	wrdreg s24  }
0x30: {  	s18 =	simm.s32 $0x2;
	s26 =	sadd.s32 $0x1800, s7;
	[dreg:$0x1f] =	wrdreg s25  }
0x31: {  	s20 =	simm.s32 $0x3;
	s28 =	sadd.s32 $0x2000, s7;
	[smem:$0x7F9] =	sst s26  }
0x32: {  	s23 =	sshrl.u32 s6, $0x3;
	s29 =	sadd.s32 $0x2800, s7;
	[smem:$0x7FA] =	sst s28  }
0x33: {  	s9 =	simm.s32 $0x4C00;
	s30 =	sadd.s32 $0x3000, s7;
	[smem:$0x7FB] =	sst s29  }
0x34: {  	s12 =	simm.s32 $0x5400;
	s31 =	sadd.s32 $0x3800, s7;
	[smem:$0x7FC] =	sst s30  }
0x35: {  	s11 =	simm.s32 $0x5000;
	s1 =	sadd.s32 s2, s14;
	[smem:$0x7FD] =	sst s31  }
.Ltmp0:
0x36: {  	[dreg:$0x17] =	wrdreg s1;
	s1 =	sadd.s32 s2, s17;
	(pc) =	sbr.rel .LBB2_1-.Ltmp0, $4  }
0x37: {  	s14 =	simm.s32 $0x5C00;
	[dreg:$0x18] =	wrdreg s1;
	s1 =	sadd.s32 s2, s19  }
0x38: {  	s17 =	simm.s32 $0x6000;
	[dreg:$0x19] =	wrdreg s1;
	s1 =	sadd.s32 s2, s21  }
0x39: {  	s19 =	simm.s32 $0x8000;
	[dreg:$0x1a] =	wrdreg s1;
	s1 =	sadd.s32 s3, s23  }
0x3a: {  	s21 =	simm.s32 $0xA000;
	[dreg:$0x1c] =	wrdreg s1;
	s1 =	simm.s32 $0x0  }
.LBB2_14:
0x3b: {  	s1 =	sadd.s32 $0x1, s1;
	s0 =	rddreg [dreg:$0x1d]  }
0x3c: {  	p1 =	sne.s32 s1, s0  }
.Ltmp1:
0x3d: {  	_ = 	snop;
	(pc) =	sbr.rel @!p1 .LBB2_15-.Ltmp1, $1  }
0x3e: {  	_ =	sdelay $0x3  }
.LBB2_1:
0x3f: {  	[smem:$0x7F8] =	sst s1  }
0x40: {  	s0 =	rddreg [dreg:$0x3]  }
0x41: {  	[tilespmem:s5], [sflag:$0x1] =	stream.linear.gather [hbm4b:s0+s5], $0x400, $0x38;
	[tilespmem:$0xC000] =	vst v63  }
0x42: {  	s28 =	rddreg [dreg:$0x4];
	s29 =	simm.s32 $0x400  }
0x43: {  	[tilespmem:s29], [sflag:$0x1] =	stream.linear.gather [hbm4b:s28+s5], $0x400, $0x38;
	[tilespmem:$0xC000] =	vst v63  }
0x44: {  	s30 =	rddreg [dreg:$0x5];
	s31 =	simm.s32 $0x800  }
0x45: {  	[tilespmem:s31], [sflag:$0x1] =	stream.linear.gather [hbm4b:s30+s5], $0x400, $0x38;
	[tilespmem:$0xC000] =	vst v63  }
0x46: {  	s1 =	rddreg [dreg:$0x6];
	s6 =	simm.s32 $0xC00  }
0x47: {  	[tilespmem:s6], [sflag:$0x1] =	stream.linear.gather [hbm4b:s1+s5], $0x400, $0x38;
	[tilespmem:$0xC000] =	vst v63  }
0x48: {  	s7 =	rddreg [dreg:$0x7];
	s22 =	simm.s32 $0x1000  }
0x49: {  	[tilespmem:s22], [sflag:$0x1] =	stream.linear.gather [hbm4b:s7+s5], $0x400, $0x38;
	[tilespmem:$0xC000] =	vst v63  }
0x4a: {  	s23 =	rddreg [dreg:$0x8];
	s24 =	simm.s32 $0x1400  }
0x4b: {  	[tilespmem:s24], [sflag:$0x1] =	stream.linear.gather [hbm4b:s23+s5], $0x400, $0x38;
	[tilespmem:$0xC000] =	vst v63  }
0x4c: {  	s25 =	rddreg [dreg:$0x9];
	s26 =	simm.s32 $0x1800  }
0x4d: {  	[tilespmem:s26], [sflag:$0x1] =	stream.linear.gather [hbm4b:s25+s5], $0x400, $0x38;
	[tilespmem:$0xC000] =	vst v63  }
0x4e: {  	s28 =	rddreg [dreg:$0xa];
	s29 =	simm.s32 $0x1C00  }
0x4f: {  	[tilespmem:s29], [sflag:$0x1] =	stream.linear.gather [hbm4b:s28+s5], $0x400, $0x38;
	[tilespmem:$0xC000] =	vst v63  }
0x50: {  	s30 =	rddreg [dreg:$0xb];
	s31 =	simm.s32 $0x2000  }
0x51: {  	[tilespmem:s31], [sflag:$0x2] =	stream.linear.gather [hbm4b:s30+s5], $0x400, $0x38;
	[tilespmem:$0xC000] =	vst v63  }
0x52: {  	s1 =	rddreg [dreg:$0xc];
	s6 =	simm.s32 $0x2400  }
0x53: {  	[tilespmem:s6], [sflag:$0x2] =	stream.linear.gather [hbm4b:s1+s5], $0x400, $0x38;
	[tilespmem:$0xC000] =	vst v63  }
0x54: {  	s7 =	rddreg [dreg:$0xd];
	s22 =	simm.s32 $0x2800  }
0x55: {  	[tilespmem:s22], [sflag:$0x2] =	stream.linear.gather [hbm4b:s7+s5], $0x400, $0x38;
	[tilespmem:$0xC000] =	vst v63  }
0x56: {  	s23 =	rddreg [dreg:$0xe];
	s24 =	simm.s32 $0x2C00  }
0x57: {  	[tilespmem:s24], [sflag:$0x2] =	stream.linear.gather [hbm4b:s23+s5], $0x400, $0x38;
	[tilespmem:$0xC000] =	vst v63  }
0x58: {  	s25 =	rddreg [dreg:$0xf];
	s26 =	simm.s32 $0x3000  }
0x59: {  	[tilespmem:s26], [sflag:$0x2] =	stream.linear.gather [hbm4b:s25+s5], $0x400, $0x38;
	[tilespmem:$0xC000] =	vst v63  }
0x5a: {  	s28 =	rddreg [dreg:$0x10];
	s29 =	simm.s32 $0x3400  }
0x5b: {  	[tilespmem:s29], [sflag:$0x2] =	stream.linear.gather [hbm4b:s28+s5], $0x400, $0x38;
	[tilespmem:$0xC000] =	vst v63  }
0x5c: {  	s30 =	rddreg [dreg:$0x11];
	s31 =	simm.s32 $0x3800  }
0x5d: {  	[tilespmem:s31], [sflag:$0x2] =	stream.linear.gather [hbm4b:s30+s5], $0x400, $0x38;
	[tilespmem:$0xC000] =	vst v63  }
0x5e: {  	s1 =	rddreg [dreg:$0x12];
	s6 =	simm.s32 $0x3C00  }
0x5f: {  	[tilespmem:s6], [sflag:$0x2] =	stream.linear.gather [hbm4b:s1+s5], $0x400, $0x38;
	[tilespmem:$0xC000] =	vst v63  }
0x60: {  	s7 =	rddreg [dreg:$0x13];
	s22 =	simm.s32 $0x4000  }
0x61: {  	[tilespmem:s22], [sflag:$0x3] =	stream.linear.gather [hbm4b:s7+s5], $0x400, $0x38;
	[tilespmem:$0xC000] =	vst v63  }
0x62: {  	s23 =	rddreg [dreg:$0x14];
	s24 =	simm.s32 $0x4400  }
0x63: {  	[tilespmem:s24], [sflag:$0x3] =	stream.linear.gather [hbm4b:s23+s5], $0x400, $0x38;
	[tilespmem:$0xC000] =	vst v63  }
0x64: {  	s25 =	rddreg [dreg:$0x15]  }
0x65: {  	[tilespmem:s8], [sflag:$0x3] =	stream.linear.gather [hbm4b:s25+s5], $0x400, $0x38;
	[tilespmem:$0xC000] =	vst v63  }
0x66: {  	s26 =	rddreg [dreg:$0x16]  }
0x67: {  	[tilespmem:s9], [sflag:$0x3] =	stream.linear.gather [hbm4b:s26+s5], $0x400, $0x38;
	[tilespmem:$0xC000] =	vst v63  }
0x68: {  	s28 =	rddreg [dreg:$0x17]  }
0x69: {  	[tilespmem:s11], [sflag:$0x3] =	stream.linear.gather [hbm4b:s28+s5], $0x400, $0x38;
	[tilespmem:$0xC000] =	vst v63  }
0x6a: {  	s29 =	rddreg [dreg:$0x18]  }
0x6b: {  	[tilespmem:s12], [sflag:$0x3] =	stream.linear.gather [hbm4b:s29+s5], $0x400, $0x38;
	[tilespmem:$0xC000] =	vst v63  }
0x6c: {  	s30 =	rddreg [dreg:$0x19]  }
0x6d: {  	[tilespmem:s13], [sflag:$0x3] =	stream.linear.gather [hbm4b:s30+s5], $0x400, $0x38;
	[tilespmem:$0xC000] =	vst v63  }
0x6e: {  	s31 =	rddreg [dreg:$0x1a];
	s26 =	simm.s32 $0x0  }
0x6f: {  	[tilespmem:s14], [sflag:$0x3] =	stream.linear.gather [hbm4b:s31+s5], $0x400, $0x38;
	[tilespmem:$0xC000] =	vst v63  }
.LBB2_2:
0x70: {  	_ =	swait.ge [sflag:s15], $0x2000  }
0x71: {  	p1 =	seq.s32 s26, $0x0;
	[sflag:s15] =	ssyncset.done $0x0  }
0x72: {  	s0 =	simm.s32 @!p1 $0x4;
	[sflag:s15] =	ssyncadd.s32 $0xFFFFE000  }
0x73: {  	_ =	swait.ge @!p1 [sflag:s0], $0x2000  }
0x74: {  	[sflag:s0] =	ssyncset.done @!p1 $0x0  }
0x75: {  	s23 =	simm.s32 $0x100;
	[sflag:s0] =	ssyncadd.s32 @!p1 $0xFFFFE000  }
0x76: {  	v0 =	vld [tilespmem:s23+$0xFFFFFF00];
	_ =	sdelay $0x4  }
0x77: {  	v0 =	vmul.f32 $9.990000000e+02, v0;
	_ =	sdelay $0x1  }
0x78: {  	v1 =	vld [tilespmem:s23+$0xFFFFFF80];
	v0 =	vadd.f32 $1.258291200e+07, v0  }
0x79: {  	v2 =	vld [tilespmem:s23+$0x80]  }
0x7a: {  	s22 =	simm.s32 $0x0;
	v0 =	vadd.f32 $-1.258291200e+07, v0  }
0x7b: {  	s0 =	smul.u32 $0xFFFF8200, s22  }
0x7c: {  	v0 =	vtrunc.f32 v0  }
0x7d: {  	s0 =	sshra.s32 s0, $0x2;
	v1 =	vmul.f32 $9.990000000e+02, v1;
	v0 =	vcvt.f32.s32 v0  }
0x7e: {  	s29 =	sadd.s32 $0x6000, s0;
	v2 =	vmul.f32 $9.990000000e+02, v2  }
0x7f: {  	v1 =	vadd.f32 $1.258291200e+07, v1;
	[tilespmem:s29+$0x0] =	vst v0  }
0x80: {  	v2 =	vadd.f32 $1.258291200e+07, v2;
	v0 =	vld [tilespmem:s23+$0xFFFFFF10]  }
0x81: {  	v1 =	vadd.f32 $-1.258291200e+07, v1  }
0x82: {  	v2 =	vadd.f32 $-1.258291200e+07, v2  }
0x83: {  	v1 =	vtrunc.f32 v1  }
0x84: {  	v2 =	vtrunc.f32 v2;
	v1 =	vcvt.f32.s32 v1  }
0x85: {  	v2 =	vcvt.f32.s32 v2;
	v0 =	vmul.f32 $9.990000000e+02, v0  }
0x86: {  	v3 =	vld [tilespmem:s23+$0x0];
	[tilespmem:s29+$0x400] =	vst v1  }
0x87: {  	[tilespmem:s29+$0xC00] =	vst v2;
	v1 =	vld [tilespmem:s23+$0xFFFFFF90];
	v0 =	vadd.f32 $1.258291200e+07, v0  }
0x88: {  	v2 =	vld [tilespmem:s23+$0x90]  }
0x89: {  	v0 =	vadd.f32 $-1.258291200e+07, v0;
	_ =	sdelay $0x1  }
0x8a: {  	v3 =	vmul.f32 $9.990000000e+02, v3;
	v0 =	vtrunc.f32 v0  }
0x8b: {  	v1 =	vmul.f32 $9.990000000e+02, v1;
	v0 =	vcvt.f32.s32 v0  }
0x8c: {  	v3 =	vadd.f32 $1.258291200e+07, v3;
	v2 =	vmul.f32 $9.990000000e+02, v2  }
0x8d: {  	v1 =	vadd.f32 $1.258291200e+07, v1;
	[tilespmem:s29+$0x10] =	vst v0  }
0x8e: {  	v3 =	vadd.f32 $-1.258291200e+07, v3;
	v2 =	vadd.f32 $1.258291200e+07, v2;
	v0 =	vld [tilespmem:s23+$0xFFFFFF20]  }
0x8f: {  	v1 =	vadd.f32 $-1.258291200e+07, v1  }
0x90: {  	v3 =	vtrunc.f32 v3;
	v2 =	vadd.f32 $-1.258291200e+07, v2  }
0x91: {  	v3 =	vcvt.f32.s32 v3;
	v1 =	vtrunc.f32 v1  }
0x92: {  	v2 =	vtrunc.f32 v2;
	v1 =	vcvt.f32.s32 v1  }
0x93: {  	[tilespmem:s29+$0x800] =	vst v3;
	v2 =	vcvt.f32.s32 v2;
	v0 =	vmul.f32 $9.990000000e+02, v0  }
0x94: {  	v3 =	vld [tilespmem:s23+$0x10];
	[tilespmem:s29+$0x410] =	vst v1  }
0x95: {  	[tilespmem:s29+$0xC10] =	vst v2;
	v1 =	vld [tilespmem:s23+$0xFFFFFFA0];
	v0 =	vadd.f32 $1.258291200e+07, v0  }
0x96: {  	v2 =	vld [tilespmem:s23+$0xA0]  }
0x97: {  	v0 =	vadd.f32 $-1.258291200e+07, v0  }
0x98: {  	s31 =	simm.s32 $0x300  }
0x99: {  	v4 =	vld [tilespmem:s31+$0xFFFFFF00];
	v3 =	vmul.f32 $9.990000000e+02, v3;
	v0 =	vtrunc.f32 v0  }
0x9a: {  	v5 =	vld [tilespmem:s31+$0x0];
	v1 =	vmul.f32 $9.990000000e+02, v1;
	v0 =	vcvt.f32.s32 v0  }
0x9b: {  	v2 =	vmul.f32 $9.990000000e+02, v2  }
0x9c: {  	v3 =	vadd.f32 $1.258291200e+07, v3;
	v1 =	vadd.f32 $1.258291200e+07, v1;
	[tilespmem:s29+$0x20] =	vst v0  }
0x9d: {  	v2 =	vadd.f32 $1.258291200e+07, v2;
	v0 =	vld [tilespmem:s23+$0xFFFFFF30]  }
0x9e: {  	v3 =	vadd.f32 $-1.258291200e+07, v3;
	v1 =	vadd.f32 $-1.258291200e+07, v1  }
0x9f: {  	v4 =	vmul.f32 $9.990000000e+02, v4;
	v5 =	vmul.f32 $9.990000000e+02, v5;
	v2 =	vadd.f32 $-1.258291200e+07, v2  }
0xa0: {  	v3 =	vtrunc.f32 v3;
	v1 =	vtrunc.f32 v1  }
0xa1: {  	v2 =	vtrunc.f32 v2;
	v1 =	vcvt.f32.s32 v1  }
0xa2: {  	v6 =	vld [tilespmem:s31+$0x80];
	v2 =	vcvt.f32.s32 v2;
	v0 =	vmul.f32 $9.990000000e+02, v0  }
0xa3: {  	v4 =	vadd.f32 $1.258291200e+07, v4;
	v3 =	vcvt.f32.s32 v3;
	[tilespmem:s29+$0x420] =	vst v1  }
0xa4: {  	v5 =	vadd.f32 $1.258291200e+07, v5;
	[tilespmem:s29+$0xC20] =	vst v2;
	v2 =	vld [tilespmem:s23+$0xFFFFFFB0];
	v0 =	vadd.f32 $1.258291200e+07, v0  }
0xa5: {  	v4 =	vadd.f32 $-1.258291200e+07, v4;
	[tilespmem:s29+$0x810] =	vst v3;
	v3 =	vld [tilespmem:s31+$0xFFFFFF80]  }
0xa6: {  	v5 =	vadd.f32 $-1.258291200e+07, v5;
	v0 =	vadd.f32 $-1.258291200e+07, v0  }
0xa7: {  	s24 =	simm.s32 $0x0;
	v4 =	vtrunc.f32 v4;
	v7 =	vld [tilespmem:s23+$0x20];
	v1 =	vmul.f32 $9.990000000e+02, v6  }
0xa8: {  	s0 =	smul.u32 $0xFFFF8200, s24;
	v5 =	vtrunc.f32 v5;
	v0 =	vtrunc.f32 v0  }
0xa9: {  	v6 =	vld [tilespmem:s23+$0xB0];
	v1 =	vadd.f32 $1.258291200e+07, v1;
	v2 =	vmul.f32 $9.990000000e+02, v2;
	v0 =	vcvt.f32.s32 v0  }
0xaa: {  	s0 =	sshra.s32 s0, $0x2;
	v4 =	vcvt.f32.s32 v4;
	v3 =	vmul.f32 $9.990000000e+02, v3  }
0xab: {  	s30 =	sadd.s32 $0x7000, s0;
	v2 =	vadd.f32 $1.258291200e+07, v2;
	[tilespmem:s29+$0x30] =	vst v0;
	v0 =	vadd.f32 $-1.258291200e+07, v1;
	v1 =	vcvt.f32.s32 v5  }
0xac: {  	[tilespmem:s30+$0x0] =	vst v4;
	v5 =	vmul.f32 $9.990000000e+02, v7;
	v7 =	vld [tilespmem:s23+$0xFFFFFF40]  }
0xad: {  	v3 =	vadd.f32 $1.258291200e+07, v3;
	v2 =	vadd.f32 $-1.258291200e+07, v2;
	v0 =	vtrunc.f32 v0;
	[tilespmem:s30+$0x800] =	vst v1;
	v1 =	vld [tilespmem:s31+$0xFFFFFF10]  }
0xae: {  	v4 =	vadd.f32 $1.258291200e+07, v5;
	v5 =	vmul.f32 $9.990000000e+02, v6;
	v0 =	vcvt.f32.s32 v0;
	v6 =	vld [tilespmem:s31+$0x10]  }
0xaf: {  	v3 =	vadd.f32 $-1.258291200e+07, v3  }
0xb0: {  	v2 =	vtrunc.f32 v2;
	v5 =	vadd.f32 $1.258291200e+07, v5;
	[tilespmem:s30+$0xC00] =	vst v0  }
0xb1: {  	v4 =	vadd.f32 $-1.258291200e+07, v4;
	v0 =	vtrunc.f32 v3;
	v3 =	vmul.f32 $9.990000000e+02, v7;
	v7 =	vld [tilespmem:s31+$0x90]  }
0xb2: {  	v0 =	vcvt.f32.s32 v0;
	v5 =	vadd.f32 $-1.258291200e+07, v5;
	v1 =	vmul.f32 $9.990000000e+02, v1  }
0xb3: {  	v2 =	vcvt.f32.s32 v2;
	v3 =	vadd.f32 $1.258291200e+07, v3;
	v6 =	vmul.f32 $9.990000000e+02, v6  }
0xb4: {  	v4 =	vtrunc.f32 v4;
	[tilespmem:s30+$0x400] =	vst v0;
	v0 =	vtrunc.f32 v5;
	v1 =	vadd.f32 $1.258291200e+07, v1  }
0xb5: {  	v0 =	vcvt.f32.s32 v0;
	v3 =	vadd.f32 $-1.258291200e+07, v3;
	v5 =	vadd.f32 $1.258291200e+07, v6;
	v6 =	vld [tilespmem:s31+$0xFFFFFF90]  }
0xb6: {  	[tilespmem:s29+$0x430] =	vst v2;
	v4 =	vcvt.f32.s32 v4;
	v7 =	vmul.f32 $9.990000000e+02, v7;
	v1 =	vadd.f32 $-1.258291200e+07, v1  }
0xb7: {  	[tilespmem:s29+$0xC30] =	vst v0;
	v2 =	vtrunc.f32 v3;
	v3 =	vadd.f32 $-1.258291200e+07, v5;
	v5 =	vld [tilespmem:s23+$0xFFFFFFC0]  }
0xb8: {  	[tilespmem:s29+$0x820] =	vst v4;
	v4 =	vld [tilespmem:s23+$0xC0];
	v0 =	vcvt.f32.s32 v2;
	v2 =	vadd.f32 $1.258291200e+07, v7;
	v1 =	vtrunc.f32 v1  }
0xb9: {  	v3 =	vtrunc.f32 v3;
	v1 =	vcvt.f32.s32 v1  }
0xba: {  	[tilespmem:s29+$0x40] =	vst v0;
	v0 =	vcvt.f32.s32 v3;
	v2 =	vadd.f32 $-1.258291200e+07, v2;
	v3 =	vmul.f32 $9.990000000e+02, v6  }
0xbb: {  	v7 =	vld [tilespmem:s23+$0x30];
	[tilespmem:s30+$0x10] =	vst v1  }
0xbc: {  	v6 =	vld [tilespmem:s23+$0xFFFFFF50];
	[tilespmem:s30+$0x810] =	vst v0;
	v0 =	vtrunc.f32 v2;
	v2 =	vadd.f32 $1.258291200e+07, v3  }
0xbd: {  	v1 =	vld [tilespmem:s31+$0xFFFFFF20];
	v3 =	vmul.f32 $9.990000000e+02, v5;
	v4 =	vmul.f32 $9.990000000e+02, v4  }
0xbe: {  	v5 =	vld [tilespmem:s31+$0x20];
	v0 =	vcvt.f32.s32 v0;
	v2 =	vadd.f32 $-1.258291200e+07, v2  }
0xbf: {  	v3 =	vadd.f32 $1.258291200e+07, v3;
	v4 =	vadd.f32 $1.258291200e+07, v4  }
0xc0: {  	[tilespmem:s30+$0xC10] =	vst v0;
	v0 =	vmul.f32 $9.990000000e+02, v7;
	v2 =	vtrunc.f32 v2  }
0xc1: {  	v7 =	vld [tilespmem:s31+$0xA0];
	v3 =	vadd.f32 $-1.258291200e+07, v3;
	v6 =	vmul.f32 $9.990000000e+02, v6;
	v4 =	vadd.f32 $-1.258291200e+07, v4  }
0xc2: {  	v1 =	vmul.f32 $9.990000000e+02, v1;
	v2 =	vcvt.f32.s32 v2;
	v0 =	vadd.f32 $1.258291200e+07, v0  }
0xc3: {  	v5 =	vmul.f32 $9.990000000e+02, v5;
	v3 =	vtrunc.f32 v3;
	v6 =	vadd.f32 $1.258291200e+07, v6  }
0xc4: {  	s1 =	simm.s32 $0x500;
	v4 =	vtrunc.f32 v4;
	v1 =	vadd.f32 $1.258291200e+07, v1;
	v0 =	vadd.f32 $-1.258291200e+07, v0  }
0xc5: {  	v10 =	vld [tilespmem:s1+$0x0];
	v3 =	vcvt.f32.s32 v3;
	v5 =	vadd.f32 $1.258291200e+07, v5;
	v6 =	vadd.f32 $-1.258291200e+07, v6  }
0xc6: {  	v11 =	vld [tilespmem:s1+$0xFFFFFF00];
	[tilespmem:s30+$0x410] =	vst v2;
	v2 =	vcvt.f32.s32 v4;
	v4 =	vmul.f32 $9.990000000e+02, v7;
	v1 =	vadd.f32 $-1.258291200e+07, v1  }
0xc7: {  	v7 =	vld [tilespmem:s31+$0xFFFFFFA0];
	[tilespmem:s29+$0x440] =	vst v3;
	v0 =	vtrunc.f32 v0;
	v5 =	vadd.f32 $-1.258291200e+07, v5;
	v3 =	vtrunc.f32 v6  }
0xc8: {  	[tilespmem:s29+$0xC40] =	vst v2;
	v6 =	vld [tilespmem:s23+$0xFFFFFFD0];
	v0 =	vcvt.f32.s32 v0;
	v1 =	vtrunc.f32 v1  }
0xc9: {  	v2 =	vadd.f32 $1.258291200e+07, v4;
	v4 =	vld [tilespmem:s23+$0xD0];
	v5 =	vtrunc.f32 v5;
	v1 =	vcvt.f32.s32 v1  }
0xca: {  	[tilespmem:s29+$0x830] =	vst v0;
	v5 =	vcvt.f32.s32 v5  }
0xcb: {  	v10 =	vmul.f32 $9.990000000e+02, v10;
	v11 =	vmul.f32 $9.990000000e+02, v11;
	v2 =	vadd.f32 $-1.258291200e+07, v2;
	v8 =	vld [tilespmem:s23+$0x40];
	[tilespmem:s30+$0x20] =	vst v1  }
0xcc: {  	v1 =	vcvt.f32.s32 v3;
	v3 =	vmul.f32 $9.990000000e+02, v7;
	[tilespmem:s30+$0x820] =	vst v5;
	v5 =	vld [tilespmem:s31+$0xFFFFFF30]  }
0xcd: {  	v10 =	vadd.f32 $1.258291200e+07, v10;
	v2 =	vtrunc.f32 v2;
	v0 =	vmul.f32 $9.990000000e+02, v6;
	v7 =	vld [tilespmem:s31+$0x30]  }
0xce: {  	[tilespmem:s29+$0x50] =	vst v1;
	v1 =	vmul.f32 $9.990000000e+02, v4;
	v3 =	vadd.f32 $1.258291200e+07, v3;
	v2 =	vcvt.f32.s32 v2  }
0xcf: {  	v11 =	vadd.f32 $1.258291200e+07, v11;
	v4 =	vld [tilespmem:s23+$0xFFFFFF60];
	v9 =	vadd.f32 $1.258291200e+07, v0  }
0xd0: {  	v1 =	vadd.f32 $1.258291200e+07, v1;
	v3 =	vadd.f32 $-1.258291200e+07, v3;
	[tilespmem:s30+$0xC20] =	vst v2;
	v2 =	vld [tilespmem:s1+$0xFFFFFF80]  }
0xd1: {  	v8 =	vmul.f32 $9.990000000e+02, v8;
	v9 =	vadd.f32 $-1.258291200e+07, v9;
	v5 =	vmul.f32 $9.990000000e+02, v5  }
0xd2: {  	v6 =	vld [tilespmem:s31+$0xB0];
	v3 =	vtrunc.f32 v3;
	v1 =	vadd.f32 $-1.258291200e+07, v1;
	v0 =	vmul.f32 $9.990000000e+02, v7  }
0xd3: {  	v8 =	vadd.f32 $1.258291200e+07, v8;
	v3 =	vcvt.f32.s32 v3;
	v7 =	vld [tilespmem:s1+$0x80];
	v9 =	vtrunc.f32 v9  }
0xd4: {  	v5 =	vadd.f32 $1.258291200e+07, v5;
	v1 =	vtrunc.f32 v1;
	v4 =	vmul.f32 $9.990000000e+02, v4  }
0xd5: {  	v8 =	vadd.f32 $-1.258291200e+07, v8;
	v9 =	vcvt.f32.s32 v9;
	[tilespmem:s30+$0x420] =	vst v3;
	v2 =	vmul.f32 $9.990000000e+02, v2  }
0xd6: {  	v1 =	vcvt.f32.s32 v1;
	v0 =	vadd.f32 $1.258291200e+07, v0;
	v3 =	vadd.f32 $-1.258291200e+07, v5;
	v5 =	vld [tilespmem:s31+$0xFFFFFFB0]  }
0xd7: {  	v6 =	vmul.f32 $9.990000000e+02, v6;
	v8 =	vtrunc.f32 v8;
	v2 =	vadd.f32 $1.258291200e+07, v2  }
0xd8: {  	v4 =	vadd.f32 $1.258291200e+07, v4;
	v3 =	vtrunc.f32 v3;
	v7 =	vmul.f32 $9.990000000e+02, v7  }
0xd9: {  	s25 =	simm.s32 $0x1;
	[tilespmem:s29+$0xC50] =	vst v1;
	v1 =	vadd.f32 $-1.258291200e+07, v11;
	v3 =	vcvt.f32.s32 v3;
	v2 =	vadd.f32 $-1.258291200e+07, v2  }
0xda: {  	s0 =	smul.u32 $0xFFFF8200, s25;
	v8 =	vcvt.f32.s32 v8;
	v0 =	vadd.f32 $-1.258291200e+07, v0;
	v7 =	vadd.f32 $1.258291200e+07, v7  }
0xdb: {  	v2 =	vtrunc.f32 v2;
	v5 =	vmul.f32 $9.990000000e+02, v5;
	[tilespmem:s30+$0x30] =	vst v3;
	v3 =	vadd.f32 $-1.258291200e+07, v10  }
0xdc: {  	s0 =	sshra.s32 s0, $0x2;
	v11 =	vld [tilespmem:s23+$0xE0];
	v6 =	vadd.f32 $1.258291200e+07, v6;
	v1 =	vtrunc.f32 v1;
	v2 =	vcvt.f32.s32 v2  }
0xdd: {  	s0 =	sadd.s32 $0x8000, s0;
	[tilespmem:s29+$0x840] =	vst v8;
	v7 =	vadd.f32 $-1.258291200e+07, v7;
	v10 =	vld [tilespmem:s31+$0xFFFFFF40];
	v5 =	vadd.f32 $1.258291200e+07, v5;
	v3 =	vtrunc.f32 v3  }
0xde: {  	v0 =	vtrunc.f32 v0;
	v6 =	vadd.f32 $-1.258291200e+07, v6;
	[tilespmem:s0+$0x400] =	vst v2;
	v2 =	vcvt.f32.s32 v3  }
0xdf: {  	v1 =	vcvt.f32.s32 v1;
	v7 =	vtrunc.f32 v7;
	v3 =	vadd.f32 $-1.258291200e+07, v5;
	v5 =	vld [tilespmem:s23+$0x50]  }
0xe0: {  	v6 =	vtrunc.f32 v6;
	v8 =	vld [tilespmem:s1+$0xFFFFFF90];
	v7 =	vcvt.f32.s32 v7;
	[tilespmem:s0+$0x800] =	vst v2  }
0xe1: {  	v4 =	vadd.f32 $-1.258291200e+07, v4;
	[tilespmem:s0+$0x0] =	vst v1;
	v6 =	vcvt.f32.s32 v6;
	v3 =	vtrunc.f32 v3;
	v1 =	vld [tilespmem:s1+$0x10]  }
0xe2: {  	v2 =	vmul.f32 $9.990000000e+02, v10;
	v10 =	vld [tilespmem:s1+$0xFFFFFF10];
	[tilespmem:s0+$0xC00] =	vst v7;
	v7 =	vmul.f32 $9.990000000e+02, v11  }
0xe3: {  	v4 =	vtrunc.f32 v4;
	[tilespmem:s30+$0xC30] =	vst v6;
	v3 =	vcvt.f32.s32 v3  }
0xe4: {  	v0 =	vcvt.f32.s32 v0;
	v2 =	vadd.f32 $1.258291200e+07, v2;
	v6 =	vadd.f32 $1.258291200e+07, v7;
	v7 =	vld [tilespmem:s31+$0xC0]  }
0xe5: {  	v5 =	vmul.f32 $9.990000000e+02, v5;
	[tilespmem:s30+$0x430] =	vst v3;
	v3 =	vmul.f32 $9.990000000e+02, v8;
	v8 =	vld [tilespmem:s1+$0x90]  }
0xe6: {  	v4 =	vcvt.f32.s32 v4;
	v11 =	vld [tilespmem:s31+$0xFFFFFFC0];
	v2 =	vadd.f32 $-1.258291200e+07, v2;
	v1 =	vmul.f32 $9.990000000e+02, v1  }
0xe7: {  	v6 =	vadd.f32 $-1.258291200e+07, v6;
	v5 =	vadd.f32 $1.258291200e+07, v5;
	v10 =	vmul.f32 $9.990000000e+02, v10  }
0xe8: {  	v3 =	vadd.f32 $1.258291200e+07, v3;
	v2 =	vtrunc.f32 v2;
	v1 =	vadd.f32 $1.258291200e+07, v1  }
0xe9: {  	v5 =	vadd.f32 $-1.258291200e+07, v5;
	v2 =	vcvt.f32.s32 v2;
	v10 =	vadd.f32 $1.258291200e+07, v10  }
0xea: {  	[tilespmem:s29+$0x450] =	vst v9;
	v7 =	vmul.f32 $9.990000000e+02, v7;
	v8 =	vmul.f32 $9.990000000e+02, v8;
	v1 =	vadd.f32 $-1.258291200e+07, v1  }
0xeb: {  	v11 =	vmul.f32 $9.990000000e+02, v11;
	v5 =	vtrunc.f32 v5;
	[tilespmem:s30+$0x40] =	vst v2;
	v2 =	vadd.f32 $-1.258291200e+07, v10;
	v10 =	vld [tilespmem:s23+$0xFFFFFFE0]  }
0xec: {  	v8 =	vadd.f32 $1.258291200e+07, v8;
	v9 =	vld [tilespmem:s31+$0xFFFFFF50];
	v5 =	vcvt.f32.s32 v5;
	v1 =	vtrunc.f32 v1  }
0xed: {  	[tilespmem:s29+$0x60] =	vst v4;
	v3 =	vadd.f32 $-1.258291200e+07, v3;
	v2 =	vtrunc.f32 v2;
	v1 =	vcvt.f32.s32 v1  }
0xee: {  	v4 =	vadd.f32 $1.258291200e+07, v7;
	v8 =	vadd.f32 $-1.258291200e+07, v8;
	[tilespmem:s29+$0x850] =	vst v5;
	v2 =	vcvt.f32.s32 v2  }
0xef: {  	v6 =	vtrunc.f32 v6;
	v3 =	vtrunc.f32 v3;
	v11 =	vadd.f32 $1.258291200e+07, v11;
	v5 =	vld [tilespmem:s23+$0x60];
	[tilespmem:s0+$0x810] =	vst v1  }
0xf0: {  	v4 =	vadd.f32 $-1.258291200e+07, v4;
	v1 =	vtrunc.f32 v8;
	[tilespmem:s0+$0x10] =	vst v2;
	v10 =	vmul.f32 $9.990000000e+02, v10;
	v2 =	vld [tilespmem:s1+$0x20]  }
0xf1: {  	v11 =	vadd.f32 $-1.258291200e+07, v11;
	v1 =	vcvt.f32.s32 v1;
	v8 =	vmul.f32 $9.990000000e+02, v9;
	v9 =	vld [tilespmem:s1+$0xFFFFFF20]  }
0xf2: {  	v6 =	vcvt.f32.s32 v6;
	v7 =	vld [tilespmem:s23+$0xFFFFFF70];
	v3 =	vcvt.f32.s32 v3  }
0xf3: {  	v4 =	vtrunc.f32 v4;
	v11 =	vtrunc.f32 v11;
	v10 =	vadd.f32 $1.258291200e+07, v10;
	[tilespmem:s0+$0xC10] =	vst v1  }
0xf4: {  	[tilespmem:s0+$0x410] =	vst v3;
	v1 =	vadd.f32 $1.258291200e+07, v8;
	v8 =	vcvt.f32.s32 v11;
	v3 =	vld [tilespmem:s1+$0xA0];
	v5 =	vmul.f32 $9.990000000e+02, v5  }
0xf5: {  	v4 =	vcvt.f32.s32 v4;
	v11 =	vld [tilespmem:s1+$0xFFFFFFA0];
	v2 =	vmul.f32 $9.990000000e+02, v2  }
0xf6: {  	v10 =	vadd.f32 $-1.258291200e+07, v10;
	[tilespmem:s30+$0x440] =	vst v8;
	v5 =	vadd.f32 $1.258291200e+07, v5;
	v8 =	vmul.f32 $9.990000000e+02, v9  }
0xf7: {  	v7 =	vmul.f32 $9.990000000e+02, v7;
	v1 =	vadd.f32 $-1.258291200e+07, v1;
	v2 =	vadd.f32 $1.258291200e+07, v2  }
0xf8: {  	[tilespmem:s30+$0xC40] =	vst v4;
	v9 =	vld [tilespmem:s31+$0xFFFFFFD0];
	v4 =	vtrunc.f32 v10;
	v5 =	vadd.f32 $-1.258291200e+07, v5;
	v8 =	vadd.f32 $1.258291200e+07, v8  }
0xf9: {  	[tilespmem:s29+$0xC60] =	vst v6;
	v10 =	vld [tilespmem:s31+$0xD0];
	v4 =	vcvt.f32.s32 v4;
	v3 =	vmul.f32 $9.990000000e+02, v3;
	v2 =	vadd.f32 $-1.258291200e+07, v2  }
0xfa: {  	v6 =	vmul.f32 $9.990000000e+02, v11;
	v11 =	vld [tilespmem:s23+$0xF0];
	v8 =	vadd.f32 $-1.258291200e+07, v8;
	v5 =	vtrunc.f32 v5  }
0xfb: {  	[tilespmem:s29+$0x460] =	vst v4;
	v3 =	vadd.f32 $1.258291200e+07, v3;
	v5 =	vcvt.f32.s32 v5;
	v2 =	vtrunc.f32 v2  }
0xfc: {  	v12 =	vld [tilespmem:s23+$0xFFFFFFF0];
	v8 =	vtrunc.f32 v8;
	v2 =	vcvt.f32.s32 v2  }
0xfd: {  	v1 =	vtrunc.f32 v1;
	v3 =	vadd.f32 $-1.258291200e+07, v3;
	v4 =	vcvt.f32.s32 v8;
	[tilespmem:s29+$0x860] =	vst v5  }
0xfe: {  	v8 =	vmul.f32 $9.990000000e+02, v10;
	v5 =	vadd.f32 $1.258291200e+07, v6;
	[tilespmem:s0+$0x820] =	vst v2;
	v2 =	vmul.f32 $9.990000000e+02, v9;
	v9 =	vld [tilespmem:s23+$0x70]  }
0xff: {  	v7 =	vadd.f32 $1.258291200e+07, v7;
	v1 =	vcvt.f32.s32 v1;
	v10 =	vmul.f32 $9.990000000e+02, v11;
	[tilespmem:s0+$0x20] =	vst v4;
	v11 =	vld [tilespmem:s1+$0x30]  }
0x100: {  	v4 =	vadd.f32 $1.258291200e+07, v8;
	v5 =	vadd.f32 $-1.258291200e+07, v5;
	v3 =	vtrunc.f32 v3;
	v13 =	vld [tilespmem:s1+$0xFFFFFF30]  }
0x101: {  	[tilespmem:s30+$0x830] =	vst v0;
	v12 =	vmul.f32 $9.990000000e+02, v12;
	v6 =	vadd.f32 $1.258291200e+07, v2;
	v2 =	vadd.f32 $1.258291200e+07, v10  }
0x102: {  	[tilespmem:s30+$0x50] =	vst v1;
	v8 =	vld [tilespmem:s31+$0x40];
	v3 =	vcvt.f32.s32 v3;
	v10 =	vtrunc.f32 v5;
	v1 =	vadd.f32 $-1.258291200e+07, v4  }
0x103: {  	s28 =	smul.u32 $0x60, s26;
	v5 =	vld [tilespmem:s31+$0xFFFFFF60];
	v4 =	vadd.f32 $-1.258291200e+07, v7;
	v15 =	vadd.f32 $-1.258291200e+07, v2;
	v14 =	vmul.f32 $9.990000000e+02, v9  }
0x104: {  	s6 =	simm.s32 $0x700;
	s22 =	simm.s32 $0x8;
	[tilespmem:s0+$0xC20] =	vst v3;
	v7 =	vtrunc.f32 v1;
	v2 =	vadd.f32 $1.258291200e+07, v12;
	v0 =	vmul.f32 $9.990000000e+02, v11  }
0x105: {  	s24 =	simm.s32 $0x8;
	s25 =	simm.s32 $0x8000;
	s23 =	sor.u32 s4, s28;
	v9 =	vld [tilespmem:s1+$0xB0];
	v11 =	vmul.f32 $9.990000000e+02, v13;
	v1 =	vtrunc.f32 v15;
	v3 =	vadd.f32 $1.258291200e+07, v14  }
.LBB2_3:
0x106: {  	v12 =	vld [tilespmem:s6+$0xFFFFFF80];
	s24 =	sadd.s32 $0x4, s24;
	v10 =	vcvt.f32.s32 v10;
	v6 =	vadd.f32 $-1.258291200e+07, v6;
	v4 =	vtrunc.f32 v4  }
0x107: {  	v7 =	vcvt.f32.s32 v7;
	v13 =	vld [tilespmem:s6+$0x0];
	p2 =	slt.u32 s24, $0x3C;
	v11 =	vadd.f32 $1.258291200e+07, v11;
	v3 =	vadd.f32 $-1.258291200e+07, v3  }
0x108: {  	v2 =	vadd.f32 $-1.258291200e+07, v2;
	v5 =	vmul.f32 $9.990000000e+02, v5;
	v14 =	vld [tilespmem:s6+$0x80];
	[tilespmem:s0+$0x420] =	vst v10;
	v8 =	vmul.f32 $9.990000000e+02, v8  }
0x109: {  	v4 =	vcvt.f32.s32 v4;
	v10 =	vld [tilespmem:s6+$0xFFFFFF00];
	v11 =	vadd.f32 $-1.258291200e+07, v11;
	[tilespmem:s30+$0xC50] =	vst v7;
	v3 =	vtrunc.f32 v3  }
0x10a: {  	v2 =	vtrunc.f32 v2;
	v7 =	vld [tilespmem:s1+$0xFFFFFFB0];
	v8 =	vadd.f32 $1.258291200e+07, v8;
	v3 =	vcvt.f32.s32 v3  }
0x10b: {  	v5 =	vadd.f32 $1.258291200e+07, v5;
	v2 =	vcvt.f32.s32 v2;
	v12 =	vmul.f32 $9.990000000e+02, v12;
	v15 =	vld [tilespmem:s31+$0xE0];
	[tilespmem:s29+$0x70] =	vst v4  }
0x10c: {  	v9 =	vmul.f32 $9.990000000e+02, v9;
	v4 =	vtrunc.f32 v11;
	v8 =	vadd.f32 $-1.258291200e+07, v8;
	[tilespmem:s29+$0x870] =	vst v3  }
0x10d: {  	v4 =	vcvt.f32.s32 v4;
	v3 =	vadd.f32 $1.258291200e+07, v12;
	v11 =	vmul.f32 $9.990000000e+02, v14;
	[tilespmem:s29+$0x470] =	vst v2  }
0x10e: {  	v5 =	vadd.f32 $-1.258291200e+07, v5;
	v9 =	vadd.f32 $1.258291200e+07, v9;
	v2 =	vmul.f32 $9.990000000e+02, v13  }
0x10f: {  	s22 =	sadd.s32 $0x4, s22;
	v1 =	vcvt.f32.s32 v1;
	v10 =	vmul.f32 $9.990000000e+02, v10;
	v3 =	vadd.f32 $-1.258291200e+07, v3;
	[tilespmem:s0+$0x30] =	vst v4  }
0x110: {  	s7 =	sshrl.u32 s22, $0x3;
	v8 =	vtrunc.f32 v8;
	v2 =	vadd.f32 $1.258291200e+07, v2;
	v4 =	vadd.f32 $1.258291200e+07, v11  }
0x111: {  	s7 =	smul.u32 $0xFFFF8200, s7;
	v7 =	vmul.f32 $9.990000000e+02, v7;
	v10 =	vadd.f32 $1.258291200e+07, v10;
	v3 =	vtrunc.f32 v3;
	[tilespmem:s29+$0xC70] =	vst v1;
	s29 =	smov.u32 s30;
	s30 =	smov.u32 s0  }
0x112: {  	v1 =	vadd.f32 $-1.258291200e+07, v2;
	v2 =	vadd.f32 $-1.258291200e+07, v4;
	v4 =	vcvt.f32.s32 v8  }
0x113: {  	s25 =	sadd.s32 $0x1000, s25;
	s0 =	sshra.s32 s7, $0x2;
	v7 =	vadd.f32 $1.258291200e+07, v7;
	v8 =	vadd.f32 $-1.258291200e+07, v10;
	v3 =	vcvt.f32.s32 v3;
	v10 =	vld [tilespmem:s1+$0xFFFFFF40]  }
0x114: {  	v9 =	vadd.f32 $-1.258291200e+07, v9;
	s0 =	sadd.s32 s0, s25;
	v1 =	vtrunc.f32 v1;
	v2 =	vtrunc.f32 v2;
	[tilespmem:s29+$0x840] =	vst v4  }
0x115: {  	v4 =	vtrunc.f32 v8;
	v1 =	vcvt.f32.s32 v1;
	[tilespmem:s0+$0x400] =	vst v3;
	v3 =	vadd.f32 $-1.258291200e+07, v7;
	v7 =	vld [tilespmem:s31+$0x50]  }
0x116: {  	v6 =	vtrunc.f32 v6;
	v4 =	vcvt.f32.s32 v4;
	v8 =	vld [tilespmem:s6+$0xFFFFFF90]  }
0x117: {  	v2 =	vcvt.f32.s32 v2;
	v3 =	vtrunc.f32 v3  }
0x118: {  	[tilespmem:s0+$0x800] =	vst v1;
	v1 =	vmul.f32 $9.990000000e+02, v10;
	v3 =	vcvt.f32.s32 v3  }
0x119: {  	v6 =	vcvt.f32.s32 v6;
	v9 =	vtrunc.f32 v9;
	[tilespmem:s0+$0x0] =	vst v4;
	v4 =	vld [tilespmem:s6+$0x10]  }
0x11a: {  	v10 =	vld [tilespmem:s6+$0xFFFFFF10];
	v1 =	vadd.f32 $1.258291200e+07, v1;
	[tilespmem:s30+$0x430] =	vst v3;
	v3 =	vcvt.f32.s32 v9;
	v7 =	vmul.f32 $9.990000000e+02, v7  }
0x11b: {  	v9 =	vmul.f32 $9.990000000e+02, v15;
	v8 =	vmul.f32 $9.990000000e+02, v8;
	[tilespmem:s0+$0xC00] =	vst v2;
	v2 =	vld [tilespmem:s1+$0xFFFFFFC0]  }
0x11c: {  	v5 =	vtrunc.f32 v5;
	v11 =	vld [tilespmem:s6+$0x90];
	v1 =	vadd.f32 $-1.258291200e+07, v1;
	[tilespmem:s29+$0x450] =	vst v6;
	v6 =	vadd.f32 $1.258291200e+07, v7  }
0x11d: {  	v7 =	vadd.f32 $1.258291200e+07, v8;
	[tilespmem:s30+$0xC30] =	vst v3;
	v3 =	vcvt.f32.s32 v5;
	v5 =	vld [tilespmem:s31+$0xFFFFFFE0];
	v8 =	vadd.f32 $1.258291200e+07, v9  }
0x11e: {  	v4 =	vmul.f32 $9.990000000e+02, v4;
	v9 =	vld [tilespmem:s1+$0xC0];
	v6 =	vadd.f32 $-1.258291200e+07, v6  }
0x11f: {  	v1 =	vtrunc.f32 v1;
	v10 =	vmul.f32 $9.990000000e+02, v10;
	v7 =	vadd.f32 $-1.258291200e+07, v7;
	[tilespmem:s29+$0x60] =	vst v3  }
0x120: {  	v1 =	vcvt.f32.s32 v1;
	v3 =	vadd.f32 $1.258291200e+07, v4;
	v2 =	vmul.f32 $9.990000000e+02, v2;
	v4 =	vld [tilespmem:s31+$0xFFFFFF70]  }
0x121: {  	v6 =	vtrunc.f32 v6;
	v10 =	vadd.f32 $1.258291200e+07, v10;
	v11 =	vmul.f32 $9.990000000e+02, v11  }
0x122: {  	v7 =	vtrunc.f32 v7;
	v3 =	vadd.f32 $-1.258291200e+07, v3;
	[tilespmem:s30+$0x40] =	vst v1;
	v1 =	vadd.f32 $1.258291200e+07, v2  }
0x123: {  	v6 =	vcvt.f32.s32 v6;
	v2 =	vadd.f32 $-1.258291200e+07, v10;
	v10 =	vadd.f32 $1.258291200e+07, v11;
	v11 =	vld [tilespmem:s1+$0xFFFFFF50]  }
0x124: {  	v9 =	vmul.f32 $9.990000000e+02, v9;
	v3 =	vtrunc.f32 v3;
	v1 =	vadd.f32 $-1.258291200e+07, v1  }
0x125: {  	v2 =	vtrunc.f32 v2;
	v3 =	vcvt.f32.s32 v3;
	v10 =	vadd.f32 $-1.258291200e+07, v10;
	[tilespmem:s29+$0x850] =	vst v6  }
0x126: {  	v8 =	vadd.f32 $-1.258291200e+07, v8;
	v6 =	vadd.f32 $1.258291200e+07, v9;
	v2 =	vcvt.f32.s32 v2;
	v9 =	vld [tilespmem:s31+$0x60]  }
0x127: {  	v7 =	vcvt.f32.s32 v7;
	[tilespmem:s0+$0x810] =	vst v3;
	v3 =	vtrunc.f32 v10  }
0x128: {  	v6 =	vadd.f32 $-1.258291200e+07, v6;
	[tilespmem:s0+$0x10] =	vst v2;
	v2 =	vld [tilespmem:s6+$0x20];
	v3 =	vcvt.f32.s32 v3;
	v10 =	vmul.f32 $9.990000000e+02, v11  }
0x129: {  	v5 =	vmul.f32 $9.990000000e+02, v5;
	v1 =	vtrunc.f32 v1;
	v11 =	vld [tilespmem:s6+$0xFFFFFF20];
	[tilespmem:s0+$0x410] =	vst v7  }
0x12a: {  	v1 =	vcvt.f32.s32 v1;
	v6 =	vtrunc.f32 v6;
	[tilespmem:s0+$0xC10] =	vst v3;
	v3 =	vadd.f32 $1.258291200e+07, v10  }
0x12b: {  	v5 =	vadd.f32 $1.258291200e+07, v5;
	v6 =	vcvt.f32.s32 v6;
	v7 =	vld [tilespmem:s6+$0xA0];
	v9 =	vmul.f32 $9.990000000e+02, v9  }
0x12c: {  	v10 =	vld [tilespmem:s6+$0xFFFFFFA0];
	v3 =	vadd.f32 $-1.258291200e+07, v3;
	[tilespmem:s30+$0x440] =	vst v1;
	v1 =	vmul.f32 $9.990000000e+02, v4;
	v4 =	vtrunc.f32 v8  }
0x12d: {  	v5 =	vadd.f32 $-1.258291200e+07, v5;
	v2 =	vmul.f32 $9.990000000e+02, v2;
	v8 =	vld [tilespmem:s1+$0xFFFFFFD0];
	[tilespmem:s30+$0xC40] =	vst v6;
	v6 =	vadd.f32 $1.258291200e+07, v9  }
0x12e: {  	v4 =	vcvt.f32.s32 v4;
	v9 =	vmul.f32 $9.990000000e+02, v11;
	v11 =	vld [tilespmem:s1+$0xD0];
	v1 =	vadd.f32 $1.258291200e+07, v1  }
0x12f: {  	v5 =	vtrunc.f32 v5;
	v2 =	vadd.f32 $1.258291200e+07, v2;
	v6 =	vadd.f32 $-1.258291200e+07, v6  }
0x130: {  	v3 =	vtrunc.f32 v3;
	v9 =	vadd.f32 $1.258291200e+07, v9;
	v7 =	vmul.f32 $9.990000000e+02, v7;
	[tilespmem:s29+$0xC60] =	vst v4  }
0x131: {  	v5 =	vcvt.f32.s32 v5;
	v4 =	vmul.f32 $9.990000000e+02, v10;
	v2 =	vadd.f32 $-1.258291200e+07, v2;
	v10 =	vld [tilespmem:s31+$0xF0]  }
0x132: {  	v6 =	vtrunc.f32 v6;
	v9 =	vadd.f32 $-1.258291200e+07, v9;
	v7 =	vadd.f32 $1.258291200e+07, v7  }
0x133: {  	v0 =	vadd.f32 $1.258291200e+07, v0;
	v6 =	vcvt.f32.s32 v6;
	v2 =	vtrunc.f32 v2  }
0x134: {  	v9 =	vtrunc.f32 v9;
	v2 =	vcvt.f32.s32 v2;
	v7 =	vadd.f32 $-1.258291200e+07, v7;
	[tilespmem:s29+$0x460] =	vst v5  }
0x135: {  	v0 =	vadd.f32 $-1.258291200e+07, v0;
	v5 =	vcvt.f32.s32 v9;
	v9 =	vmul.f32 $9.990000000e+02, v11;
	v11 =	vld [tilespmem:s31+$0xFFFFFFF0];
	[tilespmem:s29+$0x860] =	vst v6  }
0x136: {  	v4 =	vadd.f32 $1.258291200e+07, v4;
	[tilespmem:s0+$0x820] =	vst v2;
	v2 =	vmul.f32 $9.990000000e+02, v8;
	v12 =	vld [tilespmem:s31+$0x70];
	v8 =	vmul.f32 $9.990000000e+02, v10;
	s31 =	smov.u32 s1;
	s1 =	smov.u32 s6  }
0x137: {  	v0 =	vtrunc.f32 v0;
	v3 =	vcvt.f32.s32 v3;
	[tilespmem:s0+$0x20] =	vst v5;
	v13 =	vld [tilespmem:s6+$0x30];
	v9 =	vadd.f32 $1.258291200e+07, v9  }
0x138: {  	v0 =	vcvt.f32.s32 v0;
	v4 =	vadd.f32 $-1.258291200e+07, v4;
	v5 =	vtrunc.f32 v7;
	v14 =	vld [tilespmem:s6+$0xFFFFFF30]  }
.Ltmp2:
0x139: {  	v7 =	vcvt.f32.s32 v5;
	v6 =	vadd.f32 $1.258291200e+07, v2;
	v2 =	vadd.f32 $1.258291200e+07, v8;
	[tilespmem:s30+$0x50] =	vst v3;
	(pc) =	sbr.rel @p2 .LBB2_3-.Ltmp2, $4  }
0x13a: {  	v10 =	vtrunc.f32 v4;
	v3 =	vadd.f32 $-1.258291200e+07, v9;
	v5 =	vld [tilespmem:s31+$0xFFFFFF60];
	[tilespmem:s30+$0x830] =	vst v0;
	v9 =	vmul.f32 $9.990000000e+02, v11  }
0x13b: {  	v4 =	vadd.f32 $-1.258291200e+07, v1;
	[tilespmem:s0+$0xC20] =	vst v7;
	v8 =	vld [tilespmem:s31+$0x40];
	v1 =	vmul.f32 $9.990000000e+02, v12;
	v12 =	vadd.f32 $-1.258291200e+07, v2  }
0x13c: {  	v7 =	vtrunc.f32 v3;
	v0 =	vmul.f32 $9.990000000e+02, v13;
	v2 =	vadd.f32 $1.258291200e+07, v9  }
0x13d: {  	s6 =	sadd.s32 $0x200, s6;
	v11 =	vmul.f32 $9.990000000e+02, v14;
	v9 =	vld [tilespmem:s1+$0xB0];
	v3 =	vadd.f32 $1.258291200e+07, v1;
	v1 =	vtrunc.f32 v12  }
0x13e: {  	v10 =	vcvt.f32.s32 v10;
	_ =	sdelay $0x1  }
0x13f: {  	[tilespmem:s0+$0x420] =	vst v10  }
0x140: {  	v10 =	vld [tilespmem:s1+$0xFFFFFFB0];
	_ =	sdelay $0x2  }
0x141: {  	v11 =	vadd.f32 $1.258291200e+07, v11  }
0x142: {  	v0 =	vadd.f32 $1.258291200e+07, v0;
	v9 =	vmul.f32 $9.990000000e+02, v9  }
0x143: {  	v11 =	vadd.f32 $-1.258291200e+07, v11;
	v10 =	vmul.f32 $9.990000000e+02, v10  }
0x144: {  	v0 =	vadd.f32 $-1.258291200e+07, v0;
	v9 =	vadd.f32 $1.258291200e+07, v9  }
0x145: {  	v11 =	vtrunc.f32 v11;
	v10 =	vadd.f32 $1.258291200e+07, v10  }
0x146: {  	v0 =	vtrunc.f32 v0;
	v11 =	vcvt.f32.s32 v11;
	v9 =	vadd.f32 $-1.258291200e+07, v9  }
0x147: {  	v0 =	vcvt.f32.s32 v0;
	v10 =	vadd.f32 $-1.258291200e+07, v10  }
0x148: {  	[tilespmem:s0+$0x30] =	vst v11;
	v9 =	vtrunc.f32 v9  }
0x149: {  	[tilespmem:s0+$0x830] =	vst v0;
	v11 =	vld [tilespmem:s1+$0xFFFFFF40];
	v9 =	vcvt.f32.s32 v9;
	v10 =	vtrunc.f32 v10  }
0x14a: {  	v0 =	vmul.f32 $9.990000000e+02, v8;
	v8 =	vld [tilespmem:s1+$0x40];
	v10 =	vcvt.f32.s32 v10  }
0x14b: {  	[tilespmem:s0+$0xC30] =	vst v9  }
0x14c: {  	v0 =	vadd.f32 $1.258291200e+07, v0;
	v9 =	vld [tilespmem:s1+$0xC0];
	[tilespmem:s0+$0x430] =	vst v10  }
0x14d: {  	v10 =	vld [tilespmem:s1+$0xFFFFFFC0]  }
0x14e: {  	v0 =	vadd.f32 $-1.258291200e+07, v0;
	v11 =	vmul.f32 $9.990000000e+02, v11  }
0x14f: {  	v8 =	vmul.f32 $9.990000000e+02, v8  }
0x150: {  	v0 =	vtrunc.f32 v0;
	v11 =	vadd.f32 $1.258291200e+07, v11  }
0x151: {  	v0 =	vcvt.f32.s32 v0;
	v8 =	vadd.f32 $1.258291200e+07, v8;
	v9 =	vmul.f32 $9.990000000e+02, v9  }
0x152: {  	v11 =	vadd.f32 $-1.258291200e+07, v11;
	v10 =	vmul.f32 $9.990000000e+02, v10  }
0x153: {  	[tilespmem:s30+$0x840] =	vst v0;
	v8 =	vadd.f32 $-1.258291200e+07, v8;
	v0 =	vadd.f32 $1.258291200e+07, v9  }
0x154: {  	v11 =	vtrunc.f32 v11;
	v9 =	vld [tilespmem:s31+$0x50];
	v10 =	vadd.f32 $1.258291200e+07, v10  }
0x155: {  	v8 =	vtrunc.f32 v8;
	v11 =	vcvt.f32.s32 v11;
	v0 =	vadd.f32 $-1.258291200e+07, v0  }
0x156: {  	v8 =	vcvt.f32.s32 v8;
	v10 =	vadd.f32 $-1.258291200e+07, v10  }
0x157: {  	[tilespmem:s0+$0x40] =	vst v11;
	v0 =	vtrunc.f32 v0  }
0x158: {  	[tilespmem:s0+$0x840] =	vst v8;
	v11 =	vld [tilespmem:s1+$0xFFFFFF50];
	v0 =	vcvt.f32.s32 v0;
	v10 =	vtrunc.f32 v10  }
0x159: {  	v8 =	vmul.f32 $9.990000000e+02, v9;
	v9 =	vld [tilespmem:s1+$0x50];
	v10 =	vcvt.f32.s32 v10  }
0x15a: {  	[tilespmem:s0+$0xC40] =	vst v0  }
0x15b: {  	v0 =	vadd.f32 $-1.258291200e+07, v6;
	v6 =	vcvt.f32.s32 v7;
	v7 =	vadd.f32 $1.258291200e+07, v8;
	v8 =	vld [tilespmem:s1+$0xD0];
	[tilespmem:s0+$0x440] =	vst v10  }
0x15c: {  	v10 =	vld [tilespmem:s1+$0xFFFFFFD0]  }
0x15d: {  	[tilespmem:s30+$0xC50] =	vst v6;
	v6 =	vadd.f32 $-1.258291200e+07, v7;
	v7 =	vmul.f32 $9.990000000e+02, v11  }
0x15e: {  	v0 =	vtrunc.f32 v0;
	v11 =	vld [tilespmem:s31+$0xE0];
	v9 =	vmul.f32 $9.990000000e+02, v9  }
0x15f: {  	v0 =	vcvt.f32.s32 v0;
	v6 =	vtrunc.f32 v6;
	v7 =	vadd.f32 $1.258291200e+07, v7  }
0x160: {  	v6 =	vcvt.f32.s32 v6;
	v9 =	vadd.f32 $1.258291200e+07, v9;
	v8 =	vmul.f32 $9.990000000e+02, v8  }
0x161: {  	[tilespmem:s30+$0x450] =	vst v0;
	v0 =	vadd.f32 $-1.258291200e+07, v7;
	v10 =	vmul.f32 $9.990000000e+02, v10  }
0x162: {  	[tilespmem:s30+$0x850] =	vst v6;
	v6 =	vadd.f32 $1.258291200e+07, v8;
	v8 =	vadd.f32 $-1.258291200e+07, v9  }
0x163: {  	v9 =	vmul.f32 $9.990000000e+02, v11;
	v11 =	vld [tilespmem:s31+$0x60];
	v0 =	vtrunc.f32 v0;
	v7 =	vadd.f32 $1.258291200e+07, v10  }
0x164: {  	v5 =	vmul.f32 $9.990000000e+02, v5;
	v0 =	vcvt.f32.s32 v0;
	v10 =	vld [tilespmem:s31+$0xFFFFFFE0]  }
0x165: {  	v6 =	vadd.f32 $-1.258291200e+07, v6;
	v8 =	vtrunc.f32 v8;
	v7 =	vadd.f32 $-1.258291200e+07, v7  }
0x166: {  	v5 =	vadd.f32 $1.258291200e+07, v5;
	v8 =	vcvt.f32.s32 v8  }
0x167: {  	v9 =	vadd.f32 $1.258291200e+07, v9;
	[tilespmem:s0+$0x50] =	vst v0;
	v0 =	vtrunc.f32 v6;
	v7 =	vtrunc.f32 v7  }
0x168: {  	v5 =	vadd.f32 $-1.258291200e+07, v5;
	[tilespmem:s0+$0x850] =	vst v8;
	v8 =	vmul.f32 $9.990000000e+02, v11;
	v6 =	vcvt.f32.s32 v7  }
0x169: {  	v0 =	vcvt.f32.s32 v0;
	v7 =	vadd.f32 $-1.258291200e+07, v9;
	v9 =	vmul.f32 $9.990000000e+02, v10;
	v10 =	vld [tilespmem:s1+$0xFFFFFF60]  }
0x16a: {  	v5 =	vtrunc.f32 v5;
	v8 =	vadd.f32 $1.258291200e+07, v8;
	[tilespmem:s0+$0x450] =	vst v6;
	v6 =	vld [tilespmem:s1+$0x60]  }
0x16b: {  	v5 =	vcvt.f32.s32 v5;
	[tilespmem:s0+$0xC50] =	vst v0;
	v7 =	vtrunc.f32 v7;
	v0 =	vld [tilespmem:s1+$0xFFFFFFE0]  }
0x16c: {  	v11 =	vld [tilespmem:s1+$0xE0];
	v8 =	vadd.f32 $-1.258291200e+07, v8;
	v9 =	vadd.f32 $1.258291200e+07, v9;
	v7 =	vcvt.f32.s32 v7  }
0x16d: {  	v4 =	vtrunc.f32 v4;
	v1 =	vcvt.f32.s32 v1;
	[tilespmem:s30+$0x60] =	vst v5  }
0x16e: {  	v8 =	vtrunc.f32 v8;
	v5 =	vadd.f32 $-1.258291200e+07, v9;
	v9 =	vld [tilespmem:s31+$0xFFFFFF70];
	[tilespmem:s30+$0xC60] =	vst v7;
	v7 =	vmul.f32 $9.990000000e+02, v10  }
0x16f: {  	v8 =	vcvt.f32.s32 v8;
	v10 =	vld [tilespmem:s31+$0xF0];
	v6 =	vmul.f32 $9.990000000e+02, v6  }
0x170: {  	v5 =	vtrunc.f32 v5;
	v7 =	vadd.f32 $1.258291200e+07, v7;
	v0 =	vmul.f32 $9.990000000e+02, v0  }
0x171: {  	v11 =	vmul.f32 $9.990000000e+02, v11;
	v5 =	vcvt.f32.s32 v5;
	v6 =	vadd.f32 $1.258291200e+07, v6  }
0x172: {  	v4 =	vcvt.f32.s32 v4;
	[tilespmem:s30+$0x860] =	vst v8;
	v7 =	vadd.f32 $-1.258291200e+07, v7;
	v0 =	vadd.f32 $1.258291200e+07, v0  }
0x173: {  	v8 =	vadd.f32 $1.258291200e+07, v11;
	v9 =	vmul.f32 $9.990000000e+02, v9;
	[tilespmem:s30+$0x460] =	vst v5;
	v5 =	vld [tilespmem:s31+$0x70];
	v6 =	vadd.f32 $-1.258291200e+07, v6  }
0x174: {  	v10 =	vmul.f32 $9.990000000e+02, v10;
	v7 =	vtrunc.f32 v7;
	v0 =	vadd.f32 $-1.258291200e+07, v0  }
0x175: {  	v8 =	vadd.f32 $-1.258291200e+07, v8;
	v11 =	vld [tilespmem:s31+$0xFFFFFFF0];
	v7 =	vcvt.f32.s32 v7;
	v6 =	vtrunc.f32 v6  }
0x176: {  	v2 =	vadd.f32 $-1.258291200e+07, v2;
	v0 =	vtrunc.f32 v0;
	v6 =	vcvt.f32.s32 v6  }
0x177: {  	v3 =	vadd.f32 $-1.258291200e+07, v3;
	[tilespmem:s0+$0x60] =	vst v7;
	v7 =	vtrunc.f32 v8;
	v0 =	vcvt.f32.s32 v0  }
0x178: {  	v8 =	vadd.f32 $1.258291200e+07, v10;
	v5 =	vmul.f32 $9.990000000e+02, v5;
	v10 =	vld [tilespmem:s1+$0xFFFFFF70];
	v7 =	vcvt.f32.s32 v7;
	[tilespmem:s0+$0x860] =	vst v6  }
0x179: {  	v2 =	vtrunc.f32 v2;
	v3 =	vtrunc.f32 v3;
	v6 =	vadd.f32 $1.258291200e+07, v9;
	[tilespmem:s0+$0x460] =	vst v0;
	v0 =	vld [tilespmem:s1+$0x70]  }
0x17a: {  	v9 =	vmul.f32 $9.990000000e+02, v11;
	v8 =	vadd.f32 $-1.258291200e+07, v8;
	v5 =	vadd.f32 $1.258291200e+07, v5;
	[tilespmem:s0+$0xC60] =	vst v7;
	v7 =	vld [tilespmem:s1+$0xFFFFFFF0]  }
0x17b: {  	v2 =	vcvt.f32.s32 v2;
	v3 =	vcvt.f32.s32 v3;
	v6 =	vadd.f32 $-1.258291200e+07, v6;
	v11 =	vld [tilespmem:s1+$0xF0]  }
0x17c: {  	v9 =	vadd.f32 $1.258291200e+07, v9;
	v8 =	vtrunc.f32 v8;
	v5 =	vadd.f32 $-1.258291200e+07, v5  }
0x17d: {  	[tilespmem:s29+$0x70] =	vst v4;
	v6 =	vtrunc.f32 v6;
	v10 =	vmul.f32 $9.990000000e+02, v10  }
0x17e: {  	[tilespmem:s29+$0x870] =	vst v3;
	v4 =	vadd.f32 $-1.258291200e+07, v9;
	v3 =	vtrunc.f32 v5;
	v0 =	vmul.f32 $9.990000000e+02, v0  }
0x17f: {  	v6 =	vcvt.f32.s32 v6;
	v5 =	vadd.f32 $1.258291200e+07, v10;
	v7 =	vmul.f32 $9.990000000e+02, v7  }
0x180: {  	[tilespmem:s29+$0x470] =	vst v2;
	v2 =	vtrunc.f32 v4;
	v4 =	vmul.f32 $9.990000000e+02, v11;
	v0 =	vadd.f32 $1.258291200e+07, v0  }
0x181: {  	[tilespmem:s29+$0xC70] =	vst v1;
	v1 =	vcvt.f32.s32 v3;
	v3 =	vadd.f32 $-1.258291200e+07, v5;
	v5 =	vadd.f32 $1.258291200e+07, v7  }
0x182: {  	[tilespmem:s30+$0x70] =	vst v6;
	v2 =	vcvt.f32.s32 v2;
	v4 =	vadd.f32 $1.258291200e+07, v4;
	v0 =	vadd.f32 $-1.258291200e+07, v0  }
0x183: {  	[tilespmem:s30+$0x870] =	vst v1;
	v1 =	vcvt.f32.s32 v8;
	v3 =	vtrunc.f32 v3;
	v5 =	vadd.f32 $-1.258291200e+07, v5  }
0x184: {  	[tilespmem:s30+$0x470] =	vst v2;
	v2 =	vadd.f32 $-1.258291200e+07, v4;
	v3 =	vcvt.f32.s32 v3;
	v0 =	vtrunc.f32 v0  }
0x185: {  	[tilespmem:s30+$0xC70] =	vst v1;
	v1 =	vtrunc.f32 v5;
	v0 =	vcvt.f32.s32 v0  }
0x186: {  	v2 =	vtrunc.f32 v2;
	[tilespmem:s0+$0x70] =	vst v3;
	v1 =	vcvt.f32.s32 v1  }
0x187: {  	[tilespmem:s0+$0x870] =	vst v0;
	v0 =	vcvt.f32.s32 v2  }
0x188: {  	s25 =	sshll.u32 s23, $0xA;
	p2 =	seq.s32 s26, $0x3;
	[tilespmem:s0+$0x470] =	vst v1  }
0x189: {  	s6 =	sadd.s32 s3, s25;
	[tilespmem:s0+$0xC70] =	vst v0;
	s0 =	sadd.s32 @!p2 $0x60, s23  }
0x18a: {  	[hbm4b:s6+s5] =	stream.linear.scatter [tilespmem:s17], [sflag:$0x4], $0x2000, $0x38;
	[tilespmem:$0xC000] =	vst v63  }
0x18b: {  	s1 =	sshrl.u32 @!p2 s0, $0x4  }
0x18c: {  	s0 =	sshll.u32 @!p2 s0, $0xA;
	s6 =	sshll.u32 @!p2 s1, $0xE  }
0x18d: {  	s1 =	sshll.u32 @!p2 s1, $0x11;
	s0 =	ssub.s32 @!p2 s0, s6  }
0x18e: {  	s0 =	sadd.s32 @!p2 s1, s0  }
0x18f: {  	s1 =	sshrl.u32 @!p2 s0, $0x3  }
0x190: {  	s6 =	simm.s32 @!p2 $0x0;
	s1 =	sadd.s32 @!p2 s2, s1  }
0x191: {  	[tilespmem:s6], [sflag:$0x1] =	stream.linear.gather @!p2 [hbm4b:s1+s6], $0x400, $0x38;
	[tilespmem:$0xC000] =	vst v63  }
0x192: {  	s1 =	sadd.s32 @!p2 $0x4000, s0  }
0x193: {  	s1 =	sshrl.u32 @!p2 s1, $0x3  }
0x194: {  	s7 =	simm.s32 @!p2 $0x400;
	s1 =	sadd.s32 @!p2 s2, s1  }
0x195: {  	[tilespmem:s7], [sflag:$0x1] =	stream.linear.gather @!p2 [hbm4b:s1+s6], $0x400, $0x38;
	[tilespmem:$0xC000] =	vst v63  }
0x196: {  	s1 =	sadd.s32 @!p2 $0x8000, s0  }
0x197: {  	s1 =	sshrl.u32 @!p2 s1, $0x3  }
0x198: {  	s7 =	simm.s32 @!p2 $0x800;
	s1 =	sadd.s32 @!p2 s2, s1  }
0x199: {  	[tilespmem:s7], [sflag:$0x1] =	stream.linear.gather @!p2 [hbm4b:s1+s6], $0x400, $0x38;
	[tilespmem:$0xC000] =	vst v63  }
0x19a: {  	s1 =	sadd.s32 @!p2 $0xC000, s0  }
0x19b: {  	s1 =	sshrl.u32 @!p2 s1, $0x3  }
0x19c: {  	s7 =	simm.s32 @!p2 $0xC00;
	s1 =	sadd.s32 @!p2 s2, s1  }
0x19d: {  	[tilespmem:s7], [sflag:$0x1] =	stream.linear.gather @!p2 [hbm4b:s1+s6], $0x400, $0x38;
	[tilespmem:$0xC000] =	vst v63  }
0x19e: {  	s1 =	sadd.s32 @!p2 $0x10000, s0  }
0x19f: {  	s1 =	sshrl.u32 @!p2 s1, $0x3  }
0x1a0: {  	s7 =	simm.s32 @!p2 $0x1000;
	s1 =	sadd.s32 @!p2 s2, s1  }
0x1a1: {  	[tilespmem:s7], [sflag:$0x1] =	stream.linear.gather @!p2 [hbm4b:s1+s6], $0x400, $0x38;
	[tilespmem:$0xC000] =	vst v63  }
0x1a2: {  	s1 =	sadd.s32 @!p2 $0x14000, s0  }
0x1a3: {  	s1 =	sshrl.u32 @!p2 s1, $0x3  }
0x1a4: {  	s7 =	simm.s32 @!p2 $0x1400;
	s1 =	sadd.s32 @!p2 s2, s1  }
0x1a5: {  	[tilespmem:s7], [sflag:$0x1] =	stream.linear.gather @!p2 [hbm4b:s1+s6], $0x400, $0x38;
	[tilespmem:$0xC000] =	vst v63  }
0x1a6: {  	s1 =	sadd.s32 @!p2 $0x18000, s0  }
0x1a7: {  	s0 =	sadd.s32 @!p2 $0x1C000, s0;
	s1 =	sshrl.u32 @!p2 s1, $0x3  }
0x1a8: {  	s7 =	simm.s32 @!p2 $0x1800;
	s0 =	sshrl.u32 @!p2 s0, $0x3;
	s1 =	sadd.s32 @!p2 s2, s1  }
0x1a9: {  	[tilespmem:s7], [sflag:$0x1] =	stream.linear.gather @!p2 [hbm4b:s1+s6], $0x400, $0x38;
	[tilespmem:$0xC000] =	vst v63  }
0x1aa: {  	s0 =	sadd.s32 @!p2 s2, s0;
	s1 =	simm.s32 @!p2 $0x1C00  }
0x1ab: {  	[tilespmem:s1], [sflag:$0x1] =	stream.linear.gather @!p2 [hbm4b:s0+s6], $0x400, $0x38;
	[tilespmem:$0xC000] =	vst v63  }
0x1ac: {  	_ =	swait.ge [sflag:s18], $0x2000  }
0x1ad: {  	[sflag:s18] =	ssyncset.done $0x0  }
0x1ae: {  	s0 =	simm.s32 @!p1 $0x5;
	[sflag:s18] =	ssyncadd.s32 $0xFFFFE000  }
0x1af: {  	_ =	swait.ge @!p1 [sflag:s0], $0x2000  }
0x1b0: {  	[sflag:s0] =	ssyncset.done @!p1 $0x0  }
0x1b1: {  	s7 =	simm.s32 $0x2100;
	[sflag:s0] =	ssyncadd.s32 @!p1 $0xFFFFE000  }
0x1b2: {  	v0 =	vld [tilespmem:s7+$0xFFFFFF00];
	_ =	sdelay $0x4  }
0x1b3: {  	v0 =	vmul.f32 $9.990000000e+02, v0;
	_ =	sdelay $0x1  }
0x1b4: {  	v1 =	vld [tilespmem:s7+$0xFFFFFF80];
	v0 =	vadd.f32 $1.258291200e+07, v0  }
0x1b5: {  	v2 =	vld [tilespmem:s7+$0x80]  }
0x1b6: {  	s22 =	simm.s32 $0x0;
	v0 =	vadd.f32 $-1.258291200e+07, v0  }
0x1b7: {  	s0 =	smul.u32 $0xFFFF8200, s22  }
0x1b8: {  	v0 =	vtrunc.f32 v0  }
0x1b9: {  	s0 =	sshra.s32 s0, $0x2;
	v1 =	vmul.f32 $9.990000000e+02, v1;
	v0 =	vcvt.f32.s32 v0  }
0x1ba: {  	s29 =	sadd.s32 $0x8000, s0;
	v2 =	vmul.f32 $9.990000000e+02, v2  }
0x1bb: {  	v1 =	vadd.f32 $1.258291200e+07, v1;
	[tilespmem:s29+$0x0] =	vst v0  }
0x1bc: {  	v2 =	vadd.f32 $1.258291200e+07, v2;
	v0 =	vld [tilespmem:s7+$0xFFFFFF10]  }
0x1bd: {  	v1 =	vadd.f32 $-1.258291200e+07, v1  }
0x1be: {  	v2 =	vadd.f32 $-1.258291200e+07, v2  }
0x1bf: {  	v1 =	vtrunc.f32 v1  }
0x1c0: {  	v2 =	vtrunc.f32 v2;
	v1 =	vcvt.f32.s32 v1  }
0x1c1: {  	v2 =	vcvt.f32.s32 v2;
	v0 =	vmul.f32 $9.990000000e+02, v0  }
0x1c2: {  	v3 =	vld [tilespmem:s7+$0x0];
	[tilespmem:s29+$0x400] =	vst v1  }
0x1c3: {  	[tilespmem:s29+$0xC00] =	vst v2;
	v1 =	vld [tilespmem:s7+$0xFFFFFF90];
	v0 =	vadd.f32 $1.258291200e+07, v0  }
0x1c4: {  	v2 =	vld [tilespmem:s7+$0x90]  }
0x1c5: {  	v0 =	vadd.f32 $-1.258291200e+07, v0;
	_ =	sdelay $0x1  }
0x1c6: {  	v3 =	vmul.f32 $9.990000000e+02, v3;
	v0 =	vtrunc.f32 v0  }
0x1c7: {  	v1 =	vmul.f32 $9.990000000e+02, v1;
	v0 =	vcvt.f32.s32 v0  }
0x1c8: {  	v3 =	vadd.f32 $1.258291200e+07, v3;
	v2 =	vmul.f32 $9.990000000e+02, v2  }
0x1c9: {  	v1 =	vadd.f32 $1.258291200e+07, v1;
	[tilespmem:s29+$0x10] =	vst v0  }
0x1ca: {  	v3 =	vadd.f32 $-1.258291200e+07, v3;
	v2 =	vadd.f32 $1.258291200e+07, v2;
	v0 =	vld [tilespmem:s7+$0xFFFFFF20]  }
0x1cb: {  	v1 =	vadd.f32 $-1.258291200e+07, v1  }
0x1cc: {  	v3 =	vtrunc.f32 v3;
	v2 =	vadd.f32 $-1.258291200e+07, v2  }
0x1cd: {  	v3 =	vcvt.f32.s32 v3;
	v1 =	vtrunc.f32 v1  }
0x1ce: {  	v2 =	vtrunc.f32 v2;
	v1 =	vcvt.f32.s32 v1  }
0x1cf: {  	[tilespmem:s29+$0x800] =	vst v3;
	v2 =	vcvt.f32.s32 v2;
	v0 =	vmul.f32 $9.990000000e+02, v0  }
0x1d0: {  	v3 =	vld [tilespmem:s7+$0x10];
	[tilespmem:s29+$0x410] =	vst v1  }
0x1d1: {  	[tilespmem:s29+$0xC10] =	vst v2;
	v1 =	vld [tilespmem:s7+$0xFFFFFFA0];
	v0 =	vadd.f32 $1.258291200e+07, v0  }
0x1d2: {  	v2 =	vld [tilespmem:s7+$0xA0]  }
0x1d3: {  	v0 =	vadd.f32 $-1.258291200e+07, v0  }
0x1d4: {  	s31 =	simm.s32 $0x2300  }
0x1d5: {  	v4 =	vld [tilespmem:s31+$0xFFFFFF00];
	v3 =	vmul.f32 $9.990000000e+02, v3;
	v0 =	vtrunc.f32 v0  }
0x1d6: {  	v5 =	vld [tilespmem:s31+$0x0];
	v1 =	vmul.f32 $9.990000000e+02, v1;
	v0 =	vcvt.f32.s32 v0  }
0x1d7: {  	v2 =	vmul.f32 $9.990000000e+02, v2  }
0x1d8: {  	v3 =	vadd.f32 $1.258291200e+07, v3;
	v1 =	vadd.f32 $1.258291200e+07, v1;
	[tilespmem:s29+$0x20] =	vst v0  }
0x1d9: {  	v2 =	vadd.f32 $1.258291200e+07, v2;
	v0 =	vld [tilespmem:s7+$0xFFFFFF30]  }
0x1da: {  	v3 =	vadd.f32 $-1.258291200e+07, v3;
	v1 =	vadd.f32 $-1.258291200e+07, v1  }
0x1db: {  	v4 =	vmul.f32 $9.990000000e+02, v4;
	v5 =	vmul.f32 $9.990000000e+02, v5;
	v2 =	vadd.f32 $-1.258291200e+07, v2  }
0x1dc: {  	v3 =	vtrunc.f32 v3;
	v1 =	vtrunc.f32 v1  }
0x1dd: {  	v2 =	vtrunc.f32 v2;
	v1 =	vcvt.f32.s32 v1  }
0x1de: {  	v6 =	vld [tilespmem:s31+$0x80];
	v2 =	vcvt.f32.s32 v2;
	v0 =	vmul.f32 $9.990000000e+02, v0  }
0x1df: {  	v4 =	vadd.f32 $1.258291200e+07, v4;
	v3 =	vcvt.f32.s32 v3;
	[tilespmem:s29+$0x420] =	vst v1  }
0x1e0: {  	v5 =	vadd.f32 $1.258291200e+07, v5;
	[tilespmem:s29+$0xC20] =	vst v2;
	v2 =	vld [tilespmem:s7+$0xFFFFFFB0];
	v0 =	vadd.f32 $1.258291200e+07, v0  }
0x1e1: {  	v4 =	vadd.f32 $-1.258291200e+07, v4;
	[tilespmem:s29+$0x810] =	vst v3;
	v3 =	vld [tilespmem:s31+$0xFFFFFF80]  }
0x1e2: {  	v5 =	vadd.f32 $-1.258291200e+07, v5;
	v0 =	vadd.f32 $-1.258291200e+07, v0  }
0x1e3: {  	s24 =	simm.s32 $0x0;
	v4 =	vtrunc.f32 v4;
	v7 =	vld [tilespmem:s7+$0x20];
	v1 =	vmul.f32 $9.990000000e+02, v6  }
0x1e4: {  	s0 =	smul.u32 $0xFFFF8200, s24;
	v5 =	vtrunc.f32 v5;
	v0 =	vtrunc.f32 v0  }
0x1e5: {  	v6 =	vld [tilespmem:s7+$0xB0];
	v1 =	vadd.f32 $1.258291200e+07, v1;
	v2 =	vmul.f32 $9.990000000e+02, v2;
	v0 =	vcvt.f32.s32 v0  }
0x1e6: {  	s0 =	sshra.s32 s0, $0x2;
	v4 =	vcvt.f32.s32 v4;
	v3 =	vmul.f32 $9.990000000e+02, v3  }
0x1e7: {  	s30 =	sadd.s32 $0x9000, s0;
	v2 =	vadd.f32 $1.258291200e+07, v2;
	[tilespmem:s29+$0x30] =	vst v0;
	v0 =	vadd.f32 $-1.258291200e+07, v1;
	v1 =	vcvt.f32.s32 v5  }
0x1e8: {  	[tilespmem:s30+$0x0] =	vst v4;
	v5 =	vmul.f32 $9.990000000e+02, v7;
	v7 =	vld [tilespmem:s7+$0xFFFFFF40]  }
0x1e9: {  	v3 =	vadd.f32 $1.258291200e+07, v3;
	v2 =	vadd.f32 $-1.258291200e+07, v2;
	v0 =	vtrunc.f32 v0;
	[tilespmem:s30+$0x800] =	vst v1;
	v1 =	vld [tilespmem:s31+$0xFFFFFF10]  }
0x1ea: {  	v4 =	vadd.f32 $1.258291200e+07, v5;
	v5 =	vmul.f32 $9.990000000e+02, v6;
	v0 =	vcvt.f32.s32 v0;
	v6 =	vld [tilespmem:s31+$0x10]  }
0x1eb: {  	v3 =	vadd.f32 $-1.258291200e+07, v3  }
0x1ec: {  	v2 =	vtrunc.f32 v2;
	v5 =	vadd.f32 $1.258291200e+07, v5;
	[tilespmem:s30+$0xC00] =	vst v0  }
0x1ed: {  	v4 =	vadd.f32 $-1.258291200e+07, v4;
	v0 =	vtrunc.f32 v3;
	v3 =	vmul.f32 $9.990000000e+02, v7;
	v7 =	vld [tilespmem:s31+$0x90]  }
0x1ee: {  	v0 =	vcvt.f32.s32 v0;
	v5 =	vadd.f32 $-1.258291200e+07, v5;
	v1 =	vmul.f32 $9.990000000e+02, v1  }
0x1ef: {  	v2 =	vcvt.f32.s32 v2;
	v3 =	vadd.f32 $1.258291200e+07, v3;
	v6 =	vmul.f32 $9.990000000e+02, v6  }
0x1f0: {  	v4 =	vtrunc.f32 v4;
	[tilespmem:s30+$0x400] =	vst v0;
	v0 =	vtrunc.f32 v5;
	v1 =	vadd.f32 $1.258291200e+07, v1  }
0x1f1: {  	v0 =	vcvt.f32.s32 v0;
	v3 =	vadd.f32 $-1.258291200e+07, v3;
	v5 =	vadd.f32 $1.258291200e+07, v6;
	v6 =	vld [tilespmem:s31+$0xFFFFFF90]  }
0x1f2: {  	[tilespmem:s29+$0x430] =	vst v2;
	v4 =	vcvt.f32.s32 v4;
	v7 =	vmul.f32 $9.990000000e+02, v7;
	v1 =	vadd.f32 $-1.258291200e+07, v1  }
0x1f3: {  	[tilespmem:s29+$0xC30] =	vst v0;
	v2 =	vtrunc.f32 v3;
	v3 =	vadd.f32 $-1.258291200e+07, v5;
	v5 =	vld [tilespmem:s7+$0xFFFFFFC0]  }
0x1f4: {  	[tilespmem:s29+$0x820] =	vst v4;
	v4 =	vld [tilespmem:s7+$0xC0];
	v0 =	vcvt.f32.s32 v2;
	v2 =	vadd.f32 $1.258291200e+07, v7;
	v1 =	vtrunc.f32 v1  }
0x1f5: {  	v3 =	vtrunc.f32 v3;
	v1 =	vcvt.f32.s32 v1  }
0x1f6: {  	[tilespmem:s29+$0x40] =	vst v0;
	v0 =	vcvt.f32.s32 v3;
	v2 =	vadd.f32 $-1.258291200e+07, v2;
	v3 =	vmul.f32 $9.990000000e+02, v6  }
0x1f7: {  	v7 =	vld [tilespmem:s7+$0x30];
	[tilespmem:s30+$0x10] =	vst v1  }
0x1f8: {  	v6 =	vld [tilespmem:s7+$0xFFFFFF50];
	[tilespmem:s30+$0x810] =	vst v0;
	v0 =	vtrunc.f32 v2;
	v2 =	vadd.f32 $1.258291200e+07, v3  }
0x1f9: {  	v1 =	vld [tilespmem:s31+$0xFFFFFF20];
	v3 =	vmul.f32 $9.990000000e+02, v5;
	v4 =	vmul.f32 $9.990000000e+02, v4  }
0x1fa: {  	v5 =	vld [tilespmem:s31+$0x20];
	v0 =	vcvt.f32.s32 v0;
	v2 =	vadd.f32 $-1.258291200e+07, v2  }
0x1fb: {  	v3 =	vadd.f32 $1.258291200e+07, v3;
	v4 =	vadd.f32 $1.258291200e+07, v4  }
0x1fc: {  	[tilespmem:s30+$0xC10] =	vst v0;
	v0 =	vmul.f32 $9.990000000e+02, v7;
	v2 =	vtrunc.f32 v2  }
0x1fd: {  	v7 =	vld [tilespmem:s31+$0xA0];
	v3 =	vadd.f32 $-1.258291200e+07, v3;
	v6 =	vmul.f32 $9.990000000e+02, v6;
	v4 =	vadd.f32 $-1.258291200e+07, v4  }
0x1fe: {  	v1 =	vmul.f32 $9.990000000e+02, v1;
	v2 =	vcvt.f32.s32 v2;
	v0 =	vadd.f32 $1.258291200e+07, v0  }
0x1ff: {  	v5 =	vmul.f32 $9.990000000e+02, v5;
	v3 =	vtrunc.f32 v3;
	v6 =	vadd.f32 $1.258291200e+07, v6  }
0x200: {  	s1 =	simm.s32 $0x2500;
	v4 =	vtrunc.f32 v4;
	v1 =	vadd.f32 $1.258291200e+07, v1;
	v0 =	vadd.f32 $-1.258291200e+07, v0  }
0x201: {  	v10 =	vld [tilespmem:s1+$0x0];
	v3 =	vcvt.f32.s32 v3;
	v5 =	vadd.f32 $1.258291200e+07, v5;
	v6 =	vadd.f32 $-1.258291200e+07, v6  }
0x202: {  	v11 =	vld [tilespmem:s1+$0xFFFFFF00];
	[tilespmem:s30+$0x410] =	vst v2;
	v2 =	vcvt.f32.s32 v4;
	v4 =	vmul.f32 $9.990000000e+02, v7;
	v1 =	vadd.f32 $-1.258291200e+07, v1  }
0x203: {  	v7 =	vld [tilespmem:s31+$0xFFFFFFA0];
	[tilespmem:s29+$0x440] =	vst v3;
	v0 =	vtrunc.f32 v0;
	v5 =	vadd.f32 $-1.258291200e+07, v5;
	v3 =	vtrunc.f32 v6  }
0x204: {  	[tilespmem:s29+$0xC40] =	vst v2;
	v6 =	vld [tilespmem:s7+$0xFFFFFFD0];
	v0 =	vcvt.f32.s32 v0;
	v1 =	vtrunc.f32 v1  }
0x205: {  	v2 =	vadd.f32 $1.258291200e+07, v4;
	v4 =	vld [tilespmem:s7+$0xD0];
	v5 =	vtrunc.f32 v5;
	v1 =	vcvt.f32.s32 v1  }
0x206: {  	[tilespmem:s29+$0x830] =	vst v0;
	v5 =	vcvt.f32.s32 v5  }
0x207: {  	v10 =	vmul.f32 $9.990000000e+02, v10;
	v11 =	vmul.f32 $9.990000000e+02, v11;
	v2 =	vadd.f32 $-1.258291200e+07, v2;
	v8 =	vld [tilespmem:s7+$0x40];
	[tilespmem:s30+$0x20] =	vst v1  }
0x208: {  	v1 =	vcvt.f32.s32 v3;
	v3 =	vmul.f32 $9.990000000e+02, v7;
	[tilespmem:s30+$0x820] =	vst v5;
	v5 =	vld [tilespmem:s31+$0xFFFFFF30]  }
0x209: {  	v10 =	vadd.f32 $1.258291200e+07, v10;
	v2 =	vtrunc.f32 v2;
	v0 =	vmul.f32 $9.990000000e+02, v6;
	v7 =	vld [tilespmem:s31+$0x30]  }
0x20a: {  	[tilespmem:s29+$0x50] =	vst v1;
	v1 =	vmul.f32 $9.990000000e+02, v4;
	v3 =	vadd.f32 $1.258291200e+07, v3;
	v2 =	vcvt.f32.s32 v2  }
0x20b: {  	v11 =	vadd.f32 $1.258291200e+07, v11;
	v4 =	vld [tilespmem:s7+$0xFFFFFF60];
	v9 =	vadd.f32 $1.258291200e+07, v0  }
0x20c: {  	v1 =	vadd.f32 $1.258291200e+07, v1;
	v3 =	vadd.f32 $-1.258291200e+07, v3;
	[tilespmem:s30+$0xC20] =	vst v2;
	v2 =	vld [tilespmem:s1+$0xFFFFFF80]  }
0x20d: {  	v8 =	vmul.f32 $9.990000000e+02, v8;
	v9 =	vadd.f32 $-1.258291200e+07, v9;
	v5 =	vmul.f32 $9.990000000e+02, v5  }
0x20e: {  	v6 =	vld [tilespmem:s31+$0xB0];
	v3 =	vtrunc.f32 v3;
	v1 =	vadd.f32 $-1.258291200e+07, v1;
	v0 =	vmul.f32 $9.990000000e+02, v7  }
0x20f: {  	v8 =	vadd.f32 $1.258291200e+07, v8;
	v3 =	vcvt.f32.s32 v3;
	v7 =	vld [tilespmem:s1+$0x80];
	v9 =	vtrunc.f32 v9  }
0x210: {  	v5 =	vadd.f32 $1.258291200e+07, v5;
	v1 =	vtrunc.f32 v1;
	v4 =	vmul.f32 $9.990000000e+02, v4  }
0x211: {  	v8 =	vadd.f32 $-1.258291200e+07, v8;
	v9 =	vcvt.f32.s32 v9;
	[tilespmem:s30+$0x420] =	vst v3;
	v2 =	vmul.f32 $9.990000000e+02, v2  }
0x212: {  	v1 =	vcvt.f32.s32 v1;
	v0 =	vadd.f32 $1.258291200e+07, v0;
	v3 =	vadd.f32 $-1.258291200e+07, v5;
	v5 =	vld [tilespmem:s31+$0xFFFFFFB0]  }
0x213: {  	v6 =	vmul.f32 $9.990000000e+02, v6;
	v8 =	vtrunc.f32 v8;
	v2 =	vadd.f32 $1.258291200e+07, v2  }
0x214: {  	v4 =	vadd.f32 $1.258291200e+07, v4;
	v3 =	vtrunc.f32 v3;
	v7 =	vmul.f32 $9.990000000e+02, v7  }
0x215: {  	s25 =	simm.s32 $0x1;
	[tilespmem:s29+$0xC50] =	vst v1;
	v1 =	vadd.f32 $-1.258291200e+07, v11;
	v3 =	vcvt.f32.s32 v3;
	v2 =	vadd.f32 $-1.258291200e+07, v2  }
0x216: {  	s0 =	smul.u32 $0xFFFF8200, s25;
	v8 =	vcvt.f32.s32 v8;
	v0 =	vadd.f32 $-1.258291200e+07, v0;
	v7 =	vadd.f32 $1.258291200e+07, v7  }
0x217: {  	v2 =	vtrunc.f32 v2;
	v5 =	vmul.f32 $9.990000000e+02, v5;
	[tilespmem:s30+$0x30] =	vst v3;
	v3 =	vadd.f32 $-1.258291200e+07, v10  }
0x218: {  	s0 =	sshra.s32 s0, $0x2;
	v11 =	vld [tilespmem:s7+$0xE0];
	v6 =	vadd.f32 $1.258291200e+07, v6;
	v1 =	vtrunc.f32 v1;
	v2 =	vcvt.f32.s32 v2  }
0x219: {  	s0 =	sadd.s32 $0xA000, s0;
	[tilespmem:s29+$0x840] =	vst v8;
	v7 =	vadd.f32 $-1.258291200e+07, v7;
	v10 =	vld [tilespmem:s31+$0xFFFFFF40];
	v5 =	vadd.f32 $1.258291200e+07, v5;
	v3 =	vtrunc.f32 v3  }
0x21a: {  	v0 =	vtrunc.f32 v0;
	v6 =	vadd.f32 $-1.258291200e+07, v6;
	[tilespmem:s0+$0x400] =	vst v2;
	v2 =	vcvt.f32.s32 v3  }
0x21b: {  	v1 =	vcvt.f32.s32 v1;
	v7 =	vtrunc.f32 v7;
	v3 =	vadd.f32 $-1.258291200e+07, v5;
	v5 =	vld [tilespmem:s7+$0x50]  }
0x21c: {  	v6 =	vtrunc.f32 v6;
	v8 =	vld [tilespmem:s1+$0xFFFFFF90];
	v7 =	vcvt.f32.s32 v7;
	[tilespmem:s0+$0x800] =	vst v2  }
0x21d: {  	v4 =	vadd.f32 $-1.258291200e+07, v4;
	[tilespmem:s0+$0x0] =	vst v1;
	v6 =	vcvt.f32.s32 v6;
	v3 =	vtrunc.f32 v3;
	v1 =	vld [tilespmem:s1+$0x10]  }
0x21e: {  	v2 =	vmul.f32 $9.990000000e+02, v10;
	v10 =	vld [tilespmem:s1+$0xFFFFFF10];
	[tilespmem:s0+$0xC00] =	vst v7;
	v7 =	vmul.f32 $9.990000000e+02, v11  }
0x21f: {  	v4 =	vtrunc.f32 v4;
	[tilespmem:s30+$0xC30] =	vst v6;
	v3 =	vcvt.f32.s32 v3  }
0x220: {  	v0 =	vcvt.f32.s32 v0;
	v2 =	vadd.f32 $1.258291200e+07, v2;
	v6 =	vadd.f32 $1.258291200e+07, v7;
	v7 =	vld [tilespmem:s31+$0xC0]  }
0x221: {  	v5 =	vmul.f32 $9.990000000e+02, v5;
	[tilespmem:s30+$0x430] =	vst v3;
	v3 =	vmul.f32 $9.990000000e+02, v8;
	v8 =	vld [tilespmem:s1+$0x90]  }
0x222: {  	v4 =	vcvt.f32.s32 v4;
	v11 =	vld [tilespmem:s31+$0xFFFFFFC0];
	v2 =	vadd.f32 $-1.258291200e+07, v2;
	v1 =	vmul.f32 $9.990000000e+02, v1  }
0x223: {  	v6 =	vadd.f32 $-1.258291200e+07, v6;
	v5 =	vadd.f32 $1.258291200e+07, v5;
	v10 =	vmul.f32 $9.990000000e+02, v10  }
0x224: {  	v3 =	vadd.f32 $1.258291200e+07, v3;
	v2 =	vtrunc.f32 v2;
	v1 =	vadd.f32 $1.258291200e+07, v1  }
0x225: {  	v5 =	vadd.f32 $-1.258291200e+07, v5;
	v2 =	vcvt.f32.s32 v2;
	v10 =	vadd.f32 $1.258291200e+07, v10  }
0x226: {  	[tilespmem:s29+$0x450] =	vst v9;
	v7 =	vmul.f32 $9.990000000e+02, v7;
	v8 =	vmul.f32 $9.990000000e+02, v8;
	v1 =	vadd.f32 $-1.258291200e+07, v1  }
0x227: {  	v11 =	vmul.f32 $9.990000000e+02, v11;
	v5 =	vtrunc.f32 v5;
	[tilespmem:s30+$0x40] =	vst v2;
	v2 =	vadd.f32 $-1.258291200e+07, v10;
	v10 =	vld [tilespmem:s7+$0xFFFFFFE0]  }
0x228: {  	v8 =	vadd.f32 $1.258291200e+07, v8;
	v9 =	vld [tilespmem:s31+$0xFFFFFF50];
	v5 =	vcvt.f32.s32 v5;
	v1 =	vtrunc.f32 v1  }
0x229: {  	[tilespmem:s29+$0x60] =	vst v4;
	v3 =	vadd.f32 $-1.258291200e+07, v3;
	v2 =	vtrunc.f32 v2;
	v1 =	vcvt.f32.s32 v1  }
0x22a: {  	v4 =	vadd.f32 $1.258291200e+07, v7;
	v8 =	vadd.f32 $-1.258291200e+07, v8;
	[tilespmem:s29+$0x850] =	vst v5;
	v2 =	vcvt.f32.s32 v2  }
0x22b: {  	v6 =	vtrunc.f32 v6;
	v3 =	vtrunc.f32 v3;
	v11 =	vadd.f32 $1.258291200e+07, v11;
	v5 =	vld [tilespmem:s7+$0x60];
	[tilespmem:s0+$0x810] =	vst v1  }
0x22c: {  	v4 =	vadd.f32 $-1.258291200e+07, v4;
	v1 =	vtrunc.f32 v8;
	[tilespmem:s0+$0x10] =	vst v2;
	v10 =	vmul.f32 $9.990000000e+02, v10;
	v2 =	vld [tilespmem:s1+$0x20]  }
0x22d: {  	v11 =	vadd.f32 $-1.258291200e+07, v11;
	v1 =	vcvt.f32.s32 v1;
	v8 =	vmul.f32 $9.990000000e+02, v9;
	v9 =	vld [tilespmem:s1+$0xFFFFFF20]  }
0x22e: {  	v6 =	vcvt.f32.s32 v6;
	v7 =	vld [tilespmem:s7+$0xFFFFFF70];
	v3 =	vcvt.f32.s32 v3  }
0x22f: {  	v4 =	vtrunc.f32 v4;
	v11 =	vtrunc.f32 v11;
	v10 =	vadd.f32 $1.258291200e+07, v10;
	[tilespmem:s0+$0xC10] =	vst v1  }
0x230: {  	[tilespmem:s0+$0x410] =	vst v3;
	v1 =	vadd.f32 $1.258291200e+07, v8;
	v8 =	vcvt.f32.s32 v11;
	v3 =	vld [tilespmem:s1+$0xA0];
	v5 =	vmul.f32 $9.990000000e+02, v5  }
0x231: {  	v4 =	vcvt.f32.s32 v4;
	v11 =	vld [tilespmem:s1+$0xFFFFFFA0];
	v2 =	vmul.f32 $9.990000000e+02, v2  }
0x232: {  	v10 =	vadd.f32 $-1.258291200e+07, v10;
	[tilespmem:s30+$0x440] =	vst v8;
	v5 =	vadd.f32 $1.258291200e+07, v5;
	v8 =	vmul.f32 $9.990000000e+02, v9  }
0x233: {  	v7 =	vmul.f32 $9.990000000e+02, v7;
	v1 =	vadd.f32 $-1.258291200e+07, v1;
	v2 =	vadd.f32 $1.258291200e+07, v2  }
0x234: {  	[tilespmem:s30+$0xC40] =	vst v4;
	v9 =	vld [tilespmem:s31+$0xFFFFFFD0];
	v4 =	vtrunc.f32 v10;
	v5 =	vadd.f32 $-1.258291200e+07, v5;
	v8 =	vadd.f32 $1.258291200e+07, v8  }
0x235: {  	[tilespmem:s29+$0xC60] =	vst v6;
	v10 =	vld [tilespmem:s31+$0xD0];
	v4 =	vcvt.f32.s32 v4;
	v3 =	vmul.f32 $9.990000000e+02, v3;
	v2 =	vadd.f32 $-1.258291200e+07, v2  }
0x236: {  	v6 =	vmul.f32 $9.990000000e+02, v11;
	v11 =	vld [tilespmem:s7+$0xF0];
	v8 =	vadd.f32 $-1.258291200e+07, v8;
	v5 =	vtrunc.f32 v5  }
0x237: {  	[tilespmem:s29+$0x460] =	vst v4;
	v3 =	vadd.f32 $1.258291200e+07, v3;
	v5 =	vcvt.f32.s32 v5;
	v2 =	vtrunc.f32 v2  }
0x238: {  	v12 =	vld [tilespmem:s7+$0xFFFFFFF0];
	v8 =	vtrunc.f32 v8;
	v2 =	vcvt.f32.s32 v2  }
0x239: {  	v1 =	vtrunc.f32 v1;
	v3 =	vadd.f32 $-1.258291200e+07, v3;
	v4 =	vcvt.f32.s32 v8;
	[tilespmem:s29+$0x860] =	vst v5  }
0x23a: {  	v8 =	vmul.f32 $9.990000000e+02, v10;
	v5 =	vadd.f32 $1.258291200e+07, v6;
	[tilespmem:s0+$0x820] =	vst v2;
	v2 =	vmul.f32 $9.990000000e+02, v9;
	v9 =	vld [tilespmem:s7+$0x70]  }
0x23b: {  	v7 =	vadd.f32 $1.258291200e+07, v7;
	v1 =	vcvt.f32.s32 v1;
	v10 =	vmul.f32 $9.990000000e+02, v11;
	[tilespmem:s0+$0x20] =	vst v4;
	v11 =	vld [tilespmem:s1+$0x30]  }
0x23c: {  	v4 =	vadd.f32 $1.258291200e+07, v8;
	v5 =	vadd.f32 $-1.258291200e+07, v5;
	v3 =	vtrunc.f32 v3;
	v13 =	vld [tilespmem:s1+$0xFFFFFF30]  }
0x23d: {  	[tilespmem:s30+$0x830] =	vst v0;
	v12 =	vmul.f32 $9.990000000e+02, v12;
	v6 =	vadd.f32 $1.258291200e+07, v2;
	v2 =	vadd.f32 $1.258291200e+07, v10  }
0x23e: {  	[tilespmem:s30+$0x50] =	vst v1;
	v8 =	vld [tilespmem:s31+$0x40];
	v3 =	vcvt.f32.s32 v3;
	v10 =	vtrunc.f32 v5;
	v1 =	vadd.f32 $-1.258291200e+07, v4  }
0x23f: {  	v5 =	vld [tilespmem:s31+$0xFFFFFF60];
	v4 =	vadd.f32 $-1.258291200e+07, v7;
	v15 =	vadd.f32 $-1.258291200e+07, v2;
	v14 =	vmul.f32 $9.990000000e+02, v9  }
0x240: {  	s23 =	sadd.s32 s10, s28;
	s6 =	simm.s32 $0x2700;
	[tilespmem:s0+$0xC20] =	vst v3;
	v7 =	vtrunc.f32 v1;
	v2 =	vadd.f32 $1.258291200e+07, v12;
	v0 =	vmul.f32 $9.990000000e+02, v11  }
0x241: {  	s22 =	simm.s32 $0x8;
	s24 =	simm.s32 $0x8;
	s25 =	simm.s32 $0xA000;
	v9 =	vld [tilespmem:s1+$0xB0];
	v11 =	vmul.f32 $9.990000000e+02, v13;
	v1 =	vtrunc.f32 v15;
	v3 =	vadd.f32 $1.258291200e+07, v14  }
.LBB2_5:
0x242: {  	v12 =	vld [tilespmem:s6+$0xFFFFFF80];
	s24 =	sadd.s32 $0x4, s24;
	v10 =	vcvt.f32.s32 v10;
	v6 =	vadd.f32 $-1.258291200e+07, v6;
	v4 =	vtrunc.f32 v4  }
0x243: {  	v7 =	vcvt.f32.s32 v7;
	v13 =	vld [tilespmem:s6+$0x0];
	p3 =	slt.u32 s24, $0x3C;
	v11 =	vadd.f32 $1.258291200e+07, v11;
	v3 =	vadd.f32 $-1.258291200e+07, v3  }
0x244: {  	v2 =	vadd.f32 $-1.258291200e+07, v2;
	v5 =	vmul.f32 $9.990000000e+02, v5;
	v14 =	vld [tilespmem:s6+$0x80];
	[tilespmem:s0+$0x420] =	vst v10;
	v8 =	vmul.f32 $9.990000000e+02, v8  }
0x245: {  	v4 =	vcvt.f32.s32 v4;
	v10 =	vld [tilespmem:s6+$0xFFFFFF00];
	v11 =	vadd.f32 $-1.258291200e+07, v11;
	[tilespmem:s30+$0xC50] =	vst v7;
	v3 =	vtrunc.f32 v3  }
0x246: {  	v2 =	vtrunc.f32 v2;
	v7 =	vld [tilespmem:s1+$0xFFFFFFB0];
	v8 =	vadd.f32 $1.258291200e+07, v8;
	v3 =	vcvt.f32.s32 v3  }
0x247: {  	v5 =	vadd.f32 $1.258291200e+07, v5;
	v2 =	vcvt.f32.s32 v2;
	v12 =	vmul.f32 $9.990000000e+02, v12;
	v15 =	vld [tilespmem:s31+$0xE0];
	[tilespmem:s29+$0x70] =	vst v4  }
0x248: {  	v9 =	vmul.f32 $9.990000000e+02, v9;
	v4 =	vtrunc.f32 v11;
	v8 =	vadd.f32 $-1.258291200e+07, v8;
	[tilespmem:s29+$0x870] =	vst v3  }
0x249: {  	v4 =	vcvt.f32.s32 v4;
	v3 =	vadd.f32 $1.258291200e+07, v12;
	v11 =	vmul.f32 $9.990000000e+02, v14;
	[tilespmem:s29+$0x470] =	vst v2  }
0x24a: {  	v5 =	vadd.f32 $-1.258291200e+07, v5;
	v9 =	vadd.f32 $1.258291200e+07, v9;
	v2 =	vmul.f32 $9.990000000e+02, v13  }
0x24b: {  	s22 =	sadd.s32 $0x4, s22;
	v1 =	vcvt.f32.s32 v1;
	v10 =	vmul.f32 $9.990000000e+02, v10;
	v3 =	vadd.f32 $-1.258291200e+07, v3;
	[tilespmem:s0+$0x30] =	vst v4  }
0x24c: {  	s7 =	sshrl.u32 s22, $0x3;
	v8 =	vtrunc.f32 v8;
	v2 =	vadd.f32 $1.258291200e+07, v2;
	v4 =	vadd.f32 $1.258291200e+07, v11  }
0x24d: {  	s7 =	smul.u32 $0xFFFF8200, s7;
	v7 =	vmul.f32 $9.990000000e+02, v7;
	v10 =	vadd.f32 $1.258291200e+07, v10;
	v3 =	vtrunc.f32 v3;
	[tilespmem:s29+$0xC70] =	vst v1;
	s29 =	smov.u32 s30;
	s30 =	smov.u32 s0  }
0x24e: {  	v1 =	vadd.f32 $-1.258291200e+07, v2;
	v2 =	vadd.f32 $-1.258291200e+07, v4;
	v4 =	vcvt.f32.s32 v8  }
0x24f: {  	s25 =	sadd.s32 $0x1000, s25;
	s0 =	sshra.s32 s7, $0x2;
	v7 =	vadd.f32 $1.258291200e+07, v7;
	v8 =	vadd.f32 $-1.258291200e+07, v10;
	v3 =	vcvt.f32.s32 v3;
	v10 =	vld [tilespmem:s1+$0xFFFFFF40]  }
0x250: {  	v9 =	vadd.f32 $-1.258291200e+07, v9;
	s0 =	sadd.s32 s0, s25;
	v1 =	vtrunc.f32 v1;
	v2 =	vtrunc.f32 v2;
	[tilespmem:s29+$0x840] =	vst v4  }
0x251: {  	v4 =	vtrunc.f32 v8;
	v1 =	vcvt.f32.s32 v1;
	[tilespmem:s0+$0x400] =	vst v3;
	v3 =	vadd.f32 $-1.258291200e+07, v7;
	v7 =	vld [tilespmem:s31+$0x50]  }
0x252: {  	v6 =	vtrunc.f32 v6;
	v4 =	vcvt.f32.s32 v4;
	v8 =	vld [tilespmem:s6+$0xFFFFFF90]  }
0x253: {  	v2 =	vcvt.f32.s32 v2;
	v3 =	vtrunc.f32 v3  }
0x254: {  	[tilespmem:s0+$0x800] =	vst v1;
	v1 =	vmul.f32 $9.990000000e+02, v10;
	v3 =	vcvt.f32.s32 v3  }
0x255: {  	v6 =	vcvt.f32.s32 v6;
	v9 =	vtrunc.f32 v9;
	[tilespmem:s0+$0x0] =	vst v4;
	v4 =	vld [tilespmem:s6+$0x10]  }
0x256: {  	v10 =	vld [tilespmem:s6+$0xFFFFFF10];
	v1 =	vadd.f32 $1.258291200e+07, v1;
	[tilespmem:s30+$0x430] =	vst v3;
	v3 =	vcvt.f32.s32 v9;
	v7 =	vmul.f32 $9.990000000e+02, v7  }
0x257: {  	v9 =	vmul.f32 $9.990000000e+02, v15;
	v8 =	vmul.f32 $9.990000000e+02, v8;
	[tilespmem:s0+$0xC00] =	vst v2;
	v2 =	vld [tilespmem:s1+$0xFFFFFFC0]  }
0x258: {  	v5 =	vtrunc.f32 v5;
	v11 =	vld [tilespmem:s6+$0x90];
	v1 =	vadd.f32 $-1.258291200e+07, v1;
	[tilespmem:s29+$0x450] =	vst v6;
	v6 =	vadd.f32 $1.258291200e+07, v7  }
0x259: {  	v7 =	vadd.f32 $1.258291200e+07, v8;
	[tilespmem:s30+$0xC30] =	vst v3;
	v3 =	vcvt.f32.s32 v5;
	v5 =	vld [tilespmem:s31+$0xFFFFFFE0];
	v8 =	vadd.f32 $1.258291200e+07, v9  }
0x25a: {  	v4 =	vmul.f32 $9.990000000e+02, v4;
	v9 =	vld [tilespmem:s1+$0xC0];
	v6 =	vadd.f32 $-1.258291200e+07, v6  }
0x25b: {  	v1 =	vtrunc.f32 v1;
	v10 =	vmul.f32 $9.990000000e+02, v10;
	v7 =	vadd.f32 $-1.258291200e+07, v7;
	[tilespmem:s29+$0x60] =	vst v3  }
0x25c: {  	v1 =	vcvt.f32.s32 v1;
	v3 =	vadd.f32 $1.258291200e+07, v4;
	v2 =	vmul.f32 $9.990000000e+02, v2;
	v4 =	vld [tilespmem:s31+$0xFFFFFF70]  }
0x25d: {  	v6 =	vtrunc.f32 v6;
	v10 =	vadd.f32 $1.258291200e+07, v10;
	v11 =	vmul.f32 $9.990000000e+02, v11  }
0x25e: {  	v7 =	vtrunc.f32 v7;
	v3 =	vadd.f32 $-1.258291200e+07, v3;
	[tilespmem:s30+$0x40] =	vst v1;
	v1 =	vadd.f32 $1.258291200e+07, v2  }
0x25f: {  	v6 =	vcvt.f32.s32 v6;
	v2 =	vadd.f32 $-1.258291200e+07, v10;
	v10 =	vadd.f32 $1.258291200e+07, v11;
	v11 =	vld [tilespmem:s1+$0xFFFFFF50]  }
0x260: {  	v9 =	vmul.f32 $9.990000000e+02, v9;
	v3 =	vtrunc.f32 v3;
	v1 =	vadd.f32 $-1.258291200e+07, v1  }
0x261: {  	v2 =	vtrunc.f32 v2;
	v3 =	vcvt.f32.s32 v3;
	v10 =	vadd.f32 $-1.258291200e+07, v10;
	[tilespmem:s29+$0x850] =	vst v6  }
0x262: {  	v8 =	vadd.f32 $-1.258291200e+07, v8;
	v6 =	vadd.f32 $1.258291200e+07, v9;
	v2 =	vcvt.f32.s32 v2;
	v9 =	vld [tilespmem:s31+$0x60]  }
0x263: {  	v7 =	vcvt.f32.s32 v7;
	[tilespmem:s0+$0x810] =	vst v3;
	v3 =	vtrunc.f32 v10  }
0x264: {  	v6 =	vadd.f32 $-1.258291200e+07, v6;
	[tilespmem:s0+$0x10] =	vst v2;
	v2 =	vld [tilespmem:s6+$0x20];
	v3 =	vcvt.f32.s32 v3;
	v10 =	vmul.f32 $9.990000000e+02, v11  }
0x265: {  	v5 =	vmul.f32 $9.990000000e+02, v5;
	v1 =	vtrunc.f32 v1;
	v11 =	vld [tilespmem:s6+$0xFFFFFF20];
	[tilespmem:s0+$0x410] =	vst v7  }
0x266: {  	v1 =	vcvt.f32.s32 v1;
	v6 =	vtrunc.f32 v6;
	[tilespmem:s0+$0xC10] =	vst v3;
	v3 =	vadd.f32 $1.258291200e+07, v10  }
0x267: {  	v5 =	vadd.f32 $1.258291200e+07, v5;
	v6 =	vcvt.f32.s32 v6;
	v7 =	vld [tilespmem:s6+$0xA0];
	v9 =	vmul.f32 $9.990000000e+02, v9  }
0x268: {  	v10 =	vld [tilespmem:s6+$0xFFFFFFA0];
	v3 =	vadd.f32 $-1.258291200e+07, v3;
	[tilespmem:s30+$0x440] =	vst v1;
	v1 =	vmul.f32 $9.990000000e+02, v4;
	v4 =	vtrunc.f32 v8  }
0x269: {  	v5 =	vadd.f32 $-1.258291200e+07, v5;
	v2 =	vmul.f32 $9.990000000e+02, v2;
	v8 =	vld [tilespmem:s1+$0xFFFFFFD0];
	[tilespmem:s30+$0xC40] =	vst v6;
	v6 =	vadd.f32 $1.258291200e+07, v9  }
0x26a: {  	v4 =	vcvt.f32.s32 v4;
	v9 =	vmul.f32 $9.990000000e+02, v11;
	v11 =	vld [tilespmem:s1+$0xD0];
	v1 =	vadd.f32 $1.258291200e+07, v1  }
0x26b: {  	v5 =	vtrunc.f32 v5;
	v2 =	vadd.f32 $1.258291200e+07, v2;
	v6 =	vadd.f32 $-1.258291200e+07, v6  }
0x26c: {  	v3 =	vtrunc.f32 v3;
	v9 =	vadd.f32 $1.258291200e+07, v9;
	v7 =	vmul.f32 $9.990000000e+02, v7;
	[tilespmem:s29+$0xC60] =	vst v4  }
0x26d: {  	v5 =	vcvt.f32.s32 v5;
	v4 =	vmul.f32 $9.990000000e+02, v10;
	v2 =	vadd.f32 $-1.258291200e+07, v2;
	v10 =	vld [tilespmem:s31+$0xF0]  }
0x26e: {  	v6 =	vtrunc.f32 v6;
	v9 =	vadd.f32 $-1.258291200e+07, v9;
	v7 =	vadd.f32 $1.258291200e+07, v7  }
0x26f: {  	v0 =	vadd.f32 $1.258291200e+07, v0;
	v6 =	vcvt.f32.s32 v6;
	v2 =	vtrunc.f32 v2  }
0x270: {  	v9 =	vtrunc.f32 v9;
	v2 =	vcvt.f32.s32 v2;
	v7 =	vadd.f32 $-1.258291200e+07, v7;
	[tilespmem:s29+$0x460] =	vst v5  }
0x271: {  	v0 =	vadd.f32 $-1.258291200e+07, v0;
	v5 =	vcvt.f32.s32 v9;
	v9 =	vmul.f32 $9.990000000e+02, v11;
	v11 =	vld [tilespmem:s31+$0xFFFFFFF0];
	[tilespmem:s29+$0x860] =	vst v6  }
0x272: {  	v4 =	vadd.f32 $1.258291200e+07, v4;
	[tilespmem:s0+$0x820] =	vst v2;
	v2 =	vmul.f32 $9.990000000e+02, v8;
	v12 =	vld [tilespmem:s31+$0x70];
	v8 =	vmul.f32 $9.990000000e+02, v10;
	s31 =	smov.u32 s1;
	s1 =	smov.u32 s6  }
0x273: {  	v0 =	vtrunc.f32 v0;
	v3 =	vcvt.f32.s32 v3;
	[tilespmem:s0+$0x20] =	vst v5;
	v13 =	vld [tilespmem:s6+$0x30];
	v9 =	vadd.f32 $1.258291200e+07, v9  }
0x274: {  	v0 =	vcvt.f32.s32 v0;
	v4 =	vadd.f32 $-1.258291200e+07, v4;
	v5 =	vtrunc.f32 v7;
	v14 =	vld [tilespmem:s6+$0xFFFFFF30]  }
.Ltmp3:
0x275: {  	v7 =	vcvt.f32.s32 v5;
	v6 =	vadd.f32 $1.258291200e+07, v2;
	v2 =	vadd.f32 $1.258291200e+07, v8;
	[tilespmem:s30+$0x50] =	vst v3;
	(pc) =	sbr.rel @p3 .LBB2_5-.Ltmp3, $4  }
0x276: {  	v10 =	vtrunc.f32 v4;
	v3 =	vadd.f32 $-1.258291200e+07, v9;
	v5 =	vld [tilespmem:s31+$0xFFFFFF60];
	[tilespmem:s30+$0x830] =	vst v0;
	v9 =	vmul.f32 $9.990000000e+02, v11  }
0x277: {  	v4 =	vadd.f32 $-1.258291200e+07, v1;
	[tilespmem:s0+$0xC20] =	vst v7;
	v8 =	vld [tilespmem:s31+$0x40];
	v1 =	vmul.f32 $9.990000000e+02, v12;
	v12 =	vadd.f32 $-1.258291200e+07, v2  }
0x278: {  	v7 =	vtrunc.f32 v3;
	v0 =	vmul.f32 $9.990000000e+02, v13;
	v2 =	vadd.f32 $1.258291200e+07, v9  }
0x279: {  	s6 =	sadd.s32 $0x200, s6;
	v11 =	vmul.f32 $9.990000000e+02, v14;
	v9 =	vld [tilespmem:s1+$0xB0];
	v3 =	vadd.f32 $1.258291200e+07, v1;
	v1 =	vtrunc.f32 v12  }
0x27a: {  	v10 =	vcvt.f32.s32 v10;
	_ =	sdelay $0x1  }
0x27b: {  	[tilespmem:s0+$0x420] =	vst v10  }
0x27c: {  	v10 =	vld [tilespmem:s1+$0xFFFFFFB0];
	_ =	sdelay $0x2  }
0x27d: {  	v11 =	vadd.f32 $1.258291200e+07, v11  }
0x27e: {  	v0 =	vadd.f32 $1.258291200e+07, v0;
	v9 =	vmul.f32 $9.990000000e+02, v9  }
0x27f: {  	v11 =	vadd.f32 $-1.258291200e+07, v11;
	v10 =	vmul.f32 $9.990000000e+02, v10  }
0x280: {  	v0 =	vadd.f32 $-1.258291200e+07, v0;
	v9 =	vadd.f32 $1.258291200e+07, v9  }
0x281: {  	v11 =	vtrunc.f32 v11;
	v10 =	vadd.f32 $1.258291200e+07, v10  }
0x282: {  	v0 =	vtrunc.f32 v0;
	v11 =	vcvt.f32.s32 v11;
	v9 =	vadd.f32 $-1.258291200e+07, v9  }
0x283: {  	v0 =	vcvt.f32.s32 v0;
	v10 =	vadd.f32 $-1.258291200e+07, v10  }
0x284: {  	[tilespmem:s0+$0x30] =	vst v11;
	v9 =	vtrunc.f32 v9  }
0x285: {  	[tilespmem:s0+$0x830] =	vst v0;
	v11 =	vld [tilespmem:s1+$0xFFFFFF40];
	v9 =	vcvt.f32.s32 v9;
	v10 =	vtrunc.f32 v10  }
0x286: {  	v0 =	vmul.f32 $9.990000000e+02, v8;
	v8 =	vld [tilespmem:s1+$0x40];
	v10 =	vcvt.f32.s32 v10  }
0x287: {  	[tilespmem:s0+$0xC30] =	vst v9  }
0x288: {  	v0 =	vadd.f32 $1.258291200e+07, v0;
	v9 =	vld [tilespmem:s1+$0xC0];
	[tilespmem:s0+$0x430] =	vst v10  }
0x289: {  	v10 =	vld [tilespmem:s1+$0xFFFFFFC0]  }
0x28a: {  	v0 =	vadd.f32 $-1.258291200e+07, v0;
	v11 =	vmul.f32 $9.990000000e+02, v11  }
0x28b: {  	v8 =	vmul.f32 $9.990000000e+02, v8  }
0x28c: {  	v0 =	vtrunc.f32 v0;
	v11 =	vadd.f32 $1.258291200e+07, v11  }
0x28d: {  	v0 =	vcvt.f32.s32 v0;
	v8 =	vadd.f32 $1.258291200e+07, v8;
	v9 =	vmul.f32 $9.990000000e+02, v9  }
0x28e: {  	v11 =	vadd.f32 $-1.258291200e+07, v11;
	v10 =	vmul.f32 $9.990000000e+02, v10  }
0x28f: {  	[tilespmem:s30+$0x840] =	vst v0;
	v8 =	vadd.f32 $-1.258291200e+07, v8;
	v0 =	vadd.f32 $1.258291200e+07, v9  }
0x290: {  	v11 =	vtrunc.f32 v11;
	v9 =	vld [tilespmem:s31+$0x50];
	v10 =	vadd.f32 $1.258291200e+07, v10  }
0x291: {  	v8 =	vtrunc.f32 v8;
	v11 =	vcvt.f32.s32 v11;
	v0 =	vadd.f32 $-1.258291200e+07, v0  }
0x292: {  	v8 =	vcvt.f32.s32 v8;
	v10 =	vadd.f32 $-1.258291200e+07, v10  }
0x293: {  	[tilespmem:s0+$0x40] =	vst v11;
	v0 =	vtrunc.f32 v0  }
0x294: {  	[tilespmem:s0+$0x840] =	vst v8;
	v11 =	vld [tilespmem:s1+$0xFFFFFF50];
	v0 =	vcvt.f32.s32 v0;
	v10 =	vtrunc.f32 v10  }
0x295: {  	v8 =	vmul.f32 $9.990000000e+02, v9;
	v9 =	vld [tilespmem:s1+$0x50];
	v10 =	vcvt.f32.s32 v10  }
0x296: {  	[tilespmem:s0+$0xC40] =	vst v0  }
0x297: {  	v0 =	vadd.f32 $-1.258291200e+07, v6;
	v6 =	vcvt.f32.s32 v7;
	v7 =	vadd.f32 $1.258291200e+07, v8;
	v8 =	vld [tilespmem:s1+$0xD0];
	[tilespmem:s0+$0x440] =	vst v10  }
0x298: {  	v10 =	vld [tilespmem:s1+$0xFFFFFFD0]  }
0x299: {  	[tilespmem:s30+$0xC50] =	vst v6;
	v6 =	vadd.f32 $-1.258291200e+07, v7;
	v7 =	vmul.f32 $9.990000000e+02, v11  }
0x29a: {  	v0 =	vtrunc.f32 v0;
	v11 =	vld [tilespmem:s31+$0xE0];
	v9 =	vmul.f32 $9.990000000e+02, v9  }
0x29b: {  	v0 =	vcvt.f32.s32 v0;
	v6 =	vtrunc.f32 v6;
	v7 =	vadd.f32 $1.258291200e+07, v7  }
0x29c: {  	v6 =	vcvt.f32.s32 v6;
	v9 =	vadd.f32 $1.258291200e+07, v9;
	v8 =	vmul.f32 $9.990000000e+02, v8  }
0x29d: {  	[tilespmem:s30+$0x450] =	vst v0;
	v0 =	vadd.f32 $-1.258291200e+07, v7;
	v10 =	vmul.f32 $9.990000000e+02, v10  }
0x29e: {  	[tilespmem:s30+$0x850] =	vst v6;
	v6 =	vadd.f32 $1.258291200e+07, v8;
	v8 =	vadd.f32 $-1.258291200e+07, v9  }
0x29f: {  	v9 =	vmul.f32 $9.990000000e+02, v11;
	v11 =	vld [tilespmem:s31+$0x60];
	v0 =	vtrunc.f32 v0;
	v7 =	vadd.f32 $1.258291200e+07, v10  }
0x2a0: {  	v5 =	vmul.f32 $9.990000000e+02, v5;
	v0 =	vcvt.f32.s32 v0;
	v10 =	vld [tilespmem:s31+$0xFFFFFFE0]  }
0x2a1: {  	v6 =	vadd.f32 $-1.258291200e+07, v6;
	v8 =	vtrunc.f32 v8;
	v7 =	vadd.f32 $-1.258291200e+07, v7  }
0x2a2: {  	v5 =	vadd.f32 $1.258291200e+07, v5;
	v8 =	vcvt.f32.s32 v8  }
0x2a3: {  	v9 =	vadd.f32 $1.258291200e+07, v9;
	[tilespmem:s0+$0x50] =	vst v0;
	v0 =	vtrunc.f32 v6;
	v7 =	vtrunc.f32 v7  }
0x2a4: {  	v5 =	vadd.f32 $-1.258291200e+07, v5;
	[tilespmem:s0+$0x850] =	vst v8;
	v8 =	vmul.f32 $9.990000000e+02, v11;
	v6 =	vcvt.f32.s32 v7  }
0x2a5: {  	v0 =	vcvt.f32.s32 v0;
	v7 =	vadd.f32 $-1.258291200e+07, v9;
	v9 =	vmul.f32 $9.990000000e+02, v10;
	v10 =	vld [tilespmem:s1+$0xFFFFFF60]  }
0x2a6: {  	v5 =	vtrunc.f32 v5;
	v8 =	vadd.f32 $1.258291200e+07, v8;
	[tilespmem:s0+$0x450] =	vst v6;
	v6 =	vld [tilespmem:s1+$0x60]  }
0x2a7: {  	v5 =	vcvt.f32.s32 v5;
	[tilespmem:s0+$0xC50] =	vst v0;
	v7 =	vtrunc.f32 v7;
	v0 =	vld [tilespmem:s1+$0xFFFFFFE0]  }
0x2a8: {  	v11 =	vld [tilespmem:s1+$0xE0];
	v8 =	vadd.f32 $-1.258291200e+07, v8;
	v9 =	vadd.f32 $1.258291200e+07, v9;
	v7 =	vcvt.f32.s32 v7  }
0x2a9: {  	v4 =	vtrunc.f32 v4;
	v1 =	vcvt.f32.s32 v1;
	[tilespmem:s30+$0x60] =	vst v5  }
0x2aa: {  	v8 =	vtrunc.f32 v8;
	v5 =	vadd.f32 $-1.258291200e+07, v9;
	v9 =	vld [tilespmem:s31+$0xFFFFFF70];
	[tilespmem:s30+$0xC60] =	vst v7;
	v7 =	vmul.f32 $9.990000000e+02, v10  }
0x2ab: {  	v8 =	vcvt.f32.s32 v8;
	v10 =	vld [tilespmem:s31+$0xF0];
	v6 =	vmul.f32 $9.990000000e+02, v6  }
0x2ac: {  	v5 =	vtrunc.f32 v5;
	v7 =	vadd.f32 $1.258291200e+07, v7;
	v0 =	vmul.f32 $9.990000000e+02, v0  }
0x2ad: {  	v11 =	vmul.f32 $9.990000000e+02, v11;
	v5 =	vcvt.f32.s32 v5;
	v6 =	vadd.f32 $1.258291200e+07, v6  }
0x2ae: {  	v4 =	vcvt.f32.s32 v4;
	[tilespmem:s30+$0x860] =	vst v8;
	v7 =	vadd.f32 $-1.258291200e+07, v7;
	v0 =	vadd.f32 $1.258291200e+07, v0  }
0x2af: {  	v8 =	vadd.f32 $1.258291200e+07, v11;
	v9 =	vmul.f32 $9.990000000e+02, v9;
	[tilespmem:s30+$0x460] =	vst v5;
	v5 =	vld [tilespmem:s31+$0x70];
	v6 =	vadd.f32 $-1.258291200e+07, v6  }
0x2b0: {  	v10 =	vmul.f32 $9.990000000e+02, v10;
	v7 =	vtrunc.f32 v7;
	v0 =	vadd.f32 $-1.258291200e+07, v0  }
0x2b1: {  	v8 =	vadd.f32 $-1.258291200e+07, v8;
	v11 =	vld [tilespmem:s31+$0xFFFFFFF0];
	v7 =	vcvt.f32.s32 v7;
	v6 =	vtrunc.f32 v6  }
0x2b2: {  	v2 =	vadd.f32 $-1.258291200e+07, v2;
	v0 =	vtrunc.f32 v0;
	v6 =	vcvt.f32.s32 v6  }
0x2b3: {  	v3 =	vadd.f32 $-1.258291200e+07, v3;
	[tilespmem:s0+$0x60] =	vst v7;
	v7 =	vtrunc.f32 v8;
	v0 =	vcvt.f32.s32 v0  }
0x2b4: {  	v8 =	vadd.f32 $1.258291200e+07, v10;
	v5 =	vmul.f32 $9.990000000e+02, v5;
	v10 =	vld [tilespmem:s1+$0xFFFFFF70];
	v7 =	vcvt.f32.s32 v7;
	[tilespmem:s0+$0x860] =	vst v6  }
0x2b5: {  	v2 =	vtrunc.f32 v2;
	v3 =	vtrunc.f32 v3;
	v6 =	vadd.f32 $1.258291200e+07, v9;
	[tilespmem:s0+$0x460] =	vst v0;
	v0 =	vld [tilespmem:s1+$0x70]  }
0x2b6: {  	v9 =	vmul.f32 $9.990000000e+02, v11;
	v8 =	vadd.f32 $-1.258291200e+07, v8;
	v5 =	vadd.f32 $1.258291200e+07, v5;
	[tilespmem:s0+$0xC60] =	vst v7;
	v7 =	vld [tilespmem:s1+$0xFFFFFFF0]  }
0x2b7: {  	v2 =	vcvt.f32.s32 v2;
	v3 =	vcvt.f32.s32 v3;
	v6 =	vadd.f32 $-1.258291200e+07, v6;
	v11 =	vld [tilespmem:s1+$0xF0]  }
0x2b8: {  	v9 =	vadd.f32 $1.258291200e+07, v9;
	v8 =	vtrunc.f32 v8;
	v5 =	vadd.f32 $-1.258291200e+07, v5  }
0x2b9: {  	[tilespmem:s29+$0x70] =	vst v4;
	v6 =	vtrunc.f32 v6;
	v10 =	vmul.f32 $9.990000000e+02, v10  }
0x2ba: {  	[tilespmem:s29+$0x870] =	vst v3;
	v4 =	vadd.f32 $-1.258291200e+07, v9;
	v3 =	vtrunc.f32 v5;
	v0 =	vmul.f32 $9.990000000e+02, v0  }
0x2bb: {  	v6 =	vcvt.f32.s32 v6;
	v5 =	vadd.f32 $1.258291200e+07, v10;
	v7 =	vmul.f32 $9.990000000e+02, v7  }
0x2bc: {  	[tilespmem:s29+$0x470] =	vst v2;
	v2 =	vtrunc.f32 v4;
	v4 =	vmul.f32 $9.990000000e+02, v11;
	v0 =	vadd.f32 $1.258291200e+07, v0  }
0x2bd: {  	[tilespmem:s29+$0xC70] =	vst v1;
	v1 =	vcvt.f32.s32 v3;
	v3 =	vadd.f32 $-1.258291200e+07, v5;
	v5 =	vadd.f32 $1.258291200e+07, v7  }
0x2be: {  	[tilespmem:s30+$0x70] =	vst v6;
	v2 =	vcvt.f32.s32 v2;
	v4 =	vadd.f32 $1.258291200e+07, v4;
	v0 =	vadd.f32 $-1.258291200e+07, v0  }
0x2bf: {  	[tilespmem:s30+$0x870] =	vst v1;
	v1 =	vcvt.f32.s32 v8;
	v3 =	vtrunc.f32 v3;
	v5 =	vadd.f32 $-1.258291200e+07, v5  }
0x2c0: {  	[tilespmem:s30+$0x470] =	vst v2;
	v2 =	vadd.f32 $-1.258291200e+07, v4;
	v3 =	vcvt.f32.s32 v3;
	v0 =	vtrunc.f32 v0  }
0x2c1: {  	[tilespmem:s30+$0xC70] =	vst v1;
	v1 =	vtrunc.f32 v5;
	v0 =	vcvt.f32.s32 v0  }
0x2c2: {  	v2 =	vtrunc.f32 v2;
	[tilespmem:s0+$0x70] =	vst v3;
	v1 =	vcvt.f32.s32 v1  }
0x2c3: {  	[tilespmem:s0+$0x870] =	vst v0;
	v0 =	vcvt.f32.s32 v2  }
0x2c4: {  	s25 =	sshll.u32 s23, $0xA;
	[tilespmem:s0+$0x470] =	vst v1  }
0x2c5: {  	s6 =	sadd.s32 s3, s25;
	[tilespmem:s0+$0xC70] =	vst v0;
	s0 =	sadd.s32 @!p2 $0x60, s23  }
0x2c6: {  	[hbm4b:s6+s5] =	stream.linear.scatter [tilespmem:s19], [sflag:$0x5], $0x2000, $0x38;
	[tilespmem:$0xC000] =	vst v63  }
0x2c7: {  	s1 =	sshrl.u32 @!p2 s0, $0x4  }
0x2c8: {  	s0 =	sshll.u32 @!p2 s0, $0xA;
	s6 =	sshll.u32 @!p2 s1, $0xE  }
0x2c9: {  	s1 =	sshll.u32 @!p2 s1, $0x11;
	s0 =	ssub.s32 @!p2 s0, s6  }
0x2ca: {  	s0 =	sadd.s32 @!p2 s1, s0  }
0x2cb: {  	s1 =	sshrl.u32 @!p2 s0, $0x3  }
0x2cc: {  	s7 =	simm.s32 @!p2 $0x2000;
	s6 =	simm.s32 @!p2 $0x0;
	s1 =	sadd.s32 @!p2 s2, s1  }
0x2cd: {  	[tilespmem:s7], [sflag:$0x2] =	stream.linear.gather @!p2 [hbm4b:s1+s6], $0x400, $0x38;
	[tilespmem:$0xC000] =	vst v63  }
0x2ce: {  	s1 =	sadd.s32 @!p2 $0x4000, s0  }
0x2cf: {  	s1 =	sshrl.u32 @!p2 s1, $0x3  }
0x2d0: {  	s7 =	simm.s32 @!p2 $0x2400;
	s1 =	sadd.s32 @!p2 s2, s1  }
0x2d1: {  	[tilespmem:s7], [sflag:$0x2] =	stream.linear.gather @!p2 [hbm4b:s1+s6], $0x400, $0x38;
	[tilespmem:$0xC000] =	vst v63  }
0x2d2: {  	s1 =	sadd.s32 @!p2 $0x8000, s0  }
0x2d3: {  	s1 =	sshrl.u32 @!p2 s1, $0x3  }
0x2d4: {  	s7 =	simm.s32 @!p2 $0x2800;
	s1 =	sadd.s32 @!p2 s2, s1  }
0x2d5: {  	[tilespmem:s7], [sflag:$0x2] =	stream.linear.gather @!p2 [hbm4b:s1+s6], $0x400, $0x38;
	[tilespmem:$0xC000] =	vst v63  }
0x2d6: {  	s1 =	sadd.s32 @!p2 $0xC000, s0  }
0x2d7: {  	s1 =	sshrl.u32 @!p2 s1, $0x3  }
0x2d8: {  	s7 =	simm.s32 @!p2 $0x2C00;
	s1 =	sadd.s32 @!p2 s2, s1  }
0x2d9: {  	[tilespmem:s7], [sflag:$0x2] =	stream.linear.gather @!p2 [hbm4b:s1+s6], $0x400, $0x38;
	[tilespmem:$0xC000] =	vst v63  }
0x2da: {  	s1 =	sadd.s32 @!p2 $0x10000, s0  }
0x2db: {  	s1 =	sshrl.u32 @!p2 s1, $0x3  }
0x2dc: {  	s7 =	simm.s32 @!p2 $0x3000;
	s1 =	sadd.s32 @!p2 s2, s1  }
0x2dd: {  	[tilespmem:s7], [sflag:$0x2] =	stream.linear.gather @!p2 [hbm4b:s1+s6], $0x400, $0x38;
	[tilespmem:$0xC000] =	vst v63  }
0x2de: {  	s1 =	sadd.s32 @!p2 $0x14000, s0  }
0x2df: {  	s1 =	sshrl.u32 @!p2 s1, $0x3  }
0x2e0: {  	s7 =	simm.s32 @!p2 $0x3400;
	s1 =	sadd.s32 @!p2 s2, s1  }
0x2e1: {  	[tilespmem:s7], [sflag:$0x2] =	stream.linear.gather @!p2 [hbm4b:s1+s6], $0x400, $0x38;
	[tilespmem:$0xC000] =	vst v63  }
0x2e2: {  	s1 =	sadd.s32 @!p2 $0x18000, s0  }
0x2e3: {  	s0 =	sadd.s32 @!p2 $0x1C000, s0;
	s1 =	sshrl.u32 @!p2 s1, $0x3  }
0x2e4: {  	s7 =	simm.s32 @!p2 $0x3800;
	s0 =	sshrl.u32 @!p2 s0, $0x3;
	s1 =	sadd.s32 @!p2 s2, s1  }
0x2e5: {  	[tilespmem:s7], [sflag:$0x2] =	stream.linear.gather @!p2 [hbm4b:s1+s6], $0x400, $0x38;
	[tilespmem:$0xC000] =	vst v63  }
0x2e6: {  	s0 =	sadd.s32 @!p2 s2, s0;
	s1 =	simm.s32 @!p2 $0x3C00  }
0x2e7: {  	[tilespmem:s1], [sflag:$0x2] =	stream.linear.gather @!p2 [hbm4b:s0+s6], $0x400, $0x38;
	[tilespmem:$0xC000] =	vst v63  }
0x2e8: {  	_ =	swait.ge [sflag:s20], $0x2000  }
0x2e9: {  	[sflag:s20] =	ssyncset.done $0x0  }
0x2ea: {  	s0 =	simm.s32 @!p1 $0x6;
	[sflag:s20] =	ssyncadd.s32 $0xFFFFE000  }
0x2eb: {  	_ =	swait.ge @!p1 [sflag:s0], $0x2000  }
0x2ec: {  	[sflag:s0] =	ssyncset.done @!p1 $0x0  }
0x2ed: {  	s7 =	simm.s32 $0x4100;
	[sflag:s0] =	ssyncadd.s32 @!p1 $0xFFFFE000  }
0x2ee: {  	v0 =	vld [tilespmem:s7+$0xFFFFFF00];
	_ =	sdelay $0x4  }
0x2ef: {  	v0 =	vmul.f32 $9.990000000e+02, v0;
	_ =	sdelay $0x1  }
0x2f0: {  	v1 =	vld [tilespmem:s7+$0xFFFFFF80];
	v0 =	vadd.f32 $1.258291200e+07, v0  }
0x2f1: {  	v2 =	vld [tilespmem:s7+$0x80]  }
0x2f2: {  	s22 =	simm.s32 $0x0;
	v0 =	vadd.f32 $-1.258291200e+07, v0  }
0x2f3: {  	s0 =	smul.u32 $0xFFFF8200, s22  }
0x2f4: {  	v0 =	vtrunc.f32 v0  }
0x2f5: {  	s0 =	sshra.s32 s0, $0x2;
	v1 =	vmul.f32 $9.990000000e+02, v1;
	v0 =	vcvt.f32.s32 v0  }
0x2f6: {  	s29 =	sadd.s32 $0xA000, s0;
	v2 =	vmul.f32 $9.990000000e+02, v2  }
0x2f7: {  	v1 =	vadd.f32 $1.258291200e+07, v1;
	[tilespmem:s29+$0x0] =	vst v0  }
0x2f8: {  	v2 =	vadd.f32 $1.258291200e+07, v2;
	v0 =	vld [tilespmem:s7+$0xFFFFFF10]  }
0x2f9: {  	v1 =	vadd.f32 $-1.258291200e+07, v1  }
0x2fa: {  	v2 =	vadd.f32 $-1.258291200e+07, v2  }
0x2fb: {  	v1 =	vtrunc.f32 v1  }
0x2fc: {  	v2 =	vtrunc.f32 v2;
	v1 =	vcvt.f32.s32 v1  }
0x2fd: {  	v2 =	vcvt.f32.s32 v2;
	v0 =	vmul.f32 $9.990000000e+02, v0  }
0x2fe: {  	v3 =	vld [tilespmem:s7+$0x0];
	[tilespmem:s29+$0x400] =	vst v1  }
0x2ff: {  	[tilespmem:s29+$0xC00] =	vst v2;
	v1 =	vld [tilespmem:s7+$0xFFFFFF90];
	v0 =	vadd.f32 $1.258291200e+07, v0  }
0x300: {  	v2 =	vld [tilespmem:s7+$0x90]  }
0x301: {  	v0 =	vadd.f32 $-1.258291200e+07, v0;
	_ =	sdelay $0x1  }
0x302: {  	v3 =	vmul.f32 $9.990000000e+02, v3;
	v0 =	vtrunc.f32 v0  }
0x303: {  	v1 =	vmul.f32 $9.990000000e+02, v1;
	v0 =	vcvt.f32.s32 v0  }
0x304: {  	v3 =	vadd.f32 $1.258291200e+07, v3;
	v2 =	vmul.f32 $9.990000000e+02, v2  }
0x305: {  	v1 =	vadd.f32 $1.258291200e+07, v1;
	[tilespmem:s29+$0x10] =	vst v0  }
0x306: {  	v3 =	vadd.f32 $-1.258291200e+07, v3;
	v2 =	vadd.f32 $1.258291200e+07, v2;
	v0 =	vld [tilespmem:s7+$0xFFFFFF20]  }
0x307: {  	v1 =	vadd.f32 $-1.258291200e+07, v1  }
0x308: {  	v3 =	vtrunc.f32 v3;
	v2 =	vadd.f32 $-1.258291200e+07, v2  }
0x309: {  	v3 =	vcvt.f32.s32 v3;
	v1 =	vtrunc.f32 v1  }
0x30a: {  	v2 =	vtrunc.f32 v2;
	v1 =	vcvt.f32.s32 v1  }
0x30b: {  	[tilespmem:s29+$0x800] =	vst v3;
	v2 =	vcvt.f32.s32 v2;
	v0 =	vmul.f32 $9.990000000e+02, v0  }
0x30c: {  	v3 =	vld [tilespmem:s7+$0x10];
	[tilespmem:s29+$0x410] =	vst v1  }
0x30d: {  	[tilespmem:s29+$0xC10] =	vst v2;
	v1 =	vld [tilespmem:s7+$0xFFFFFFA0];
	v0 =	vadd.f32 $1.258291200e+07, v0  }
0x30e: {  	v2 =	vld [tilespmem:s7+$0xA0]  }
0x30f: {  	v0 =	vadd.f32 $-1.258291200e+07, v0  }
0x310: {  	s31 =	simm.s32 $0x4300  }
0x311: {  	v4 =	vld [tilespmem:s31+$0xFFFFFF00];
	v3 =	vmul.f32 $9.990000000e+02, v3;
	v0 =	vtrunc.f32 v0  }
0x312: {  	v5 =	vld [tilespmem:s31+$0x0];
	v1 =	vmul.f32 $9.990000000e+02, v1;
	v0 =	vcvt.f32.s32 v0  }
0x313: {  	v2 =	vmul.f32 $9.990000000e+02, v2  }
0x314: {  	v3 =	vadd.f32 $1.258291200e+07, v3;
	v1 =	vadd.f32 $1.258291200e+07, v1;
	[tilespmem:s29+$0x20] =	vst v0  }
0x315: {  	v2 =	vadd.f32 $1.258291200e+07, v2;
	v0 =	vld [tilespmem:s7+$0xFFFFFF30]  }
0x316: {  	v3 =	vadd.f32 $-1.258291200e+07, v3;
	v1 =	vadd.f32 $-1.258291200e+07, v1  }
0x317: {  	v4 =	vmul.f32 $9.990000000e+02, v4;
	v5 =	vmul.f32 $9.990000000e+02, v5;
	v2 =	vadd.f32 $-1.258291200e+07, v2  }
0x318: {  	v3 =	vtrunc.f32 v3;
	v1 =	vtrunc.f32 v1  }
0x319: {  	v2 =	vtrunc.f32 v2;
	v1 =	vcvt.f32.s32 v1  }
0x31a: {  	v6 =	vld [tilespmem:s31+$0x80];
	v2 =	vcvt.f32.s32 v2;
	v0 =	vmul.f32 $9.990000000e+02, v0  }
0x31b: {  	v4 =	vadd.f32 $1.258291200e+07, v4;
	v3 =	vcvt.f32.s32 v3;
	[tilespmem:s29+$0x420] =	vst v1  }
0x31c: {  	v5 =	vadd.f32 $1.258291200e+07, v5;
	[tilespmem:s29+$0xC20] =	vst v2;
	v2 =	vld [tilespmem:s7+$0xFFFFFFB0];
	v0 =	vadd.f32 $1.258291200e+07, v0  }
0x31d: {  	v4 =	vadd.f32 $-1.258291200e+07, v4;
	[tilespmem:s29+$0x810] =	vst v3;
	v3 =	vld [tilespmem:s31+$0xFFFFFF80]  }
0x31e: {  	v5 =	vadd.f32 $-1.258291200e+07, v5;
	v0 =	vadd.f32 $-1.258291200e+07, v0  }
0x31f: {  	s24 =	simm.s32 $0x0;
	v4 =	vtrunc.f32 v4;
	v7 =	vld [tilespmem:s7+$0x20];
	v1 =	vmul.f32 $9.990000000e+02, v6  }
0x320: {  	s0 =	smul.u32 $0xFFFF8200, s24;
	v5 =	vtrunc.f32 v5;
	v0 =	vtrunc.f32 v0  }
0x321: {  	v6 =	vld [tilespmem:s7+$0xB0];
	v1 =	vadd.f32 $1.258291200e+07, v1;
	v2 =	vmul.f32 $9.990000000e+02, v2;
	v0 =	vcvt.f32.s32 v0  }
0x322: {  	s0 =	sshra.s32 s0, $0x2;
	v4 =	vcvt.f32.s32 v4;
	v3 =	vmul.f32 $9.990000000e+02, v3  }
0x323: {  	s30 =	sadd.s32 $0xB000, s0;
	v2 =	vadd.f32 $1.258291200e+07, v2;
	[tilespmem:s29+$0x30] =	vst v0;
	v0 =	vadd.f32 $-1.258291200e+07, v1;
	v1 =	vcvt.f32.s32 v5  }
0x324: {  	[tilespmem:s30+$0x0] =	vst v4;
	v5 =	vmul.f32 $9.990000000e+02, v7;
	v7 =	vld [tilespmem:s7+$0xFFFFFF40]  }
0x325: {  	v3 =	vadd.f32 $1.258291200e+07, v3;
	v2 =	vadd.f32 $-1.258291200e+07, v2;
	v0 =	vtrunc.f32 v0;
	[tilespmem:s30+$0x800] =	vst v1;
	v1 =	vld [tilespmem:s31+$0xFFFFFF10]  }
0x326: {  	v4 =	vadd.f32 $1.258291200e+07, v5;
	v5 =	vmul.f32 $9.990000000e+02, v6;
	v0 =	vcvt.f32.s32 v0;
	v6 =	vld [tilespmem:s31+$0x10]  }
0x327: {  	v3 =	vadd.f32 $-1.258291200e+07, v3  }
0x328: {  	v2 =	vtrunc.f32 v2;
	v5 =	vadd.f32 $1.258291200e+07, v5;
	[tilespmem:s30+$0xC00] =	vst v0  }
0x329: {  	v4 =	vadd.f32 $-1.258291200e+07, v4;
	v0 =	vtrunc.f32 v3;
	v3 =	vmul.f32 $9.990000000e+02, v7;
	v7 =	vld [tilespmem:s31+$0x90]  }
0x32a: {  	v0 =	vcvt.f32.s32 v0;
	v5 =	vadd.f32 $-1.258291200e+07, v5;
	v1 =	vmul.f32 $9.990000000e+02, v1  }
0x32b: {  	v2 =	vcvt.f32.s32 v2;
	v3 =	vadd.f32 $1.258291200e+07, v3;
	v6 =	vmul.f32 $9.990000000e+02, v6  }
0x32c: {  	v4 =	vtrunc.f32 v4;
	[tilespmem:s30+$0x400] =	vst v0;
	v0 =	vtrunc.f32 v5;
	v1 =	vadd.f32 $1.258291200e+07, v1  }
0x32d: {  	v0 =	vcvt.f32.s32 v0;
	v3 =	vadd.f32 $-1.258291200e+07, v3;
	v5 =	vadd.f32 $1.258291200e+07, v6;
	v6 =	vld [tilespmem:s31+$0xFFFFFF90]  }
0x32e: {  	[tilespmem:s29+$0x430] =	vst v2;
	v4 =	vcvt.f32.s32 v4;
	v7 =	vmul.f32 $9.990000000e+02, v7;
	v1 =	vadd.f32 $-1.258291200e+07, v1  }
0x32f: {  	[tilespmem:s29+$0xC30] =	vst v0;
	v2 =	vtrunc.f32 v3;
	v3 =	vadd.f32 $-1.258291200e+07, v5;
	v5 =	vld [tilespmem:s7+$0xFFFFFFC0]  }
0x330: {  	[tilespmem:s29+$0x820] =	vst v4;
	v4 =	vld [tilespmem:s7+$0xC0];
	v0 =	vcvt.f32.s32 v2;
	v2 =	vadd.f32 $1.258291200e+07, v7;
	v1 =	vtrunc.f32 v1  }
0x331: {  	v3 =	vtrunc.f32 v3;
	v1 =	vcvt.f32.s32 v1  }
0x332: {  	[tilespmem:s29+$0x40] =	vst v0;
	v0 =	vcvt.f32.s32 v3;
	v2 =	vadd.f32 $-1.258291200e+07, v2;
	v3 =	vmul.f32 $9.990000000e+02, v6  }
0x333: {  	v7 =	vld [tilespmem:s7+$0x30];
	[tilespmem:s30+$0x10] =	vst v1  }
0x334: {  	v6 =	vld [tilespmem:s7+$0xFFFFFF50];
	[tilespmem:s30+$0x810] =	vst v0;
	v0 =	vtrunc.f32 v2;
	v2 =	vadd.f32 $1.258291200e+07, v3  }
0x335: {  	v1 =	vld [tilespmem:s31+$0xFFFFFF20];
	v3 =	vmul.f32 $9.990000000e+02, v5;
	v4 =	vmul.f32 $9.990000000e+02, v4  }
0x336: {  	v5 =	vld [tilespmem:s31+$0x20];
	v0 =	vcvt.f32.s32 v0;
	v2 =	vadd.f32 $-1.258291200e+07, v2  }
0x337: {  	v3 =	vadd.f32 $1.258291200e+07, v3;
	v4 =	vadd.f32 $1.258291200e+07, v4  }
0x338: {  	[tilespmem:s30+$0xC10] =	vst v0;
	v0 =	vmul.f32 $9.990000000e+02, v7;
	v2 =	vtrunc.f32 v2  }
0x339: {  	v7 =	vld [tilespmem:s31+$0xA0];
	v3 =	vadd.f32 $-1.258291200e+07, v3;
	v6 =	vmul.f32 $9.990000000e+02, v6;
	v4 =	vadd.f32 $-1.258291200e+07, v4  }
0x33a: {  	v1 =	vmul.f32 $9.990000000e+02, v1;
	v2 =	vcvt.f32.s32 v2;
	v0 =	vadd.f32 $1.258291200e+07, v0  }
0x33b: {  	v5 =	vmul.f32 $9.990000000e+02, v5;
	v3 =	vtrunc.f32 v3;
	v6 =	vadd.f32 $1.258291200e+07, v6  }
0x33c: {  	s1 =	simm.s32 $0x4500;
	v4 =	vtrunc.f32 v4;
	v1 =	vadd.f32 $1.258291200e+07, v1;
	v0 =	vadd.f32 $-1.258291200e+07, v0  }
0x33d: {  	v10 =	vld [tilespmem:s1+$0x0];
	v3 =	vcvt.f32.s32 v3;
	v5 =	vadd.f32 $1.258291200e+07, v5;
	v6 =	vadd.f32 $-1.258291200e+07, v6  }
0x33e: {  	v11 =	vld [tilespmem:s1+$0xFFFFFF00];
	[tilespmem:s30+$0x410] =	vst v2;
	v2 =	vcvt.f32.s32 v4;
	v4 =	vmul.f32 $9.990000000e+02, v7;
	v1 =	vadd.f32 $-1.258291200e+07, v1  }
0x33f: {  	v7 =	vld [tilespmem:s31+$0xFFFFFFA0];
	[tilespmem:s29+$0x440] =	vst v3;
	v0 =	vtrunc.f32 v0;
	v5 =	vadd.f32 $-1.258291200e+07, v5;
	v3 =	vtrunc.f32 v6  }
0x340: {  	[tilespmem:s29+$0xC40] =	vst v2;
	v6 =	vld [tilespmem:s7+$0xFFFFFFD0];
	v0 =	vcvt.f32.s32 v0;
	v1 =	vtrunc.f32 v1  }
0x341: {  	v2 =	vadd.f32 $1.258291200e+07, v4;
	v4 =	vld [tilespmem:s7+$0xD0];
	v5 =	vtrunc.f32 v5;
	v1 =	vcvt.f32.s32 v1  }
0x342: {  	[tilespmem:s29+$0x830] =	vst v0;
	v5 =	vcvt.f32.s32 v5  }
0x343: {  	v10 =	vmul.f32 $9.990000000e+02, v10;
	v11 =	vmul.f32 $9.990000000e+02, v11;
	v2 =	vadd.f32 $-1.258291200e+07, v2;
	v8 =	vld [tilespmem:s7+$0x40];
	[tilespmem:s30+$0x20] =	vst v1  }
0x344: {  	v1 =	vcvt.f32.s32 v3;
	v3 =	vmul.f32 $9.990000000e+02, v7;
	[tilespmem:s30+$0x820] =	vst v5;
	v5 =	vld [tilespmem:s31+$0xFFFFFF30]  }
0x345: {  	v10 =	vadd.f32 $1.258291200e+07, v10;
	v2 =	vtrunc.f32 v2;
	v0 =	vmul.f32 $9.990000000e+02, v6;
	v7 =	vld [tilespmem:s31+$0x30]  }
0x346: {  	[tilespmem:s29+$0x50] =	vst v1;
	v1 =	vmul.f32 $9.990000000e+02, v4;
	v3 =	vadd.f32 $1.258291200e+07, v3;
	v2 =	vcvt.f32.s32 v2  }
0x347: {  	v11 =	vadd.f32 $1.258291200e+07, v11;
	v4 =	vld [tilespmem:s7+$0xFFFFFF60];
	v9 =	vadd.f32 $1.258291200e+07, v0  }
0x348: {  	v1 =	vadd.f32 $1.258291200e+07, v1;
	v3 =	vadd.f32 $-1.258291200e+07, v3;
	[tilespmem:s30+$0xC20] =	vst v2;
	v2 =	vld [tilespmem:s1+$0xFFFFFF80]  }
0x349: {  	v8 =	vmul.f32 $9.990000000e+02, v8;
	v9 =	vadd.f32 $-1.258291200e+07, v9;
	v5 =	vmul.f32 $9.990000000e+02, v5  }
0x34a: {  	v6 =	vld [tilespmem:s31+$0xB0];
	v3 =	vtrunc.f32 v3;
	v1 =	vadd.f32 $-1.258291200e+07, v1;
	v0 =	vmul.f32 $9.990000000e+02, v7  }
0x34b: {  	v8 =	vadd.f32 $1.258291200e+07, v8;
	v3 =	vcvt.f32.s32 v3;
	v7 =	vld [tilespmem:s1+$0x80];
	v9 =	vtrunc.f32 v9  }
0x34c: {  	v5 =	vadd.f32 $1.258291200e+07, v5;
	v1 =	vtrunc.f32 v1;
	v4 =	vmul.f32 $9.990000000e+02, v4  }
0x34d: {  	v8 =	vadd.f32 $-1.258291200e+07, v8;
	v9 =	vcvt.f32.s32 v9;
	[tilespmem:s30+$0x420] =	vst v3;
	v2 =	vmul.f32 $9.990000000e+02, v2  }
0x34e: {  	v1 =	vcvt.f32.s32 v1;
	v0 =	vadd.f32 $1.258291200e+07, v0;
	v3 =	vadd.f32 $-1.258291200e+07, v5;
	v5 =	vld [tilespmem:s31+$0xFFFFFFB0]  }
0x34f: {  	v6 =	vmul.f32 $9.990000000e+02, v6;
	v8 =	vtrunc.f32 v8;
	v2 =	vadd.f32 $1.258291200e+07, v2  }
0x350: {  	v4 =	vadd.f32 $1.258291200e+07, v4;
	v3 =	vtrunc.f32 v3;
	v7 =	vmul.f32 $9.990000000e+02, v7  }
0x351: {  	s25 =	simm.s32 $0x1;
	[tilespmem:s29+$0xC50] =	vst v1;
	v1 =	vadd.f32 $-1.258291200e+07, v11;
	v3 =	vcvt.f32.s32 v3;
	v2 =	vadd.f32 $-1.258291200e+07, v2  }
0x352: {  	s0 =	smul.u32 $0xFFFF8200, s25;
	v8 =	vcvt.f32.s32 v8;
	v0 =	vadd.f32 $-1.258291200e+07, v0;
	v7 =	vadd.f32 $1.258291200e+07, v7  }
0x353: {  	v2 =	vtrunc.f32 v2;
	v5 =	vmul.f32 $9.990000000e+02, v5;
	[tilespmem:s30+$0x30] =	vst v3;
	v3 =	vadd.f32 $-1.258291200e+07, v10  }
0x354: {  	s0 =	sshra.s32 s0, $0x2;
	v11 =	vld [tilespmem:s7+$0xE0];
	v6 =	vadd.f32 $1.258291200e+07, v6;
	v1 =	vtrunc.f32 v1;
	v2 =	vcvt.f32.s32 v2  }
0x355: {  	s0 =	sadd.s32 $0xC000, s0;
	[tilespmem:s29+$0x840] =	vst v8;
	v7 =	vadd.f32 $-1.258291200e+07, v7;
	v10 =	vld [tilespmem:s31+$0xFFFFFF40];
	v5 =	vadd.f32 $1.258291200e+07, v5;
	v3 =	vtrunc.f32 v3  }
0x356: {  	v0 =	vtrunc.f32 v0;
	v6 =	vadd.f32 $-1.258291200e+07, v6;
	[tilespmem:s0+$0x400] =	vst v2;
	v2 =	vcvt.f32.s32 v3  }
0x357: {  	v1 =	vcvt.f32.s32 v1;
	v7 =	vtrunc.f32 v7;
	v3 =	vadd.f32 $-1.258291200e+07, v5;
	v5 =	vld [tilespmem:s7+$0x50]  }
0x358: {  	v6 =	vtrunc.f32 v6;
	v8 =	vld [tilespmem:s1+$0xFFFFFF90];
	v7 =	vcvt.f32.s32 v7;
	[tilespmem:s0+$0x800] =	vst v2  }
0x359: {  	v4 =	vadd.f32 $-1.258291200e+07, v4;
	[tilespmem:s0+$0x0] =	vst v1;
	v6 =	vcvt.f32.s32 v6;
	v3 =	vtrunc.f32 v3;
	v1 =	vld [tilespmem:s1+$0x10]  }
0x35a: {  	v2 =	vmul.f32 $9.990000000e+02, v10;
	v10 =	vld [tilespmem:s1+$0xFFFFFF10];
	[tilespmem:s0+$0xC00] =	vst v7;
	v7 =	vmul.f32 $9.990000000e+02, v11  }
0x35b: {  	v4 =	vtrunc.f32 v4;
	[tilespmem:s30+$0xC30] =	vst v6;
	v3 =	vcvt.f32.s32 v3  }
0x35c: {  	v0 =	vcvt.f32.s32 v0;
	v2 =	vadd.f32 $1.258291200e+07, v2;
	v6 =	vadd.f32 $1.258291200e+07, v7;
	v7 =	vld [tilespmem:s31+$0xC0]  }
0x35d: {  	v5 =	vmul.f32 $9.990000000e+02, v5;
	[tilespmem:s30+$0x430] =	vst v3;
	v3 =	vmul.f32 $9.990000000e+02, v8;
	v8 =	vld [tilespmem:s1+$0x90]  }
0x35e: {  	v4 =	vcvt.f32.s32 v4;
	v11 =	vld [tilespmem:s31+$0xFFFFFFC0];
	v2 =	vadd.f32 $-1.258291200e+07, v2;
	v1 =	vmul.f32 $9.990000000e+02, v1  }
0x35f: {  	v6 =	vadd.f32 $-1.258291200e+07, v6;
	v5 =	vadd.f32 $1.258291200e+07, v5;
	v10 =	vmul.f32 $9.990000000e+02, v10  }
0x360: {  	v3 =	vadd.f32 $1.258291200e+07, v3;
	v2 =	vtrunc.f32 v2;
	v1 =	vadd.f32 $1.258291200e+07, v1  }
0x361: {  	v5 =	vadd.f32 $-1.258291200e+07, v5;
	v2 =	vcvt.f32.s32 v2;
	v10 =	vadd.f32 $1.258291200e+07, v10  }
0x362: {  	[tilespmem:s29+$0x450] =	vst v9;
	v7 =	vmul.f32 $9.990000000e+02, v7;
	v8 =	vmul.f32 $9.990000000e+02, v8;
	v1 =	vadd.f32 $-1.258291200e+07, v1  }
0x363: {  	v11 =	vmul.f32 $9.990000000e+02, v11;
	v5 =	vtrunc.f32 v5;
	[tilespmem:s30+$0x40] =	vst v2;
	v2 =	vadd.f32 $-1.258291200e+07, v10;
	v10 =	vld [tilespmem:s7+$0xFFFFFFE0]  }
0x364: {  	v8 =	vadd.f32 $1.258291200e+07, v8;
	v9 =	vld [tilespmem:s31+$0xFFFFFF50];
	v5 =	vcvt.f32.s32 v5;
	v1 =	vtrunc.f32 v1  }
0x365: {  	[tilespmem:s29+$0x60] =	vst v4;
	v3 =	vadd.f32 $-1.258291200e+07, v3;
	v2 =	vtrunc.f32 v2;
	v1 =	vcvt.f32.s32 v1  }
0x366: {  	v4 =	vadd.f32 $1.258291200e+07, v7;
	v8 =	vadd.f32 $-1.258291200e+07, v8;
	[tilespmem:s29+$0x850] =	vst v5;
	v2 =	vcvt.f32.s32 v2  }
0x367: {  	v6 =	vtrunc.f32 v6;
	v3 =	vtrunc.f32 v3;
	v11 =	vadd.f32 $1.258291200e+07, v11;
	v5 =	vld [tilespmem:s7+$0x60];
	[tilespmem:s0+$0x810] =	vst v1  }
0x368: {  	v4 =	vadd.f32 $-1.258291200e+07, v4;
	v1 =	vtrunc.f32 v8;
	[tilespmem:s0+$0x10] =	vst v2;
	v10 =	vmul.f32 $9.990000000e+02, v10;
	v2 =	vld [tilespmem:s1+$0x20]  }
0x369: {  	v11 =	vadd.f32 $-1.258291200e+07, v11;
	v1 =	vcvt.f32.s32 v1;
	v8 =	vmul.f32 $9.990000000e+02, v9;
	v9 =	vld [tilespmem:s1+$0xFFFFFF20]  }
0x36a: {  	v6 =	vcvt.f32.s32 v6;
	v7 =	vld [tilespmem:s7+$0xFFFFFF70];
	v3 =	vcvt.f32.s32 v3  }
0x36b: {  	v4 =	vtrunc.f32 v4;
	v11 =	vtrunc.f32 v11;
	v10 =	vadd.f32 $1.258291200e+07, v10;
	[tilespmem:s0+$0xC10] =	vst v1  }
0x36c: {  	[tilespmem:s0+$0x410] =	vst v3;
	v1 =	vadd.f32 $1.258291200e+07, v8;
	v8 =	vcvt.f32.s32 v11;
	v3 =	vld [tilespmem:s1+$0xA0];
	v5 =	vmul.f32 $9.990000000e+02, v5  }
0x36d: {  	v4 =	vcvt.f32.s32 v4;
	v11 =	vld [tilespmem:s1+$0xFFFFFFA0];
	v2 =	vmul.f32 $9.990000000e+02, v2  }
0x36e: {  	v10 =	vadd.f32 $-1.258291200e+07, v10;
	[tilespmem:s30+$0x440] =	vst v8;
	v5 =	vadd.f32 $1.258291200e+07, v5;
	v8 =	vmul.f32 $9.990000000e+02, v9  }
0x36f: {  	v7 =	vmul.f32 $9.990000000e+02, v7;
	v1 =	vadd.f32 $-1.258291200e+07, v1;
	v2 =	vadd.f32 $1.258291200e+07, v2  }
0x370: {  	[tilespmem:s30+$0xC40] =	vst v4;
	v9 =	vld [tilespmem:s31+$0xFFFFFFD0];
	v4 =	vtrunc.f32 v10;
	v5 =	vadd.f32 $-1.258291200e+07, v5;
	v8 =	vadd.f32 $1.258291200e+07, v8  }
0x371: {  	[tilespmem:s29+$0xC60] =	vst v6;
	v10 =	vld [tilespmem:s31+$0xD0];
	v4 =	vcvt.f32.s32 v4;
	v3 =	vmul.f32 $9.990000000e+02, v3;
	v2 =	vadd.f32 $-1.258291200e+07, v2  }
0x372: {  	v6 =	vmul.f32 $9.990000000e+02, v11;
	v11 =	vld [tilespmem:s7+$0xF0];
	v8 =	vadd.f32 $-1.258291200e+07, v8;
	v5 =	vtrunc.f32 v5  }
0x373: {  	[tilespmem:s29+$0x460] =	vst v4;
	v3 =	vadd.f32 $1.258291200e+07, v3;
	v5 =	vcvt.f32.s32 v5;
	v2 =	vtrunc.f32 v2  }
0x374: {  	v12 =	vld [tilespmem:s7+$0xFFFFFFF0];
	v8 =	vtrunc.f32 v8;
	v2 =	vcvt.f32.s32 v2  }
0x375: {  	v1 =	vtrunc.f32 v1;
	v3 =	vadd.f32 $-1.258291200e+07, v3;
	v4 =	vcvt.f32.s32 v8;
	[tilespmem:s29+$0x860] =	vst v5  }
0x376: {  	v8 =	vmul.f32 $9.990000000e+02, v10;
	v5 =	vadd.f32 $1.258291200e+07, v6;
	[tilespmem:s0+$0x820] =	vst v2;
	v2 =	vmul.f32 $9.990000000e+02, v9;
	v9 =	vld [tilespmem:s7+$0x70]  }
0x377: {  	v7 =	vadd.f32 $1.258291200e+07, v7;
	v1 =	vcvt.f32.s32 v1;
	v10 =	vmul.f32 $9.990000000e+02, v11;
	[tilespmem:s0+$0x20] =	vst v4;
	v11 =	vld [tilespmem:s1+$0x30]  }
0x378: {  	v4 =	vadd.f32 $1.258291200e+07, v8;
	v5 =	vadd.f32 $-1.258291200e+07, v5;
	v3 =	vtrunc.f32 v3;
	v13 =	vld [tilespmem:s1+$0xFFFFFF30]  }
0x379: {  	[tilespmem:s30+$0x830] =	vst v0;
	v12 =	vmul.f32 $9.990000000e+02, v12;
	v6 =	vadd.f32 $1.258291200e+07, v2;
	v2 =	vadd.f32 $1.258291200e+07, v10  }
0x37a: {  	[tilespmem:s30+$0x50] =	vst v1;
	v8 =	vld [tilespmem:s31+$0x40];
	v3 =	vcvt.f32.s32 v3;
	v10 =	vtrunc.f32 v5;
	v1 =	vadd.f32 $-1.258291200e+07, v4  }
0x37b: {  	v5 =	vld [tilespmem:s31+$0xFFFFFF60];
	v4 =	vadd.f32 $-1.258291200e+07, v7;
	v15 =	vadd.f32 $-1.258291200e+07, v2;
	v14 =	vmul.f32 $9.990000000e+02, v9  }
0x37c: {  	s28 =	sadd.s32 s16, s28;
	s23 =	simm.s32 $0x8;
	[tilespmem:s0+$0xC20] =	vst v3;
	v7 =	vtrunc.f32 v1;
	v2 =	vadd.f32 $1.258291200e+07, v12;
	v0 =	vmul.f32 $9.990000000e+02, v11  }
0x37d: {  	s6 =	simm.s32 $0x4700;
	s22 =	simm.s32 $0x8;
	s24 =	simm.s32 $0xC000;
	v9 =	vld [tilespmem:s1+$0xB0];
	v11 =	vmul.f32 $9.990000000e+02, v13;
	v1 =	vtrunc.f32 v15;
	v3 =	vadd.f32 $1.258291200e+07, v14  }
.LBB2_7:
0x37e: {  	v12 =	vld [tilespmem:s6+$0xFFFFFF80];
	s23 =	sadd.s32 $0x4, s23;
	v10 =	vcvt.f32.s32 v10;
	v6 =	vadd.f32 $-1.258291200e+07, v6;
	v4 =	vtrunc.f32 v4  }
0x37f: {  	v7 =	vcvt.f32.s32 v7;
	v13 =	vld [tilespmem:s6+$0x0];
	p1 =	slt.u32 s23, $0x3C;
	v11 =	vadd.f32 $1.258291200e+07, v11;
	v3 =	vadd.f32 $-1.258291200e+07, v3  }
0x380: {  	v2 =	vadd.f32 $-1.258291200e+07, v2;
	v5 =	vmul.f32 $9.990000000e+02, v5;
	v14 =	vld [tilespmem:s6+$0x80];
	[tilespmem:s0+$0x420] =	vst v10;
	v8 =	vmul.f32 $9.990000000e+02, v8  }
0x381: {  	v4 =	vcvt.f32.s32 v4;
	v10 =	vld [tilespmem:s6+$0xFFFFFF00];
	v11 =	vadd.f32 $-1.258291200e+07, v11;
	[tilespmem:s30+$0xC50] =	vst v7;
	v3 =	vtrunc.f32 v3  }
0x382: {  	v2 =	vtrunc.f32 v2;
	v7 =	vld [tilespmem:s1+$0xFFFFFFB0];
	v8 =	vadd.f32 $1.258291200e+07, v8;
	v3 =	vcvt.f32.s32 v3  }
0x383: {  	v5 =	vadd.f32 $1.258291200e+07, v5;
	v2 =	vcvt.f32.s32 v2;
	v12 =	vmul.f32 $9.990000000e+02, v12;
	v15 =	vld [tilespmem:s31+$0xE0];
	[tilespmem:s29+$0x70] =	vst v4  }
0x384: {  	v9 =	vmul.f32 $9.990000000e+02, v9;
	v4 =	vtrunc.f32 v11;
	v8 =	vadd.f32 $-1.258291200e+07, v8;
	[tilespmem:s29+$0x870] =	vst v3  }
0x385: {  	v4 =	vcvt.f32.s32 v4;
	v3 =	vadd.f32 $1.258291200e+07, v12;
	v11 =	vmul.f32 $9.990000000e+02, v14;
	[tilespmem:s29+$0x470] =	vst v2  }
0x386: {  	v5 =	vadd.f32 $-1.258291200e+07, v5;
	v9 =	vadd.f32 $1.258291200e+07, v9;
	v2 =	vmul.f32 $9.990000000e+02, v13  }
0x387: {  	s22 =	sadd.s32 $0x4, s22;
	v1 =	vcvt.f32.s32 v1;
	v10 =	vmul.f32 $9.990000000e+02, v10;
	v3 =	vadd.f32 $-1.258291200e+07, v3;
	[tilespmem:s0+$0x30] =	vst v4  }
0x388: {  	s7 =	sshrl.u32 s22, $0x3;
	v8 =	vtrunc.f32 v8;
	v2 =	vadd.f32 $1.258291200e+07, v2;
	v4 =	vadd.f32 $1.258291200e+07, v11  }
0x389: {  	s7 =	smul.u32 $0xFFFF8200, s7;
	v7 =	vmul.f32 $9.990000000e+02, v7;
	v10 =	vadd.f32 $1.258291200e+07, v10;
	v3 =	vtrunc.f32 v3;
	[tilespmem:s29+$0xC70] =	vst v1;
	s29 =	smov.u32 s30;
	s30 =	smov.u32 s0  }
0x38a: {  	v1 =	vadd.f32 $-1.258291200e+07, v2;
	v2 =	vadd.f32 $-1.258291200e+07, v4;
	v4 =	vcvt.f32.s32 v8  }
0x38b: {  	s24 =	sadd.s32 $0x1000, s24;
	s0 =	sshra.s32 s7, $0x2;
	v7 =	vadd.f32 $1.258291200e+07, v7;
	v8 =	vadd.f32 $-1.258291200e+07, v10;
	v3 =	vcvt.f32.s32 v3;
	v10 =	vld [tilespmem:s1+$0xFFFFFF40]  }
0x38c: {  	v9 =	vadd.f32 $-1.258291200e+07, v9;
	s0 =	sadd.s32 s0, s24;
	v1 =	vtrunc.f32 v1;
	v2 =	vtrunc.f32 v2;
	[tilespmem:s29+$0x840] =	vst v4  }
0x38d: {  	v4 =	vtrunc.f32 v8;
	v1 =	vcvt.f32.s32 v1;
	[tilespmem:s0+$0x400] =	vst v3;
	v3 =	vadd.f32 $-1.258291200e+07, v7;
	v7 =	vld [tilespmem:s31+$0x50]  }
0x38e: {  	v6 =	vtrunc.f32 v6;
	v4 =	vcvt.f32.s32 v4;
	v8 =	vld [tilespmem:s6+$0xFFFFFF90]  }
0x38f: {  	v2 =	vcvt.f32.s32 v2;
	v3 =	vtrunc.f32 v3  }
0x390: {  	[tilespmem:s0+$0x800] =	vst v1;
	v1 =	vmul.f32 $9.990000000e+02, v10;
	v3 =	vcvt.f32.s32 v3  }
0x391: {  	v6 =	vcvt.f32.s32 v6;
	v9 =	vtrunc.f32 v9;
	[tilespmem:s0+$0x0] =	vst v4;
	v4 =	vld [tilespmem:s6+$0x10]  }
0x392: {  	v10 =	vld [tilespmem:s6+$0xFFFFFF10];
	v1 =	vadd.f32 $1.258291200e+07, v1;
	[tilespmem:s30+$0x430] =	vst v3;
	v3 =	vcvt.f32.s32 v9;
	v7 =	vmul.f32 $9.990000000e+02, v7  }
0x393: {  	v9 =	vmul.f32 $9.990000000e+02, v15;
	v8 =	vmul.f32 $9.990000000e+02, v8;
	[tilespmem:s0+$0xC00] =	vst v2;
	v2 =	vld [tilespmem:s1+$0xFFFFFFC0]  }
0x394: {  	v5 =	vtrunc.f32 v5;
	v11 =	vld [tilespmem:s6+$0x90];
	v1 =	vadd.f32 $-1.258291200e+07, v1;
	[tilespmem:s29+$0x450] =	vst v6;
	v6 =	vadd.f32 $1.258291200e+07, v7  }
0x395: {  	v7 =	vadd.f32 $1.258291200e+07, v8;
	[tilespmem:s30+$0xC30] =	vst v3;
	v3 =	vcvt.f32.s32 v5;
	v5 =	vld [tilespmem:s31+$0xFFFFFFE0];
	v8 =	vadd.f32 $1.258291200e+07, v9  }
0x396: {  	v4 =	vmul.f32 $9.990000000e+02, v4;
	v9 =	vld [tilespmem:s1+$0xC0];
	v6 =	vadd.f32 $-1.258291200e+07, v6  }
0x397: {  	v1 =	vtrunc.f32 v1;
	v10 =	vmul.f32 $9.990000000e+02, v10;
	v7 =	vadd.f32 $-1.258291200e+07, v7;
	[tilespmem:s29+$0x60] =	vst v3  }
0x398: {  	v1 =	vcvt.f32.s32 v1;
	v3 =	vadd.f32 $1.258291200e+07, v4;
	v2 =	vmul.f32 $9.990000000e+02, v2;
	v4 =	vld [tilespmem:s31+$0xFFFFFF70]  }
0x399: {  	v6 =	vtrunc.f32 v6;
	v10 =	vadd.f32 $1.258291200e+07, v10;
	v11 =	vmul.f32 $9.990000000e+02, v11  }
0x39a: {  	v7 =	vtrunc.f32 v7;
	v3 =	vadd.f32 $-1.258291200e+07, v3;
	[tilespmem:s30+$0x40] =	vst v1;
	v1 =	vadd.f32 $1.258291200e+07, v2  }
0x39b: {  	v6 =	vcvt.f32.s32 v6;
	v2 =	vadd.f32 $-1.258291200e+07, v10;
	v10 =	vadd.f32 $1.258291200e+07, v11;
	v11 =	vld [tilespmem:s1+$0xFFFFFF50]  }
0x39c: {  	v9 =	vmul.f32 $9.990000000e+02, v9;
	v3 =	vtrunc.f32 v3;
	v1 =	vadd.f32 $-1.258291200e+07, v1  }
0x39d: {  	v2 =	vtrunc.f32 v2;
	v3 =	vcvt.f32.s32 v3;
	v10 =	vadd.f32 $-1.258291200e+07, v10;
	[tilespmem:s29+$0x850] =	vst v6  }
0x39e: {  	v8 =	vadd.f32 $-1.258291200e+07, v8;
	v6 =	vadd.f32 $1.258291200e+07, v9;
	v2 =	vcvt.f32.s32 v2;
	v9 =	vld [tilespmem:s31+$0x60]  }
0x39f: {  	v7 =	vcvt.f32.s32 v7;
	[tilespmem:s0+$0x810] =	vst v3;
	v3 =	vtrunc.f32 v10  }
0x3a0: {  	v6 =	vadd.f32 $-1.258291200e+07, v6;
	[tilespmem:s0+$0x10] =	vst v2;
	v2 =	vld [tilespmem:s6+$0x20];
	v3 =	vcvt.f32.s32 v3;
	v10 =	vmul.f32 $9.990000000e+02, v11  }
0x3a1: {  	v5 =	vmul.f32 $9.990000000e+02, v5;
	v1 =	vtrunc.f32 v1;
	v11 =	vld [tilespmem:s6+$0xFFFFFF20];
	[tilespmem:s0+$0x410] =	vst v7  }
0x3a2: {  	v1 =	vcvt.f32.s32 v1;
	v6 =	vtrunc.f32 v6;
	[tilespmem:s0+$0xC10] =	vst v3;
	v3 =	vadd.f32 $1.258291200e+07, v10  }
0x3a3: {  	v5 =	vadd.f32 $1.258291200e+07, v5;
	v6 =	vcvt.f32.s32 v6;
	v7 =	vld [tilespmem:s6+$0xA0];
	v9 =	vmul.f32 $9.990000000e+02, v9  }
0x3a4: {  	v10 =	vld [tilespmem:s6+$0xFFFFFFA0];
	v3 =	vadd.f32 $-1.258291200e+07, v3;
	[tilespmem:s30+$0x440] =	vst v1;
	v1 =	vmul.f32 $9.990000000e+02, v4;
	v4 =	vtrunc.f32 v8  }
0x3a5: {  	v5 =	vadd.f32 $-1.258291200e+07, v5;
	v2 =	vmul.f32 $9.990000000e+02, v2;
	v8 =	vld [tilespmem:s1+$0xFFFFFFD0];
	[tilespmem:s30+$0xC40] =	vst v6;
	v6 =	vadd.f32 $1.258291200e+07, v9  }
0x3a6: {  	v4 =	vcvt.f32.s32 v4;
	v9 =	vmul.f32 $9.990000000e+02, v11;
	v11 =	vld [tilespmem:s1+$0xD0];
	v1 =	vadd.f32 $1.258291200e+07, v1  }
0x3a7: {  	v5 =	vtrunc.f32 v5;
	v2 =	vadd.f32 $1.258291200e+07, v2;
	v6 =	vadd.f32 $-1.258291200e+07, v6  }
0x3a8: {  	v3 =	vtrunc.f32 v3;
	v9 =	vadd.f32 $1.258291200e+07, v9;
	v7 =	vmul.f32 $9.990000000e+02, v7;
	[tilespmem:s29+$0xC60] =	vst v4  }
0x3a9: {  	v5 =	vcvt.f32.s32 v5;
	v4 =	vmul.f32 $9.990000000e+02, v10;
	v2 =	vadd.f32 $-1.258291200e+07, v2;
	v10 =	vld [tilespmem:s31+$0xF0]  }
0x3aa: {  	v6 =	vtrunc.f32 v6;
	v9 =	vadd.f32 $-1.258291200e+07, v9;
	v7 =	vadd.f32 $1.258291200e+07, v7  }
0x3ab: {  	v0 =	vadd.f32 $1.258291200e+07, v0;
	v6 =	vcvt.f32.s32 v6;
	v2 =	vtrunc.f32 v2  }
0x3ac: {  	v9 =	vtrunc.f32 v9;
	v2 =	vcvt.f32.s32 v2;
	v7 =	vadd.f32 $-1.258291200e+07, v7;
	[tilespmem:s29+$0x460] =	vst v5  }
0x3ad: {  	v0 =	vadd.f32 $-1.258291200e+07, v0;
	v5 =	vcvt.f32.s32 v9;
	v9 =	vmul.f32 $9.990000000e+02, v11;
	v11 =	vld [tilespmem:s31+$0xFFFFFFF0];
	[tilespmem:s29+$0x860] =	vst v6  }
0x3ae: {  	v4 =	vadd.f32 $1.258291200e+07, v4;
	[tilespmem:s0+$0x820] =	vst v2;
	v2 =	vmul.f32 $9.990000000e+02, v8;
	v12 =	vld [tilespmem:s31+$0x70];
	v8 =	vmul.f32 $9.990000000e+02, v10;
	s31 =	smov.u32 s1;
	s1 =	smov.u32 s6  }
0x3af: {  	v0 =	vtrunc.f32 v0;
	v3 =	vcvt.f32.s32 v3;
	[tilespmem:s0+$0x20] =	vst v5;
	v13 =	vld [tilespmem:s6+$0x30];
	v9 =	vadd.f32 $1.258291200e+07, v9  }
0x3b0: {  	v0 =	vcvt.f32.s32 v0;
	v4 =	vadd.f32 $-1.258291200e+07, v4;
	v5 =	vtrunc.f32 v7;
	v14 =	vld [tilespmem:s6+$0xFFFFFF30]  }
.Ltmp4:
0x3b1: {  	v7 =	vcvt.f32.s32 v5;
	v6 =	vadd.f32 $1.258291200e+07, v2;
	v2 =	vadd.f32 $1.258291200e+07, v8;
	[tilespmem:s30+$0x50] =	vst v3;
	(pc) =	sbr.rel @p1 .LBB2_7-.Ltmp4, $4  }
0x3b2: {  	v10 =	vtrunc.f32 v4;
	v3 =	vadd.f32 $-1.258291200e+07, v9;
	v5 =	vld [tilespmem:s31+$0xFFFFFF60];
	[tilespmem:s30+$0x830] =	vst v0;
	v9 =	vmul.f32 $9.990000000e+02, v11  }
0x3b3: {  	v4 =	vadd.f32 $-1.258291200e+07, v1;
	[tilespmem:s0+$0xC20] =	vst v7;
	v8 =	vld [tilespmem:s31+$0x40];
	v1 =	vmul.f32 $9.990000000e+02, v12;
	v12 =	vadd.f32 $-1.258291200e+07, v2  }
0x3b4: {  	v7 =	vtrunc.f32 v3;
	v0 =	vmul.f32 $9.990000000e+02, v13;
	v2 =	vadd.f32 $1.258291200e+07, v9  }
0x3b5: {  	s6 =	sadd.s32 $0x200, s6;
	v11 =	vmul.f32 $9.990000000e+02, v14;
	v9 =	vld [tilespmem:s1+$0xB0];
	v3 =	vadd.f32 $1.258291200e+07, v1;
	v1 =	vtrunc.f32 v12  }
0x3b6: {  	v10 =	vcvt.f32.s32 v10;
	_ =	sdelay $0x1  }
0x3b7: {  	[tilespmem:s0+$0x420] =	vst v10  }
0x3b8: {  	v10 =	vld [tilespmem:s1+$0xFFFFFFB0];
	_ =	sdelay $0x2  }
0x3b9: {  	v0 =	vadd.f32 $1.258291200e+07, v0  }
0x3ba: {  	v11 =	vadd.f32 $1.258291200e+07, v11;
	v9 =	vmul.f32 $9.990000000e+02, v9  }
0x3bb: {  	v0 =	vadd.f32 $-1.258291200e+07, v0;
	v10 =	vmul.f32 $9.990000000e+02, v10  }
0x3bc: {  	v11 =	vadd.f32 $-1.258291200e+07, v11;
	v9 =	vadd.f32 $1.258291200e+07, v9  }
0x3bd: {  	v0 =	vtrunc.f32 v0;
	v10 =	vadd.f32 $1.258291200e+07, v10  }
0x3be: {  	v11 =	vtrunc.f32 v11;
	v0 =	vcvt.f32.s32 v0;
	v9 =	vadd.f32 $-1.258291200e+07, v9  }
0x3bf: {  	v11 =	vcvt.f32.s32 v11;
	v10 =	vadd.f32 $-1.258291200e+07, v10  }
0x3c0: {  	[tilespmem:s0+$0x830] =	vst v0;
	v9 =	vtrunc.f32 v9  }
0x3c1: {  	[tilespmem:s0+$0x30] =	vst v11;
	v61 =	vld [tilespmem:s1+$0x40];
	v9 =	vcvt.f32.s32 v9;
	v10 =	vtrunc.f32 v10  }
0x3c2: {  	v60 =	vmul.f32 $9.990000000e+02, v8;
	v11 =	vld [tilespmem:s1+$0xFFFFFF40];
	v10 =	vcvt.f32.s32 v10  }
0x3c3: {  	[tilespmem:s0+$0xC30] =	vst v9  }
0x3c4: {  	v0 =	vadd.f32 $1.258291200e+07, v60;
	v9 =	vld [tilespmem:s1+$0xC0];
	[tilespmem:s0+$0x430] =	vst v10  }
0x3c5: {  	v10 =	vld [tilespmem:s1+$0xFFFFFFC0]  }
0x3c6: {  	v0 =	vadd.f32 $-1.258291200e+07, v0;
	v8 =	vmul.f32 $9.990000000e+02, v61  }
0x3c7: {  	v11 =	vmul.f32 $9.990000000e+02, v11  }
0x3c8: {  	v0 =	vtrunc.f32 v0;
	v8 =	vadd.f32 $1.258291200e+07, v8  }
0x3c9: {  	v0 =	vcvt.f32.s32 v0;
	v11 =	vadd.f32 $1.258291200e+07, v11;
	v9 =	vmul.f32 $9.990000000e+02, v9  }
0x3ca: {  	v8 =	vadd.f32 $-1.258291200e+07, v8;
	v10 =	vmul.f32 $9.990000000e+02, v10  }
0x3cb: {  	[tilespmem:s30+$0x840] =	vst v0;
	v11 =	vadd.f32 $-1.258291200e+07, v11;
	v62 =	vadd.f32 $1.258291200e+07, v9  }
0x3cc: {  	v63 =	vld [tilespmem:s31+$0x50];
	v8 =	vtrunc.f32 v8;
	v10 =	vadd.f32 $1.258291200e+07, v10  }
0x3cd: {  	v11 =	vtrunc.f32 v11;
	v8 =	vcvt.f32.s32 v8;
	v0 =	vadd.f32 $-1.258291200e+07, v62  }
0x3ce: {  	v11 =	vcvt.f32.s32 v11;
	v10 =	vadd.f32 $-1.258291200e+07, v10  }
0x3cf: {  	v15 =	vcvt.f32.s32 v7;
	[tilespmem:s0+$0x840] =	vst v8;
	v0 =	vtrunc.f32 v0  }
0x3d0: {  	[tilespmem:s0+$0x40] =	vst v11;
	v13 =	vld [tilespmem:s1+$0x50];
	v0 =	vcvt.f32.s32 v0;
	v10 =	vtrunc.f32 v10  }
0x3d1: {  	[tilespmem:s30+$0xC50] =	vst v15;
	v12 =	vmul.f32 $9.990000000e+02, v63;
	v11 =	vld [tilespmem:s1+$0xFFFFFF50];
	v10 =	vcvt.f32.s32 v10  }
0x3d2: {  	v20 =	vld [tilespmem:s31+$0xE0];
	[tilespmem:s0+$0xC40] =	vst v0  }
0x3d3: {  	v14 =	vadd.f32 $-1.258291200e+07, v6;
	v16 =	vadd.f32 $1.258291200e+07, v12;
	v17 =	vld [tilespmem:s1+$0xD0];
	[tilespmem:s0+$0x440] =	vst v10  }
0x3d4: {  	v5 =	vmul.f32 $9.990000000e+02, v5;
	v10 =	vld [tilespmem:s1+$0xFFFFFFD0]  }
0x3d5: {  	v18 =	vadd.f32 $-1.258291200e+07, v16;
	v0 =	vtrunc.f32 v14;
	v9 =	vmul.f32 $9.990000000e+02, v13  }
0x3d6: {  	v19 =	vmul.f32 $9.990000000e+02, v11;
	v0 =	vcvt.f32.s32 v0  }
0x3d7: {  	v5 =	vadd.f32 $1.258291200e+07, v5;
	v6 =	vtrunc.f32 v18;
	v9 =	vadd.f32 $1.258291200e+07, v9  }
0x3d8: {  	v6 =	vcvt.f32.s32 v6;
	v7 =	vadd.f32 $1.258291200e+07, v19;
	[tilespmem:s30+$0x450] =	vst v0;
	v8 =	vmul.f32 $9.990000000e+02, v17  }
0x3d9: {  	v26 =	vmul.f32 $9.990000000e+02, v20;
	v23 =	vld [tilespmem:s31+$0xFFFFFFE0];
	v25 =	vadd.f32 $-1.258291200e+07, v9;
	v10 =	vmul.f32 $9.990000000e+02, v10  }
0x3da: {  	[tilespmem:s30+$0x850] =	vst v6;
	v21 =	vadd.f32 $-1.258291200e+07, v7;
	v24 =	vadd.f32 $1.258291200e+07, v8  }
0x3db: {  	v27 =	vld [tilespmem:s31+$0x60];
	v9 =	vadd.f32 $1.258291200e+07, v26;
	v22 =	vadd.f32 $1.258291200e+07, v10  }
0x3dc: {  	v0 =	vtrunc.f32 v21;
	v8 =	vtrunc.f32 v25;
	v6 =	vadd.f32 $-1.258291200e+07, v24  }
0x3dd: {  	v0 =	vcvt.f32.s32 v0;
	v8 =	vcvt.f32.s32 v8;
	v7 =	vadd.f32 $-1.258291200e+07, v22  }
0x3de: {  	v5 =	vadd.f32 $-1.258291200e+07, v5;
	v31 =	vmul.f32 $9.990000000e+02, v23;
	v28 =	vtrunc.f32 v6  }
0x3df: {  	v30 =	vadd.f32 $-1.258291200e+07, v9;
	[tilespmem:s0+$0x50] =	vst v0;
	v0 =	vcvt.f32.s32 v28;
	v7 =	vtrunc.f32 v7  }
0x3e0: {  	v33 =	vmul.f32 $9.990000000e+02, v27;
	v32 =	vld [tilespmem:s1+$0xFFFFFF60];
	[tilespmem:s0+$0x850] =	vst v8;
	v9 =	vadd.f32 $1.258291200e+07, v31;
	v29 =	vcvt.f32.s32 v7  }
0x3e1: {  	v5 =	vtrunc.f32 v5;
	v34 =	vld [tilespmem:s1+$0x60];
	[tilespmem:s0+$0xC50] =	vst v0  }
0x3e2: {  	v5 =	vcvt.f32.s32 v5;
	v8 =	vadd.f32 $1.258291200e+07, v33;
	v37 =	vadd.f32 $-1.258291200e+07, v9;
	v36 =	vld [tilespmem:s1+$0xE0];
	[tilespmem:s0+$0x450] =	vst v29  }
0x3e3: {  	v4 =	vtrunc.f32 v4;
	v1 =	vcvt.f32.s32 v1;
	v35 =	vld [tilespmem:s1+$0xFFFFFFE0]  }
0x3e4: {  	[tilespmem:s30+$0x60] =	vst v5;
	v8 =	vadd.f32 $-1.258291200e+07, v8;
	v5 =	vtrunc.f32 v37;
	v7 =	vtrunc.f32 v30  }
0x3e5: {  	v39 =	vmul.f32 $9.990000000e+02, v32;
	v7 =	vcvt.f32.s32 v7  }
0x3e6: {  	v2 =	vadd.f32 $-1.258291200e+07, v2;
	v38 =	vld [tilespmem:s31+$0xFFFFFF70];
	v8 =	vtrunc.f32 v8;
	v6 =	vmul.f32 $9.990000000e+02, v34  }
0x3e7: {  	v8 =	vcvt.f32.s32 v8;
	[tilespmem:s30+$0xC60] =	vst v7;
	v7 =	vadd.f32 $1.258291200e+07, v39;
	v11 =	vmul.f32 $9.990000000e+02, v36  }
0x3e8: {  	v5 =	vcvt.f32.s32 v5;
	v6 =	vadd.f32 $1.258291200e+07, v6;
	v0 =	vmul.f32 $9.990000000e+02, v35  }
0x3e9: {  	v4 =	vcvt.f32.s32 v4;
	[tilespmem:s30+$0x860] =	vst v8;
	v7 =	vadd.f32 $-1.258291200e+07, v7;
	v41 =	vadd.f32 $1.258291200e+07, v11  }
0x3ea: {  	v2 =	vtrunc.f32 v2;
	[tilespmem:s30+$0x460] =	vst v5;
	v42 =	vld [tilespmem:s31+$0x70];
	v6 =	vadd.f32 $-1.258291200e+07, v6;
	v0 =	vadd.f32 $1.258291200e+07, v0  }
0x3eb: {  	v9 =	vmul.f32 $9.990000000e+02, v38;
	v43 =	vld [tilespmem:s31+$0xFFFFFFF0];
	v7 =	vtrunc.f32 v7;
	v8 =	vadd.f32 $-1.258291200e+07, v41  }
0x3ec: {  	v40 =	vld [tilespmem:s31+$0xF0];
	v6 =	vtrunc.f32 v6;
	v7 =	vcvt.f32.s32 v7;
	v0 =	vadd.f32 $-1.258291200e+07, v0  }
0x3ed: {  	v6 =	vcvt.f32.s32 v6;
	v44 =	vtrunc.f32 v8  }
0x3ee: {  	v3 =	vadd.f32 $-1.258291200e+07, v3;
	[tilespmem:s0+$0x60] =	vst v7;
	v7 =	vcvt.f32.s32 v44;
	v0 =	vtrunc.f32 v0  }
0x3ef: {  	v47 =	vadd.f32 $1.258291200e+07, v9;
	v5 =	vmul.f32 $9.990000000e+02, v42;
	[tilespmem:s0+$0x860] =	vst v6;
	v46 =	vld [tilespmem:s1+$0xFFFFFF70];
	v0 =	vcvt.f32.s32 v0  }
0x3f0: {  	v3 =	vtrunc.f32 v3;
	v49 =	vmul.f32 $9.990000000e+02, v43;
	v48 =	vld [tilespmem:s1+$0x70];
	[tilespmem:s0+$0xC60] =	vst v7  }
0x3f1: {  	v10 =	vmul.f32 $9.990000000e+02, v40;
	v6 =	vadd.f32 $-1.258291200e+07, v47;
	v5 =	vadd.f32 $1.258291200e+07, v5;
	v51 =	vld [tilespmem:s1+$0xF0];
	[tilespmem:s0+$0x460] =	vst v0  }
0x3f2: {  	v2 =	vcvt.f32.s32 v2;
	v3 =	vcvt.f32.s32 v3;
	v9 =	vadd.f32 $1.258291200e+07, v49;
	v50 =	vld [tilespmem:s1+$0xFFFFFFF0]  }
0x3f3: {  	v45 =	vadd.f32 $1.258291200e+07, v10;
	v6 =	vtrunc.f32 v6;
	v5 =	vadd.f32 $-1.258291200e+07, v5  }
0x3f4: {  	v52 =	vadd.f32 $-1.258291200e+07, v9;
	v6 =	vcvt.f32.s32 v6;
	v10 =	vmul.f32 $9.990000000e+02, v46  }
0x3f5: {  	[tilespmem:s29+$0xC70] =	vst v1;
	v8 =	vadd.f32 $-1.258291200e+07, v45;
	v53 =	vtrunc.f32 v5;
	v0 =	vmul.f32 $9.990000000e+02, v48  }
0x3f6: {  	[tilespmem:s29+$0x70] =	vst v4;
	v55 =	vtrunc.f32 v52;
	v54 =	vadd.f32 $1.258291200e+07, v10;
	v56 =	vmul.f32 $9.990000000e+02, v51  }
0x3f7: {  	[tilespmem:s29+$0x470] =	vst v2;
	v57 =	vcvt.f32.s32 v53;
	v0 =	vadd.f32 $1.258291200e+07, v0;
	v7 =	vmul.f32 $9.990000000e+02, v50  }
0x3f8: {  	[tilespmem:s29+$0x870] =	vst v3;
	v2 =	vcvt.f32.s32 v55;
	v58 =	vadd.f32 $-1.258291200e+07, v54;
	v4 =	vadd.f32 $1.258291200e+07, v56  }
0x3f9: {  	[tilespmem:s30+$0x70] =	vst v6;
	v8 =	vtrunc.f32 v8;
	v0 =	vadd.f32 $-1.258291200e+07, v0;
	v59 =	vadd.f32 $1.258291200e+07, v7  }
0x3fa: {  	[tilespmem:s30+$0x870] =	vst v57;
	v60 =	vcvt.f32.s32 v8;
	v3 =	vtrunc.f32 v58;
	v61 =	vadd.f32 $-1.258291200e+07, v4  }
0x3fb: {  	[tilespmem:s30+$0x470] =	vst v2;
	v3 =	vcvt.f32.s32 v3;
	v0 =	vtrunc.f32 v0;
	v5 =	vadd.f32 $-1.258291200e+07, v59  }
0x3fc: {  	[tilespmem:s30+$0xC70] =	vst v60;
	v0 =	vcvt.f32.s32 v0;
	v2 =	vtrunc.f32 v61  }
.Ltmp5:
0x3fd: {  	[tilespmem:s0+$0x70] =	vst v3;
	v63 =	vcvt.f32.s32 v2;
	v62 =	vtrunc.f32 v5;
	(pc) =	sbr.rel @p2 .LBB2_10-.Ltmp5, $4  }
0x3fe: {  	[tilespmem:s0+$0x870] =	vst v0;
	v1 =	vcvt.f32.s32 v62  }
0x3ff: {  	s30 =	sshll.u32 s28, $0xA;
	[tilespmem:s0+$0xC70] =	vst v63  }
0x400: {  	s31 =	sadd.s32 s3, s30;
	[tilespmem:s0+$0x470] =	vst v1  }
0x401: {  	[hbm4b:s31+s5] =	stream.linear.scatter [tilespmem:s21], [sflag:$0x6], $0x2000, $0x38;
	[tilespmem:$0xC000] =	vst v63  }
0x402: {  	s0 =	sadd.s32 $0x60, s28  }
0x403: {  	s1 =	sshrl.u32 s0, $0x4  }
0x404: {  	s0 =	sshll.u32 s0, $0xA;
	s6 =	sshll.u32 s1, $0xE  }
0x405: {  	s1 =	sshll.u32 s1, $0x11;
	s0 =	ssub.s32 s0, s6  }
0x406: {  	s0 =	sadd.s32 s1, s0  }
0x407: {  	s1 =	sshrl.u32 s0, $0x3  }
0x408: {  	s22 =	simm.s32 $0x4000;
	s23 =	sadd.s32 $0x4000, s0;
	s1 =	sadd.s32 s2, s1  }
0x409: {  	[tilespmem:s22], [sflag:$0x3] =	stream.linear.gather [hbm4b:s1+s5], $0x400, $0x38;
	[tilespmem:$0xC000] =	vst v63  }
0x40a: {  	s1 =	sshrl.u32 s23, $0x3  }
0x40b: {  	s24 =	simm.s32 $0x4400;
	s25 =	sadd.s32 $0x8000, s0;
	s1 =	sadd.s32 s2, s1  }
0x40c: {  	[tilespmem:s24], [sflag:$0x3] =	stream.linear.gather [hbm4b:s1+s5], $0x400, $0x38;
	[tilespmem:$0xC000] =	vst v63  }
0x40d: {  	s1 =	sshrl.u32 s25, $0x3  }
0x40e: {  	s28 =	sadd.s32 $0xC000, s0;
	s1 =	sadd.s32 s2, s1  }
0x40f: {  	[tilespmem:s8], [sflag:$0x3] =	stream.linear.gather [hbm4b:s1+s5], $0x400, $0x38;
	[tilespmem:$0xC000] =	vst v63  }
0x410: {  	s1 =	sshrl.u32 s28, $0x3  }
0x411: {  	s29 =	sadd.s32 $0x10000, s0;
	s1 =	sadd.s32 s2, s1  }
0x412: {  	[tilespmem:s9], [sflag:$0x3] =	stream.linear.gather [hbm4b:s1+s5], $0x400, $0x38;
	[tilespmem:$0xC000] =	vst v63  }
0x413: {  	s1 =	sshrl.u32 s29, $0x3  }
0x414: {  	s30 =	sadd.s32 $0x14000, s0;
	s1 =	sadd.s32 s2, s1  }
0x415: {  	[tilespmem:s11], [sflag:$0x3] =	stream.linear.gather [hbm4b:s1+s5], $0x400, $0x38;
	[tilespmem:$0xC000] =	vst v63  }
0x416: {  	s1 =	sshrl.u32 s30, $0x3  }
0x417: {  	s31 =	sadd.s32 $0x18000, s0;
	s1 =	sadd.s32 s2, s1  }
0x418: {  	[tilespmem:s12], [sflag:$0x3] =	stream.linear.gather [hbm4b:s1+s5], $0x400, $0x38;
	[tilespmem:$0xC000] =	vst v63  }
.Ltmp6:
0x419: {  	s0 =	sadd.s32 $0x1C000, s0;
	s1 =	sshrl.u32 s31, $0x3;
	(pc) =	sbr.rel .LBB2_2-.Ltmp6, $4  }
0x41a: {  	s0 =	sshrl.u32 s0, $0x3;
	s1 =	sadd.s32 s2, s1  }
0x41b: {  	[tilespmem:s13], [sflag:$0x3] =	stream.linear.gather [hbm4b:s1+s5], $0x400, $0x38;
	[tilespmem:$0xC000] =	vst v63  }
0x41c: {  	s26 =	sadd.s32 $0x1, s26;
	s0 =	sadd.s32 s2, s0  }
0x41d: {  	[tilespmem:s14], [sflag:$0x3] =	stream.linear.gather [hbm4b:s0+s5], $0x400, $0x38;
	[tilespmem:$0xC000] =	vst v63  }
.LBB2_10:
0x41e: {  	s0 =	simm.s32 $0x4  }
0x41f: {  	_ =	swait.ge [sflag:s0], $0x2000  }
0x420: {  	[sflag:s0] =	ssyncset.done $0x0  }
0x421: {  	s30 =	simm.s32 $0x5;
	[sflag:s0] =	ssyncadd.s32 $0xFFFFE000  }
0x422: {  	_ =	swait.ge [sflag:s30], $0x2000  }
0x423: {  	[sflag:s30] =	ssyncset.done $0x0  }
.Ltmp7:
0x424: {  	s31 =	simm.s32 $0x6;
	[sflag:s30] =	ssyncadd.s32 $0xFFFFE000;
	(pc) =	sbr.rel @p0 .LBB2_14-.Ltmp7, $4  }
0x425: {  	_ =	swait.ge [sflag:s31], $0x2000  }
0x426: {  	s1 =	sld [smem:$0x7F8]  }
0x427: {  	[sflag:s31] =	ssyncset.done $0x0  }
0x428: {  	[sflag:s31] =	ssyncadd.s32 $0xFFFFE000  }
0x429: {  	s1 =	rddreg [dreg:$0x1b]  }
0x42a: {  	s0 =	simm.s32 $0x0;
	s22 =	rddreg [dreg:$0x1e]  }
0x42b: {  	[tilespmem:s0], [sflag:$0x1] =	stream.linear.gather [hbm4b:s1+s0], $0x400, $0x38;
	[tilespmem:$0xC000] =	vst v63  }
0x42c: {  	s6 =	simm.s32 $0x400;
	s23 =	rddreg [dreg:$0x1f]  }
0x42d: {  	[tilespmem:s6], [sflag:$0x1] =	stream.linear.gather [hbm4b:s22+s0], $0x400, $0x38;
	[tilespmem:$0xC000] =	vst v63  }
0x42e: {  	s24 =	simm.s32 $0x800;
	s25 =	sld [smem:$0x7F9]  }
0x42f: {  	[tilespmem:s24], [sflag:$0x1] =	stream.linear.gather [hbm4b:s23+s0], $0x400, $0x38;
	[tilespmem:$0xC000] =	vst v63  }
0x430: {  	s26 =	simm.s32 $0xC00;
	s30 =	sld [smem:$0x7FA]  }
0x431: {  	[tilespmem:s26], [sflag:$0x1] =	stream.linear.gather [hbm4b:s25+s0], $0x400, $0x38;
	[tilespmem:$0xC000] =	vst v63  }
0x432: {  	s31 =	simm.s32 $0x1000;
	s6 =	sld [smem:$0x7FB]  }
0x433: {  	[tilespmem:s31], [sflag:$0x1] =	stream.linear.gather [hbm4b:s30+s0], $0x400, $0x38;
	[tilespmem:$0xC000] =	vst v63  }
0x434: {  	s7 =	simm.s32 $0x1400;
	s22 =	sld [smem:$0x7FC]  }
0x435: {  	[tilespmem:s7], [sflag:$0x1] =	stream.linear.gather [hbm4b:s6+s0], $0x400, $0x38;
	[tilespmem:$0xC000] =	vst v63  }
0x436: {  	s23 =	simm.s32 $0x1800;
	s24 =	sld [smem:$0x7FD]  }
0x437: {  	[tilespmem:s23], [sflag:$0x1] =	stream.linear.gather [hbm4b:s22+s0], $0x400, $0x38;
	[tilespmem:$0xC000] =	vst v63  }
0x438: {  	s25 =	simm.s32 $0x1C00  }
0x439: {  	[tilespmem:s25], [sflag:$0x1] =	stream.linear.gather [hbm4b:s24+s0], $0x400, $0x38;
	[tilespmem:$0xC000] =	vst v63  }
0x43a: {  	_ =	swait.ge [sflag:s15], $0x2000  }
0x43b: {  	[sflag:s15] =	ssyncset.done $0x0  }
0x43c: {  	s23 =	simm.s32 $0x100;
	[sflag:s15] =	ssyncadd.s32 $0xFFFFE000  }
0x43d: {  	v0 =	vld [tilespmem:s23+$0xFFFFFF00];
	_ =	sdelay $0x4  }
0x43e: {  	v0 =	vmul.f32 $9.990000000e+02, v0;
	_ =	sdelay $0x1  }
0x43f: {  	v1 =	vld [tilespmem:s23+$0xFFFFFF80];
	v0 =	vadd.f32 $1.258291200e+07, v0  }
0x440: {  	v2 =	vld [tilespmem:s23+$0x80]  }
0x441: {  	s26 =	simm.s32 $0x0;
	v0 =	vadd.f32 $-1.258291200e+07, v0  }
0x442: {  	s0 =	smul.u32 $0xFFFF8200, s26  }
0x443: {  	v0 =	vtrunc.f32 v0  }
0x444: {  	s0 =	sshra.s32 s0, $0x2;
	v1 =	vmul.f32 $9.990000000e+02, v1;
	v0 =	vcvt.f32.s32 v0  }
0x445: {  	s26 =	sadd.s32 $0x6000, s0;
	v2 =	vmul.f32 $9.990000000e+02, v2  }
0x446: {  	v1 =	vadd.f32 $1.258291200e+07, v1;
	[tilespmem:s26+$0x0] =	vst v0  }
0x447: {  	v2 =	vadd.f32 $1.258291200e+07, v2;
	v0 =	vld [tilespmem:s23+$0xFFFFFF10]  }
0x448: {  	v1 =	vadd.f32 $-1.258291200e+07, v1  }
0x449: {  	v2 =	vadd.f32 $-1.258291200e+07, v2  }
0x44a: {  	v1 =	vtrunc.f32 v1  }
0x44b: {  	v2 =	vtrunc.f32 v2;
	v1 =	vcvt.f32.s32 v1  }
0x44c: {  	v2 =	vcvt.f32.s32 v2;
	v0 =	vmul.f32 $9.990000000e+02, v0  }
0x44d: {  	v3 =	vld [tilespmem:s23+$0x0];
	[tilespmem:s26+$0x400] =	vst v1  }
0x44e: {  	[tilespmem:s26+$0xC00] =	vst v2;
	v1 =	vld [tilespmem:s23+$0xFFFFFF90];
	v0 =	vadd.f32 $1.258291200e+07, v0  }
0x44f: {  	v2 =	vld [tilespmem:s23+$0x90]  }
0x450: {  	v0 =	vadd.f32 $-1.258291200e+07, v0;
	_ =	sdelay $0x1  }
0x451: {  	v3 =	vmul.f32 $9.990000000e+02, v3;
	v0 =	vtrunc.f32 v0  }
0x452: {  	v1 =	vmul.f32 $9.990000000e+02, v1;
	v0 =	vcvt.f32.s32 v0  }
0x453: {  	v3 =	vadd.f32 $1.258291200e+07, v3;
	v2 =	vmul.f32 $9.990000000e+02, v2  }
0x454: {  	v1 =	vadd.f32 $1.258291200e+07, v1;
	[tilespmem:s26+$0x10] =	vst v0  }
0x455: {  	v3 =	vadd.f32 $-1.258291200e+07, v3;
	v2 =	vadd.f32 $1.258291200e+07, v2;
	v0 =	vld [tilespmem:s23+$0xFFFFFF20]  }
0x456: {  	v1 =	vadd.f32 $-1.258291200e+07, v1  }
0x457: {  	v3 =	vtrunc.f32 v3;
	v2 =	vadd.f32 $-1.258291200e+07, v2  }
0x458: {  	v3 =	vcvt.f32.s32 v3;
	v1 =	vtrunc.f32 v1  }
0x459: {  	v2 =	vtrunc.f32 v2;
	v1 =	vcvt.f32.s32 v1  }
0x45a: {  	[tilespmem:s26+$0x800] =	vst v3;
	v2 =	vcvt.f32.s32 v2;
	v0 =	vmul.f32 $9.990000000e+02, v0  }
0x45b: {  	v3 =	vld [tilespmem:s23+$0x10];
	[tilespmem:s26+$0x410] =	vst v1  }
0x45c: {  	[tilespmem:s26+$0xC10] =	vst v2;
	v1 =	vld [tilespmem:s23+$0xFFFFFFA0];
	v0 =	vadd.f32 $1.258291200e+07, v0  }
0x45d: {  	v2 =	vld [tilespmem:s23+$0xA0]  }
0x45e: {  	v0 =	vadd.f32 $-1.258291200e+07, v0  }
0x45f: {  	s29 =	simm.s32 $0x300  }
0x460: {  	v4 =	vld [tilespmem:s29+$0xFFFFFF00];
	v3 =	vmul.f32 $9.990000000e+02, v3;
	v0 =	vtrunc.f32 v0  }
0x461: {  	v5 =	vld [tilespmem:s29+$0x0];
	v1 =	vmul.f32 $9.990000000e+02, v1;
	v0 =	vcvt.f32.s32 v0  }
0x462: {  	v2 =	vmul.f32 $9.990000000e+02, v2  }
0x463: {  	v3 =	vadd.f32 $1.258291200e+07, v3;
	v1 =	vadd.f32 $1.258291200e+07, v1;
	[tilespmem:s26+$0x20] =	vst v0  }
0x464: {  	v2 =	vadd.f32 $1.258291200e+07, v2;
	v0 =	vld [tilespmem:s23+$0xFFFFFF30]  }
0x465: {  	v3 =	vadd.f32 $-1.258291200e+07, v3;
	v1 =	vadd.f32 $-1.258291200e+07, v1  }
0x466: {  	v4 =	vmul.f32 $9.990000000e+02, v4;
	v5 =	vmul.f32 $9.990000000e+02, v5;
	v2 =	vadd.f32 $-1.258291200e+07, v2  }
0x467: {  	v3 =	vtrunc.f32 v3;
	v1 =	vtrunc.f32 v1  }
0x468: {  	v2 =	vtrunc.f32 v2;
	v1 =	vcvt.f32.s32 v1  }
0x469: {  	v6 =	vld [tilespmem:s29+$0x80];
	v2 =	vcvt.f32.s32 v2;
	v0 =	vmul.f32 $9.990000000e+02, v0  }
0x46a: {  	v4 =	vadd.f32 $1.258291200e+07, v4;
	v3 =	vcvt.f32.s32 v3;
	[tilespmem:s26+$0x420] =	vst v1  }
0x46b: {  	v5 =	vadd.f32 $1.258291200e+07, v5;
	[tilespmem:s26+$0xC20] =	vst v2;
	v2 =	vld [tilespmem:s23+$0xFFFFFFB0];
	v0 =	vadd.f32 $1.258291200e+07, v0  }
0x46c: {  	v4 =	vadd.f32 $-1.258291200e+07, v4;
	[tilespmem:s26+$0x810] =	vst v3;
	v3 =	vld [tilespmem:s29+$0xFFFFFF80]  }
0x46d: {  	v5 =	vadd.f32 $-1.258291200e+07, v5;
	v0 =	vadd.f32 $-1.258291200e+07, v0  }
0x46e: {  	s30 =	simm.s32 $0x0;
	v4 =	vtrunc.f32 v4;
	v7 =	vld [tilespmem:s23+$0x20];
	v1 =	vmul.f32 $9.990000000e+02, v6  }
0x46f: {  	s0 =	smul.u32 $0xFFFF8200, s30;
	v5 =	vtrunc.f32 v5;
	v0 =	vtrunc.f32 v0  }
0x470: {  	v6 =	vld [tilespmem:s23+$0xB0];
	v1 =	vadd.f32 $1.258291200e+07, v1;
	v2 =	vmul.f32 $9.990000000e+02, v2;
	v0 =	vcvt.f32.s32 v0  }
0x471: {  	s0 =	sshra.s32 s0, $0x2;
	v4 =	vcvt.f32.s32 v4;
	v3 =	vmul.f32 $9.990000000e+02, v3  }
0x472: {  	s28 =	sadd.s32 $0x7000, s0;
	v2 =	vadd.f32 $1.258291200e+07, v2;
	[tilespmem:s26+$0x30] =	vst v0;
	v0 =	vadd.f32 $-1.258291200e+07, v1;
	v1 =	vcvt.f32.s32 v5  }
0x473: {  	[tilespmem:s28+$0x0] =	vst v4;
	v5 =	vmul.f32 $9.990000000e+02, v7;
	v7 =	vld [tilespmem:s23+$0xFFFFFF40]  }
0x474: {  	v3 =	vadd.f32 $1.258291200e+07, v3;
	v2 =	vadd.f32 $-1.258291200e+07, v2;
	v0 =	vtrunc.f32 v0;
	[tilespmem:s28+$0x800] =	vst v1;
	v1 =	vld [tilespmem:s29+$0xFFFFFF10]  }
0x475: {  	v4 =	vadd.f32 $1.258291200e+07, v5;
	v5 =	vmul.f32 $9.990000000e+02, v6;
	v0 =	vcvt.f32.s32 v0;
	v6 =	vld [tilespmem:s29+$0x10]  }
0x476: {  	v3 =	vadd.f32 $-1.258291200e+07, v3  }
0x477: {  	v2 =	vtrunc.f32 v2;
	v5 =	vadd.f32 $1.258291200e+07, v5;
	[tilespmem:s28+$0xC00] =	vst v0  }
0x478: {  	v4 =	vadd.f32 $-1.258291200e+07, v4;
	v0 =	vtrunc.f32 v3;
	v3 =	vmul.f32 $9.990000000e+02, v7;
	v7 =	vld [tilespmem:s29+$0x90]  }
0x479: {  	v0 =	vcvt.f32.s32 v0;
	v5 =	vadd.f32 $-1.258291200e+07, v5;
	v1 =	vmul.f32 $9.990000000e+02, v1  }
0x47a: {  	v2 =	vcvt.f32.s32 v2;
	v3 =	vadd.f32 $1.258291200e+07, v3;
	v6 =	vmul.f32 $9.990000000e+02, v6  }
0x47b: {  	v4 =	vtrunc.f32 v4;
	[tilespmem:s28+$0x400] =	vst v0;
	v0 =	vtrunc.f32 v5;
	v1 =	vadd.f32 $1.258291200e+07, v1  }
0x47c: {  	v0 =	vcvt.f32.s32 v0;
	v3 =	vadd.f32 $-1.258291200e+07, v3;
	v5 =	vadd.f32 $1.258291200e+07, v6;
	v6 =	vld [tilespmem:s29+$0xFFFFFF90]  }
0x47d: {  	[tilespmem:s26+$0x430] =	vst v2;
	v4 =	vcvt.f32.s32 v4;
	v7 =	vmul.f32 $9.990000000e+02, v7;
	v1 =	vadd.f32 $-1.258291200e+07, v1  }
0x47e: {  	[tilespmem:s26+$0xC30] =	vst v0;
	v2 =	vtrunc.f32 v3;
	v3 =	vadd.f32 $-1.258291200e+07, v5;
	v5 =	vld [tilespmem:s23+$0xFFFFFFC0]  }
0x47f: {  	[tilespmem:s26+$0x820] =	vst v4;
	v4 =	vld [tilespmem:s23+$0xC0];
	v0 =	vcvt.f32.s32 v2;
	v2 =	vadd.f32 $1.258291200e+07, v7;
	v1 =	vtrunc.f32 v1  }
0x480: {  	v3 =	vtrunc.f32 v3;
	v1 =	vcvt.f32.s32 v1  }
0x481: {  	[tilespmem:s26+$0x40] =	vst v0;
	v0 =	vcvt.f32.s32 v3;
	v2 =	vadd.f32 $-1.258291200e+07, v2;
	v3 =	vmul.f32 $9.990000000e+02, v6  }
0x482: {  	v7 =	vld [tilespmem:s23+$0x30];
	[tilespmem:s28+$0x10] =	vst v1  }
0x483: {  	v6 =	vld [tilespmem:s23+$0xFFFFFF50];
	[tilespmem:s28+$0x810] =	vst v0;
	v0 =	vtrunc.f32 v2;
	v2 =	vadd.f32 $1.258291200e+07, v3  }
0x484: {  	v1 =	vld [tilespmem:s29+$0xFFFFFF20];
	v3 =	vmul.f32 $9.990000000e+02, v5;
	v4 =	vmul.f32 $9.990000000e+02, v4  }
0x485: {  	v5 =	vld [tilespmem:s29+$0x20];
	v0 =	vcvt.f32.s32 v0;
	v2 =	vadd.f32 $-1.258291200e+07, v2  }
0x486: {  	v3 =	vadd.f32 $1.258291200e+07, v3;
	v4 =	vadd.f32 $1.258291200e+07, v4  }
0x487: {  	[tilespmem:s28+$0xC10] =	vst v0;
	v0 =	vmul.f32 $9.990000000e+02, v7;
	v2 =	vtrunc.f32 v2  }
0x488: {  	v7 =	vld [tilespmem:s29+$0xA0];
	v3 =	vadd.f32 $-1.258291200e+07, v3;
	v6 =	vmul.f32 $9.990000000e+02, v6;
	v4 =	vadd.f32 $-1.258291200e+07, v4  }
0x489: {  	v1 =	vmul.f32 $9.990000000e+02, v1;
	v2 =	vcvt.f32.s32 v2;
	v0 =	vadd.f32 $1.258291200e+07, v0  }
0x48a: {  	v5 =	vmul.f32 $9.990000000e+02, v5;
	v3 =	vtrunc.f32 v3;
	v6 =	vadd.f32 $1.258291200e+07, v6  }
0x48b: {  	s1 =	simm.s32 $0x500;
	v4 =	vtrunc.f32 v4;
	v1 =	vadd.f32 $1.258291200e+07, v1;
	v0 =	vadd.f32 $-1.258291200e+07, v0  }
0x48c: {  	v10 =	vld [tilespmem:s1+$0x0];
	v3 =	vcvt.f32.s32 v3;
	v5 =	vadd.f32 $1.258291200e+07, v5;
	v6 =	vadd.f32 $-1.258291200e+07, v6  }
0x48d: {  	v11 =	vld [tilespmem:s1+$0xFFFFFF00];
	[tilespmem:s28+$0x410] =	vst v2;
	v2 =	vcvt.f32.s32 v4;
	v4 =	vmul.f32 $9.990000000e+02, v7;
	v1 =	vadd.f32 $-1.258291200e+07, v1  }
0x48e: {  	v7 =	vld [tilespmem:s29+$0xFFFFFFA0];
	[tilespmem:s26+$0x440] =	vst v3;
	v0 =	vtrunc.f32 v0;
	v5 =	vadd.f32 $-1.258291200e+07, v5;
	v3 =	vtrunc.f32 v6  }
0x48f: {  	[tilespmem:s26+$0xC40] =	vst v2;
	v6 =	vld [tilespmem:s23+$0xFFFFFFD0];
	v0 =	vcvt.f32.s32 v0;
	v1 =	vtrunc.f32 v1  }
0x490: {  	v2 =	vadd.f32 $1.258291200e+07, v4;
	v4 =	vld [tilespmem:s23+$0xD0];
	v5 =	vtrunc.f32 v5;
	v1 =	vcvt.f32.s32 v1  }
0x491: {  	[tilespmem:s26+$0x830] =	vst v0;
	v5 =	vcvt.f32.s32 v5  }
0x492: {  	v10 =	vmul.f32 $9.990000000e+02, v10;
	v11 =	vmul.f32 $9.990000000e+02, v11;
	v2 =	vadd.f32 $-1.258291200e+07, v2;
	v8 =	vld [tilespmem:s23+$0x40];
	[tilespmem:s28+$0x20] =	vst v1  }
0x493: {  	v1 =	vcvt.f32.s32 v3;
	v3 =	vmul.f32 $9.990000000e+02, v7;
	[tilespmem:s28+$0x820] =	vst v5;
	v5 =	vld [tilespmem:s29+$0xFFFFFF30]  }
0x494: {  	v10 =	vadd.f32 $1.258291200e+07, v10;
	v2 =	vtrunc.f32 v2;
	v0 =	vmul.f32 $9.990000000e+02, v6;
	v7 =	vld [tilespmem:s29+$0x30]  }
0x495: {  	[tilespmem:s26+$0x50] =	vst v1;
	v1 =	vmul.f32 $9.990000000e+02, v4;
	v3 =	vadd.f32 $1.258291200e+07, v3;
	v2 =	vcvt.f32.s32 v2  }
0x496: {  	v11 =	vadd.f32 $1.258291200e+07, v11;
	v4 =	vld [tilespmem:s23+$0xFFFFFF60];
	v9 =	vadd.f32 $1.258291200e+07, v0  }
0x497: {  	v1 =	vadd.f32 $1.258291200e+07, v1;
	v3 =	vadd.f32 $-1.258291200e+07, v3;
	[tilespmem:s28+$0xC20] =	vst v2;
	v2 =	vld [tilespmem:s1+$0xFFFFFF80]  }
0x498: {  	v8 =	vmul.f32 $9.990000000e+02, v8;
	v9 =	vadd.f32 $-1.258291200e+07, v9;
	v5 =	vmul.f32 $9.990000000e+02, v5  }
0x499: {  	v6 =	vld [tilespmem:s29+$0xB0];
	v3 =	vtrunc.f32 v3;
	v1 =	vadd.f32 $-1.258291200e+07, v1;
	v0 =	vmul.f32 $9.990000000e+02, v7  }
0x49a: {  	v8 =	vadd.f32 $1.258291200e+07, v8;
	v3 =	vcvt.f32.s32 v3;
	v7 =	vld [tilespmem:s1+$0x80];
	v9 =	vtrunc.f32 v9  }
0x49b: {  	v5 =	vadd.f32 $1.258291200e+07, v5;
	v1 =	vtrunc.f32 v1;
	v4 =	vmul.f32 $9.990000000e+02, v4  }
0x49c: {  	v8 =	vadd.f32 $-1.258291200e+07, v8;
	v9 =	vcvt.f32.s32 v9;
	[tilespmem:s28+$0x420] =	vst v3;
	v2 =	vmul.f32 $9.990000000e+02, v2  }
0x49d: {  	v1 =	vcvt.f32.s32 v1;
	v0 =	vadd.f32 $1.258291200e+07, v0;
	v3 =	vadd.f32 $-1.258291200e+07, v5;
	v5 =	vld [tilespmem:s29+$0xFFFFFFB0]  }
0x49e: {  	v6 =	vmul.f32 $9.990000000e+02, v6;
	v8 =	vtrunc.f32 v8;
	v2 =	vadd.f32 $1.258291200e+07, v2  }
0x49f: {  	v4 =	vadd.f32 $1.258291200e+07, v4;
	v3 =	vtrunc.f32 v3;
	v7 =	vmul.f32 $9.990000000e+02, v7  }
0x4a0: {  	s31 =	simm.s32 $0x1;
	[tilespmem:s26+$0xC50] =	vst v1;
	v1 =	vadd.f32 $-1.258291200e+07, v11;
	v3 =	vcvt.f32.s32 v3;
	v2 =	vadd.f32 $-1.258291200e+07, v2  }
0x4a1: {  	s0 =	smul.u32 $0xFFFF8200, s31;
	v8 =	vcvt.f32.s32 v8;
	v0 =	vadd.f32 $-1.258291200e+07, v0;
	v7 =	vadd.f32 $1.258291200e+07, v7  }
0x4a2: {  	v2 =	vtrunc.f32 v2;
	v5 =	vmul.f32 $9.990000000e+02, v5;
	[tilespmem:s28+$0x30] =	vst v3;
	v3 =	vadd.f32 $-1.258291200e+07, v10  }
0x4a3: {  	s0 =	sshra.s32 s0, $0x2;
	v11 =	vld [tilespmem:s23+$0xE0];
	v6 =	vadd.f32 $1.258291200e+07, v6;
	v1 =	vtrunc.f32 v1;
	v2 =	vcvt.f32.s32 v2  }
0x4a4: {  	s0 =	sadd.s32 $0x8000, s0;
	[tilespmem:s26+$0x840] =	vst v8;
	v7 =	vadd.f32 $-1.258291200e+07, v7;
	v10 =	vld [tilespmem:s29+$0xFFFFFF40];
	v5 =	vadd.f32 $1.258291200e+07, v5;
	v3 =	vtrunc.f32 v3  }
0x4a5: {  	v0 =	vtrunc.f32 v0;
	v6 =	vadd.f32 $-1.258291200e+07, v6;
	[tilespmem:s0+$0x400] =	vst v2;
	v2 =	vcvt.f32.s32 v3  }
0x4a6: {  	v1 =	vcvt.f32.s32 v1;
	v7 =	vtrunc.f32 v7;
	v3 =	vadd.f32 $-1.258291200e+07, v5;
	v5 =	vld [tilespmem:s23+$0x50]  }
0x4a7: {  	v6 =	vtrunc.f32 v6;
	v8 =	vld [tilespmem:s1+$0xFFFFFF90];
	v7 =	vcvt.f32.s32 v7;
	[tilespmem:s0+$0x800] =	vst v2  }
0x4a8: {  	v4 =	vadd.f32 $-1.258291200e+07, v4;
	[tilespmem:s0+$0x0] =	vst v1;
	v6 =	vcvt.f32.s32 v6;
	v3 =	vtrunc.f32 v3;
	v1 =	vld [tilespmem:s1+$0x10]  }
0x4a9: {  	v2 =	vmul.f32 $9.990000000e+02, v10;
	v10 =	vld [tilespmem:s1+$0xFFFFFF10];
	[tilespmem:s0+$0xC00] =	vst v7;
	v7 =	vmul.f32 $9.990000000e+02, v11  }
0x4aa: {  	v4 =	vtrunc.f32 v4;
	[tilespmem:s28+$0xC30] =	vst v6;
	v3 =	vcvt.f32.s32 v3  }
0x4ab: {  	v0 =	vcvt.f32.s32 v0;
	v2 =	vadd.f32 $1.258291200e+07, v2;
	v6 =	vadd.f32 $1.258291200e+07, v7;
	v7 =	vld [tilespmem:s29+$0xC0]  }
0x4ac: {  	v5 =	vmul.f32 $9.990000000e+02, v5;
	[tilespmem:s28+$0x430] =	vst v3;
	v3 =	vmul.f32 $9.990000000e+02, v8;
	v8 =	vld [tilespmem:s1+$0x90]  }
0x4ad: {  	v4 =	vcvt.f32.s32 v4;
	v11 =	vld [tilespmem:s29+$0xFFFFFFC0];
	v2 =	vadd.f32 $-1.258291200e+07, v2;
	v1 =	vmul.f32 $9.990000000e+02, v1  }
0x4ae: {  	v6 =	vadd.f32 $-1.258291200e+07, v6;
	v5 =	vadd.f32 $1.258291200e+07, v5;
	v10 =	vmul.f32 $9.990000000e+02, v10  }
0x4af: {  	v3 =	vadd.f32 $1.258291200e+07, v3;
	v2 =	vtrunc.f32 v2;
	v1 =	vadd.f32 $1.258291200e+07, v1  }
0x4b0: {  	v5 =	vadd.f32 $-1.258291200e+07, v5;
	v2 =	vcvt.f32.s32 v2;
	v10 =	vadd.f32 $1.258291200e+07, v10  }
0x4b1: {  	[tilespmem:s26+$0x450] =	vst v9;
	v7 =	vmul.f32 $9.990000000e+02, v7;
	v8 =	vmul.f32 $9.990000000e+02, v8;
	v1 =	vadd.f32 $-1.258291200e+07, v1  }
0x4b2: {  	v11 =	vmul.f32 $9.990000000e+02, v11;
	v5 =	vtrunc.f32 v5;
	[tilespmem:s28+$0x40] =	vst v2;
	v2 =	vadd.f32 $-1.258291200e+07, v10;
	v10 =	vld [tilespmem:s23+$0xFFFFFFE0]  }
0x4b3: {  	v8 =	vadd.f32 $1.258291200e+07, v8;
	v9 =	vld [tilespmem:s29+$0xFFFFFF50];
	v5 =	vcvt.f32.s32 v5;
	v1 =	vtrunc.f32 v1  }
0x4b4: {  	[tilespmem:s26+$0x60] =	vst v4;
	v3 =	vadd.f32 $-1.258291200e+07, v3;
	v2 =	vtrunc.f32 v2;
	v1 =	vcvt.f32.s32 v1  }
0x4b5: {  	v4 =	vadd.f32 $1.258291200e+07, v7;
	v8 =	vadd.f32 $-1.258291200e+07, v8;
	[tilespmem:s26+$0x850] =	vst v5;
	v2 =	vcvt.f32.s32 v2  }
0x4b6: {  	v6 =	vtrunc.f32 v6;
	v3 =	vtrunc.f32 v3;
	v11 =	vadd.f32 $1.258291200e+07, v11;
	v5 =	vld [tilespmem:s23+$0x60];
	[tilespmem:s0+$0x810] =	vst v1  }
0x4b7: {  	v4 =	vadd.f32 $-1.258291200e+07, v4;
	v1 =	vtrunc.f32 v8;
	[tilespmem:s0+$0x10] =	vst v2;
	v10 =	vmul.f32 $9.990000000e+02, v10;
	v2 =	vld [tilespmem:s1+$0x20]  }
0x4b8: {  	v11 =	vadd.f32 $-1.258291200e+07, v11;
	v1 =	vcvt.f32.s32 v1;
	v8 =	vmul.f32 $9.990000000e+02, v9;
	v9 =	vld [tilespmem:s1+$0xFFFFFF20]  }
0x4b9: {  	v6 =	vcvt.f32.s32 v6;
	v7 =	vld [tilespmem:s23+$0xFFFFFF70];
	v3 =	vcvt.f32.s32 v3  }
0x4ba: {  	v4 =	vtrunc.f32 v4;
	v11 =	vtrunc.f32 v11;
	v10 =	vadd.f32 $1.258291200e+07, v10;
	[tilespmem:s0+$0xC10] =	vst v1  }
0x4bb: {  	[tilespmem:s0+$0x410] =	vst v3;
	v1 =	vadd.f32 $1.258291200e+07, v8;
	v8 =	vcvt.f32.s32 v11;
	v3 =	vld [tilespmem:s1+$0xA0];
	v5 =	vmul.f32 $9.990000000e+02, v5  }
0x4bc: {  	v4 =	vcvt.f32.s32 v4;
	v11 =	vld [tilespmem:s1+$0xFFFFFFA0];
	v2 =	vmul.f32 $9.990000000e+02, v2  }
0x4bd: {  	v10 =	vadd.f32 $-1.258291200e+07, v10;
	[tilespmem:s28+$0x440] =	vst v8;
	v5 =	vadd.f32 $1.258291200e+07, v5;
	v8 =	vmul.f32 $9.990000000e+02, v9  }
0x4be: {  	v7 =	vmul.f32 $9.990000000e+02, v7;
	v1 =	vadd.f32 $-1.258291200e+07, v1;
	v2 =	vadd.f32 $1.258291200e+07, v2  }
0x4bf: {  	[tilespmem:s28+$0xC40] =	vst v4;
	v9 =	vld [tilespmem:s29+$0xFFFFFFD0];
	v4 =	vtrunc.f32 v10;
	v5 =	vadd.f32 $-1.258291200e+07, v5;
	v8 =	vadd.f32 $1.258291200e+07, v8  }
0x4c0: {  	[tilespmem:s26+$0xC60] =	vst v6;
	v10 =	vld [tilespmem:s29+$0xD0];
	v4 =	vcvt.f32.s32 v4;
	v3 =	vmul.f32 $9.990000000e+02, v3;
	v2 =	vadd.f32 $-1.258291200e+07, v2  }
0x4c1: {  	v6 =	vmul.f32 $9.990000000e+02, v11;
	v11 =	vld [tilespmem:s23+$0xF0];
	v8 =	vadd.f32 $-1.258291200e+07, v8;
	v5 =	vtrunc.f32 v5  }
0x4c2: {  	[tilespmem:s26+$0x460] =	vst v4;
	v3 =	vadd.f32 $1.258291200e+07, v3;
	v5 =	vcvt.f32.s32 v5;
	v2 =	vtrunc.f32 v2  }
0x4c3: {  	v12 =	vld [tilespmem:s23+$0xFFFFFFF0];
	v8 =	vtrunc.f32 v8;
	v2 =	vcvt.f32.s32 v2  }
0x4c4: {  	v1 =	vtrunc.f32 v1;
	v3 =	vadd.f32 $-1.258291200e+07, v3;
	v4 =	vcvt.f32.s32 v8;
	[tilespmem:s26+$0x860] =	vst v5  }
0x4c5: {  	v8 =	vmul.f32 $9.990000000e+02, v10;
	v5 =	vadd.f32 $1.258291200e+07, v6;
	[tilespmem:s0+$0x820] =	vst v2;
	v2 =	vmul.f32 $9.990000000e+02, v9;
	v9 =	vld [tilespmem:s23+$0x70]  }
0x4c6: {  	v7 =	vadd.f32 $1.258291200e+07, v7;
	v1 =	vcvt.f32.s32 v1;
	v10 =	vmul.f32 $9.990000000e+02, v11;
	[tilespmem:s0+$0x20] =	vst v4;
	v11 =	vld [tilespmem:s1+$0x30]  }
0x4c7: {  	v4 =	vadd.f32 $1.258291200e+07, v8;
	v5 =	vadd.f32 $-1.258291200e+07, v5;
	v3 =	vtrunc.f32 v3;
	v13 =	vld [tilespmem:s1+$0xFFFFFF30]  }
0x4c8: {  	[tilespmem:s28+$0x830] =	vst v0;
	v12 =	vmul.f32 $9.990000000e+02, v12;
	v6 =	vadd.f32 $1.258291200e+07, v2;
	v2 =	vadd.f32 $1.258291200e+07, v10  }
0x4c9: {  	[tilespmem:s28+$0x50] =	vst v1;
	v8 =	vld [tilespmem:s29+$0x40];
	v3 =	vcvt.f32.s32 v3;
	v10 =	vtrunc.f32 v5;
	v1 =	vadd.f32 $-1.258291200e+07, v4  }
0x4ca: {  	v5 =	vld [tilespmem:s29+$0xFFFFFF60];
	v4 =	vadd.f32 $-1.258291200e+07, v7;
	v15 =	vadd.f32 $-1.258291200e+07, v2;
	v14 =	vmul.f32 $9.990000000e+02, v9  }
0x4cb: {  	s6 =	simm.s32 $0x700;
	[tilespmem:s0+$0xC20] =	vst v3;
	v7 =	vtrunc.f32 v1;
	v2 =	vadd.f32 $1.258291200e+07, v12;
	v0 =	vmul.f32 $9.990000000e+02, v11  }
0x4cc: {  	s22 =	simm.s32 $0x8;
	s24 =	simm.s32 $0x8000;
	s23 =	simm.s32 $0x8;
	v9 =	vld [tilespmem:s1+$0xB0];
	v11 =	vmul.f32 $9.990000000e+02, v13;
	v1 =	vtrunc.f32 v15;
	v3 =	vadd.f32 $1.258291200e+07, v14  }
.LBB2_12:
0x4cd: {  	v12 =	vld [tilespmem:s6+$0xFFFFFF80];
	s23 =	sadd.s32 $0x4, s23;
	v10 =	vcvt.f32.s32 v10;
	v6 =	vadd.f32 $-1.258291200e+07, v6;
	v4 =	vtrunc.f32 v4  }
0x4ce: {  	v7 =	vcvt.f32.s32 v7;
	v13 =	vld [tilespmem:s6+$0x0];
	p1 =	slt.u32 s23, $0x3C;
	v11 =	vadd.f32 $1.258291200e+07, v11;
	v3 =	vadd.f32 $-1.258291200e+07, v3  }
0x4cf: {  	v2 =	vadd.f32 $-1.258291200e+07, v2;
	v5 =	vmul.f32 $9.990000000e+02, v5;
	v14 =	vld [tilespmem:s6+$0x80];
	[tilespmem:s0+$0x420] =	vst v10;
	v8 =	vmul.f32 $9.990000000e+02, v8  }
0x4d0: {  	v4 =	vcvt.f32.s32 v4;
	v10 =	vld [tilespmem:s6+$0xFFFFFF00];
	v11 =	vadd.f32 $-1.258291200e+07, v11;
	[tilespmem:s28+$0xC50] =	vst v7;
	v3 =	vtrunc.f32 v3  }
0x4d1: {  	v2 =	vtrunc.f32 v2;
	v7 =	vld [tilespmem:s1+$0xFFFFFFB0];
	v8 =	vadd.f32 $1.258291200e+07, v8;
	v3 =	vcvt.f32.s32 v3  }
0x4d2: {  	v5 =	vadd.f32 $1.258291200e+07, v5;
	v2 =	vcvt.f32.s32 v2;
	v12 =	vmul.f32 $9.990000000e+02, v12;
	v15 =	vld [tilespmem:s29+$0xE0];
	[tilespmem:s26+$0x70] =	vst v4  }
0x4d3: {  	v9 =	vmul.f32 $9.990000000e+02, v9;
	v4 =	vtrunc.f32 v11;
	v8 =	vadd.f32 $-1.258291200e+07, v8;
	[tilespmem:s26+$0x870] =	vst v3  }
0x4d4: {  	v4 =	vcvt.f32.s32 v4;
	v3 =	vadd.f32 $1.258291200e+07, v12;
	v11 =	vmul.f32 $9.990000000e+02, v14;
	[tilespmem:s26+$0x470] =	vst v2  }
0x4d5: {  	v5 =	vadd.f32 $-1.258291200e+07, v5;
	v9 =	vadd.f32 $1.258291200e+07, v9;
	v2 =	vmul.f32 $9.990000000e+02, v13  }
0x4d6: {  	s22 =	sadd.s32 $0x4, s22;
	v1 =	vcvt.f32.s32 v1;
	v10 =	vmul.f32 $9.990000000e+02, v10;
	v3 =	vadd.f32 $-1.258291200e+07, v3;
	[tilespmem:s0+$0x30] =	vst v4  }
0x4d7: {  	s7 =	sshrl.u32 s22, $0x3;
	v8 =	vtrunc.f32 v8;
	v2 =	vadd.f32 $1.258291200e+07, v2;
	v4 =	vadd.f32 $1.258291200e+07, v11  }
0x4d8: {  	s7 =	smul.u32 $0xFFFF8200, s7;
	v7 =	vmul.f32 $9.990000000e+02, v7;
	v10 =	vadd.f32 $1.258291200e+07, v10;
	v3 =	vtrunc.f32 v3;
	[tilespmem:s26+$0xC70] =	vst v1;
	s26 =	smov.u32 s28;
	s28 =	smov.u32 s0  }
0x4d9: {  	v1 =	vadd.f32 $-1.258291200e+07, v2;
	v2 =	vadd.f32 $-1.258291200e+07, v4;
	v4 =	vcvt.f32.s32 v8  }
0x4da: {  	s24 =	sadd.s32 $0x1000, s24;
	s0 =	sshra.s32 s7, $0x2;
	v7 =	vadd.f32 $1.258291200e+07, v7;
	v8 =	vadd.f32 $-1.258291200e+07, v10;
	v3 =	vcvt.f32.s32 v3;
	v10 =	vld [tilespmem:s1+$0xFFFFFF40]  }
0x4db: {  	v9 =	vadd.f32 $-1.258291200e+07, v9;
	s0 =	sadd.s32 s0, s24;
	v1 =	vtrunc.f32 v1;
	v2 =	vtrunc.f32 v2;
	[tilespmem:s26+$0x840] =	vst v4  }
0x4dc: {  	v4 =	vtrunc.f32 v8;
	v1 =	vcvt.f32.s32 v1;
	[tilespmem:s0+$0x400] =	vst v3;
	v3 =	vadd.f32 $-1.258291200e+07, v7;
	v7 =	vld [tilespmem:s29+$0x50]  }
0x4dd: {  	v6 =	vtrunc.f32 v6;
	v4 =	vcvt.f32.s32 v4;
	v8 =	vld [tilespmem:s6+$0xFFFFFF90]  }
0x4de: {  	v2 =	vcvt.f32.s32 v2;
	v3 =	vtrunc.f32 v3  }
0x4df: {  	[tilespmem:s0+$0x800] =	vst v1;
	v1 =	vmul.f32 $9.990000000e+02, v10;
	v3 =	vcvt.f32.s32 v3  }
0x4e0: {  	v6 =	vcvt.f32.s32 v6;
	v9 =	vtrunc.f32 v9;
	[tilespmem:s0+$0x0] =	vst v4;
	v4 =	vld [tilespmem:s6+$0x10]  }
0x4e1: {  	v10 =	vld [tilespmem:s6+$0xFFFFFF10];
	v1 =	vadd.f32 $1.258291200e+07, v1;
	[tilespmem:s28+$0x430] =	vst v3;
	v3 =	vcvt.f32.s32 v9;
	v7 =	vmul.f32 $9.990000000e+02, v7  }
0x4e2: {  	v9 =	vmul.f32 $9.990000000e+02, v15;
	v8 =	vmul.f32 $9.990000000e+02, v8;
	[tilespmem:s0+$0xC00] =	vst v2;
	v2 =	vld [tilespmem:s1+$0xFFFFFFC0]  }
0x4e3: {  	v5 =	vtrunc.f32 v5;
	v11 =	vld [tilespmem:s6+$0x90];
	v1 =	vadd.f32 $-1.258291200e+07, v1;
	[tilespmem:s26+$0x450] =	vst v6;
	v6 =	vadd.f32 $1.258291200e+07, v7  }
0x4e4: {  	v7 =	vadd.f32 $1.258291200e+07, v8;
	[tilespmem:s28+$0xC30] =	vst v3;
	v3 =	vcvt.f32.s32 v5;
	v5 =	vld [tilespmem:s29+$0xFFFFFFE0];
	v8 =	vadd.f32 $1.258291200e+07, v9  }
0x4e5: {  	v4 =	vmul.f32 $9.990000000e+02, v4;
	v9 =	vld [tilespmem:s1+$0xC0];
	v6 =	vadd.f32 $-1.258291200e+07, v6  }
0x4e6: {  	v1 =	vtrunc.f32 v1;
	v10 =	vmul.f32 $9.990000000e+02, v10;
	v7 =	vadd.f32 $-1.258291200e+07, v7;
	[tilespmem:s26+$0x60] =	vst v3  }
0x4e7: {  	v1 =	vcvt.f32.s32 v1;
	v3 =	vadd.f32 $1.258291200e+07, v4;
	v2 =	vmul.f32 $9.990000000e+02, v2;
	v4 =	vld [tilespmem:s29+$0xFFFFFF70]  }
0x4e8: {  	v6 =	vtrunc.f32 v6;
	v10 =	vadd.f32 $1.258291200e+07, v10;
	v11 =	vmul.f32 $9.990000000e+02, v11  }
0x4e9: {  	v7 =	vtrunc.f32 v7;
	v3 =	vadd.f32 $-1.258291200e+07, v3;
	[tilespmem:s28+$0x40] =	vst v1;
	v1 =	vadd.f32 $1.258291200e+07, v2  }
0x4ea: {  	v6 =	vcvt.f32.s32 v6;
	v2 =	vadd.f32 $-1.258291200e+07, v10;
	v10 =	vadd.f32 $1.258291200e+07, v11;
	v11 =	vld [tilespmem:s1+$0xFFFFFF50]  }
0x4eb: {  	v9 =	vmul.f32 $9.990000000e+02, v9;
	v3 =	vtrunc.f32 v3;
	v1 =	vadd.f32 $-1.258291200e+07, v1  }
0x4ec: {  	v2 =	vtrunc.f32 v2;
	v3 =	vcvt.f32.s32 v3;
	v10 =	vadd.f32 $-1.258291200e+07, v10;
	[tilespmem:s26+$0x850] =	vst v6  }
0x4ed: {  	v8 =	vadd.f32 $-1.258291200e+07, v8;
	v6 =	vadd.f32 $1.258291200e+07, v9;
	v2 =	vcvt.f32.s32 v2;
	v9 =	vld [tilespmem:s29+$0x60]  }
0x4ee: {  	v7 =	vcvt.f32.s32 v7;
	[tilespmem:s0+$0x810] =	vst v3;
	v3 =	vtrunc.f32 v10  }
0x4ef: {  	v6 =	vadd.f32 $-1.258291200e+07, v6;
	[tilespmem:s0+$0x10] =	vst v2;
	v2 =	vld [tilespmem:s6+$0x20];
	v3 =	vcvt.f32.s32 v3;
	v10 =	vmul.f32 $9.990000000e+02, v11  }
0x4f0: {  	v5 =	vmul.f32 $9.990000000e+02, v5;
	v1 =	vtrunc.f32 v1;
	v11 =	vld [tilespmem:s6+$0xFFFFFF20];
	[tilespmem:s0+$0x410] =	vst v7  }
0x4f1: {  	v1 =	vcvt.f32.s32 v1;
	v6 =	vtrunc.f32 v6;
	[tilespmem:s0+$0xC10] =	vst v3;
	v3 =	vadd.f32 $1.258291200e+07, v10  }
0x4f2: {  	v5 =	vadd.f32 $1.258291200e+07, v5;
	v6 =	vcvt.f32.s32 v6;
	v7 =	vld [tilespmem:s6+$0xA0];
	v9 =	vmul.f32 $9.990000000e+02, v9  }
0x4f3: {  	v10 =	vld [tilespmem:s6+$0xFFFFFFA0];
	v3 =	vadd.f32 $-1.258291200e+07, v3;
	[tilespmem:s28+$0x440] =	vst v1;
	v1 =	vmul.f32 $9.990000000e+02, v4;
	v4 =	vtrunc.f32 v8  }
0x4f4: {  	v5 =	vadd.f32 $-1.258291200e+07, v5;
	v2 =	vmul.f32 $9.990000000e+02, v2;
	v8 =	vld [tilespmem:s1+$0xFFFFFFD0];
	[tilespmem:s28+$0xC40] =	vst v6;
	v6 =	vadd.f32 $1.258291200e+07, v9  }
0x4f5: {  	v4 =	vcvt.f32.s32 v4;
	v9 =	vmul.f32 $9.990000000e+02, v11;
	v11 =	vld [tilespmem:s1+$0xD0];
	v1 =	vadd.f32 $1.258291200e+07, v1  }
0x4f6: {  	v5 =	vtrunc.f32 v5;
	v2 =	vadd.f32 $1.258291200e+07, v2;
	v6 =	vadd.f32 $-1.258291200e+07, v6  }
0x4f7: {  	v3 =	vtrunc.f32 v3;
	v9 =	vadd.f32 $1.258291200e+07, v9;
	v7 =	vmul.f32 $9.990000000e+02, v7;
	[tilespmem:s26+$0xC60] =	vst v4  }
0x4f8: {  	v5 =	vcvt.f32.s32 v5;
	v4 =	vmul.f32 $9.990000000e+02, v10;
	v2 =	vadd.f32 $-1.258291200e+07, v2;
	v10 =	vld [tilespmem:s29+$0xF0]  }
0x4f9: {  	v6 =	vtrunc.f32 v6;
	v9 =	vadd.f32 $-1.258291200e+07, v9;
	v7 =	vadd.f32 $1.258291200e+07, v7  }
0x4fa: {  	v0 =	vadd.f32 $1.258291200e+07, v0;
	v6 =	vcvt.f32.s32 v6;
	v2 =	vtrunc.f32 v2  }
0x4fb: {  	v9 =	vtrunc.f32 v9;
	v2 =	vcvt.f32.s32 v2;
	v7 =	vadd.f32 $-1.258291200e+07, v7;
	[tilespmem:s26+$0x460] =	vst v5  }
0x4fc: {  	v0 =	vadd.f32 $-1.258291200e+07, v0;
	v5 =	vcvt.f32.s32 v9;
	v9 =	vmul.f32 $9.990000000e+02, v11;
	v11 =	vld [tilespmem:s29+$0xFFFFFFF0];
	[tilespmem:s26+$0x860] =	vst v6  }
0x4fd: {  	v4 =	vadd.f32 $1.258291200e+07, v4;
	[tilespmem:s0+$0x820] =	vst v2;
	v2 =	vmul.f32 $9.990000000e+02, v8;
	v12 =	vld [tilespmem:s29+$0x70];
	v8 =	vmul.f32 $9.990000000e+02, v10;
	s29 =	smov.u32 s1;
	s1 =	smov.u32 s6  }
0x4fe: {  	v0 =	vtrunc.f32 v0;
	v3 =	vcvt.f32.s32 v3;
	[tilespmem:s0+$0x20] =	vst v5;
	v13 =	vld [tilespmem:s6+$0x30];
	v9 =	vadd.f32 $1.258291200e+07, v9  }
0x4ff: {  	v0 =	vcvt.f32.s32 v0;
	v4 =	vadd.f32 $-1.258291200e+07, v4;
	v5 =	vtrunc.f32 v7;
	v14 =	vld [tilespmem:s6+$0xFFFFFF30]  }
.Ltmp8:
0x500: {  	v7 =	vcvt.f32.s32 v5;
	v6 =	vadd.f32 $1.258291200e+07, v2;
	v2 =	vadd.f32 $1.258291200e+07, v8;
	[tilespmem:s28+$0x50] =	vst v3;
	(pc) =	sbr.rel @p1 .LBB2_12-.Ltmp8, $4  }
0x501: {  	v10 =	vtrunc.f32 v4;
	v3 =	vadd.f32 $-1.258291200e+07, v9;
	v5 =	vld [tilespmem:s29+$0xFFFFFF60];
	[tilespmem:s28+$0x830] =	vst v0;
	v9 =	vmul.f32 $9.990000000e+02, v11  }
0x502: {  	v4 =	vadd.f32 $-1.258291200e+07, v1;
	[tilespmem:s0+$0xC20] =	vst v7;
	v8 =	vld [tilespmem:s29+$0x40];
	v1 =	vmul.f32 $9.990000000e+02, v12;
	v12 =	vadd.f32 $-1.258291200e+07, v2  }
0x503: {  	v7 =	vtrunc.f32 v3;
	v0 =	vmul.f32 $9.990000000e+02, v13;
	v2 =	vadd.f32 $1.258291200e+07, v9  }
0x504: {  	s6 =	sadd.s32 $0x200, s6;
	v11 =	vmul.f32 $9.990000000e+02, v14;
	v9 =	vld [tilespmem:s1+$0xB0];
	v3 =	vadd.f32 $1.258291200e+07, v1;
	v1 =	vtrunc.f32 v12  }
0x505: {  	v10 =	vcvt.f32.s32 v10;
	_ =	sdelay $0x1  }
0x506: {  	[tilespmem:s0+$0x420] =	vst v10  }
0x507: {  	v10 =	vld [tilespmem:s1+$0xFFFFFFB0];
	_ =	sdelay $0x2  }
0x508: {  	v0 =	vadd.f32 $1.258291200e+07, v0  }
0x509: {  	v11 =	vadd.f32 $1.258291200e+07, v11;
	v9 =	vmul.f32 $9.990000000e+02, v9  }
0x50a: {  	v0 =	vadd.f32 $-1.258291200e+07, v0;
	v10 =	vmul.f32 $9.990000000e+02, v10  }
0x50b: {  	v11 =	vadd.f32 $-1.258291200e+07, v11;
	v9 =	vadd.f32 $1.258291200e+07, v9  }
0x50c: {  	v0 =	vtrunc.f32 v0;
	v10 =	vadd.f32 $1.258291200e+07, v10  }
0x50d: {  	v11 =	vtrunc.f32 v11;
	v0 =	vcvt.f32.s32 v0;
	v9 =	vadd.f32 $-1.258291200e+07, v9  }
0x50e: {  	v11 =	vcvt.f32.s32 v11;
	v10 =	vadd.f32 $-1.258291200e+07, v10  }
0x50f: {  	[tilespmem:s0+$0x830] =	vst v0;
	v9 =	vtrunc.f32 v9  }
0x510: {  	[tilespmem:s0+$0x30] =	vst v11;
	v61 =	vld [tilespmem:s1+$0x40];
	v9 =	vcvt.f32.s32 v9;
	v10 =	vtrunc.f32 v10  }
0x511: {  	v60 =	vmul.f32 $9.990000000e+02, v8;
	v11 =	vld [tilespmem:s1+$0xFFFFFF40];
	v10 =	vcvt.f32.s32 v10  }
0x512: {  	[tilespmem:s0+$0xC30] =	vst v9  }
0x513: {  	v0 =	vadd.f32 $1.258291200e+07, v60;
	v9 =	vld [tilespmem:s1+$0xC0];
	[tilespmem:s0+$0x430] =	vst v10  }
0x514: {  	v10 =	vld [tilespmem:s1+$0xFFFFFFC0]  }
0x515: {  	v0 =	vadd.f32 $-1.258291200e+07, v0;
	v8 =	vmul.f32 $9.990000000e+02, v61  }
0x516: {  	v11 =	vmul.f32 $9.990000000e+02, v11  }
0x517: {  	v0 =	vtrunc.f32 v0;
	v8 =	vadd.f32 $1.258291200e+07, v8  }
0x518: {  	v0 =	vcvt.f32.s32 v0;
	v11 =	vadd.f32 $1.258291200e+07, v11;
	v9 =	vmul.f32 $9.990000000e+02, v9  }
0x519: {  	v8 =	vadd.f32 $-1.258291200e+07, v8;
	v10 =	vmul.f32 $9.990000000e+02, v10  }
0x51a: {  	[tilespmem:s28+$0x840] =	vst v0;
	v11 =	vadd.f32 $-1.258291200e+07, v11;
	v62 =	vadd.f32 $1.258291200e+07, v9  }
0x51b: {  	v63 =	vld [tilespmem:s29+$0x50];
	v8 =	vtrunc.f32 v8;
	v10 =	vadd.f32 $1.258291200e+07, v10  }
0x51c: {  	v11 =	vtrunc.f32 v11;
	v8 =	vcvt.f32.s32 v8;
	v0 =	vadd.f32 $-1.258291200e+07, v62  }
0x51d: {  	v11 =	vcvt.f32.s32 v11;
	v10 =	vadd.f32 $-1.258291200e+07, v10  }
0x51e: {  	v15 =	vcvt.f32.s32 v7;
	[tilespmem:s0+$0x840] =	vst v8;
	v0 =	vtrunc.f32 v0  }
0x51f: {  	[tilespmem:s0+$0x40] =	vst v11;
	v13 =	vld [tilespmem:s1+$0x50];
	v0 =	vcvt.f32.s32 v0;
	v10 =	vtrunc.f32 v10  }
0x520: {  	[tilespmem:s28+$0xC50] =	vst v15;
	v12 =	vmul.f32 $9.990000000e+02, v63;
	v11 =	vld [tilespmem:s1+$0xFFFFFF50];
	v10 =	vcvt.f32.s32 v10  }
0x521: {  	v20 =	vld [tilespmem:s29+$0xE0];
	[tilespmem:s0+$0xC40] =	vst v0  }
0x522: {  	v14 =	vadd.f32 $-1.258291200e+07, v6;
	v16 =	vadd.f32 $1.258291200e+07, v12;
	v17 =	vld [tilespmem:s1+$0xD0];
	[tilespmem:s0+$0x440] =	vst v10  }
0x523: {  	v5 =	vmul.f32 $9.990000000e+02, v5;
	v10 =	vld [tilespmem:s1+$0xFFFFFFD0]  }
0x524: {  	v18 =	vadd.f32 $-1.258291200e+07, v16;
	v0 =	vtrunc.f32 v14;
	v9 =	vmul.f32 $9.990000000e+02, v13  }
0x525: {  	v19 =	vmul.f32 $9.990000000e+02, v11;
	v0 =	vcvt.f32.s32 v0  }
0x526: {  	v5 =	vadd.f32 $1.258291200e+07, v5;
	v6 =	vtrunc.f32 v18;
	v9 =	vadd.f32 $1.258291200e+07, v9  }
0x527: {  	v6 =	vcvt.f32.s32 v6;
	v7 =	vadd.f32 $1.258291200e+07, v19;
	[tilespmem:s28+$0x450] =	vst v0;
	v8 =	vmul.f32 $9.990000000e+02, v17  }
0x528: {  	v26 =	vmul.f32 $9.990000000e+02, v20;
	v23 =	vld [tilespmem:s29+$0xFFFFFFE0];
	v25 =	vadd.f32 $-1.258291200e+07, v9;
	v10 =	vmul.f32 $9.990000000e+02, v10  }
0x529: {  	[tilespmem:s28+$0x850] =	vst v6;
	v21 =	vadd.f32 $-1.258291200e+07, v7;
	v24 =	vadd.f32 $1.258291200e+07, v8  }
0x52a: {  	v27 =	vld [tilespmem:s29+$0x60];
	v9 =	vadd.f32 $1.258291200e+07, v26;
	v22 =	vadd.f32 $1.258291200e+07, v10  }
0x52b: {  	v0 =	vtrunc.f32 v21;
	v8 =	vtrunc.f32 v25;
	v6 =	vadd.f32 $-1.258291200e+07, v24  }
0x52c: {  	v0 =	vcvt.f32.s32 v0;
	v8 =	vcvt.f32.s32 v8;
	v7 =	vadd.f32 $-1.258291200e+07, v22  }
0x52d: {  	v5 =	vadd.f32 $-1.258291200e+07, v5;
	v31 =	vmul.f32 $9.990000000e+02, v23;
	v28 =	vtrunc.f32 v6  }
0x52e: {  	v30 =	vadd.f32 $-1.258291200e+07, v9;
	[tilespmem:s0+$0x50] =	vst v0;
	v0 =	vcvt.f32.s32 v28;
	v7 =	vtrunc.f32 v7  }
0x52f: {  	v33 =	vmul.f32 $9.990000000e+02, v27;
	v32 =	vld [tilespmem:s1+$0xFFFFFF60];
	[tilespmem:s0+$0x850] =	vst v8;
	v9 =	vadd.f32 $1.258291200e+07, v31;
	v29 =	vcvt.f32.s32 v7  }
0x530: {  	v5 =	vtrunc.f32 v5;
	v34 =	vld [tilespmem:s1+$0x60];
	[tilespmem:s0+$0xC50] =	vst v0  }
0x531: {  	v5 =	vcvt.f32.s32 v5;
	v8 =	vadd.f32 $1.258291200e+07, v33;
	v37 =	vadd.f32 $-1.258291200e+07, v9;
	v36 =	vld [tilespmem:s1+$0xE0];
	[tilespmem:s0+$0x450] =	vst v29  }
0x532: {  	v4 =	vtrunc.f32 v4;
	v1 =	vcvt.f32.s32 v1;
	v35 =	vld [tilespmem:s1+$0xFFFFFFE0]  }
0x533: {  	[tilespmem:s28+$0x60] =	vst v5;
	v8 =	vadd.f32 $-1.258291200e+07, v8;
	v5 =	vtrunc.f32 v37;
	v7 =	vtrunc.f32 v30  }
0x534: {  	v39 =	vmul.f32 $9.990000000e+02, v32;
	v7 =	vcvt.f32.s32 v7  }
0x535: {  	v2 =	vadd.f32 $-1.258291200e+07, v2;
	v38 =	vld [tilespmem:s29+$0xFFFFFF70];
	v8 =	vtrunc.f32 v8;
	v6 =	vmul.f32 $9.990000000e+02, v34  }
0x536: {  	v8 =	vcvt.f32.s32 v8;
	[tilespmem:s28+$0xC60] =	vst v7;
	v7 =	vadd.f32 $1.258291200e+07, v39;
	v11 =	vmul.f32 $9.990000000e+02, v36  }
0x537: {  	v5 =	vcvt.f32.s32 v5;
	v6 =	vadd.f32 $1.258291200e+07, v6;
	v0 =	vmul.f32 $9.990000000e+02, v35  }
0x538: {  	v4 =	vcvt.f32.s32 v4;
	[tilespmem:s28+$0x860] =	vst v8;
	v7 =	vadd.f32 $-1.258291200e+07, v7;
	v41 =	vadd.f32 $1.258291200e+07, v11  }
0x539: {  	v2 =	vtrunc.f32 v2;
	[tilespmem:s28+$0x460] =	vst v5;
	v42 =	vld [tilespmem:s29+$0x70];
	v6 =	vadd.f32 $-1.258291200e+07, v6;
	v0 =	vadd.f32 $1.258291200e+07, v0  }
0x53a: {  	v9 =	vmul.f32 $9.990000000e+02, v38;
	v43 =	vld [tilespmem:s29+$0xFFFFFFF0];
	v7 =	vtrunc.f32 v7;
	v8 =	vadd.f32 $-1.258291200e+07, v41  }
0x53b: {  	v40 =	vld [tilespmem:s29+$0xF0];
	v6 =	vtrunc.f32 v6;
	v7 =	vcvt.f32.s32 v7;
	v0 =	vadd.f32 $-1.258291200e+07, v0  }
0x53c: {  	v6 =	vcvt.f32.s32 v6;
	v44 =	vtrunc.f32 v8  }
0x53d: {  	v3 =	vadd.f32 $-1.258291200e+07, v3;
	[tilespmem:s0+$0x60] =	vst v7;
	v7 =	vcvt.f32.s32 v44;
	v0 =	vtrunc.f32 v0  }
0x53e: {  	v47 =	vadd.f32 $1.258291200e+07, v9;
	v5 =	vmul.f32 $9.990000000e+02, v42;
	[tilespmem:s0+$0x860] =	vst v6;
	v46 =	vld [tilespmem:s1+$0xFFFFFF70];
	v0 =	vcvt.f32.s32 v0  }
0x53f: {  	v3 =	vtrunc.f32 v3;
	v49 =	vmul.f32 $9.990000000e+02, v43;
	v48 =	vld [tilespmem:s1+$0x70];
	[tilespmem:s0+$0xC60] =	vst v7  }
0x540: {  	v10 =	vmul.f32 $9.990000000e+02, v40;
	v6 =	vadd.f32 $-1.258291200e+07, v47;
	v5 =	vadd.f32 $1.258291200e+07, v5;
	v51 =	vld [tilespmem:s1+$0xF0];
	[tilespmem:s0+$0x460] =	vst v0  }
0x541: {  	v2 =	vcvt.f32.s32 v2;
	v3 =	vcvt.f32.s32 v3;
	v9 =	vadd.f32 $1.258291200e+07, v49;
	v50 =	vld [tilespmem:s1+$0xFFFFFFF0]  }
0x542: {  	v45 =	vadd.f32 $1.258291200e+07, v10;
	v6 =	vtrunc.f32 v6;
	v5 =	vadd.f32 $-1.258291200e+07, v5  }
0x543: {  	v52 =	vadd.f32 $-1.258291200e+07, v9;
	v6 =	vcvt.f32.s32 v6;
	v10 =	vmul.f32 $9.990000000e+02, v46  }
0x544: {  	[tilespmem:s26+$0xC70] =	vst v1;
	v8 =	vadd.f32 $-1.258291200e+07, v45;
	v53 =	vtrunc.f32 v5;
	v0 =	vmul.f32 $9.990000000e+02, v48  }
0x545: {  	[tilespmem:s26+$0x70] =	vst v4;
	v55 =	vtrunc.f32 v52;
	v54 =	vadd.f32 $1.258291200e+07, v10;
	v56 =	vmul.f32 $9.990000000e+02, v51  }
0x546: {  	[tilespmem:s26+$0x470] =	vst v2;
	v57 =	vcvt.f32.s32 v53;
	v0 =	vadd.f32 $1.258291200e+07, v0;
	v7 =	vmul.f32 $9.990000000e+02, v50  }
0x547: {  	[tilespmem:s26+$0x870] =	vst v3;
	v2 =	vcvt.f32.s32 v55;
	v58 =	vadd.f32 $-1.258291200e+07, v54;
	v4 =	vadd.f32 $1.258291200e+07, v56  }
0x548: {  	[tilespmem:s28+$0x70] =	vst v6;
	v8 =	vtrunc.f32 v8;
	v0 =	vadd.f32 $-1.258291200e+07, v0;
	v59 =	vadd.f32 $1.258291200e+07, v7  }
0x549: {  	[tilespmem:s28+$0x870] =	vst v57;
	v60 =	vcvt.f32.s32 v8;
	v3 =	vtrunc.f32 v58;
	v61 =	vadd.f32 $-1.258291200e+07, v4  }
0x54a: {  	[tilespmem:s28+$0x470] =	vst v2;
	v3 =	vcvt.f32.s32 v3;
	v0 =	vtrunc.f32 v0;
	v5 =	vadd.f32 $-1.258291200e+07, v59  }
0x54b: {  	[tilespmem:s28+$0xC70] =	vst v60;
	v0 =	vcvt.f32.s32 v0;
	v2 =	vtrunc.f32 v61  }
0x54c: {  	[tilespmem:s0+$0x70] =	vst v3;
	v63 =	vcvt.f32.s32 v2;
	v62 =	vtrunc.f32 v5  }
0x54d: {  	[tilespmem:s0+$0x870] =	vst v0;
	v1 =	vcvt.f32.s32 v62  }
0x54e: {  	[tilespmem:s0+$0xC70] =	vst v63  }
0x54f: {  	[tilespmem:s0+$0x470] =	vst v1  }
0x550: {  	s0 =	rddreg [dreg:$0x1c]  }
0x551: {  	[hbm4b:s0+s5] =	stream.linear.scatter [tilespmem:s17], [sflag:$0x4], $0x2000, $0x38;
	[tilespmem:$0xC000] =	vst v63  }
.Ltmp9:
0x552: {  	s31 =	simm.s32 $0x4;
	(pc) =	sbr.rel .LBB2_14-.Ltmp9, $4  }
0x553: {  	_ =	swait.ge [sflag:s31], $0x2000  }
0x554: {  	s1 =	sld [smem:$0x7F8]  }
0x555: {  	[sflag:s31] =	ssyncset.done $0x0  }
0x556: {  	[sflag:s31] =	ssyncadd.s32 $0xFFFFE000  }
.LBB2_15:
0x557: {  	_ =	sfence.sel $0x180000  }
0x558: {  	[bflag:$0x0] =	sbarrier.arrive $0xFFFF  }
0x559: {  	_ =	strace $0x90000047  }
0x55a: {  	s0 =	stileid.u32;
	[bflag:$0x2] =	sbarrier.arrive $0xFFFF  }
0x55b: {  	p0 =	sne.s32 s0, $0x0;
	s0 =	rddreg [dreg:$0x2]  }
0x55c: {  	s0 =	sadd.s32 @!p0 $0x100000, s0  }
0x55d: {  	[sflag:s0] =	ssyncadd.tile.s32 @!p0 $0x1;
	_ =	shalt  }
.Lfunc_end2:
_tile_overlayer_lowered:
.L_overlay_start_2:
0x55e: {  	(tag) =	ssettag $0x2  }
0x55f: {  	s0 =	rddreg [dreg:$0x0];
	s2 =	stileid.u32  }
0x560: {  	s1 =	rddreg [dreg:$0x1];
	p0 =	sne.s32 s2, $0x0  }
0x561: {  	s3 =	rddreg [dreg:$0x2];
	[bflag:$0x3] =	sbarrier.arrive $0xFFFF;
	s2 =	simm.s32 @!p0 $0x1C07  }
0x562: {  	[timem:s3], [sflag:s2] =	dma.local @!p0 [hbm:s0], s1  }
0x563: {  	s0 =	simm.s32 @!p0 $0x7  }
0x564: {  	_ =	swait.ge @!p0 [sflag:s0], s1  }
0x565: {  	s1 =	ssub.s32 @!p0 $0x0, s1;
	[sflag:s0] =	ssyncset.done @!p0 $0x0  }
0x566: {  	[sflag:s0] =	ssyncadd.s32 @!p0 s1  }
0x567: {  	[bflag:$0x3] =	sbarrier.arrive $0xFFFF  }
0x568: {  	_ =	shalt  }

</sc_bundles>
